<compile_context>
chip_gen: v7x
topology: tpu7x:2x2x1
jax: 0.10.2.dev20260603
libtpu: 0.0.44.dev20260713+nightly
codegen_flags: <defaults>
</compile_context>

<pallas_src>
import functools

import jax
import jax.numpy as jnp
from jax import lax
from jax.experimental import pallas as pl
from jax.experimental.pallas import tpu as pltpu
from jax.experimental.pallas import tpu_sc as plsc

NB = 1024
NB2 = 2 * NB
C = 19
NW = 32
NF = 8
HROWS = 16
HR = 16
SR = 8
NSLAB = HROWS // SR * NF


def _sc_hist_body(inp_hbm, tgt_hbm, out_hbm,
                  slab0_v, slab1_v, tslab0_v, tslab1_v, hist_v, sem0, sem1):
    cid = lax.axis_index("c")
    sid = lax.axis_index("s")
    wid = cid * 16 + sid

    zeros = jnp.zeros((16,), jnp.float32)
    ones = jnp.ones((16,), jnp.float32)
    neg_ones = -ones
    lanes = lax.broadcasted_iota(jnp.int32, (16,), 0)

    h0 = sid * HROWS

    def issue(t, buf, tbuf, sem):
        f = t >> 1
        q = t & 1
        rows = pl.ds(h0 + q * SR, SR)
        pltpu.async_copy(inp_hbm.at[cid, :, f, rows, :], buf, sem)
        pltpu.async_copy(tgt_hbm.at[cid, f, rows, :], tbuf, sem)

    def drain(buf, tbuf, sem):
        pltpu.make_async_copy(
            inp_hbm.at[0, :, 0, pl.ds(0, SR), :], buf, sem).wait()
        pltpu.make_async_copy(
            tgt_hbm.at[0, 0, pl.ds(0, SR), :], tbuf, sem).wait()

    issue(0, slab0_v, tslab0_v, sem0)
    issue(1, slab1_v, tslab1_v, sem1)

    def zbody(j, carry):
        for l in range(8):
            hist_v[j, pl.ds(l * 16, 16)] = zeros
        return carry

    lax.fori_loop(0, C * HR, zbody, 0)

    def pair_body(g, carry):
        for b in range(2):
            t = g * 2 + b
            slab_v = slab0_v if b == 0 else slab1_v
            tslab_v = tslab0_v if b == 0 else tslab1_v
            sem = sem0 if b == 0 else sem1
            drain(slab_v, tslab_v, sem)

            @plsc.parallel_loop(0, SR * 16, unroll=2)
            def ubody(u, slab_v=slab_v, tslab_v=tslab_v):
                r = u >> 4
                l = u & 15
                tg = tslab_v[r, pl.ds(l * 16, 16)]
                for c in range(C):
                    p = slab_v[c, r, pl.ds(l * 16, 16)]
                    ub = (p * float(NB)).astype(jnp.int32)
                    plsc.addupdate_scatter(
                        hist_v, [(ub >> 7) + c * HR, ub & 127], ones)
                rsplat = jnp.full((16,), r, jnp.int32)
                pos = lanes + l * 16
                pf = plsc.load_gather(slab_v, [tg, rsplat, pos])
                uf = (pf * float(NB)).astype(jnp.int32)
                trow = tg * HR
                plsc.addupdate_scatter(
                    hist_v, [(uf >> 7) + trow, uf & 127], neg_ones)
                ux = uf ^ (NB2 - 1)
                plsc.addupdate_scatter(
                    hist_v, [(ux >> 7) + trow, ux & 127], ones)

            @pl.when(t + 2 < NSLAB)
            def _():
                issue(t + 2, slab_v, tslab_v, sem)
        return carry

    lax.fori_loop(0, NSLAB // 2, pair_body, 0)
    pltpu.sync_copy(hist_v, out_hbm.at[wid])


_sc_hist = functools.partial(
    pl.kernel,
    out_type=jax.ShapeDtypeStruct((NW, C * HR, 128), jnp.float32),
    mesh=plsc.VectorSubcoreMesh(core_axis_name="c", subcore_axis_name="s"),
    scratch_types=[
        pltpu.VMEM((C, SR, 256), jnp.float32),
        pltpu.VMEM((C, SR, 256), jnp.float32),
        pltpu.VMEM((SR, 256), jnp.int32),
        pltpu.VMEM((SR, 256), jnp.int32),
        pltpu.VMEM((C * HR, 128), jnp.float32),
        pltpu.SemaphoreType.DMA,
        pltpu.SemaphoreType.DMA,
    ],
    compiler_params=pltpu.CompilerParams(
        needs_layout_passes=False, use_tc_tiling_on_sc=True),
)(_sc_hist_body)


def _tc_reduce_body(h_ref, o_ref):
    h = jnp.sum(h_ref[...], axis=0).reshape(C, 16, 128)
    cnt0 = h[:, :8, :]
    cnt1 = h[:, 8:, :]
    t = cnt0 + cnt1
    s = cnt1

    row = lax.broadcasted_iota(jnp.int32, (128, 128), 0)
    col = lax.broadcasted_iota(jnp.int32, (128, 128), 1)
    tri = (row >= col).astype(jnp.float32)
    r8 = lax.broadcasted_iota(jnp.int32, (8, 8), 0)
    c8 = lax.broadcasted_iota(jnp.int32, (8, 8), 1)
    tri8 = (r8 > c8).astype(jnp.float32)

    dot = functools.partial(
        lax.dot_general, precision=lax.Precision.HIGHEST,
        preferred_element_type=jnp.float32)
    dn_last = (((2,), (0,)), ((), ()))

    def suffix(x):
        rs = dot(x, tri, dimension_numbers=dn_last)
        tot = jnp.sum(x, axis=2)
        later = dot(tot, tri8,
                    dimension_numbers=(((1,), (0,)), ((), ())))
        return rs + later[:, :, None]

    mi = suffix(t)
    gi = suffix(s)
    g = jnp.sum(s, axis=(1, 2))[:, None, None]

    num_a = g - gi
    den_a = jnp.maximum(mi + num_a, 0.5)
    ja = 1.0 - num_a / den_a
    num_b = g - (gi - s)
    den_b = jnp.maximum((mi - t) + num_b, 0.5)
    jb = 1.0 - num_b / den_b

    vrow = lax.broadcasted_iota(jnp.int32, (C, 8, 128), 1)
    vcol = lax.broadcasted_iota(jnp.int32, (C, 8, 128), 2)
    ec = ((vrow * 128 + vcol).astype(jnp.float32) + 0.5) * (1.0 / NB)
    loss_c = jnp.sum(ec * (ja - jb), axis=(1, 2))
    present = (g[:, 0, 0] > 0.0).astype(jnp.float32)
    acc = jnp.sum(loss_c * present)
    cnt = jnp.sum(present)
    out = jnp.where(cnt > 0.0, acc / jnp.maximum(cnt, 1.0), 0.0)
    o_ref[...] = out.reshape(1, 1)


_tc_reduce = pl.pallas_call(
    _tc_reduce_body,
    out_shape=jax.ShapeDtypeStruct((1, 1), jnp.float32),
    in_specs=[pl.BlockSpec(memory_space=pltpu.VMEM)],
    out_specs=pl.BlockSpec(memory_space=pltpu.VMEM),
)


def kernel(input, target):
    hists = _sc_hist(input, target)
    out = _tc_reduce(hists)
    return out.reshape(())

# --- scband reference (transcript-rebuilt; emitter-appended) ---
"""Pipeline reference for scband-lovasz-loss-38697655336983 (READ-ONLY COPY).

The authoritative reference and input builder live on the scoring server;
editing this copy changes nothing except your own understanding.
"""

import jax, jax.numpy as jnp
import numpy as np

IGNORE_INDEX = -100


def _lovasz_grad(fg_sorted):
    gts = fg_sorted.sum()
    intersection = gts - jnp.cumsum(fg_sorted, 0)
    union = gts + jnp.cumsum(1.0 - fg_sorted, 0)
    jaccard = 1.0 - intersection / union
    p = fg_sorted.shape[0]
    if p > 1:
        jaccard = jnp.concatenate([jaccard[:1], jaccard[1:] - jaccard[:-1]])
    return jaccard


def setup_inputs(seed: int = 0) -> dict:
    key = jax.random.key(seed)
    k1, k2 = jax.random.split(key)
    inp = jax.random.uniform(k1, (2, 19, 8, 256, 256), dtype=jnp.float32)
    target = jax.random.randint(k2, (2, 8, 256, 256), 0, 19, dtype=jnp.int32)
    return {"input": inp, "target": target}


def reference(input, target):
    B, C, F, H, W = input.shape
    flat = jnp.transpose(input, (0, 2, 3, 4, 1)).reshape(-1, C)
    tgt = target.reshape(-1)
    valid = tgt != IGNORE_INDEX
    if flat.size == 0:
        return jnp.sum(flat) * 0.0
    validf = valid.astype(jnp.float32)
    acc = jnp.float32(0.0)
    count = jnp.float32(0.0)
    for c in range(C):
        fg = (tgt == c).astype(jnp.float32) * validf
        class_pred = flat[:, c]
        errors = jnp.abs(fg - class_pred)
        errors_key = jnp.where(valid, errors, -1.0)
        perm = jnp.argsort(-errors_key)
        errors_sorted = jnp.where(valid[perm], errors[perm], 0.0)
        fg_sorted = fg[perm]
        loss_c = jnp.dot(errors_sorted, _lovasz_grad(fg_sorted))
        present = fg.sum() > 0.0
        acc = acc + jnp.where(present, loss_c, jnp.float32(0.0))
        count = count + present.astype(jnp.float32)
    return jnp.where(count > 0.0, acc / jnp.maximum(count, 1.0), jnp.float32(0.0))

if __name__ == "__main__":
    import jax
    _d = setup_inputs()
    print(jax.jit(kernel)(*tuple(_d.values())))

</pallas_src>

<mosaic_0001>
#map = affine_map<(d0, d1) -> (0, 0, 0, 0, 0)>
#map1 = affine_map<(d0, d1) -> (0, 0, 0, 0)>
#map2 = affine_map<(d0, d1) -> (0, 0, 0)>
module attributes {stable_mosaic.version = 14 : i64} {
  func.func @_sc_hist_body(%arg0: i32, %arg1: i32, %arg2: memref<2x19x8x256x256xf32, #tpu.memory_space<hbm>>, %arg3: memref<2x8x256x256xi32, #tpu.memory_space<hbm>>, %arg4: memref<32x304x128xf32, #tpu.memory_space<hbm>>, %arg5: memref<19x8x256xf32, #tpu.memory_space<vmem>>, %arg6: memref<19x8x256xf32, #tpu.memory_space<vmem>>, %arg7: memref<8x256xi32, #tpu.memory_space<vmem>>, %arg8: memref<8x256xi32, #tpu.memory_space<vmem>>, %arg9: memref<304x128xf32, #tpu.memory_space<vmem>>, %arg10: memref<!tpu.dma_semaphore, #tpu.memory_space<semaphore_mem>>, %arg11: memref<!tpu.dma_semaphore, #tpu.memory_space<semaphore_mem>>) attributes {dimension_semantics = [#tpu.dimension_semantics<core_parallel>, #tpu.dimension_semantics<subcore_parallel>], iteration_bounds = array<i64: 2, 16>, scalar_prefetch = 0 : i64, scratch_operands = 7 : i64, tpu.core_type = #tpu.core_type<sc_vector_subcore>, window_params = [{transform_indices = #map}, {transform_indices = #map1}, {transform_indices = #map2}]} {
    %mul3A = arith.constant 16 : i32
    %mul3A_0 = arith.muli %arg0, %mul3A : i32
    %add3A = arith.addi %mul3A_0, %arg1 : i32
    %broadcast_in_dim3A = arith.constant 0.000000e+00 : f32
    %broadcast_in_dim3A_1 = vector.broadcast %broadcast_in_dim3A : f32 to vector<16xf32>
    %broadcast_in_dim3A_2 = arith.constant 1.000000e+00 : f32
    %broadcast_in_dim3A_3 = vector.broadcast %broadcast_in_dim3A_2 : f32 to vector<16xf32>
    %neg3A = arith.constant 0.000000e+00 : f32
    %neg3A_4 = vector.broadcast %neg3A : f32 to vector<16xf32>
    %neg3A_5 = arith.subf %neg3A_4, %broadcast_in_dim3A_3 : vector<16xf32>
    %iota3A = tpu.iota {dimensions = array<i32: 0>} : vector<16xi32>
    %mul3A_6 = arith.constant 16 : i32
    %mul3A_7 = arith.muli %arg1, %mul3A_6 : i32
    %add3A_8 = arith.constant 0 : i32
    %add3A_9 = arith.addi %mul3A_7, %add3A_8 : i32
    %dma_start3A = arith.constant 0 : i32
    %dma_start3A_10 = arith.constant 0 : i32
    %dma_start3A_11 = arith.constant 0 : i32
    %dma_start3A_12 = tpu.memref_slice %arg2[%arg0, %dma_start3A_10, %dma_start3A, %add3A_9, %dma_start3A_11] : memref<2x19x8x256x256xf32, #tpu.memory_space<hbm>> -> memref<1x19x1x8x256xf32, #tpu.memory_space<hbm>>
    %dma_start3A_13 = tpu.memref_squeeze %dma_start3A_12 : memref<1x19x1x8x256xf32, #tpu.memory_space<hbm>> -> memref<19x8x256xf32, #tpu.memory_space<hbm>>
    %dma_start3A_14 = arith.constant 0 : i32
    %dma_start3A_15 = arith.constant 0 : i32
    %dma_start3A_16 = tpu.memref_slice %arg2[%arg0, %dma_start3A_14, %dma_start3A, %add3A_9, %dma_start3A_15] : memref<2x19x8x256x256xf32, #tpu.memory_space<hbm>> -> memref<1x19x1x8x256xf32, #tpu.memory_space<hbm>>
    %dma_start3A_17 = tpu.memref_squeeze %dma_start3A_16 : memref<1x19x1x8x256xf32, #tpu.memory_space<hbm>> -> memref<19x8x256xf32, #tpu.memory_space<hbm>>
    tpu.enqueue_dma source(%dma_start3A_17 : memref<19x8x256xf32, #tpu.memory_space<hbm>>) target(%arg5 : memref<19x8x256xf32, #tpu.memory_space<vmem>>) target_semaphore(%arg10 : memref<!tpu.dma_semaphore, #tpu.memory_space<semaphore_mem>>)
    %dma_start3A_18 = arith.constant 0 : i32
    %dma_start3A_19 = arith.constant 0 : i32
    %dma_start3A_20 = tpu.memref_slice %arg3[%arg0, %dma_start3A_18, %add3A_9, %dma_start3A_19] : memref<2x8x256x256xi32, #tpu.memory_space<hbm>> -> memref<1x1x8x256xi32, #tpu.memory_space<hbm>>
    %dma_start3A_21 = tpu.memref_squeeze %dma_start3A_20 : memref<1x1x8x256xi32, #tpu.memory_space<hbm>> -> memref<8x256xi32, #tpu.memory_space<hbm>>
    %dma_start3A_22 = arith.constant 0 : i32
    %dma_start3A_23 = tpu.memref_slice %arg3[%arg0, %dma_start3A_18, %add3A_9, %dma_start3A_22] : memref<2x8x256x256xi32, #tpu.memory_space<hbm>> -> memref<1x1x8x256xi32, #tpu.memory_space<hbm>>
    %dma_start3A_24 = tpu.memref_squeeze %dma_start3A_23 : memref<1x1x8x256xi32, #tpu.memory_space<hbm>> -> memref<8x256xi32, #tpu.memory_space<hbm>>
    tpu.enqueue_dma source(%dma_start3A_24 : memref<8x256xi32, #tpu.memory_space<hbm>>) target(%arg7 : memref<8x256xi32, #tpu.memory_space<vmem>>) target_semaphore(%arg10 : memref<!tpu.dma_semaphore, #tpu.memory_space<semaphore_mem>>)
    %add3A_25 = arith.constant 8 : i32
    %add3A_26 = arith.addi %mul3A_7, %add3A_25 : i32
    %dma_start3A_27 = arith.constant 0 : i32
    %dma_start3A_28 = arith.constant 0 : i32
    %dma_start3A_29 = arith.constant 0 : i32
    %dma_start3A_30 = tpu.memref_slice %arg2[%arg0, %dma_start3A_28, %dma_start3A_27, %add3A_26, %dma_start3A_29] : memref<2x19x8x256x256xf32, #tpu.memory_space<hbm>> -> memref<1x19x1x8x256xf32, #tpu.memory_space<hbm>>
    %dma_start3A_31 = tpu.memref_squeeze %dma_start3A_30 : memref<1x19x1x8x256xf32, #tpu.memory_space<hbm>> -> memref<19x8x256xf32, #tpu.memory_space<hbm>>
    %dma_start3A_32 = arith.constant 0 : i32
    %dma_start3A_33 = arith.constant 0 : i32
    %dma_start3A_34 = tpu.memref_slice %arg2[%arg0, %dma_start3A_32, %dma_start3A_27, %add3A_26, %dma_start3A_33] : memref<2x19x8x256x256xf32, #tpu.memory_space<hbm>> -> memref<1x19x1x8x256xf32, #tpu.memory_space<hbm>>
    %dma_start3A_35 = tpu.memref_squeeze %dma_start3A_34 : memref<1x19x1x8x256xf32, #tpu.memory_space<hbm>> -> memref<19x8x256xf32, #tpu.memory_space<hbm>>
    tpu.enqueue_dma source(%dma_start3A_35 : memref<19x8x256xf32, #tpu.memory_space<hbm>>) target(%arg6 : memref<19x8x256xf32, #tpu.memory_space<vmem>>) target_semaphore(%arg11 : memref<!tpu.dma_semaphore, #tpu.memory_space<semaphore_mem>>)
    %dma_start3A_36 = arith.constant 0 : i32
    %dma_start3A_37 = arith.constant 0 : i32
    %dma_start3A_38 = tpu.memref_slice %arg3[%arg0, %dma_start3A_36, %add3A_26, %dma_start3A_37] : memref<2x8x256x256xi32, #tpu.memory_space<hbm>> -> memref<1x1x8x256xi32, #tpu.memory_space<hbm>>
    %dma_start3A_39 = tpu.memref_squeeze %dma_start3A_38 : memref<1x1x8x256xi32, #tpu.memory_space<hbm>> -> memref<8x256xi32, #tpu.memory_space<hbm>>
    %dma_start3A_40 = arith.constant 0 : i32
    %dma_start3A_41 = tpu.memref_slice %arg3[%arg0, %dma_start3A_36, %add3A_26, %dma_start3A_40] : memref<2x8x256x256xi32, #tpu.memory_space<hbm>> -> memref<1x1x8x256xi32, #tpu.memory_space<hbm>>
    %dma_start3A_42 = tpu.memref_squeeze %dma_start3A_41 : memref<1x1x8x256xi32, #tpu.memory_space<hbm>> -> memref<8x256xi32, #tpu.memory_space<hbm>>
    tpu.enqueue_dma source(%dma_start3A_42 : memref<8x256xi32, #tpu.memory_space<hbm>>) target(%arg8 : memref<8x256xi32, #tpu.memory_space<vmem>>) target_semaphore(%arg11 : memref<!tpu.dma_semaphore, #tpu.memory_space<semaphore_mem>>)
    %scan3A = arith.constant 0 : i32
    %scan3A_43 = arith.constant 0 : i32
    %scan3A_44 = arith.constant 304 : i32
    %scan3A_45 = arith.addi %scan3A_43, %scan3A_44 : i32
    %scan3A_46 = arith.constant 1 : i32
    scf.for %scan3A_54 = %scan3A_43 to %scan3A_45 step %scan3A_46  : i32 {
      %swap3A = arith.index_cast %scan3A_54 : i32 to index
      %swap3A_55 = arith.constant 0 : index
      %swap3A_56 = tpu.vector_load %arg9[%swap3A, %swap3A_55] {strides = array<i32>} : memref<304x128xf32, #tpu.memory_space<vmem>>, vector<16xf32>,
      tpu.vector_store %arg9[%swap3A, %swap3A_55], %broadcast_in_dim3A_1 {strides = array<i32>} : memref<304x128xf32, #tpu.memory_space<vmem>>, vector<16xf32>,
      %swap3A_57 = arith.index_cast %scan3A_54 : i32 to index
      %swap3A_58 = arith.constant 16 : index
      %swap3A_59 = tpu.vector_load %arg9[%swap3A_57, %swap3A_58] {strides = array<i32>} : memref<304x128xf32, #tpu.memory_space<vmem>>, vector<16xf32>,
      tpu.vector_store %arg9[%swap3A_57, %swap3A_58], %broadcast_in_dim3A_1 {strides = array<i32>} : memref<304x128xf32, #tpu.memory_space<vmem>>, vector<16xf32>,
      %swap3A_60 = arith.index_cast %scan3A_54 : i32 to index
      %swap3A_61 = arith.constant 32 : index
      %swap3A_62 = tpu.vector_load %arg9[%swap3A_60, %swap3A_61] {strides = array<i32>} : memref<304x128xf32, #tpu.memory_space<vmem>>, vector<16xf32>,
      tpu.vector_store %arg9[%swap3A_60, %swap3A_61], %broadcast_in_dim3A_1 {strides = array<i32>} : memref<304x128xf32, #tpu.memory_space<vmem>>, vector<16xf32>,
      %swap3A_63 = arith.index_cast %scan3A_54 : i32 to index
      %swap3A_64 = arith.constant 48 : index
      %swap3A_65 = tpu.vector_load %arg9[%swap3A_63, %swap3A_64] {strides = array<i32>} : memref<304x128xf32, #tpu.memory_space<vmem>>, vector<16xf32>,
      tpu.vector_store %arg9[%swap3A_63, %swap3A_64], %broadcast_in_dim3A_1 {strides = array<i32>} : memref<304x128xf32, #tpu.memory_space<vmem>>, vector<16xf32>,
      %swap3A_66 = arith.index_cast %scan3A_54 : i32 to index
      %swap3A_67 = arith.constant 64 : index
      %swap3A_68 = tpu.vector_load %arg9[%swap3A_66, %swap3A_67] {strides = array<i32>} : memref<304x128xf32, #tpu.memory_space<vmem>>, vector<16xf32>,
      tpu.vector_store %arg9[%swap3A_66, %swap3A_67], %broadcast_in_dim3A_1 {strides = array<i32>} : memref<304x128xf32, #tpu.memory_space<vmem>>, vector<16xf32>,
      %swap3A_69 = arith.index_cast %scan3A_54 : i32 to index
      %swap3A_70 = arith.constant 80 : index
      %swap3A_71 = tpu.vector_load %arg9[%swap3A_69, %swap3A_70] {strides = array<i32>} : memref<304x128xf32, #tpu.memory_space<vmem>>, vector<16xf32>,
      tpu.vector_store %arg9[%swap3A_69, %swap3A_70], %broadcast_in_dim3A_1 {strides = array<i32>} : memref<304x128xf32, #tpu.memory_space<vmem>>, vector<16xf32>,
      %swap3A_72 = arith.index_cast %scan3A_54 : i32 to index
      %swap3A_73 = arith.constant 96 : index
      %swap3A_74 = tpu.vector_load %arg9[%swap3A_72, %swap3A_73] {strides = array<i32>} : memref<304x128xf32, #tpu.memory_space<vmem>>, vector<16xf32>,
      tpu.vector_store %arg9[%swap3A_72, %swap3A_73], %broadcast_in_dim3A_1 {strides = array<i32>} : memref<304x128xf32, #tpu.memory_space<vmem>>, vector<16xf32>,
      %swap3A_75 = arith.index_cast %scan3A_54 : i32 to index
      %swap3A_76 = arith.constant 112 : index
      %swap3A_77 = tpu.vector_load %arg9[%swap3A_75, %swap3A_76] {strides = array<i32>} : memref<304x128xf32, #tpu.memory_space<vmem>>, vector<16xf32>,
      tpu.vector_store %arg9[%swap3A_75, %swap3A_76], %broadcast_in_dim3A_1 {strides = array<i32>} : memref<304x128xf32, #tpu.memory_space<vmem>>, vector<16xf32>,
    }
    %scan3A_47 = arith.constant 304 : i32
    %scan3A_48 = arith.constant 0 : i32
    %scan3A_49 = arith.constant 0 : i32
    %scan3A_50 = arith.constant 8 : i32
    %scan3A_51 = arith.addi %scan3A_49, %scan3A_50 : i32
    %scan3A_52 = arith.constant 1 : i32
    scf.for %scan3A_54 = %scan3A_49 to %scan3A_51 step %scan3A_52  : i32 {
      %mul3A_55 = arith.constant 2 : i32
      %mul3A_56 = arith.muli %scan3A_54, %mul3A_55 : i32
      %add3A_57 = arith.constant 0 : i32
      %add3A_58 = arith.addi %mul3A_56, %add3A_57 : i32
      %dma_wait3A = arith.constant 0 : i32
      %dma_wait3A_59 = arith.constant 0 : i32
      %dma_wait3A_60 = arith.constant 0 : i32
      %dma_wait3A_61 = arith.constant 0 : i32
      %dma_wait3A_62 = arith.constant 0 : i32
      %dma_wait3A_63 = tpu.memref_slice %arg2[%dma_wait3A, %dma_wait3A_60, %dma_wait3A_59, %dma_wait3A_61, %dma_wait3A_62] : memref<2x19x8x256x256xf32, #tpu.memory_space<hbm>> -> memref<1x19x1x8x256xf32, #tpu.memory_space<hbm>>
      %dma_wait3A_64 = tpu.memref_squeeze %dma_wait3A_63 : memref<1x19x1x8x256xf32, #tpu.memory_space<hbm>> -> memref<19x8x256xf32, #tpu.memory_space<hbm>>
      %dma_wait3A_65 = arith.constant 0 : i32
      %dma_wait3A_66 = arith.constant 0 : i32
      %dma_wait3A_67 = arith.constant 0 : i32
      %dma_wait3A_68 = tpu.memref_slice %arg2[%dma_wait3A, %dma_wait3A_65, %dma_wait3A_59, %dma_wait3A_66, %dma_wait3A_67] : memref<2x19x8x256x256xf32, #tpu.memory_space<hbm>> -> memref<1x19x1x8x256xf32, #tpu.memory_space<hbm>>
      %dma_wait3A_69 = tpu.memref_squeeze %dma_wait3A_68 : memref<1x19x1x8x256xf32, #tpu.memory_space<hbm>> -> memref<19x8x256xf32, #tpu.memory_space<hbm>>
      tpu.wait_dma2 semaphore(%arg10 : memref<!tpu.dma_semaphore, #tpu.memory_space<semaphore_mem>>) src(%dma_wait3A_69 : memref<19x8x256xf32, #tpu.memory_space<hbm>>) dst(%arg5 : memref<19x8x256xf32, #tpu.memory_space<vmem>>)
      %dma_wait3A_70 = arith.constant 0 : i32
      %dma_wait3A_71 = arith.constant 0 : i32
      %dma_wait3A_72 = arith.constant 0 : i32
      %dma_wait3A_73 = arith.constant 0 : i32
      %dma_wait3A_74 = tpu.memref_slice %arg3[%dma_wait3A_70, %dma_wait3A_71, %dma_wait3A_72, %dma_wait3A_73] : memref<2x8x256x256xi32, #tpu.memory_space<hbm>> -> memref<1x1x8x256xi32, #tpu.memory_space<hbm>>
      %dma_wait3A_75 = tpu.memref_squeeze %dma_wait3A_74 : memref<1x1x8x256xi32, #tpu.memory_space<hbm>> -> memref<8x256xi32, #tpu.memory_space<hbm>>
      %dma_wait3A_76 = arith.constant 0 : i32
      %dma_wait3A_77 = arith.constant 0 : i32
      %dma_wait3A_78 = tpu.memref_slice %arg3[%dma_wait3A_70, %dma_wait3A_71, %dma_wait3A_76, %dma_wait3A_77] : memref<2x8x256x256xi32, #tpu.memory_space<hbm>> -> memref<1x1x8x256xi32, #tpu.memory_space<hbm>>
      %dma_wait3A_79 = tpu.memref_squeeze %dma_wait3A_78 : memref<1x1x8x256xi32, #tpu.memory_space<hbm>> -> memref<8x256xi32, #tpu.memory_space<hbm>>
      tpu.wait_dma2 semaphore(%arg10 : memref<!tpu.dma_semaphore, #tpu.memory_space<semaphore_mem>>) src(%dma_wait3A_79 : memref<8x256xi32, #tpu.memory_space<hbm>>) dst(%arg7 : memref<8x256xi32, #tpu.memory_space<vmem>>)
      %parallel_loop3A = arith.constant 0 : i32
      %parallel_loop3A_80 = arith.constant 128 : i32
      %parallel_loop3A_81 = arith.constant 1 : i32
      scf.for %parallel_loop3A_122 = %parallel_loop3A to %parallel_loop3A_80 step %parallel_loop3A_81  : i32 {
        %parallel_loop3A_123 = arith.constant 4 : i32
        %parallel_loop3A_124 = arith.shrsi %parallel_loop3A_122, %parallel_loop3A_123 : i32
        %parallel_loop3A_125 = arith.constant 15 : i32
        %parallel_loop3A_126 = arith.andi %parallel_loop3A_122, %parallel_loop3A_125 : i32
        %parallel_loop3A_127 = arith.constant 16 : i32
        %parallel_loop3A_128 = arith.muli %parallel_loop3A_126, %parallel_loop3A_127 : i32
        %parallel_loop3A_129 = arith.index_cast %parallel_loop3A_124 : i32 to index
        %parallel_loop3A_130 = arith.index_cast %parallel_loop3A_128 : i32 to index
        %parallel_loop3A_131 = tpu.vector_load %arg7[%parallel_loop3A_129, %parallel_loop3A_130] {strides = array<i32>} : memref<8x256xi32, #tpu.memory_space<vmem>>, vector<16xi32>,
        %parallel_loop3A_132 = arith.constant 16 : i32
        %parallel_loop3A_133 = arith.muli %parallel_loop3A_126, %parallel_loop3A_132 : i32
        %parallel_loop3A_134 = arith.constant 0 : i32
        %parallel_loop3A_135 = arith.index_cast %parallel_loop3A_134 : i32 to index
        %parallel_loop3A_136 = arith.index_cast %parallel_loop3A_124 : i32 to index
        %parallel_loop3A_137 = arith.index_cast %parallel_loop3A_133 : i32 to index
        %parallel_loop3A_138 = tpu.vector_load %arg5[%parallel_loop3A_135, %parallel_loop3A_136, %parallel_loop3A_137] {strides = array<i32>} : memref<19x8x256xf32, #tpu.memory_space<vmem>>, vector<16xf32>,
        %parallel_loop3A_139 = arith.constant 1.024000e+03 : f32
        %parallel_loop3A_140 = vector.broadcast %parallel_loop3A_139 : f32 to vector<16xf32>
        %parallel_loop3A_141 = arith.mulf %parallel_loop3A_138, %parallel_loop3A_140 : vector<16xf32>
        %parallel_loop3A_142 = arith.fptosi %parallel_loop3A_141 : vector<16xf32> to vector<16xi32>
        %parallel_loop3A_143 = arith.constant 7 : i32
        %parallel_loop3A_144 = vector.broadcast %parallel_loop3A_143 : i32 to vector<16xi32>
        %parallel_loop3A_145 = arith.shrsi %parallel_loop3A_142, %parallel_loop3A_144 : vector<16xi32>
        %parallel_loop3A_146 = arith.constant 0 : i32
        %parallel_loop3A_147 = vector.broadcast %parallel_loop3A_146 : i32 to vector<16xi32>
        %parallel_loop3A_148 = arith.addi %parallel_loop3A_145, %parallel_loop3A_147 : vector<16xi32>
        %parallel_loop3A_149 = arith.constant 127 : i32
        %parallel_loop3A_150 = vector.broadcast %parallel_loop3A_149 : i32 to vector<16xi32>
        %parallel_loop3A_151 = arith.andi %parallel_loop3A_142, %parallel_loop3A_150 : vector<16xi32>
        tpu.vector_store_idx %arg9[%parallel_loop3A_148, %parallel_loop3A_151], %broadcast_in_dim3A_3 {add = true} : memref<304x128xf32, #tpu.memory_space<vmem>>[vector<16xi32>, vector<16xi32>], vector<16xf32>,
        %parallel_loop3A_152 = arith.constant 16 : i32
        %parallel_loop3A_153 = arith.muli %parallel_loop3A_126, %parallel_loop3A_152 : i32
        %parallel_loop3A_154 = arith.constant 1 : i32
        %parallel_loop3A_155 = arith.index_cast %parallel_loop3A_154 : i32 to index
        %parallel_loop3A_156 = arith.index_cast %parallel_loop3A_124 : i32 to index
        %parallel_loop3A_157 = arith.index_cast %parallel_loop3A_153 : i32 to index
        %parallel_loop3A_158 = tpu.vector_load %arg5[%parallel_loop3A_155, %parallel_loop3A_156, %parallel_loop3A_157] {strides = array<i32>} : memref<19x8x256xf32, #tpu.memory_space<vmem>>, vector<16xf32>,
        %parallel_loop3A_159 = arith.constant 1.024000e+03 : f32
        %parallel_loop3A_160 = vector.broadcast %parallel_loop3A_159 : f32 to vector<16xf32>
        %parallel_loop3A_161 = arith.mulf %parallel_loop3A_158, %parallel_loop3A_160 : vector<16xf32>
        %parallel_loop3A_162 = arith.fptosi %parallel_loop3A_161 : vector<16xf32> to vector<16xi32>
        %parallel_loop3A_163 = arith.constant 7 : i32
        %parallel_loop3A_164 = vector.broadcast %parallel_loop3A_163 : i32 to vector<16xi32>
        %parallel_loop3A_165 = arith.shrsi %parallel_loop3A_162, %parallel_loop3A_164 : vector<16xi32>
        %parallel_loop3A_166 = arith.constant 16 : i32
        %parallel_loop3A_167 = vector.broadcast %parallel_loop3A_166 : i32 to vector<16xi32>
        %parallel_loop3A_168 = arith.addi %parallel_loop3A_165, %parallel_loop3A_167 : vector<16xi32>
        %parallel_loop3A_169 = arith.constant 127 : i32
        %parallel_loop3A_170 = vector.broadcast %parallel_loop3A_169 : i32 to vector<16xi32>
        %parallel_loop3A_171 = arith.andi %parallel_loop3A_162, %parallel_loop3A_170 : vector<16xi32>
        tpu.vector_store_idx %arg9[%parallel_loop3A_168, %parallel_loop3A_171], %broadcast_in_dim3A_3 {add = true} : memref<304x128xf32, #tpu.memory_space<vmem>>[vector<16xi32>, vector<16xi32>], vector<16xf32>,
        %parallel_loop3A_172 = arith.constant 16 : i32
        %parallel_loop3A_173 = arith.muli %parallel_loop3A_126, %parallel_loop3A_172 : i32
        %parallel_loop3A_174 = arith.constant 2 : i32
        %parallel_loop3A_175 = arith.index_cast %parallel_loop3A_174 : i32 to index
        %parallel_loop3A_176 = arith.index_cast %parallel_loop3A_124 : i32 to index
        %parallel_loop3A_177 = arith.index_cast %parallel_loop3A_173 : i32 to index
        %parallel_loop3A_178 = tpu.vector_load %arg5[%parallel_loop3A_175, %parallel_loop3A_176, %parallel_loop3A_177] {strides = array<i32>} : memref<19x8x256xf32, #tpu.memory_space<vmem>>, vector<16xf32>,
        %parallel_loop3A_179 = arith.constant 1.024000e+03 : f32
        %parallel_loop3A_180 = vector.broadcast %parallel_loop3A_179 : f32 to vector<16xf32>
        %parallel_loop3A_181 = arith.mulf %parallel_loop3A_178, %parallel_loop3A_180 : vector<16xf32>
        %parallel_loop3A_182 = arith.fptosi %parallel_loop3A_181 : vector<16xf32> to vector<16xi32>
        %parallel_loop3A_183 = arith.constant 7 : i32
        %parallel_loop3A_184 = vector.broadcast %parallel_loop3A_183 : i32 to vector<16xi32>
        %parallel_loop3A_185 = arith.shrsi %parallel_loop3A_182, %parallel_loop3A_184 : vector<16xi32>
        %parallel_loop3A_186 = arith.constant 32 : i32
        %parallel_loop3A_187 = vector.broadcast %parallel_loop3A_186 : i32 to vector<16xi32>
        %parallel_loop3A_188 = arith.addi %parallel_loop3A_185, %parallel_loop3A_187 : vector<16xi32>
        %parallel_loop3A_189 = arith.constant 127 : i32
        %parallel_loop3A_190 = vector.broadcast %parallel_loop3A_189 : i32 to vector<16xi32>
        %parallel_loop3A_191 = arith.andi %parallel_loop3A_182, %parallel_loop3A_190 : vector<16xi32>
        tpu.vector_store_idx %arg9[%parallel_loop3A_188, %parallel_loop3A_191], %broadcast_in_dim3A_3 {add = true} : memref<304x128xf32, #tpu.memory_space<vmem>>[vector<16xi32>, vector<16xi32>], vector<16xf32>,
        %parallel_loop3A_192 = arith.constant 16 : i32
        %parallel_loop3A_193 = arith.muli %parallel_loop3A_126, %parallel_loop3A_192 : i32
        %parallel_loop3A_194 = arith.constant 3 : i32
        %parallel_loop3A_195 = arith.index_cast %parallel_loop3A_194 : i32 to index
        %parallel_loop3A_196 = arith.index_cast %parallel_loop3A_124 : i32 to index
        %parallel_loop3A_197 = arith.index_cast %parallel_loop3A_193 : i32 to index
        %parallel_loop3A_198 = tpu.vector_load %arg5[%parallel_loop3A_195, %parallel_loop3A_196, %parallel_loop3A_197] {strides = array<i32>} : memref<19x8x256xf32, #tpu.memory_space<vmem>>, vector<16xf32>,
        %parallel_loop3A_199 = arith.constant 1.024000e+03 : f32
        %parallel_loop3A_200 = vector.broadcast %parallel_loop3A_199 : f32 to vector<16xf32>
        %parallel_loop3A_201 = arith.mulf %parallel_loop3A_198, %parallel_loop3A_200 : vector<16xf32>
        %parallel_loop3A_202 = arith.fptosi %parallel_loop3A_201 : vector<16xf32> to vector<16xi32>
        %parallel_loop3A_203 = arith.constant 7 : i32
        %parallel_loop3A_204 = vector.broadcast %parallel_loop3A_203 : i32 to vector<16xi32>
        %parallel_loop3A_205 = arith.shrsi %parallel_loop3A_202, %parallel_loop3A_204 : vector<16xi32>
        %parallel_loop3A_206 = arith.constant 48 : i32
        %parallel_loop3A_207 = vector.broadcast %parallel_loop3A_206 : i32 to vector<16xi32>
        %parallel_loop3A_208 = arith.addi %parallel_loop3A_205, %parallel_loop3A_207 : vector<16xi32>
        %parallel_loop3A_209 = arith.constant 127 : i32
        %parallel_loop3A_210 = vector.broadcast %parallel_loop3A_209 : i32 to vector<16xi32>
        %parallel_loop3A_211 = arith.andi %parallel_loop3A_202, %parallel_loop3A_210 : vector<16xi32>
        tpu.vector_store_idx %arg9[%parallel_loop3A_208, %parallel_loop3A_211], %broadcast_in_dim3A_3 {add = true} : memref<304x128xf32, #tpu.memory_space<vmem>>[vector<16xi32>, vector<16xi32>], vector<16xf32>,
        %parallel_loop3A_212 = arith.constant 16 : i32
        %parallel_loop3A_213 = arith.muli %parallel_loop3A_126, %parallel_loop3A_212 : i32
        %parallel_loop3A_214 = arith.constant 4 : i32
        %parallel_loop3A_215 = arith.index_cast %parallel_loop3A_214 : i32 to index
        %parallel_loop3A_216 = arith.index_cast %parallel_loop3A_124 : i32 to index
        %parallel_loop3A_217 = arith.index_cast %parallel_loop3A_213 : i32 to index
        %parallel_loop3A_218 = tpu.vector_load %arg5[%parallel_loop3A_215, %parallel_loop3A_216, %parallel_loop3A_217] {strides = array<i32>} : memref<19x8x256xf32, #tpu.memory_space<vmem>>, vector<16xf32>,
        %parallel_loop3A_219 = arith.constant 1.024000e+03 : f32
        %parallel_loop3A_220 = vector.broadcast %parallel_loop3A_219 : f32 to vector<16xf32>
        %parallel_loop3A_221 = arith.mulf %parallel_loop3A_218, %parallel_loop3A_220 : vector<16xf32>
        %parallel_loop3A_222 = arith.fptosi %parallel_loop3A_221 : vector<16xf32> to vector<16xi32>
        %parallel_loop3A_223 = arith.constant 7 : i32
        %parallel_loop3A_224 = vector.broadcast %parallel_loop3A_223 : i32 to vector<16xi32>
        %parallel_loop3A_225 = arith.shrsi %parallel_loop3A_222, %parallel_loop3A_224 : vector<16xi32>
        %parallel_loop3A_226 = arith.constant 64 : i32
        %parallel_loop3A_227 = vector.broadcast %parallel_loop3A_226 : i32 to vector<16xi32>
        %parallel_loop3A_228 = arith.addi %parallel_loop3A_225, %parallel_loop3A_227 : vector<16xi32>
        %parallel_loop3A_229 = arith.constant 127 : i32
        %parallel_loop3A_230 = vector.broadcast %parallel_loop3A_229 : i32 to vector<16xi32>
        %parallel_loop3A_231 = arith.andi %parallel_loop3A_222, %parallel_loop3A_230 : vector<16xi32>
        tpu.vector_store_idx %arg9[%parallel_loop3A_228, %parallel_loop3A_231], %broadcast_in_dim3A_3 {add = true} : memref<304x128xf32, #tpu.memory_space<vmem>>[vector<16xi32>, vector<16xi32>], vector<16xf32>,
        %parallel_loop3A_232 = arith.constant 16 : i32
        %parallel_loop3A_233 = arith.muli %parallel_loop3A_126, %parallel_loop3A_232 : i32
        %parallel_loop3A_234 = arith.constant 5 : i32
        %parallel_loop3A_235 = arith.index_cast %parallel_loop3A_234 : i32 to index
        %parallel_loop3A_236 = arith.index_cast %parallel_loop3A_124 : i32 to index
        %parallel_loop3A_237 = arith.index_cast %parallel_loop3A_233 : i32 to index
        %parallel_loop3A_238 = tpu.vector_load %arg5[%parallel_loop3A_235, %parallel_loop3A_236, %parallel_loop3A_237] {strides = array<i32>} : memref<19x8x256xf32, #tpu.memory_space<vmem>>, vector<16xf32>,
        %parallel_loop3A_239 = arith.constant 1.024000e+03 : f32
        %parallel_loop3A_240 = vector.broadcast %parallel_loop3A_239 : f32 to vector<16xf32>
        %parallel_loop3A_241 = arith.mulf %parallel_loop3A_238, %parallel_loop3A_240 : vector<16xf32>
        %parallel_loop3A_242 = arith.fptosi %parallel_loop3A_241 : vector<16xf32> to vector<16xi32>
        %parallel_loop3A_243 = arith.constant 7 : i32
        %parallel_loop3A_244 = vector.broadcast %parallel_loop3A_243 : i32 to vector<16xi32>
        %parallel_loop3A_245 = arith.shrsi %parallel_loop3A_242, %parallel_loop3A_244 : vector<16xi32>
        %parallel_loop3A_246 = arith.constant 80 : i32
        %parallel_loop3A_247 = vector.broadcast %parallel_loop3A_246 : i32 to vector<16xi32>
        %parallel_loop3A_248 = arith.addi %parallel_loop3A_245, %parallel_loop3A_247 : vector<16xi32>
        %parallel_loop3A_249 = arith.constant 127 : i32
        %parallel_loop3A_250 = vector.broadcast %parallel_loop3A_249 : i32 to vector<16xi32>
        %parallel_loop3A_251 = arith.andi %parallel_loop3A_242, %parallel_loop3A_250 : vector<16xi32>
        tpu.vector_store_idx %arg9[%parallel_loop3A_248, %parallel_loop3A_251], %broadcast_in_dim3A_3 {add = true} : memref<304x128xf32, #tpu.memory_space<vmem>>[vector<16xi32>, vector<16xi32>], vector<16xf32>,
        %parallel_loop3A_252 = arith.constant 16 : i32
        %parallel_loop3A_253 = arith.muli %parallel_loop3A_126, %parallel_loop3A_252 : i32
        %parallel_loop3A_254 = arith.constant 6 : i32
        %parallel_loop3A_255 = arith.index_cast %parallel_loop3A_254 : i32 to index
        %parallel_loop3A_256 = arith.index_cast %parallel_loop3A_124 : i32 to index
        %parallel_loop3A_257 = arith.index_cast %parallel_loop3A_253 : i32 to index
        %parallel_loop3A_258 = tpu.vector_load %arg5[%parallel_loop3A_255, %parallel_loop3A_256, %parallel_loop3A_257] {strides = array<i32>} : memref<19x8x256xf32, #tpu.memory_space<vmem>>, vector<16xf32>,
        %parallel_loop3A_259 = arith.constant 1.024000e+03 : f32
        %parallel_loop3A_260 = vector.broadcast %parallel_loop3A_259 : f32 to vector<16xf32>
        %parallel_loop3A_261 = arith.mulf %parallel_loop3A_258, %parallel_loop3A_260 : vector<16xf32>
        %parallel_loop3A_262 = arith.fptosi %parallel_loop3A_261 : vector<16xf32> to vector<16xi32>
        %parallel_loop3A_263 = arith.constant 7 : i32
        %parallel_loop3A_264 = vector.broadcast %parallel_loop3A_263 : i32 to vector<16xi32>
        %parallel_loop3A_265 = arith.shrsi %parallel_loop3A_262, %parallel_loop3A_264 : vector<16xi32>
        %parallel_loop3A_266 = arith.constant 96 : i32
        %parallel_loop3A_267 = vector.broadcast %parallel_loop3A_266 : i32 to vector<16xi32>
        %parallel_loop3A_268 = arith.addi %parallel_loop3A_265, %parallel_loop3A_267 : vector<16xi32>
        %parallel_loop3A_269 = arith.constant 127 : i32
        %parallel_loop3A_270 = vector.broadcast %parallel_loop3A_269 : i32 to vector<16xi32>
        %parallel_loop3A_271 = arith.andi %parallel_loop3A_262, %parallel_loop3A_270 : vector<16xi32>
        tpu.vector_store_idx %arg9[%parallel_loop3A_268, %parallel_loop3A_271], %broadcast_in_dim3A_3 {add = true} : memref<304x128xf32, #tpu.memory_space<vmem>>[vector<16xi32>, vector<16xi32>], vector<16xf32>,
        %parallel_loop3A_272 = arith.constant 16 : i32
        %parallel_loop3A_273 = arith.muli %parallel_loop3A_126, %parallel_loop3A_272 : i32
        %parallel_loop3A_274 = arith.constant 7 : i32
        %parallel_loop3A_275 = arith.index_cast %parallel_loop3A_274 : i32 to index
        %parallel_loop3A_276 = arith.index_cast %parallel_loop3A_124 : i32 to index
        %parallel_loop3A_277 = arith.index_cast %parallel_loop3A_273 : i32 to index
        %parallel_loop3A_278 = tpu.vector_load %arg5[%parallel_loop3A_275, %parallel_loop3A_276, %parallel_loop3A_277] {strides = array<i32>} : memref<19x8x256xf32, #tpu.memory_space<vmem>>, vector<16xf32>,
        %parallel_loop3A_279 = arith.constant 1.024000e+03 : f32
        %parallel_loop3A_280 = vector.broadcast %parallel_loop3A_279 : f32 to vector<16xf32>
        %parallel_loop3A_281 = arith.mulf %parallel_loop3A_278, %parallel_loop3A_280 : vector<16xf32>
        %parallel_loop3A_282 = arith.fptosi %parallel_loop3A_281 : vector<16xf32> to vector<16xi32>
        %parallel_loop3A_283 = arith.constant 7 : i32
        %parallel_loop3A_284 = vector.broadcast %parallel_loop3A_283 : i32 to vector<16xi32>
        %parallel_loop3A_285 = arith.shrsi %parallel_loop3A_282, %parallel_loop3A_284 : vector<16xi32>
        %parallel_loop3A_286 = arith.constant 112 : i32
        %parallel_loop3A_287 = vector.broadcast %parallel_loop3A_286 : i32 to vector<16xi32>
        %parallel_loop3A_288 = arith.addi %parallel_loop3A_285, %parallel_loop3A_287 : vector<16xi32>
        %parallel_loop3A_289 = arith.constant 127 : i32
        %parallel_loop3A_290 = vector.broadcast %parallel_loop3A_289 : i32 to vector<16xi32>
        %parallel_loop3A_291 = arith.andi %parallel_loop3A_282, %parallel_loop3A_290 : vector<16xi32>
        tpu.vector_store_idx %arg9[%parallel_loop3A_288, %parallel_loop3A_291], %broadcast_in_dim3A_3 {add = true} : memref<304x128xf32, #tpu.memory_space<vmem>>[vector<16xi32>, vector<16xi32>], vector<16xf32>,
        %parallel_loop3A_292 = arith.constant 16 : i32
        %parallel_loop3A_293 = arith.muli %parallel_loop3A_126, %parallel_loop3A_292 : i32
        %parallel_loop3A_294 = arith.constant 8 : i32
        %parallel_loop3A_295 = arith.index_cast %parallel_loop3A_294 : i32 to index
        %parallel_loop3A_296 = arith.index_cast %parallel_loop3A_124 : i32 to index
        %parallel_loop3A_297 = arith.index_cast %parallel_loop3A_293 : i32 to index
        %parallel_loop3A_298 = tpu.vector_load %arg5[%parallel_loop3A_295, %parallel_loop3A_296, %parallel_loop3A_297] {strides = array<i32>} : memref<19x8x256xf32, #tpu.memory_space<vmem>>, vector<16xf32>,
        %parallel_loop3A_299 = arith.constant 1.024000e+03 : f32
        %parallel_loop3A_300 = vector.broadcast %parallel_loop3A_299 : f32 to vector<16xf32>
        %parallel_loop3A_301 = arith.mulf %parallel_loop3A_298, %parallel_loop3A_300 : vector<16xf32>
        %parallel_loop3A_302 = arith.fptosi %parallel_loop3A_301 : vector<16xf32> to vector<16xi32>
        %parallel_loop3A_303 = arith.constant 7 : i32
        %parallel_loop3A_304 = vector.broadcast %parallel_loop3A_303 : i32 to vector<16xi32>
        %parallel_loop3A_305 = arith.shrsi %parallel_loop3A_302, %parallel_loop3A_304 : vector<16xi32>
        %parallel_loop3A_306 = arith.constant 128 : i32
        %parallel_loop3A_307 = vector.broadcast %parallel_loop3A_306 : i32 to vector<16xi32>
        %parallel_loop3A_308 = arith.addi %parallel_loop3A_305, %parallel_loop3A_307 : vector<16xi32>
        %parallel_loop3A_309 = arith.constant 127 : i32
        %parallel_loop3A_310 = vector.broadcast %parallel_loop3A_309 : i32 to vector<16xi32>
        %parallel_loop3A_311 = arith.andi %parallel_loop3A_302, %parallel_loop3A_310 : vector<16xi32>
        tpu.vector_store_idx %arg9[%parallel_loop3A_308, %parallel_loop3A_311], %broadcast_in_dim3A_3 {add = true} : memref<304x128xf32, #tpu.memory_space<vmem>>[vector<16xi32>, vector<16xi32>], vector<16xf32>,
        %parallel_loop3A_312 = arith.constant 16 : i32
        %parallel_loop3A_313 = arith.muli %parallel_loop3A_126, %parallel_loop3A_312 : i32
        %parallel_loop3A_314 = arith.constant 9 : i32
        %parallel_loop3A_315 = arith.index_cast %parallel_loop3A_314 : i32 to index
        %parallel_loop3A_316 = arith.index_cast %parallel_loop3A_124 : i32 to index
        %parallel_loop3A_317 = arith.index_cast %parallel_loop3A_313 : i32 to index
        %parallel_loop3A_318 = tpu.vector_load %arg5[%parallel_loop3A_315, %parallel_loop3A_316, %parallel_loop3A_317] {strides = array<i32>} : memref<19x8x256xf32, #tpu.memory_space<vmem>>, vector<16xf32>,
        %parallel_loop3A_319 = arith.constant 1.024000e+03 : f32
        %parallel_loop3A_320 = vector.broadcast %parallel_loop3A_319 : f32 to vector<16xf32>
        %parallel_loop3A_321 = arith.mulf %parallel_loop3A_318, %parallel_loop3A_320 : vector<16xf32>
        %parallel_loop3A_322 = arith.fptosi %parallel_loop3A_321 : vector<16xf32> to vector<16xi32>
        %parallel_loop3A_323 = arith.constant 7 : i32
        %parallel_loop3A_324 = vector.broadcast %parallel_loop3A_323 : i32 to vector<16xi32>
        %parallel_loop3A_325 = arith.shrsi %parallel_loop3A_322, %parallel_loop3A_324 : vector<16xi32>
        %parallel_loop3A_326 = arith.constant 144 : i32
        %parallel_loop3A_327 = vector.broadcast %parallel_loop3A_326 : i32 to vector<16xi32>
        %parallel_loop3A_328 = arith.addi %parallel_loop3A_325, %parallel_loop3A_327 : vector<16xi32>
        %parallel_loop3A_329 = arith.constant 127 : i32
        %parallel_loop3A_330 = vector.broadcast %parallel_loop3A_329 : i32 to vector<16xi32>
        %parallel_loop3A_331 = arith.andi %parallel_loop3A_322, %parallel_loop3A_330 : vector<16xi32>
        tpu.vector_store_idx %arg9[%parallel_loop3A_328, %parallel_loop3A_331], %broadcast_in_dim3A_3 {add = true} : memref<304x128xf32, #tpu.memory_space<vmem>>[vector<16xi32>, vector<16xi32>], vector<16xf32>,
        %parallel_loop3A_332 = arith.constant 16 : i32
        %parallel_loop3A_333 = arith.muli %parallel_loop3A_126, %parallel_loop3A_332 : i32
        %parallel_loop3A_334 = arith.constant 10 : i32
        %parallel_loop3A_335 = arith.index_cast %parallel_loop3A_334 : i32 to index
        %parallel_loop3A_336 = arith.index_cast %parallel_loop3A_124 : i32 to index
        %parallel_loop3A_337 = arith.index_cast %parallel_loop3A_333 : i32 to index
        %parallel_loop3A_338 = tpu.vector_load %arg5[%parallel_loop3A_335, %parallel_loop3A_336, %parallel_loop3A_337] {strides = array<i32>} : memref<19x8x256xf32, #tpu.memory_space<vmem>>, vector<16xf32>,
        %parallel_loop3A_339 = arith.constant 1.024000e+03 : f32
        %parallel_loop3A_340 = vector.broadcast %parallel_loop3A_339 : f32 to vector<16xf32>
        %parallel_loop3A_341 = arith.mulf %parallel_loop3A_338, %parallel_loop3A_340 : vector<16xf32>
        %parallel_loop3A_342 = arith.fptosi %parallel_loop3A_341 : vector<16xf32> to vector<16xi32>
        %parallel_loop3A_343 = arith.constant 7 : i32
        %parallel_loop3A_344 = vector.broadcast %parallel_loop3A_343 : i32 to vector<16xi32>
        %parallel_loop3A_345 = arith.shrsi %parallel_loop3A_342, %parallel_loop3A_344 : vector<16xi32>
        %parallel_loop3A_346 = arith.constant 160 : i32
        %parallel_loop3A_347 = vector.broadcast %parallel_loop3A_346 : i32 to vector<16xi32>
        %parallel_loop3A_348 = arith.addi %parallel_loop3A_345, %parallel_loop3A_347 : vector<16xi32>
        %parallel_loop3A_349 = arith.constant 127 : i32
        %parallel_loop3A_350 = vector.broadcast %parallel_loop3A_349 : i32 to vector<16xi32>
        %parallel_loop3A_351 = arith.andi %parallel_loop3A_342, %parallel_loop3A_350 : vector<16xi32>
        tpu.vector_store_idx %arg9[%parallel_loop3A_348, %parallel_loop3A_351], %broadcast_in_dim3A_3 {add = true} : memref<304x128xf32, #tpu.memory_space<vmem>>[vector<16xi32>, vector<16xi32>], vector<16xf32>,
        %parallel_loop3A_352 = arith.constant 16 : i32
        %parallel_loop3A_353 = arith.muli %parallel_loop3A_126, %parallel_loop3A_352 : i32
        %parallel_loop3A_354 = arith.constant 11 : i32
        %parallel_loop3A_355 = arith.index_cast %parallel_loop3A_354 : i32 to index
        %parallel_loop3A_356 = arith.index_cast %parallel_loop3A_124 : i32 to index
        %parallel_loop3A_357 = arith.index_cast %parallel_loop3A_353 : i32 to index
        %parallel_loop3A_358 = tpu.vector_load %arg5[%parallel_loop3A_355, %parallel_loop3A_356, %parallel_loop3A_357] {strides = array<i32>} : memref<19x8x256xf32, #tpu.memory_space<vmem>>, vector<16xf32>,
        %parallel_loop3A_359 = arith.constant 1.024000e+03 : f32
        %parallel_loop3A_360 = vector.broadcast %parallel_loop3A_359 : f32 to vector<16xf32>
        %parallel_loop3A_361 = arith.mulf %parallel_loop3A_358, %parallel_loop3A_360 : vector<16xf32>
        %parallel_loop3A_362 = arith.fptosi %parallel_loop3A_361 : vector<16xf32> to vector<16xi32>
        %parallel_loop3A_363 = arith.constant 7 : i32
        %parallel_loop3A_364 = vector.broadcast %parallel_loop3A_363 : i32 to vector<16xi32>
        %parallel_loop3A_365 = arith.shrsi %parallel_loop3A_362, %parallel_loop3A_364 : vector<16xi32>
        %parallel_loop3A_366 = arith.constant 176 : i32
        %parallel_loop3A_367 = vector.broadcast %parallel_loop3A_366 : i32 to vector<16xi32>
        %parallel_loop3A_368 = arith.addi %parallel_loop3A_365, %parallel_loop3A_367 : vector<16xi32>
        %parallel_loop3A_369 = arith.constant 127 : i32
        %parallel_loop3A_370 = vector.broadcast %parallel_loop3A_369 : i32 to vector<16xi32>
        %parallel_loop3A_371 = arith.andi %parallel_loop3A_362, %parallel_loop3A_370 : vector<16xi32>
        tpu.vector_store_idx %arg9[%parallel_loop3A_368, %parallel_loop3A_371], %broadcast_in_dim3A_3 {add = true} : memref<304x128xf32, #tpu.memory_space<vmem>>[vector<16xi32>, vector<16xi32>], vector<16xf32>,
        %parallel_loop3A_372 = arith.constant 16 : i32
        %parallel_loop3A_373 = arith.muli %parallel_loop3A_126, %parallel_loop3A_372 : i32
        %parallel_loop3A_374 = arith.constant 12 : i32
        %parallel_loop3A_375 = arith.index_cast %parallel_loop3A_374 : i32 to index
        %parallel_loop3A_376 = arith.index_cast %parallel_loop3A_124 : i32 to index
        %parallel_loop3A_377 = arith.index_cast %parallel_loop3A_373 : i32 to index
        %parallel_loop3A_378 = tpu.vector_load %arg5[%parallel_loop3A_375, %parallel_loop3A_376, %parallel_loop3A_377] {strides = array<i32>} : memref<19x8x256xf32, #tpu.memory_space<vmem>>, vector<16xf32>,
        %parallel_loop3A_379 = arith.constant 1.024000e+03 : f32
        %parallel_loop3A_380 = vector.broadcast %parallel_loop3A_379 : f32 to vector<16xf32>
        %parallel_loop3A_381 = arith.mulf %parallel_loop3A_378, %parallel_loop3A_380 : vector<16xf32>
        %parallel_loop3A_382 = arith.fptosi %parallel_loop3A_381 : vector<16xf32> to vector<16xi32>
        %parallel_loop3A_383 = arith.constant 7 : i32
        %parallel_loop3A_384 = vector.broadcast %parallel_loop3A_383 : i32 to vector<16xi32>
        %parallel_loop3A_385 = arith.shrsi %parallel_loop3A_382, %parallel_loop3A_384 : vector<16xi32>
        %parallel_loop3A_386 = arith.constant 192 : i32
        %parallel_loop3A_387 = vector.broadcast %parallel_loop3A_386 : i32 to vector<16xi32>
        %parallel_loop3A_388 = arith.addi %parallel_loop3A_385, %parallel_loop3A_387 : vector<16xi32>
        %parallel_loop3A_389 = arith.constant 127 : i32
        %parallel_loop3A_390 = vector.broadcast %parallel_loop3A_389 : i32 to vector<16xi32>
        %parallel_loop3A_391 = arith.andi %parallel_loop3A_382, %parallel_loop3A_390 : vector<16xi32>
        tpu.vector_store_idx %arg9[%parallel_loop3A_388, %parallel_loop3A_391], %broadcast_in_dim3A_3 {add = true} : memref<304x128xf32, #tpu.memory_space<vmem>>[vector<16xi32>, vector<16xi32>], vector<16xf32>,
        %parallel_loop3A_392 = arith.constant 16 : i32
        %parallel_loop3A_393 = arith.muli %parallel_loop3A_126, %parallel_loop3A_392 : i32
        %parallel_loop3A_394 = arith.constant 13 : i32
        %parallel_loop3A_395 = arith.index_cast %parallel_loop3A_394 : i32 to index
        %parallel_loop3A_396 = arith.index_cast %parallel_loop3A_124 : i32 to index
        %parallel_loop3A_397 = arith.index_cast %parallel_loop3A_393 : i32 to index
        %parallel_loop3A_398 = tpu.vector_load %arg5[%parallel_loop3A_395, %parallel_loop3A_396, %parallel_loop3A_397] {strides = array<i32>} : memref<19x8x256xf32, #tpu.memory_space<vmem>>, vector<16xf32>,
        %parallel_loop3A_399 = arith.constant 1.024000e+03 : f32
        %parallel_loop3A_400 = vector.broadcast %parallel_loop3A_399 : f32 to vector<16xf32>
        %parallel_loop3A_401 = arith.mulf %parallel_loop3A_398, %parallel_loop3A_400 : vector<16xf32>
        %parallel_loop3A_402 = arith.fptosi %parallel_loop3A_401 : vector<16xf32> to vector<16xi32>
        %parallel_loop3A_403 = arith.constant 7 : i32
        %parallel_loop3A_404 = vector.broadcast %parallel_loop3A_403 : i32 to vector<16xi32>
        %parallel_loop3A_405 = arith.shrsi %parallel_loop3A_402, %parallel_loop3A_404 : vector<16xi32>
        %parallel_loop3A_406 = arith.constant 208 : i32
        %parallel_loop3A_407 = vector.broadcast %parallel_loop3A_406 : i32 to vector<16xi32>
        %parallel_loop3A_408 = arith.addi %parallel_loop3A_405, %parallel_loop3A_407 : vector<16xi32>
        %parallel_loop3A_409 = arith.constant 127 : i32
        %parallel_loop3A_410 = vector.broadcast %parallel_loop3A_409 : i32 to vector<16xi32>
        %parallel_loop3A_411 = arith.andi %parallel_loop3A_402, %parallel_loop3A_410 : vector<16xi32>
        tpu.vector_store_idx %arg9[%parallel_loop3A_408, %parallel_loop3A_411], %broadcast_in_dim3A_3 {add = true} : memref<304x128xf32, #tpu.memory_space<vmem>>[vector<16xi32>, vector<16xi32>], vector<16xf32>,
        %parallel_loop3A_412 = arith.constant 16 : i32
        %parallel_loop3A_413 = arith.muli %parallel_loop3A_126, %parallel_loop3A_412 : i32
        %parallel_loop3A_414 = arith.constant 14 : i32
        %parallel_loop3A_415 = arith.index_cast %parallel_loop3A_414 : i32 to index
        %parallel_loop3A_416 = arith.index_cast %parallel_loop3A_124 : i32 to index
        %parallel_loop3A_417 = arith.index_cast %parallel_loop3A_413 : i32 to index
        %parallel_loop3A_418 = tpu.vector_load %arg5[%parallel_loop3A_415, %parallel_loop3A_416, %parallel_loop3A_417] {strides = array<i32>} : memref<19x8x256xf32, #tpu.memory_space<vmem>>, vector<16xf32>,
        %parallel_loop3A_419 = arith.constant 1.024000e+03 : f32
        %parallel_loop3A_420 = vector.broadcast %parallel_loop3A_419 : f32 to vector<16xf32>
        %parallel_loop3A_421 = arith.mulf %parallel_loop3A_418, %parallel_loop3A_420 : vector<16xf32>
        %parallel_loop3A_422 = arith.fptosi %parallel_loop3A_421 : vector<16xf32> to vector<16xi32>
        %parallel_loop3A_423 = arith.constant 7 : i32
        %parallel_loop3A_424 = vector.broadcast %parallel_loop3A_423 : i32 to vector<16xi32>
        %parallel_loop3A_425 = arith.shrsi %parallel_loop3A_422, %parallel_loop3A_424 : vector<16xi32>
        %parallel_loop3A_426 = arith.constant 224 : i32
        %parallel_loop3A_427 = vector.broadcast %parallel_loop3A_426 : i32 to vector<16xi32>
        %parallel_loop3A_428 = arith.addi %parallel_loop3A_425, %parallel_loop3A_427 : vector<16xi32>
        %parallel_loop3A_429 = arith.constant 127 : i32
        %parallel_loop3A_430 = vector.broadcast %parallel_loop3A_429 : i32 to vector<16xi32>
        %parallel_loop3A_431 = arith.andi %parallel_loop3A_422, %parallel_loop3A_430 : vector<16xi32>
        tpu.vector_store_idx %arg9[%parallel_loop3A_428, %parallel_loop3A_431], %broadcast_in_dim3A_3 {add = true} : memref<304x128xf32, #tpu.memory_space<vmem>>[vector<16xi32>, vector<16xi32>], vector<16xf32>,
        %parallel_loop3A_432 = arith.constant 16 : i32
        %parallel_loop3A_433 = arith.muli %parallel_loop3A_126, %parallel_loop3A_432 : i32
        %parallel_loop3A_434 = arith.constant 15 : i32
        %parallel_loop3A_435 = arith.index_cast %parallel_loop3A_434 : i32 to index
        %parallel_loop3A_436 = arith.index_cast %parallel_loop3A_124 : i32 to index
        %parallel_loop3A_437 = arith.index_cast %parallel_loop3A_433 : i32 to index
        %parallel_loop3A_438 = tpu.vector_load %arg5[%parallel_loop3A_435, %parallel_loop3A_436, %parallel_loop3A_437] {strides = array<i32>} : memref<19x8x256xf32, #tpu.memory_space<vmem>>, vector<16xf32>,
        %parallel_loop3A_439 = arith.constant 1.024000e+03 : f32
        %parallel_loop3A_440 = vector.broadcast %parallel_loop3A_439 : f32 to vector<16xf32>
        %parallel_loop3A_441 = arith.mulf %parallel_loop3A_438, %parallel_loop3A_440 : vector<16xf32>
        %parallel_loop3A_442 = arith.fptosi %parallel_loop3A_441 : vector<16xf32> to vector<16xi32>
        %parallel_loop3A_443 = arith.constant 7 : i32
        %parallel_loop3A_444 = vector.broadcast %parallel_loop3A_443 : i32 to vector<16xi32>
        %parallel_loop3A_445 = arith.shrsi %parallel_loop3A_442, %parallel_loop3A_444 : vector<16xi32>
        %parallel_loop3A_446 = arith.constant 240 : i32
        %parallel_loop3A_447 = vector.broadcast %parallel_loop3A_446 : i32 to vector<16xi32>
        %parallel_loop3A_448 = arith.addi %parallel_loop3A_445, %parallel_loop3A_447 : vector<16xi32>
        %parallel_loop3A_449 = arith.constant 127 : i32
        %parallel_loop3A_450 = vector.broadcast %parallel_loop3A_449 : i32 to vector<16xi32>
        %parallel_loop3A_451 = arith.andi %parallel_loop3A_442, %parallel_loop3A_450 : vector<16xi32>
        tpu.vector_store_idx %arg9[%parallel_loop3A_448, %parallel_loop3A_451], %broadcast_in_dim3A_3 {add = true} : memref<304x128xf32, #tpu.memory_space<vmem>>[vector<16xi32>, vector<16xi32>], vector<16xf32>,
        %parallel_loop3A_452 = arith.constant 16 : i32
        %parallel_loop3A_453 = arith.muli %parallel_loop3A_126, %parallel_loop3A_452 : i32
        %parallel_loop3A_454 = arith.constant 16 : i32
        %parallel_loop3A_455 = arith.index_cast %parallel_loop3A_454 : i32 to index
        %parallel_loop3A_456 = arith.index_cast %parallel_loop3A_124 : i32 to index
        %parallel_loop3A_457 = arith.index_cast %parallel_loop3A_453 : i32 to index
        %parallel_loop3A_458 = tpu.vector_load %arg5[%parallel_loop3A_455, %parallel_loop3A_456, %parallel_loop3A_457] {strides = array<i32>} : memref<19x8x256xf32, #tpu.memory_space<vmem>>, vector<16xf32>,
        %parallel_loop3A_459 = arith.constant 1.024000e+03 : f32
        %parallel_loop3A_460 = vector.broadcast %parallel_loop3A_459 : f32 to vector<16xf32>
        %parallel_loop3A_461 = arith.mulf %parallel_loop3A_458, %parallel_loop3A_460 : vector<16xf32>
        %parallel_loop3A_462 = arith.fptosi %parallel_loop3A_461 : vector<16xf32> to vector<16xi32>
        %parallel_loop3A_463 = arith.constant 7 : i32
        %parallel_loop3A_464 = vector.broadcast %parallel_loop3A_463 : i32 to vector<16xi32>
        %parallel_loop3A_465 = arith.shrsi %parallel_loop3A_462, %parallel_loop3A_464 : vector<16xi32>
        %parallel_loop3A_466 = arith.constant 256 : i32
        %parallel_loop3A_467 = vector.broadcast %parallel_loop3A_466 : i32 to vector<16xi32>
        %parallel_loop3A_468 = arith.addi %parallel_loop3A_465, %parallel_loop3A_467 : vector<16xi32>
        %parallel_loop3A_469 = arith.constant 127 : i32
        %parallel_loop3A_470 = vector.broadcast %parallel_loop3A_469 : i32 to vector<16xi32>
        %parallel_loop3A_471 = arith.andi %parallel_loop3A_462, %parallel_loop3A_470 : vector<16xi32>
        tpu.vector_store_idx %arg9[%parallel_loop3A_468, %parallel_loop3A_471], %broadcast_in_dim3A_3 {add = true} : memref<304x128xf32, #tpu.memory_space<vmem>>[vector<16xi32>, vector<16xi32>], vector<16xf32>,
        %parallel_loop3A_472 = arith.constant 16 : i32
        %parallel_loop3A_473 = arith.muli %parallel_loop3A_126, %parallel_loop3A_472 : i32
        %parallel_loop3A_474 = arith.constant 17 : i32
        %parallel_loop3A_475 = arith.index_cast %parallel_loop3A_474 : i32 to index
        %parallel_loop3A_476 = arith.index_cast %parallel_loop3A_124 : i32 to index
        %parallel_loop3A_477 = arith.index_cast %parallel_loop3A_473 : i32 to index
        %parallel_loop3A_478 = tpu.vector_load %arg5[%parallel_loop3A_475, %parallel_loop3A_476, %parallel_loop3A_477] {strides = array<i32>} : memref<19x8x256xf32, #tpu.memory_space<vmem>>, vector<16xf32>,
        %parallel_loop3A_479 = arith.constant 1.024000e+03 : f32
        %parallel_loop3A_480 = vector.broadcast %parallel_loop3A_479 : f32 to vector<16xf32>
        %parallel_loop3A_481 = arith.mulf %parallel_loop3A_478, %parallel_loop3A_480 : vector<16xf32>
        %parallel_loop3A_482 = arith.fptosi %parallel_loop3A_481 : vector<16xf32> to vector<16xi32>
        %parallel_loop3A_483 = arith.constant 7 : i32
        %parallel_loop3A_484 = vector.broadcast %parallel_loop3A_483 : i32 to vector<16xi32>
        %parallel_loop3A_485 = arith.shrsi %parallel_loop3A_482, %parallel_loop3A_484 : vector<16xi32>
        %parallel_loop3A_486 = arith.constant 272 : i32
        %parallel_loop3A_487 = vector.broadcast %parallel_loop3A_486 : i32 to vector<16xi32>
        %parallel_loop3A_488 = arith.addi %parallel_loop3A_485, %parallel_loop3A_487 : vector<16xi32>
        %parallel_loop3A_489 = arith.constant 127 : i32
        %parallel_loop3A_490 = vector.broadcast %parallel_loop3A_489 : i32 to vector<16xi32>
        %parallel_loop3A_491 = arith.andi %parallel_loop3A_482, %parallel_loop3A_490 : vector<16xi32>
        tpu.vector_store_idx %arg9[%parallel_loop3A_488, %parallel_loop3A_491], %broadcast_in_dim3A_3 {add = true} : memref<304x128xf32, #tpu.memory_space<vmem>>[vector<16xi32>, vector<16xi32>], vector<16xf32>,
        %parallel_loop3A_492 = arith.constant 16 : i32
        %parallel_loop3A_493 = arith.muli %parallel_loop3A_126, %parallel_loop3A_492 : i32
        %parallel_loop3A_494 = arith.constant 18 : i32
        %parallel_loop3A_495 = arith.index_cast %parallel_loop3A_494 : i32 to index
        %parallel_loop3A_496 = arith.index_cast %parallel_loop3A_124 : i32 to index
        %parallel_loop3A_497 = arith.index_cast %parallel_loop3A_493 : i32 to index
        %parallel_loop3A_498 = tpu.vector_load %arg5[%parallel_loop3A_495, %parallel_loop3A_496, %parallel_loop3A_497] {strides = array<i32>} : memref<19x8x256xf32, #tpu.memory_space<vmem>>, vector<16xf32>,
        %parallel_loop3A_499 = arith.constant 1.024000e+03 : f32
        %parallel_loop3A_500 = vector.broadcast %parallel_loop3A_499 : f32 to vector<16xf32>
        %parallel_loop3A_501 = arith.mulf %parallel_loop3A_498, %parallel_loop3A_500 : vector<16xf32>
        %parallel_loop3A_502 = arith.fptosi %parallel_loop3A_501 : vector<16xf32> to vector<16xi32>
        %parallel_loop3A_503 = arith.constant 7 : i32
        %parallel_loop3A_504 = vector.broadcast %parallel_loop3A_503 : i32 to vector<16xi32>
        %parallel_loop3A_505 = arith.shrsi %parallel_loop3A_502, %parallel_loop3A_504 : vector<16xi32>
        %parallel_loop3A_506 = arith.constant 288 : i32
        %parallel_loop3A_507 = vector.broadcast %parallel_loop3A_506 : i32 to vector<16xi32>
        %parallel_loop3A_508 = arith.addi %parallel_loop3A_505, %parallel_loop3A_507 : vector<16xi32>
        %parallel_loop3A_509 = arith.constant 127 : i32
        %parallel_loop3A_510 = vector.broadcast %parallel_loop3A_509 : i32 to vector<16xi32>
        %parallel_loop3A_511 = arith.andi %parallel_loop3A_502, %parallel_loop3A_510 : vector<16xi32>
        tpu.vector_store_idx %arg9[%parallel_loop3A_508, %parallel_loop3A_511], %broadcast_in_dim3A_3 {add = true} : memref<304x128xf32, #tpu.memory_space<vmem>>[vector<16xi32>, vector<16xi32>], vector<16xf32>,
        %parallel_loop3A_512 = vector.broadcast %parallel_loop3A_124 : i32 to vector<16xi32>
        %parallel_loop3A_513 = arith.constant 16 : i32
        %parallel_loop3A_514 = arith.muli %parallel_loop3A_126, %parallel_loop3A_513 : i32
        %parallel_loop3A_515 = vector.broadcast %parallel_loop3A_514 : i32 to vector<16xi32>
        %parallel_loop3A_516 = arith.addi %iota3A, %parallel_loop3A_515 : vector<16xi32>
        %parallel_loop3A_517 = tpu.vector_load_idx %arg5[%parallel_loop3A_131, %parallel_loop3A_512, %parallel_loop3A_516] : memref<19x8x256xf32, #tpu.memory_space<vmem>>[vector<16xi32>, vector<16xi32>, vector<16xi32>], vector<16xf32>,
        %parallel_loop3A_518 = arith.constant 1.024000e+03 : f32
        %parallel_loop3A_519 = vector.broadcast %parallel_loop3A_518 : f32 to vector<16xf32>
        %parallel_loop3A_520 = arith.mulf %parallel_loop3A_517, %parallel_loop3A_519 : vector<16xf32>
        %parallel_loop3A_521 = arith.fptosi %parallel_loop3A_520 : vector<16xf32> to vector<16xi32>
        %parallel_loop3A_522 = arith.constant 16 : i32
        %parallel_loop3A_523 = vector.broadcast %parallel_loop3A_522 : i32 to vector<16xi32>
        %parallel_loop3A_524 = arith.muli %parallel_loop3A_131, %parallel_loop3A_523 : vector<16xi32>
        %parallel_loop3A_525 = arith.constant 7 : i32
        %parallel_loop3A_526 = vector.broadcast %parallel_loop3A_525 : i32 to vector<16xi32>
        %parallel_loop3A_527 = arith.shrsi %parallel_loop3A_521, %parallel_loop3A_526 : vector<16xi32>
        %parallel_loop3A_528 = arith.addi %parallel_loop3A_527, %parallel_loop3A_524 : vector<16xi32>
        %parallel_loop3A_529 = arith.constant 127 : i32
        %parallel_loop3A_530 = vector.broadcast %parallel_loop3A_529 : i32 to vector<16xi32>
        %parallel_loop3A_531 = arith.andi %parallel_loop3A_521, %parallel_loop3A_530 : vector<16xi32>
        tpu.vector_store_idx %arg9[%parallel_loop3A_528, %parallel_loop3A_531], %neg3A_5 {add = true} : memref<304x128xf32, #tpu.memory_space<vmem>>[vector<16xi32>, vector<16xi32>], vector<16xf32>,
        %parallel_loop3A_532 = arith.constant 2047 : i32
        %parallel_loop3A_533 = vector.broadcast %parallel_loop3A_532 : i32 to vector<16xi32>
        %parallel_loop3A_534 = arith.xori %parallel_loop3A_521, %parallel_loop3A_533 : vector<16xi32>
        %parallel_loop3A_535 = arith.constant 7 : i32
        %parallel_loop3A_536 = vector.broadcast %parallel_loop3A_535 : i32 to vector<16xi32>
        %parallel_loop3A_537 = arith.shrsi %parallel_loop3A_534, %parallel_loop3A_536 : vector<16xi32>
        %parallel_loop3A_538 = arith.addi %parallel_loop3A_537, %parallel_loop3A_524 : vector<16xi32>
        %parallel_loop3A_539 = arith.constant 127 : i32
        %parallel_loop3A_540 = vector.broadcast %parallel_loop3A_539 : i32 to vector<16xi32>
        %parallel_loop3A_541 = arith.andi %parallel_loop3A_534, %parallel_loop3A_540 : vector<16xi32>
        tpu.vector_store_idx %arg9[%parallel_loop3A_538, %parallel_loop3A_541], %broadcast_in_dim3A_3 {add = true} : memref<304x128xf32, #tpu.memory_space<vmem>>[vector<16xi32>, vector<16xi32>], vector<16xf32>,
      } {sc.loop_unroll_factor = 2 : i64, sc.parallel_access}
      %add3A_82 = arith.constant 2 : i32
      %add3A_83 = arith.addi %add3A_58, %add3A_82 : i32
      %lt3A = arith.constant 16 : i32
      %lt3A_84 = arith.cmpi slt, %add3A_83, %lt3A : i32
      %convert_element_type3A = arith.extui %lt3A_84 : i1 to i32
      %cond3A = arith.constant 0 : i32
      %cond3A_85 = arith.cmpi ne, %convert_element_type3A, %cond3A : i32
      scf.if %cond3A_85 {
        %add3A_122 = arith.constant 2 : i32
        %add3A_123 = arith.addi %add3A_58, %add3A_122 : i32
        %shift_right_arithmetic3A = arith.constant 1 : i32
        %shift_right_arithmetic3A_124 = arith.shrsi %add3A_123, %shift_right_arithmetic3A : i32
        %and3A = arith.constant 1 : i32
        %and3A_125 = arith.andi %add3A_123, %and3A : i32
        %mul3A_126 = arith.constant 8 : i32
        %mul3A_127 = arith.muli %and3A_125, %mul3A_126 : i32
        %add3A_128 = arith.addi %mul3A_7, %mul3A_127 : i32
        %dma_start3A_129 = arith.constant 0 : i32
        %dma_start3A_130 = arith.constant 0 : i32
        %dma_start3A_131 = tpu.memref_slice %arg2[%arg0, %dma_start3A_129, %shift_right_arithmetic3A_124, %add3A_128, %dma_start3A_130] : memref<2x19x8x256x256xf32, #tpu.memory_space<hbm>> -> memref<1x19x1x8x256xf32, #tpu.memory_space<hbm>>
        %dma_start3A_132 = tpu.memref_squeeze %dma_start3A_131 : memref<1x19x1x8x256xf32, #tpu.memory_space<hbm>> -> memref<19x8x256xf32, #tpu.memory_space<hbm>>
        %dma_start3A_133 = arith.constant 0 : i32
        %dma_start3A_134 = arith.constant 0 : i32
        %dma_start3A_135 = tpu.memref_slice %arg2[%arg0, %dma_start3A_133, %shift_right_arithmetic3A_124, %add3A_128, %dma_start3A_134] : memref<2x19x8x256x256xf32, #tpu.memory_space<hbm>> -> memref<1x19x1x8x256xf32, #tpu.memory_space<hbm>>
        %dma_start3A_136 = tpu.memref_squeeze %dma_start3A_135 : memref<1x19x1x8x256xf32, #tpu.memory_space<hbm>> -> memref<19x8x256xf32, #tpu.memory_space<hbm>>
        tpu.enqueue_dma source(%dma_start3A_136 : memref<19x8x256xf32, #tpu.memory_space<hbm>>) target(%arg5 : memref<19x8x256xf32, #tpu.memory_space<vmem>>) target_semaphore(%arg10 : memref<!tpu.dma_semaphore, #tpu.memory_space<semaphore_mem>>)
        %dma_start3A_137 = arith.constant 0 : i32
        %dma_start3A_138 = tpu.memref_slice %arg3[%arg0, %shift_right_arithmetic3A_124, %add3A_128, %dma_start3A_137] : memref<2x8x256x256xi32, #tpu.memory_space<hbm>> -> memref<1x1x8x256xi32, #tpu.memory_space<hbm>>
        %dma_start3A_139 = tpu.memref_squeeze %dma_start3A_138 : memref<1x1x8x256xi32, #tpu.memory_space<hbm>> -> memref<8x256xi32, #tpu.memory_space<hbm>>
        %dma_start3A_140 = arith.constant 0 : i32
        %dma_start3A_141 = tpu.memref_slice %arg3[%arg0, %shift_right_arithmetic3A_124, %add3A_128, %dma_start3A_140] : memref<2x8x256x256xi32, #tpu.memory_space<hbm>> -> memref<1x1x8x256xi32, #tpu.memory_space<hbm>>
        %dma_start3A_142 = tpu.memref_squeeze %dma_start3A_141 : memref<1x1x8x256xi32, #tpu.memory_space<hbm>> -> memref<8x256xi32, #tpu.memory_space<hbm>>
        tpu.enqueue_dma source(%dma_start3A_142 : memref<8x256xi32, #tpu.memory_space<hbm>>) target(%arg7 : memref<8x256xi32, #tpu.memory_space<vmem>>) target_semaphore(%arg10 : memref<!tpu.dma_semaphore, #tpu.memory_space<semaphore_mem>>)
      } else {
      }
      %mul3A_86 = arith.constant 2 : i32
      %mul3A_87 = arith.muli %scan3A_54, %mul3A_86 : i32
      %add3A_88 = arith.constant 1 : i32
      %add3A_89 = arith.addi %mul3A_87, %add3A_88 : i32
      %dma_wait3A_90 = arith.constant 0 : i32
      %dma_wait3A_91 = arith.constant 0 : i32
      %dma_wait3A_92 = arith.constant 0 : i32
      %dma_wait3A_93 = arith.constant 0 : i32
      %dma_wait3A_94 = arith.constant 0 : i32
      %dma_wait3A_95 = tpu.memref_slice %arg2[%dma_wait3A_90, %dma_wait3A_92, %dma_wait3A_91, %dma_wait3A_93, %dma_wait3A_94] : memref<2x19x8x256x256xf32, #tpu.memory_space<hbm>> -> memref<1x19x1x8x256xf32, #tpu.memory_space<hbm>>
      %dma_wait3A_96 = tpu.memref_squeeze %dma_wait3A_95 : memref<1x19x1x8x256xf32, #tpu.memory_space<hbm>> -> memref<19x8x256xf32, #tpu.memory_space<hbm>>
      %dma_wait3A_97 = arith.constant 0 : i32
      %dma_wait3A_98 = arith.constant 0 : i32
      %dma_wait3A_99 = arith.constant 0 : i32
      %dma_wait3A_100 = tpu.memref_slice %arg2[%dma_wait3A_90, %dma_wait3A_97, %dma_wait3A_91, %dma_wait3A_98, %dma_wait3A_99] : memref<2x19x8x256x256xf32, #tpu.memory_space<hbm>> -> memref<1x19x1x8x256xf32, #tpu.memory_space<hbm>>
      %dma_wait3A_101 = tpu.memref_squeeze %dma_wait3A_100 : memref<1x19x1x8x256xf32, #tpu.memory_space<hbm>> -> memref<19x8x256xf32, #tpu.memory_space<hbm>>
      tpu.wait_dma2 semaphore(%arg11 : memref<!tpu.dma_semaphore, #tpu.memory_space<semaphore_mem>>) src(%dma_wait3A_101 : memref<19x8x256xf32, #tpu.memory_space<hbm>>) dst(%arg6 : memref<19x8x256xf32, #tpu.memory_space<vmem>>)
      %dma_wait3A_102 = arith.constant 0 : i32
      %dma_wait3A_103 = arith.constant 0 : i32
      %dma_wait3A_104 = arith.constant 0 : i32
      %dma_wait3A_105 = arith.constant 0 : i32
      %dma_wait3A_106 = tpu.memref_slice %arg3[%dma_wait3A_102, %dma_wait3A_103, %dma_wait3A_104, %dma_wait3A_105] : memref<2x8x256x256xi32, #tpu.memory_space<hbm>> -> memref<1x1x8x256xi32, #tpu.memory_space<hbm>>
      %dma_wait3A_107 = tpu.memref_squeeze %dma_wait3A_106 : memref<1x1x8x256xi32, #tpu.memory_space<hbm>> -> memref<8x256xi32, #tpu.memory_space<hbm>>
      %dma_wait3A_108 = arith.constant 0 : i32
      %dma_wait3A_109 = arith.constant 0 : i32
      %dma_wait3A_110 = tpu.memref_slice %arg3[%dma_wait3A_102, %dma_wait3A_103, %dma_wait3A_108, %dma_wait3A_109] : memref<2x8x256x256xi32, #tpu.memory_space<hbm>> -> memref<1x1x8x256xi32, #tpu.memory_space<hbm>>
      %dma_wait3A_111 = tpu.memref_squeeze %dma_wait3A_110 : memref<1x1x8x256xi32, #tpu.memory_space<hbm>> -> memref<8x256xi32, #tpu.memory_space<hbm>>
      tpu.wait_dma2 semaphore(%arg11 : memref<!tpu.dma_semaphore, #tpu.memory_space<semaphore_mem>>) src(%dma_wait3A_111 : memref<8x256xi32, #tpu.memory_space<hbm>>) dst(%arg8 : memref<8x256xi32, #tpu.memory_space<vmem>>)
      %parallel_loop3A_112 = arith.constant 0 : i32
      %parallel_loop3A_113 = arith.constant 128 : i32
      %parallel_loop3A_114 = arith.constant 1 : i32
      scf.for %parallel_loop3A_122 = %parallel_loop3A_112 to %parallel_loop3A_113 step %parallel_loop3A_114  : i32 {
        %parallel_loop3A_123 = arith.constant 4 : i32
        %parallel_loop3A_124 = arith.shrsi %parallel_loop3A_122, %parallel_loop3A_123 : i32
        %parallel_loop3A_125 = arith.constant 15 : i32
        %parallel_loop3A_126 = arith.andi %parallel_loop3A_122, %parallel_loop3A_125 : i32
        %parallel_loop3A_127 = arith.constant 16 : i32
        %parallel_loop3A_128 = arith.muli %parallel_loop3A_126, %parallel_loop3A_127 : i32
        %parallel_loop3A_129 = arith.index_cast %parallel_loop3A_124 : i32 to index
        %parallel_loop3A_130 = arith.index_cast %parallel_loop3A_128 : i32 to index
        %parallel_loop3A_131 = tpu.vector_load %arg8[%parallel_loop3A_129, %parallel_loop3A_130] {strides = array<i32>} : memref<8x256xi32, #tpu.memory_space<vmem>>, vector<16xi32>,
        %parallel_loop3A_132 = arith.constant 16 : i32
        %parallel_loop3A_133 = arith.muli %parallel_loop3A_126, %parallel_loop3A_132 : i32
        %parallel_loop3A_134 = arith.constant 0 : i32
        %parallel_loop3A_135 = arith.index_cast %parallel_loop3A_134 : i32 to index
        %parallel_loop3A_136 = arith.index_cast %parallel_loop3A_124 : i32 to index
        %parallel_loop3A_137 = arith.index_cast %parallel_loop3A_133 : i32 to index
        %parallel_loop3A_138 = tpu.vector_load %arg6[%parallel_loop3A_135, %parallel_loop3A_136, %parallel_loop3A_137] {strides = array<i32>} : memref<19x8x256xf32, #tpu.memory_space<vmem>>, vector<16xf32>,
        %parallel_loop3A_139 = arith.constant 1.024000e+03 : f32
        %parallel_loop3A_140 = vector.broadcast %parallel_loop3A_139 : f32 to vector<16xf32>
        %parallel_loop3A_141 = arith.mulf %parallel_loop3A_138, %parallel_loop3A_140 : vector<16xf32>
        %parallel_loop3A_142 = arith.fptosi %parallel_loop3A_141 : vector<16xf32> to vector<16xi32>
        %parallel_loop3A_143 = arith.constant 7 : i32
        %parallel_loop3A_144 = vector.broadcast %parallel_loop3A_143 : i32 to vector<16xi32>
        %parallel_loop3A_145 = arith.shrsi %parallel_loop3A_142, %parallel_loop3A_144 : vector<16xi32>
        %parallel_loop3A_146 = arith.constant 0 : i32
        %parallel_loop3A_147 = vector.broadcast %parallel_loop3A_146 : i32 to vector<16xi32>
        %parallel_loop3A_148 = arith.addi %parallel_loop3A_145, %parallel_loop3A_147 : vector<16xi32>
        %parallel_loop3A_149 = arith.constant 127 : i32
        %parallel_loop3A_150 = vector.broadcast %parallel_loop3A_149 : i32 to vector<16xi32>
        %parallel_loop3A_151 = arith.andi %parallel_loop3A_142, %parallel_loop3A_150 : vector<16xi32>
        tpu.vector_store_idx %arg9[%parallel_loop3A_148, %parallel_loop3A_151], %broadcast_in_dim3A_3 {add = true} : memref<304x128xf32, #tpu.memory_space<vmem>>[vector<16xi32>, vector<16xi32>], vector<16xf32>,
        %parallel_loop3A_152 = arith.constant 16 : i32
        %parallel_loop3A_153 = arith.muli %parallel_loop3A_126, %parallel_loop3A_152 : i32
        %parallel_loop3A_154 = arith.constant 1 : i32
        %parallel_loop3A_155 = arith.index_cast %parallel_loop3A_154 : i32 to index
        %parallel_loop3A_156 = arith.index_cast %parallel_loop3A_124 : i32 to index
        %parallel_loop3A_157 = arith.index_cast %parallel_loop3A_153 : i32 to index
        %parallel_loop3A_158 = tpu.vector_load %arg6[%parallel_loop3A_155, %parallel_loop3A_156, %parallel_loop3A_157] {strides = array<i32>} : memref<19x8x256xf32, #tpu.memory_space<vmem>>, vector<16xf32>,
        %parallel_loop3A_159 = arith.constant 1.024000e+03 : f32
        %parallel_loop3A_160 = vector.broadcast %parallel_loop3A_159 : f32 to vector<16xf32>
        %parallel_loop3A_161 = arith.mulf %parallel_loop3A_158, %parallel_loop3A_160 : vector<16xf32>
        %parallel_loop3A_162 = arith.fptosi %parallel_loop3A_161 : vector<16xf32> to vector<16xi32>
        %parallel_loop3A_163 = arith.constant 7 : i32
        %parallel_loop3A_164 = vector.broadcast %parallel_loop3A_163 : i32 to vector<16xi32>
        %parallel_loop3A_165 = arith.shrsi %parallel_loop3A_162, %parallel_loop3A_164 : vector<16xi32>
        %parallel_loop3A_166 = arith.constant 16 : i32
        %parallel_loop3A_167 = vector.broadcast %parallel_loop3A_166 : i32 to vector<16xi32>
        %parallel_loop3A_168 = arith.addi %parallel_loop3A_165, %parallel_loop3A_167 : vector<16xi32>
        %parallel_loop3A_169 = arith.constant 127 : i32
        %parallel_loop3A_170 = vector.broadcast %parallel_loop3A_169 : i32 to vector<16xi32>
        %parallel_loop3A_171 = arith.andi %parallel_loop3A_162, %parallel_loop3A_170 : vector<16xi32>
        tpu.vector_store_idx %arg9[%parallel_loop3A_168, %parallel_loop3A_171], %broadcast_in_dim3A_3 {add = true} : memref<304x128xf32, #tpu.memory_space<vmem>>[vector<16xi32>, vector<16xi32>], vector<16xf32>,
        %parallel_loop3A_172 = arith.constant 16 : i32
        %parallel_loop3A_173 = arith.muli %parallel_loop3A_126, %parallel_loop3A_172 : i32
        %parallel_loop3A_174 = arith.constant 2 : i32
        %parallel_loop3A_175 = arith.index_cast %parallel_loop3A_174 : i32 to index
        %parallel_loop3A_176 = arith.index_cast %parallel_loop3A_124 : i32 to index
        %parallel_loop3A_177 = arith.index_cast %parallel_loop3A_173 : i32 to index
        %parallel_loop3A_178 = tpu.vector_load %arg6[%parallel_loop3A_175, %parallel_loop3A_176, %parallel_loop3A_177] {strides = array<i32>} : memref<19x8x256xf32, #tpu.memory_space<vmem>>, vector<16xf32>,
        %parallel_loop3A_179 = arith.constant 1.024000e+03 : f32
        %parallel_loop3A_180 = vector.broadcast %parallel_loop3A_179 : f32 to vector<16xf32>
        %parallel_loop3A_181 = arith.mulf %parallel_loop3A_178, %parallel_loop3A_180 : vector<16xf32>
        %parallel_loop3A_182 = arith.fptosi %parallel_loop3A_181 : vector<16xf32> to vector<16xi32>
        %parallel_loop3A_183 = arith.constant 7 : i32
        %parallel_loop3A_184 = vector.broadcast %parallel_loop3A_183 : i32 to vector<16xi32>
        %parallel_loop3A_185 = arith.shrsi %parallel_loop3A_182, %parallel_loop3A_184 : vector<16xi32>
        %parallel_loop3A_186 = arith.constant 32 : i32
        %parallel_loop3A_187 = vector.broadcast %parallel_loop3A_186 : i32 to vector<16xi32>
        %parallel_loop3A_188 = arith.addi %parallel_loop3A_185, %parallel_loop3A_187 : vector<16xi32>
        %parallel_loop3A_189 = arith.constant 127 : i32
        %parallel_loop3A_190 = vector.broadcast %parallel_loop3A_189 : i32 to vector<16xi32>
        %parallel_loop3A_191 = arith.andi %parallel_loop3A_182, %parallel_loop3A_190 : vector<16xi32>
        tpu.vector_store_idx %arg9[%parallel_loop3A_188, %parallel_loop3A_191], %broadcast_in_dim3A_3 {add = true} : memref<304x128xf32, #tpu.memory_space<vmem>>[vector<16xi32>, vector<16xi32>], vector<16xf32>,
        %parallel_loop3A_192 = arith.constant 16 : i32
        %parallel_loop3A_193 = arith.muli %parallel_loop3A_126, %parallel_loop3A_192 : i32
        %parallel_loop3A_194 = arith.constant 3 : i32
        %parallel_loop3A_195 = arith.index_cast %parallel_loop3A_194 : i32 to index
        %parallel_loop3A_196 = arith.index_cast %parallel_loop3A_124 : i32 to index
        %parallel_loop3A_197 = arith.index_cast %parallel_loop3A_193 : i32 to index
        %parallel_loop3A_198 = tpu.vector_load %arg6[%parallel_loop3A_195, %parallel_loop3A_196, %parallel_loop3A_197] {strides = array<i32>} : memref<19x8x256xf32, #tpu.memory_space<vmem>>, vector<16xf32>,
        %parallel_loop3A_199 = arith.constant 1.024000e+03 : f32
        %parallel_loop3A_200 = vector.broadcast %parallel_loop3A_199 : f32 to vector<16xf32>
        %parallel_loop3A_201 = arith.mulf %parallel_loop3A_198, %parallel_loop3A_200 : vector<16xf32>
        %parallel_loop3A_202 = arith.fptosi %parallel_loop3A_201 : vector<16xf32> to vector<16xi32>
        %parallel_loop3A_203 = arith.constant 7 : i32
        %parallel_loop3A_204 = vector.broadcast %parallel_loop3A_203 : i32 to vector<16xi32>
        %parallel_loop3A_205 = arith.shrsi %parallel_loop3A_202, %parallel_loop3A_204 : vector<16xi32>
        %parallel_loop3A_206 = arith.constant 48 : i32
        %parallel_loop3A_207 = vector.broadcast %parallel_loop3A_206 : i32 to vector<16xi32>
        %parallel_loop3A_208 = arith.addi %parallel_loop3A_205, %parallel_loop3A_207 : vector<16xi32>
        %parallel_loop3A_209 = arith.constant 127 : i32
        %parallel_loop3A_210 = vector.broadcast %parallel_loop3A_209 : i32 to vector<16xi32>
        %parallel_loop3A_211 = arith.andi %parallel_loop3A_202, %parallel_loop3A_210 : vector<16xi32>
        tpu.vector_store_idx %arg9[%parallel_loop3A_208, %parallel_loop3A_211], %broadcast_in_dim3A_3 {add = true} : memref<304x128xf32, #tpu.memory_space<vmem>>[vector<16xi32>, vector<16xi32>], vector<16xf32>,
        %parallel_loop3A_212 = arith.constant 16 : i32
        %parallel_loop3A_213 = arith.muli %parallel_loop3A_126, %parallel_loop3A_212 : i32
        %parallel_loop3A_214 = arith.constant 4 : i32
        %parallel_loop3A_215 = arith.index_cast %parallel_loop3A_214 : i32 to index
        %parallel_loop3A_216 = arith.index_cast %parallel_loop3A_124 : i32 to index
        %parallel_loop3A_217 = arith.index_cast %parallel_loop3A_213 : i32 to index
        %parallel_loop3A_218 = tpu.vector_load %arg6[%parallel_loop3A_215, %parallel_loop3A_216, %parallel_loop3A_217] {strides = array<i32>} : memref<19x8x256xf32, #tpu.memory_space<vmem>>, vector<16xf32>,
        %parallel_loop3A_219 = arith.constant 1.024000e+03 : f32
        %parallel_loop3A_220 = vector.broadcast %parallel_loop3A_219 : f32 to vector<16xf32>
        %parallel_loop3A_221 = arith.mulf %parallel_loop3A_218, %parallel_loop3A_220 : vector<16xf32>
        %parallel_loop3A_222 = arith.fptosi %parallel_loop3A_221 : vector<16xf32> to vector<16xi32>
        %parallel_loop3A_223 = arith.constant 7 : i32
        %parallel_loop3A_224 = vector.broadcast %parallel_loop3A_223 : i32 to vector<16xi32>
        %parallel_loop3A_225 = arith.shrsi %parallel_loop3A_222, %parallel_loop3A_224 : vector<16xi32>
        %parallel_loop3A_226 = arith.constant 64 : i32
        %parallel_loop3A_227 = vector.broadcast %parallel_loop3A_226 : i32 to vector<16xi32>
        %parallel_loop3A_228 = arith.addi %parallel_loop3A_225, %parallel_loop3A_227 : vector<16xi32>
        %parallel_loop3A_229 = arith.constant 127 : i32
        %parallel_loop3A_230 = vector.broadcast %parallel_loop3A_229 : i32 to vector<16xi32>
        %parallel_loop3A_231 = arith.andi %parallel_loop3A_222, %parallel_loop3A_230 : vector<16xi32>
        tpu.vector_store_idx %arg9[%parallel_loop3A_228, %parallel_loop3A_231], %broadcast_in_dim3A_3 {add = true} : memref<304x128xf32, #tpu.memory_space<vmem>>[vector<16xi32>, vector<16xi32>], vector<16xf32>,
        %parallel_loop3A_232 = arith.constant 16 : i32
        %parallel_loop3A_233 = arith.muli %parallel_loop3A_126, %parallel_loop3A_232 : i32
        %parallel_loop3A_234 = arith.constant 5 : i32
        %parallel_loop3A_235 = arith.index_cast %parallel_loop3A_234 : i32 to index
        %parallel_loop3A_236 = arith.index_cast %parallel_loop3A_124 : i32 to index
        %parallel_loop3A_237 = arith.index_cast %parallel_loop3A_233 : i32 to index
        %parallel_loop3A_238 = tpu.vector_load %arg6[%parallel_loop3A_235, %parallel_loop3A_236, %parallel_loop3A_237] {strides = array<i32>} : memref<19x8x256xf32, #tpu.memory_space<vmem>>, vector<16xf32>,
        %parallel_loop3A_239 = arith.constant 1.024000e+03 : f32
        %parallel_loop3A_240 = vector.broadcast %parallel_loop3A_239 : f32 to vector<16xf32>
        %parallel_loop3A_241 = arith.mulf %parallel_loop3A_238, %parallel_loop3A_240 : vector<16xf32>
        %parallel_loop3A_242 = arith.fptosi %parallel_loop3A_241 : vector<16xf32> to vector<16xi32>
        %parallel_loop3A_243 = arith.constant 7 : i32
        %parallel_loop3A_244 = vector.broadcast %parallel_loop3A_243 : i32 to vector<16xi32>
        %parallel_loop3A_245 = arith.shrsi %parallel_loop3A_242, %parallel_loop3A_244 : vector<16xi32>
        %parallel_loop3A_246 = arith.constant 80 : i32
        %parallel_loop3A_247 = vector.broadcast %parallel_loop3A_246 : i32 to vector<16xi32>
        %parallel_loop3A_248 = arith.addi %parallel_loop3A_245, %parallel_loop3A_247 : vector<16xi32>
        %parallel_loop3A_249 = arith.constant 127 : i32
        %parallel_loop3A_250 = vector.broadcast %parallel_loop3A_249 : i32 to vector<16xi32>
        %parallel_loop3A_251 = arith.andi %parallel_loop3A_242, %parallel_loop3A_250 : vector<16xi32>
        tpu.vector_store_idx %arg9[%parallel_loop3A_248, %parallel_loop3A_251], %broadcast_in_dim3A_3 {add = true} : memref<304x128xf32, #tpu.memory_space<vmem>>[vector<16xi32>, vector<16xi32>], vector<16xf32>,
        %parallel_loop3A_252 = arith.constant 16 : i32
        %parallel_loop3A_253 = arith.muli %parallel_loop3A_126, %parallel_loop3A_252 : i32
        %parallel_loop3A_254 = arith.constant 6 : i32
        %parallel_loop3A_255 = arith.index_cast %parallel_loop3A_254 : i32 to index
        %parallel_loop3A_256 = arith.index_cast %parallel_loop3A_124 : i32 to index
        %parallel_loop3A_257 = arith.index_cast %parallel_loop3A_253 : i32 to index
        %parallel_loop3A_258 = tpu.vector_load %arg6[%parallel_loop3A_255, %parallel_loop3A_256, %parallel_loop3A_257] {strides = array<i32>} : memref<19x8x256xf32, #tpu.memory_space<vmem>>, vector<16xf32>,
        %parallel_loop3A_259 = arith.constant 1.024000e+03 : f32
        %parallel_loop3A_260 = vector.broadcast %parallel_loop3A_259 : f32 to vector<16xf32>
        %parallel_loop3A_261 = arith.mulf %parallel_loop3A_258, %parallel_loop3A_260 : vector<16xf32>
        %parallel_loop3A_262 = arith.fptosi %parallel_loop3A_261 : vector<16xf32> to vector<16xi32>
        %parallel_loop3A_263 = arith.constant 7 : i32
        %parallel_loop3A_264 = vector.broadcast %parallel_loop3A_263 : i32 to vector<16xi32>
        %parallel_loop3A_265 = arith.shrsi %parallel_loop3A_262, %parallel_loop3A_264 : vector<16xi32>
        %parallel_loop3A_266 = arith.constant 96 : i32
        %parallel_loop3A_267 = vector.broadcast %parallel_loop3A_266 : i32 to vector<16xi32>
        %parallel_loop3A_268 = arith.addi %parallel_loop3A_265, %parallel_loop3A_267 : vector<16xi32>
        %parallel_loop3A_269 = arith.constant 127 : i32
        %parallel_loop3A_270 = vector.broadcast %parallel_loop3A_269 : i32 to vector<16xi32>
        %parallel_loop3A_271 = arith.andi %parallel_loop3A_262, %parallel_loop3A_270 : vector<16xi32>
        tpu.vector_store_idx %arg9[%parallel_loop3A_268, %parallel_loop3A_271], %broadcast_in_dim3A_3 {add = true} : memref<304x128xf32, #tpu.memory_space<vmem>>[vector<16xi32>, vector<16xi32>], vector<16xf32>,
        %parallel_loop3A_272 = arith.constant 16 : i32
        %parallel_loop3A_273 = arith.muli %parallel_loop3A_126, %parallel_loop3A_272 : i32
        %parallel_loop3A_274 = arith.constant 7 : i32
        %parallel_loop3A_275 = arith.index_cast %parallel_loop3A_274 : i32 to index
        %parallel_loop3A_276 = arith.index_cast %parallel_loop3A_124 : i32 to index
        %parallel_loop3A_277 = arith.index_cast %parallel_loop3A_273 : i32 to index
        %parallel_loop3A_278 = tpu.vector_load %arg6[%parallel_loop3A_275, %parallel_loop3A_276, %parallel_loop3A_277] {strides = array<i32>} : memref<19x8x256xf32, #tpu.memory_space<vmem>>, vector<16xf32>,
        %parallel_loop3A_279 = arith.constant 1.024000e+03 : f32
        %parallel_loop3A_280 = vector.broadcast %parallel_loop3A_279 : f32 to vector<16xf32>
        %parallel_loop3A_281 = arith.mulf %parallel_loop3A_278, %parallel_loop3A_280 : vector<16xf32>
        %parallel_loop3A_282 = arith.fptosi %parallel_loop3A_281 : vector<16xf32> to vector<16xi32>
        %parallel_loop3A_283 = arith.constant 7 : i32
        %parallel_loop3A_284 = vector.broadcast %parallel_loop3A_283 : i32 to vector<16xi32>
        %parallel_loop3A_285 = arith.shrsi %parallel_loop3A_282, %parallel_loop3A_284 : vector<16xi32>
        %parallel_loop3A_286 = arith.constant 112 : i32
        %parallel_loop3A_287 = vector.broadcast %parallel_loop3A_286 : i32 to vector<16xi32>
        %parallel_loop3A_288 = arith.addi %parallel_loop3A_285, %parallel_loop3A_287 : vector<16xi32>
        %parallel_loop3A_289 = arith.constant 127 : i32
        %parallel_loop3A_290 = vector.broadcast %parallel_loop3A_289 : i32 to vector<16xi32>
        %parallel_loop3A_291 = arith.andi %parallel_loop3A_282, %parallel_loop3A_290 : vector<16xi32>
        tpu.vector_store_idx %arg9[%parallel_loop3A_288, %parallel_loop3A_291], %broadcast_in_dim3A_3 {add = true} : memref<304x128xf32, #tpu.memory_space<vmem>>[vector<16xi32>, vector<16xi32>], vector<16xf32>,
        %parallel_loop3A_292 = arith.constant 16 : i32
        %parallel_loop3A_293 = arith.muli %parallel_loop3A_126, %parallel_loop3A_292 : i32
        %parallel_loop3A_294 = arith.constant 8 : i32
        %parallel_loop3A_295 = arith.index_cast %parallel_loop3A_294 : i32 to index
        %parallel_loop3A_296 = arith.index_cast %parallel_loop3A_124 : i32 to index
        %parallel_loop3A_297 = arith.index_cast %parallel_loop3A_293 : i32 to index
        %parallel_loop3A_298 = tpu.vector_load %arg6[%parallel_loop3A_295, %parallel_loop3A_296, %parallel_loop3A_297] {strides = array<i32>} : memref<19x8x256xf32, #tpu.memory_space<vmem>>, vector<16xf32>,
        %parallel_loop3A_299 = arith.constant 1.024000e+03 : f32
        %parallel_loop3A_300 = vector.broadcast %parallel_loop3A_299 : f32 to vector<16xf32>
        %parallel_loop3A_301 = arith.mulf %parallel_loop3A_298, %parallel_loop3A_300 : vector<16xf32>
        %parallel_loop3A_302 = arith.fptosi %parallel_loop3A_301 : vector<16xf32> to vector<16xi32>
        %parallel_loop3A_303 = arith.constant 7 : i32
        %parallel_loop3A_304 = vector.broadcast %parallel_loop3A_303 : i32 to vector<16xi32>
        %parallel_loop3A_305 = arith.shrsi %parallel_loop3A_302, %parallel_loop3A_304 : vector<16xi32>
        %parallel_loop3A_306 = arith.constant 128 : i32
        %parallel_loop3A_307 = vector.broadcast %parallel_loop3A_306 : i32 to vector<16xi32>
        %parallel_loop3A_308 = arith.addi %parallel_loop3A_305, %parallel_loop3A_307 : vector<16xi32>
        %parallel_loop3A_309 = arith.constant 127 : i32
        %parallel_loop3A_310 = vector.broadcast %parallel_loop3A_309 : i32 to vector<16xi32>
        %parallel_loop3A_311 = arith.andi %parallel_loop3A_302, %parallel_loop3A_310 : vector<16xi32>
        tpu.vector_store_idx %arg9[%parallel_loop3A_308, %parallel_loop3A_311], %broadcast_in_dim3A_3 {add = true} : memref<304x128xf32, #tpu.memory_space<vmem>>[vector<16xi32>, vector<16xi32>], vector<16xf32>,
        %parallel_loop3A_312 = arith.constant 16 : i32
        %parallel_loop3A_313 = arith.muli %parallel_loop3A_126, %parallel_loop3A_312 : i32
        %parallel_loop3A_314 = arith.constant 9 : i32
        %parallel_loop3A_315 = arith.index_cast %parallel_loop3A_314 : i32 to index
        %parallel_loop3A_316 = arith.index_cast %parallel_loop3A_124 : i32 to index
        %parallel_loop3A_317 = arith.index_cast %parallel_loop3A_313 : i32 to index
        %parallel_loop3A_318 = tpu.vector_load %arg6[%parallel_loop3A_315, %parallel_loop3A_316, %parallel_loop3A_317] {strides = array<i32>} : memref<19x8x256xf32, #tpu.memory_space<vmem>>, vector<16xf32>,
        %parallel_loop3A_319 = arith.constant 1.024000e+03 : f32
        %parallel_loop3A_320 = vector.broadcast %parallel_loop3A_319 : f32 to vector<16xf32>
        %parallel_loop3A_321 = arith.mulf %parallel_loop3A_318, %parallel_loop3A_320 : vector<16xf32>
        %parallel_loop3A_322 = arith.fptosi %parallel_loop3A_321 : vector<16xf32> to vector<16xi32>
        %parallel_loop3A_323 = arith.constant 7 : i32
        %parallel_loop3A_324 = vector.broadcast %parallel_loop3A_323 : i32 to vector<16xi32>
        %parallel_loop3A_325 = arith.shrsi %parallel_loop3A_322, %parallel_loop3A_324 : vector<16xi32>
        %parallel_loop3A_326 = arith.constant 144 : i32
        %parallel_loop3A_327 = vector.broadcast %parallel_loop3A_326 : i32 to vector<16xi32>
        %parallel_loop3A_328 = arith.addi %parallel_loop3A_325, %parallel_loop3A_327 : vector<16xi32>
        %parallel_loop3A_329 = arith.constant 127 : i32
        %parallel_loop3A_330 = vector.broadcast %parallel_loop3A_329 : i32 to vector<16xi32>
        %parallel_loop3A_331 = arith.andi %parallel_loop3A_322, %parallel_loop3A_330 : vector<16xi32>
        tpu.vector_store_idx %arg9[%parallel_loop3A_328, %parallel_loop3A_331], %broadcast_in_dim3A_3 {add = true} : memref<304x128xf32, #tpu.memory_space<vmem>>[vector<16xi32>, vector<16xi32>], vector<16xf32>,
        %parallel_loop3A_332 = arith.constant 16 : i32
        %parallel_loop3A_333 = arith.muli %parallel_loop3A_126, %parallel_loop3A_332 : i32
        %parallel_loop3A_334 = arith.constant 10 : i32
        %parallel_loop3A_335 = arith.index_cast %parallel_loop3A_334 : i32 to index
        %parallel_loop3A_336 = arith.index_cast %parallel_loop3A_124 : i32 to index
        %parallel_loop3A_337 = arith.index_cast %parallel_loop3A_333 : i32 to index
        %parallel_loop3A_338 = tpu.vector_load %arg6[%parallel_loop3A_335, %parallel_loop3A_336, %parallel_loop3A_337] {strides = array<i32>} : memref<19x8x256xf32, #tpu.memory_space<vmem>>, vector<16xf32>,
        %parallel_loop3A_339 = arith.constant 1.024000e+03 : f32
        %parallel_loop3A_340 = vector.broadcast %parallel_loop3A_339 : f32 to vector<16xf32>
        %parallel_loop3A_341 = arith.mulf %parallel_loop3A_338, %parallel_loop3A_340 : vector<16xf32>
        %parallel_loop3A_342 = arith.fptosi %parallel_loop3A_341 : vector<16xf32> to vector<16xi32>
        %parallel_loop3A_343 = arith.constant 7 : i32
        %parallel_loop3A_344 = vector.broadcast %parallel_loop3A_343 : i32 to vector<16xi32>
        %parallel_loop3A_345 = arith.shrsi %parallel_loop3A_342, %parallel_loop3A_344 : vector<16xi32>
        %parallel_loop3A_346 = arith.constant 160 : i32
        %parallel_loop3A_347 = vector.broadcast %parallel_loop3A_346 : i32 to vector<16xi32>
        %parallel_loop3A_348 = arith.addi %parallel_loop3A_345, %parallel_loop3A_347 : vector<16xi32>
        %parallel_loop3A_349 = arith.constant 127 : i32
        %parallel_loop3A_350 = vector.broadcast %parallel_loop3A_349 : i32 to vector<16xi32>
        %parallel_loop3A_351 = arith.andi %parallel_loop3A_342, %parallel_loop3A_350 : vector<16xi32>
        tpu.vector_store_idx %arg9[%parallel_loop3A_348, %parallel_loop3A_351], %broadcast_in_dim3A_3 {add = true} : memref<304x128xf32, #tpu.memory_space<vmem>>[vector<16xi32>, vector<16xi32>], vector<16xf32>,
        %parallel_loop3A_352 = arith.constant 16 : i32
        %parallel_loop3A_353 = arith.muli %parallel_loop3A_126, %parallel_loop3A_352 : i32
        %parallel_loop3A_354 = arith.constant 11 : i32
        %parallel_loop3A_355 = arith.index_cast %parallel_loop3A_354 : i32 to index
        %parallel_loop3A_356 = arith.index_cast %parallel_loop3A_124 : i32 to index
        %parallel_loop3A_357 = arith.index_cast %parallel_loop3A_353 : i32 to index
        %parallel_loop3A_358 = tpu.vector_load %arg6[%parallel_loop3A_355, %parallel_loop3A_356, %parallel_loop3A_357] {strides = array<i32>} : memref<19x8x256xf32, #tpu.memory_space<vmem>>, vector<16xf32>,
        %parallel_loop3A_359 = arith.constant 1.024000e+03 : f32
        %parallel_loop3A_360 = vector.broadcast %parallel_loop3A_359 : f32 to vector<16xf32>
        %parallel_loop3A_361 = arith.mulf %parallel_loop3A_358, %parallel_loop3A_360 : vector<16xf32>
        %parallel_loop3A_362 = arith.fptosi %parallel_loop3A_361 : vector<16xf32> to vector<16xi32>
        %parallel_loop3A_363 = arith.constant 7 : i32
        %parallel_loop3A_364 = vector.broadcast %parallel_loop3A_363 : i32 to vector<16xi32>
        %parallel_loop3A_365 = arith.shrsi %parallel_loop3A_362, %parallel_loop3A_364 : vector<16xi32>
        %parallel_loop3A_366 = arith.constant 176 : i32
        %parallel_loop3A_367 = vector.broadcast %parallel_loop3A_366 : i32 to vector<16xi32>
        %parallel_loop3A_368 = arith.addi %parallel_loop3A_365, %parallel_loop3A_367 : vector<16xi32>
        %parallel_loop3A_369 = arith.constant 127 : i32
        %parallel_loop3A_370 = vector.broadcast %parallel_loop3A_369 : i32 to vector<16xi32>
        %parallel_loop3A_371 = arith.andi %parallel_loop3A_362, %parallel_loop3A_370 : vector<16xi32>
        tpu.vector_store_idx %arg9[%parallel_loop3A_368, %parallel_loop3A_371], %broadcast_in_dim3A_3 {add = true} : memref<304x128xf32, #tpu.memory_space<vmem>>[vector<16xi32>, vector<16xi32>], vector<16xf32>,
        %parallel_loop3A_372 = arith.constant 16 : i32
        %parallel_loop3A_373 = arith.muli %parallel_loop3A_126, %parallel_loop3A_372 : i32
        %parallel_loop3A_374 = arith.constant 12 : i32
        %parallel_loop3A_375 = arith.index_cast %parallel_loop3A_374 : i32 to index
        %parallel_loop3A_376 = arith.index_cast %parallel_loop3A_124 : i32 to index
        %parallel_loop3A_377 = arith.index_cast %parallel_loop3A_373 : i32 to index
        %parallel_loop3A_378 = tpu.vector_load %arg6[%parallel_loop3A_375, %parallel_loop3A_376, %parallel_loop3A_377] {strides = array<i32>} : memref<19x8x256xf32, #tpu.memory_space<vmem>>, vector<16xf32>,
        %parallel_loop3A_379 = arith.constant 1.024000e+03 : f32
        %parallel_loop3A_380 = vector.broadcast %parallel_loop3A_379 : f32 to vector<16xf32>
        %parallel_loop3A_381 = arith.mulf %parallel_loop3A_378, %parallel_loop3A_380 : vector<16xf32>
        %parallel_loop3A_382 = arith.fptosi %parallel_loop3A_381 : vector<16xf32> to vector<16xi32>
        %parallel_loop3A_383 = arith.constant 7 : i32
        %parallel_loop3A_384 = vector.broadcast %parallel_loop3A_383 : i32 to vector<16xi32>
        %parallel_loop3A_385 = arith.shrsi %parallel_loop3A_382, %parallel_loop3A_384 : vector<16xi32>
        %parallel_loop3A_386 = arith.constant 192 : i32
        %parallel_loop3A_387 = vector.broadcast %parallel_loop3A_386 : i32 to vector<16xi32>
        %parallel_loop3A_388 = arith.addi %parallel_loop3A_385, %parallel_loop3A_387 : vector<16xi32>
        %parallel_loop3A_389 = arith.constant 127 : i32
        %parallel_loop3A_390 = vector.broadcast %parallel_loop3A_389 : i32 to vector<16xi32>
        %parallel_loop3A_391 = arith.andi %parallel_loop3A_382, %parallel_loop3A_390 : vector<16xi32>
        tpu.vector_store_idx %arg9[%parallel_loop3A_388, %parallel_loop3A_391], %broadcast_in_dim3A_3 {add = true} : memref<304x128xf32, #tpu.memory_space<vmem>>[vector<16xi32>, vector<16xi32>], vector<16xf32>,
        %parallel_loop3A_392 = arith.constant 16 : i32
        %parallel_loop3A_393 = arith.muli %parallel_loop3A_126, %parallel_loop3A_392 : i32
        %parallel_loop3A_394 = arith.constant 13 : i32
        %parallel_loop3A_395 = arith.index_cast %parallel_loop3A_394 : i32 to index
        %parallel_loop3A_396 = arith.index_cast %parallel_loop3A_124 : i32 to index
        %parallel_loop3A_397 = arith.index_cast %parallel_loop3A_393 : i32 to index
        %parallel_loop3A_398 = tpu.vector_load %arg6[%parallel_loop3A_395, %parallel_loop3A_396, %parallel_loop3A_397] {strides = array<i32>} : memref<19x8x256xf32, #tpu.memory_space<vmem>>, vector<16xf32>,
        %parallel_loop3A_399 = arith.constant 1.024000e+03 : f32
        %parallel_loop3A_400 = vector.broadcast %parallel_loop3A_399 : f32 to vector<16xf32>
        %parallel_loop3A_401 = arith.mulf %parallel_loop3A_398, %parallel_loop3A_400 : vector<16xf32>
        %parallel_loop3A_402 = arith.fptosi %parallel_loop3A_401 : vector<16xf32> to vector<16xi32>
        %parallel_loop3A_403 = arith.constant 7 : i32
        %parallel_loop3A_404 = vector.broadcast %parallel_loop3A_403 : i32 to vector<16xi32>
        %parallel_loop3A_405 = arith.shrsi %parallel_loop3A_402, %parallel_loop3A_404 : vector<16xi32>
        %parallel_loop3A_406 = arith.constant 208 : i32
        %parallel_loop3A_407 = vector.broadcast %parallel_loop3A_406 : i32 to vector<16xi32>
        %parallel_loop3A_408 = arith.addi %parallel_loop3A_405, %parallel_loop3A_407 : vector<16xi32>
        %parallel_loop3A_409 = arith.constant 127 : i32
        %parallel_loop3A_410 = vector.broadcast %parallel_loop3A_409 : i32 to vector<16xi32>
        %parallel_loop3A_411 = arith.andi %parallel_loop3A_402, %parallel_loop3A_410 : vector<16xi32>
        tpu.vector_store_idx %arg9[%parallel_loop3A_408, %parallel_loop3A_411], %broadcast_in_dim3A_3 {add = true} : memref<304x128xf32, #tpu.memory_space<vmem>>[vector<16xi32>, vector<16xi32>], vector<16xf32>,
        %parallel_loop3A_412 = arith.constant 16 : i32
        %parallel_loop3A_413 = arith.muli %parallel_loop3A_126, %parallel_loop3A_412 : i32
        %parallel_loop3A_414 = arith.constant 14 : i32
        %parallel_loop3A_415 = arith.index_cast %parallel_loop3A_414 : i32 to index
        %parallel_loop3A_416 = arith.index_cast %parallel_loop3A_124 : i32 to index
        %parallel_loop3A_417 = arith.index_cast %parallel_loop3A_413 : i32 to index
        %parallel_loop3A_418 = tpu.vector_load %arg6[%parallel_loop3A_415, %parallel_loop3A_416, %parallel_loop3A_417] {strides = array<i32>} : memref<19x8x256xf32, #tpu.memory_space<vmem>>, vector<16xf32>,
        %parallel_loop3A_419 = arith.constant 1.024000e+03 : f32
        %parallel_loop3A_420 = vector.broadcast %parallel_loop3A_419 : f32 to vector<16xf32>
        %parallel_loop3A_421 = arith.mulf %parallel_loop3A_418, %parallel_loop3A_420 : vector<16xf32>
        %parallel_loop3A_422 = arith.fptosi %parallel_loop3A_421 : vector<16xf32> to vector<16xi32>
        %parallel_loop3A_423 = arith.constant 7 : i32
        %parallel_loop3A_424 = vector.broadcast %parallel_loop3A_423 : i32 to vector<16xi32>
        %parallel_loop3A_425 = arith.shrsi %parallel_loop3A_422, %parallel_loop3A_424 : vector<16xi32>
        %parallel_loop3A_426 = arith.constant 224 : i32
        %parallel_loop3A_427 = vector.broadcast %parallel_loop3A_426 : i32 to vector<16xi32>
        %parallel_loop3A_428 = arith.addi %parallel_loop3A_425, %parallel_loop3A_427 : vector<16xi32>
        %parallel_loop3A_429 = arith.constant 127 : i32
        %parallel_loop3A_430 = vector.broadcast %parallel_loop3A_429 : i32 to vector<16xi32>
        %parallel_loop3A_431 = arith.andi %parallel_loop3A_422, %parallel_loop3A_430 : vector<16xi32>
        tpu.vector_store_idx %arg9[%parallel_loop3A_428, %parallel_loop3A_431], %broadcast_in_dim3A_3 {add = true} : memref<304x128xf32, #tpu.memory_space<vmem>>[vector<16xi32>, vector<16xi32>], vector<16xf32>,
        %parallel_loop3A_432 = arith.constant 16 : i32
        %parallel_loop3A_433 = arith.muli %parallel_loop3A_126, %parallel_loop3A_432 : i32
        %parallel_loop3A_434 = arith.constant 15 : i32
        %parallel_loop3A_435 = arith.index_cast %parallel_loop3A_434 : i32 to index
        %parallel_loop3A_436 = arith.index_cast %parallel_loop3A_124 : i32 to index
        %parallel_loop3A_437 = arith.index_cast %parallel_loop3A_433 : i32 to index
        %parallel_loop3A_438 = tpu.vector_load %arg6[%parallel_loop3A_435, %parallel_loop3A_436, %parallel_loop3A_437] {strides = array<i32>} : memref<19x8x256xf32, #tpu.memory_space<vmem>>, vector<16xf32>,
        %parallel_loop3A_439 = arith.constant 1.024000e+03 : f32
        %parallel_loop3A_440 = vector.broadcast %parallel_loop3A_439 : f32 to vector<16xf32>
        %parallel_loop3A_441 = arith.mulf %parallel_loop3A_438, %parallel_loop3A_440 : vector<16xf32>
        %parallel_loop3A_442 = arith.fptosi %parallel_loop3A_441 : vector<16xf32> to vector<16xi32>
        %parallel_loop3A_443 = arith.constant 7 : i32
        %parallel_loop3A_444 = vector.broadcast %parallel_loop3A_443 : i32 to vector<16xi32>
        %parallel_loop3A_445 = arith.shrsi %parallel_loop3A_442, %parallel_loop3A_444 : vector<16xi32>
        %parallel_loop3A_446 = arith.constant 240 : i32
        %parallel_loop3A_447 = vector.broadcast %parallel_loop3A_446 : i32 to vector<16xi32>
        %parallel_loop3A_448 = arith.addi %parallel_loop3A_445, %parallel_loop3A_447 : vector<16xi32>
        %parallel_loop3A_449 = arith.constant 127 : i32
        %parallel_loop3A_450 = vector.broadcast %parallel_loop3A_449 : i32 to vector<16xi32>
        %parallel_loop3A_451 = arith.andi %parallel_loop3A_442, %parallel_loop3A_450 : vector<16xi32>
        tpu.vector_store_idx %arg9[%parallel_loop3A_448, %parallel_loop3A_451], %broadcast_in_dim3A_3 {add = true} : memref<304x128xf32, #tpu.memory_space<vmem>>[vector<16xi32>, vector<16xi32>], vector<16xf32>,
        %parallel_loop3A_452 = arith.constant 16 : i32
        %parallel_loop3A_453 = arith.muli %parallel_loop3A_126, %parallel_loop3A_452 : i32
        %parallel_loop3A_454 = arith.constant 16 : i32
        %parallel_loop3A_455 = arith.index_cast %parallel_loop3A_454 : i32 to index
        %parallel_loop3A_456 = arith.index_cast %parallel_loop3A_124 : i32 to index
        %parallel_loop3A_457 = arith.index_cast %parallel_loop3A_453 : i32 to index
        %parallel_loop3A_458 = tpu.vector_load %arg6[%parallel_loop3A_455, %parallel_loop3A_456, %parallel_loop3A_457] {strides = array<i32>} : memref<19x8x256xf32, #tpu.memory_space<vmem>>, vector<16xf32>,
        %parallel_loop3A_459 = arith.constant 1.024000e+03 : f32
        %parallel_loop3A_460 = vector.broadcast %parallel_loop3A_459 : f32 to vector<16xf32>
        %parallel_loop3A_461 = arith.mulf %parallel_loop3A_458, %parallel_loop3A_460 : vector<16xf32>
        %parallel_loop3A_462 = arith.fptosi %parallel_loop3A_461 : vector<16xf32> to vector<16xi32>
        %parallel_loop3A_463 = arith.constant 7 : i32
        %parallel_loop3A_464 = vector.broadcast %parallel_loop3A_463 : i32 to vector<16xi32>
        %parallel_loop3A_465 = arith.shrsi %parallel_loop3A_462, %parallel_loop3A_464 : vector<16xi32>
        %parallel_loop3A_466 = arith.constant 256 : i32
        %parallel_loop3A_467 = vector.broadcast %parallel_loop3A_466 : i32 to vector<16xi32>
        %parallel_loop3A_468 = arith.addi %parallel_loop3A_465, %parallel_loop3A_467 : vector<16xi32>
        %parallel_loop3A_469 = arith.constant 127 : i32
        %parallel_loop3A_470 = vector.broadcast %parallel_loop3A_469 : i32 to vector<16xi32>
        %parallel_loop3A_471 = arith.andi %parallel_loop3A_462, %parallel_loop3A_470 : vector<16xi32>
        tpu.vector_store_idx %arg9[%parallel_loop3A_468, %parallel_loop3A_471], %broadcast_in_dim3A_3 {add = true} : memref<304x128xf32, #tpu.memory_space<vmem>>[vector<16xi32>, vector<16xi32>], vector<16xf32>,
        %parallel_loop3A_472 = arith.constant 16 : i32
        %parallel_loop3A_473 = arith.muli %parallel_loop3A_126, %parallel_loop3A_472 : i32
        %parallel_loop3A_474 = arith.constant 17 : i32
        %parallel_loop3A_475 = arith.index_cast %parallel_loop3A_474 : i32 to index
        %parallel_loop3A_476 = arith.index_cast %parallel_loop3A_124 : i32 to index
        %parallel_loop3A_477 = arith.index_cast %parallel_loop3A_473 : i32 to index
        %parallel_loop3A_478 = tpu.vector_load %arg6[%parallel_loop3A_475, %parallel_loop3A_476, %parallel_loop3A_477] {strides = array<i32>} : memref<19x8x256xf32, #tpu.memory_space<vmem>>, vector<16xf32>,
        %parallel_loop3A_479 = arith.constant 1.024000e+03 : f32
        %parallel_loop3A_480 = vector.broadcast %parallel_loop3A_479 : f32 to vector<16xf32>
        %parallel_loop3A_481 = arith.mulf %parallel_loop3A_478, %parallel_loop3A_480 : vector<16xf32>
        %parallel_loop3A_482 = arith.fptosi %parallel_loop3A_481 : vector<16xf32> to vector<16xi32>
        %parallel_loop3A_483 = arith.constant 7 : i32
        %parallel_loop3A_484 = vector.broadcast %parallel_loop3A_483 : i32 to vector<16xi32>
        %parallel_loop3A_485 = arith.shrsi %parallel_loop3A_482, %parallel_loop3A_484 : vector<16xi32>
        %parallel_loop3A_486 = arith.constant 272 : i32
        %parallel_loop3A_487 = vector.broadcast %parallel_loop3A_486 : i32 to vector<16xi32>
        %parallel_loop3A_488 = arith.addi %parallel_loop3A_485, %parallel_loop3A_487 : vector<16xi32>
        %parallel_loop3A_489 = arith.constant 127 : i32
        %parallel_loop3A_490 = vector.broadcast %parallel_loop3A_489 : i32 to vector<16xi32>
        %parallel_loop3A_491 = arith.andi %parallel_loop3A_482, %parallel_loop3A_490 : vector<16xi32>
        tpu.vector_store_idx %arg9[%parallel_loop3A_488, %parallel_loop3A_491], %broadcast_in_dim3A_3 {add = true} : memref<304x128xf32, #tpu.memory_space<vmem>>[vector<16xi32>, vector<16xi32>], vector<16xf32>,
        %parallel_loop3A_492 = arith.constant 16 : i32
        %parallel_loop3A_493 = arith.muli %parallel_loop3A_126, %parallel_loop3A_492 : i32
        %parallel_loop3A_494 = arith.constant 18 : i32
        %parallel_loop3A_495 = arith.index_cast %parallel_loop3A_494 : i32 to index
        %parallel_loop3A_496 = arith.index_cast %parallel_loop3A_124 : i32 to index
        %parallel_loop3A_497 = arith.index_cast %parallel_loop3A_493 : i32 to index
        %parallel_loop3A_498 = tpu.vector_load %arg6[%parallel_loop3A_495, %parallel_loop3A_496, %parallel_loop3A_497] {strides = array<i32>} : memref<19x8x256xf32, #tpu.memory_space<vmem>>, vector<16xf32>,
        %parallel_loop3A_499 = arith.constant 1.024000e+03 : f32
        %parallel_loop3A_500 = vector.broadcast %parallel_loop3A_499 : f32 to vector<16xf32>
        %parallel_loop3A_501 = arith.mulf %parallel_loop3A_498, %parallel_loop3A_500 : vector<16xf32>
        %parallel_loop3A_502 = arith.fptosi %parallel_loop3A_501 : vector<16xf32> to vector<16xi32>
        %parallel_loop3A_503 = arith.constant 7 : i32
        %parallel_loop3A_504 = vector.broadcast %parallel_loop3A_503 : i32 to vector<16xi32>
        %parallel_loop3A_505 = arith.shrsi %parallel_loop3A_502, %parallel_loop3A_504 : vector<16xi32>
        %parallel_loop3A_506 = arith.constant 288 : i32
        %parallel_loop3A_507 = vector.broadcast %parallel_loop3A_506 : i32 to vector<16xi32>
        %parallel_loop3A_508 = arith.addi %parallel_loop3A_505, %parallel_loop3A_507 : vector<16xi32>
        %parallel_loop3A_509 = arith.constant 127 : i32
        %parallel_loop3A_510 = vector.broadcast %parallel_loop3A_509 : i32 to vector<16xi32>
        %parallel_loop3A_511 = arith.andi %parallel_loop3A_502, %parallel_loop3A_510 : vector<16xi32>
        tpu.vector_store_idx %arg9[%parallel_loop3A_508, %parallel_loop3A_511], %broadcast_in_dim3A_3 {add = true} : memref<304x128xf32, #tpu.memory_space<vmem>>[vector<16xi32>, vector<16xi32>], vector<16xf32>,
        %parallel_loop3A_512 = vector.broadcast %parallel_loop3A_124 : i32 to vector<16xi32>
        %parallel_loop3A_513 = arith.constant 16 : i32
        %parallel_loop3A_514 = arith.muli %parallel_loop3A_126, %parallel_loop3A_513 : i32
        %parallel_loop3A_515 = vector.broadcast %parallel_loop3A_514 : i32 to vector<16xi32>
        %parallel_loop3A_516 = arith.addi %iota3A, %parallel_loop3A_515 : vector<16xi32>
        %parallel_loop3A_517 = tpu.vector_load_idx %arg6[%parallel_loop3A_131, %parallel_loop3A_512, %parallel_loop3A_516] : memref<19x8x256xf32, #tpu.memory_space<vmem>>[vector<16xi32>, vector<16xi32>, vector<16xi32>], vector<16xf32>,
        %parallel_loop3A_518 = arith.constant 1.024000e+03 : f32
        %parallel_loop3A_519 = vector.broadcast %parallel_loop3A_518 : f32 to vector<16xf32>
        %parallel_loop3A_520 = arith.mulf %parallel_loop3A_517, %parallel_loop3A_519 : vector<16xf32>
        %parallel_loop3A_521 = arith.fptosi %parallel_loop3A_520 : vector<16xf32> to vector<16xi32>
        %parallel_loop3A_522 = arith.constant 16 : i32
        %parallel_loop3A_523 = vector.broadcast %parallel_loop3A_522 : i32 to vector<16xi32>
        %parallel_loop3A_524 = arith.muli %parallel_loop3A_131, %parallel_loop3A_523 : vector<16xi32>
        %parallel_loop3A_525 = arith.constant 7 : i32
        %parallel_loop3A_526 = vector.broadcast %parallel_loop3A_525 : i32 to vector<16xi32>
        %parallel_loop3A_527 = arith.shrsi %parallel_loop3A_521, %parallel_loop3A_526 : vector<16xi32>
        %parallel_loop3A_528 = arith.addi %parallel_loop3A_527, %parallel_loop3A_524 : vector<16xi32>
        %parallel_loop3A_529 = arith.constant 127 : i32
        %parallel_loop3A_530 = vector.broadcast %parallel_loop3A_529 : i32 to vector<16xi32>
        %parallel_loop3A_531 = arith.andi %parallel_loop3A_521, %parallel_loop3A_530 : vector<16xi32>
        tpu.vector_store_idx %arg9[%parallel_loop3A_528, %parallel_loop3A_531], %neg3A_5 {add = true} : memref<304x128xf32, #tpu.memory_space<vmem>>[vector<16xi32>, vector<16xi32>], vector<16xf32>,
        %parallel_loop3A_532 = arith.constant 2047 : i32
        %parallel_loop3A_533 = vector.broadcast %parallel_loop3A_532 : i32 to vector<16xi32>
        %parallel_loop3A_534 = arith.xori %parallel_loop3A_521, %parallel_loop3A_533 : vector<16xi32>
        %parallel_loop3A_535 = arith.constant 7 : i32
        %parallel_loop3A_536 = vector.broadcast %parallel_loop3A_535 : i32 to vector<16xi32>
        %parallel_loop3A_537 = arith.shrsi %parallel_loop3A_534, %parallel_loop3A_536 : vector<16xi32>
        %parallel_loop3A_538 = arith.addi %parallel_loop3A_537, %parallel_loop3A_524 : vector<16xi32>
        %parallel_loop3A_539 = arith.constant 127 : i32
        %parallel_loop3A_540 = vector.broadcast %parallel_loop3A_539 : i32 to vector<16xi32>
        %parallel_loop3A_541 = arith.andi %parallel_loop3A_534, %parallel_loop3A_540 : vector<16xi32>
        tpu.vector_store_idx %arg9[%parallel_loop3A_538, %parallel_loop3A_541], %broadcast_in_dim3A_3 {add = true} : memref<304x128xf32, #tpu.memory_space<vmem>>[vector<16xi32>, vector<16xi32>], vector<16xf32>,
      } {sc.loop_unroll_factor = 2 : i64, sc.parallel_access}
      %add3A_115 = arith.constant 2 : i32
      %add3A_116 = arith.addi %add3A_89, %add3A_115 : i32
      %lt3A_117 = arith.constant 16 : i32
      %lt3A_118 = arith.cmpi slt, %add3A_116, %lt3A_117 : i32
      %convert_element_type3A_119 = arith.extui %lt3A_118 : i1 to i32
      %cond3A_120 = arith.constant 0 : i32
      %cond3A_121 = arith.cmpi ne, %convert_element_type3A_119, %cond3A_120 : i32
      scf.if %cond3A_121 {
        %add3A_122 = arith.constant 2 : i32
        %add3A_123 = arith.addi %add3A_89, %add3A_122 : i32
        %shift_right_arithmetic3A = arith.constant 1 : i32
        %shift_right_arithmetic3A_124 = arith.shrsi %add3A_123, %shift_right_arithmetic3A : i32
        %and3A = arith.constant 1 : i32
        %and3A_125 = arith.andi %add3A_123, %and3A : i32
        %mul3A_126 = arith.constant 8 : i32
        %mul3A_127 = arith.muli %and3A_125, %mul3A_126 : i32
        %add3A_128 = arith.addi %mul3A_7, %mul3A_127 : i32
        %dma_start3A_129 = arith.constant 0 : i32
        %dma_start3A_130 = arith.constant 0 : i32
        %dma_start3A_131 = tpu.memref_slice %arg2[%arg0, %dma_start3A_129, %shift_right_arithmetic3A_124, %add3A_128, %dma_start3A_130] : memref<2x19x8x256x256xf32, #tpu.memory_space<hbm>> -> memref<1x19x1x8x256xf32, #tpu.memory_space<hbm>>
        %dma_start3A_132 = tpu.memref_squeeze %dma_start3A_131 : memref<1x19x1x8x256xf32, #tpu.memory_space<hbm>> -> memref<19x8x256xf32, #tpu.memory_space<hbm>>
        %dma_start3A_133 = arith.constant 0 : i32
        %dma_start3A_134 = arith.constant 0 : i32
        %dma_start3A_135 = tpu.memref_slice %arg2[%arg0, %dma_start3A_133, %shift_right_arithmetic3A_124, %add3A_128, %dma_start3A_134] : memref<2x19x8x256x256xf32, #tpu.memory_space<hbm>> -> memref<1x19x1x8x256xf32, #tpu.memory_space<hbm>>
        %dma_start3A_136 = tpu.memref_squeeze %dma_start3A_135 : memref<1x19x1x8x256xf32, #tpu.memory_space<hbm>> -> memref<19x8x256xf32, #tpu.memory_space<hbm>>
        tpu.enqueue_dma source(%dma_start3A_136 : memref<19x8x256xf32, #tpu.memory_space<hbm>>) target(%arg6 : memref<19x8x256xf32, #tpu.memory_space<vmem>>) target_semaphore(%arg11 : memref<!tpu.dma_semaphore, #tpu.memory_space<semaphore_mem>>)
        %dma_start3A_137 = arith.constant 0 : i32
        %dma_start3A_138 = tpu.memref_slice %arg3[%arg0, %shift_right_arithmetic3A_124, %add3A_128, %dma_start3A_137] : memref<2x8x256x256xi32, #tpu.memory_space<hbm>> -> memref<1x1x8x256xi32, #tpu.memory_space<hbm>>
        %dma_start3A_139 = tpu.memref_squeeze %dma_start3A_138 : memref<1x1x8x256xi32, #tpu.memory_space<hbm>> -> memref<8x256xi32, #tpu.memory_space<hbm>>
        %dma_start3A_140 = arith.constant 0 : i32
        %dma_start3A_141 = tpu.memref_slice %arg3[%arg0, %shift_right_arithmetic3A_124, %add3A_128, %dma_start3A_140] : memref<2x8x256x256xi32, #tpu.memory_space<hbm>> -> memref<1x1x8x256xi32, #tpu.memory_space<hbm>>
        %dma_start3A_142 = tpu.memref_squeeze %dma_start3A_141 : memref<1x1x8x256xi32, #tpu.memory_space<hbm>> -> memref<8x256xi32, #tpu.memory_space<hbm>>
        tpu.enqueue_dma source(%dma_start3A_142 : memref<8x256xi32, #tpu.memory_space<hbm>>) target(%arg8 : memref<8x256xi32, #tpu.memory_space<vmem>>) target_semaphore(%arg11 : memref<!tpu.dma_semaphore, #tpu.memory_space<semaphore_mem>>)
      } else {
      }
    }
    %scan3A_53 = arith.constant 8 : i32
    "tpu.region"() ({
      %run_scoped3A = tpu.sem_alloc : memref<!tpu.dma_semaphore, #tpu.memory_space<semaphore_mem>>
      %dma_start3A_54 = arith.constant 0 : i32
      %dma_start3A_55 = arith.constant 0 : i32
      %dma_start3A_56 = tpu.memref_slice %arg4[%add3A, %dma_start3A_54, %dma_start3A_55] : memref<32x304x128xf32, #tpu.memory_space<hbm>> -> memref<1x304x128xf32, #tpu.memory_space<hbm>>
      %dma_start3A_57 = tpu.memref_squeeze %dma_start3A_56 : memref<1x304x128xf32, #tpu.memory_space<hbm>> -> memref<304x128xf32, #tpu.memory_space<hbm>>
      %dma_start3A_58 = arith.constant 0 : i32
      %dma_start3A_59 = arith.constant 0 : i32
      %dma_start3A_60 = tpu.memref_slice %arg4[%add3A, %dma_start3A_58, %dma_start3A_59] : memref<32x304x128xf32, #tpu.memory_space<hbm>> -> memref<1x304x128xf32, #tpu.memory_space<hbm>>
      %dma_start3A_61 = tpu.memref_squeeze %dma_start3A_60 : memref<1x304x128xf32, #tpu.memory_space<hbm>> -> memref<304x128xf32, #tpu.memory_space<hbm>>
      tpu.enqueue_dma source(%arg9 : memref<304x128xf32, #tpu.memory_space<vmem>>) target(%dma_start3A_61 : memref<304x128xf32, #tpu.memory_space<hbm>>) target_semaphore(%run_scoped3A : memref<!tpu.dma_semaphore, #tpu.memory_space<semaphore_mem>>)
      %dma_wait3A = arith.constant 0 : i32
      %dma_wait3A_62 = arith.constant 0 : i32
      %dma_wait3A_63 = tpu.memref_slice %arg4[%add3A, %dma_wait3A, %dma_wait3A_62] : memref<32x304x128xf32, #tpu.memory_space<hbm>> -> memref<1x304x128xf32, #tpu.memory_space<hbm>>
      %dma_wait3A_64 = tpu.memref_squeeze %dma_wait3A_63 : memref<1x304x128xf32, #tpu.memory_space<hbm>> -> memref<304x128xf32, #tpu.memory_space<hbm>>
      %dma_wait3A_65 = arith.constant 0 : i32
      %dma_wait3A_66 = arith.constant 0 : i32
      %dma_wait3A_67 = tpu.memref_slice %arg4[%add3A, %dma_wait3A_65, %dma_wait3A_66] : memref<32x304x128xf32, #tpu.memory_space<hbm>> -> memref<1x304x128xf32, #tpu.memory_space<hbm>>
      %dma_wait3A_68 = tpu.memref_squeeze %dma_wait3A_67 : memref<1x304x128xf32, #tpu.memory_space<hbm>> -> memref<304x128xf32, #tpu.memory_space<hbm>>
      tpu.wait_dma2 semaphore(%run_scoped3A : memref<!tpu.dma_semaphore, #tpu.memory_space<semaphore_mem>>) src(%arg9 : memref<304x128xf32, #tpu.memory_space<vmem>>) dst(%dma_wait3A_68 : memref<304x128xf32, #tpu.memory_space<hbm>>)
      tpu.yield
    }) : () -> ()
    return
  }
}

module attributes {stable_mosaic.version = 14 : i64} {
  func.func @_tc_reduce_body(%arg0: memref<32x304x128xf32, #tpu.memory_space<vmem>>, %arg1: memref<1x1xf32, #tpu.memory_space<vmem>>) attributes {dimension_semantics = [], scalar_prefetch = 0 : i64, scratch_operands = 0 : i64, tpu.core_type = #tpu.core_type<tc>} {
    %get3A = arith.constant 0 : index
    %get3A_0 = arith.constant 0 : index
    %get3A_1 = arith.constant 0 : index
    %get3A_2 = vector.load %arg0[%get3A, %get3A_0, %get3A_1] : memref<32x304x128xf32, #tpu.memory_space<vmem>>, vector<32x304x128xf32>
    %reduce_sum3A = arith.constant dense<0.000000e+00> : vector<304x128xf32>
    %reduce_sum3A_3 = vector.multi_reduction <add>, %get3A_2, %reduce_sum3A [0] : vector<32x304x128xf32> to vector<304x128xf32>
    %reshape3A = vector.shape_cast %reduce_sum3A_3 : vector<304x128xf32> to vector<19x16x128xf32>
    %slice3A = vector.extract_strided_slice %reshape3A {offsets = [0, 0, 0], sizes = [19, 8, 128], strides = [1, 1, 1]} : vector<19x16x128xf32> to vector<19x8x128xf32>
    %slice3A_4 = vector.extract_strided_slice %reshape3A {offsets = [0, 8, 0], sizes = [19, 8, 128], strides = [1, 1, 1]} : vector<19x16x128xf32> to vector<19x8x128xf32>
    %add3A = arith.addf %slice3A, %slice3A_4 : vector<19x8x128xf32>
    %iota3A = tpu.iota {dimensions = array<i32: 0>} : vector<128x128xi32>
    %iota3A_5 = tpu.iota {dimensions = array<i32: 1>} : vector<128x128xi32>
    %ge3A = arith.cmpi sge, %iota3A, %iota3A_5 : vector<128x128xi32>
    %convert_element_type3A = arith.extui %ge3A : vector<128x128xi1> to vector<128x128xi32>
    %convert_element_type3A_6 = arith.sitofp %convert_element_type3A : vector<128x128xi32> to vector<128x128xf32>
    %iota3A_7 = tpu.iota {dimensions = array<i32: 0>} : vector<8x8xi32>
    %iota3A_8 = tpu.iota {dimensions = array<i32: 1>} : vector<8x8xi32>
    %gt3A = arith.cmpi sgt, %iota3A_7, %iota3A_8 : vector<8x8xi32>
    %convert_element_type3A_9 = arith.extui %gt3A : vector<8x8xi1> to vector<8x8xi32>
    %convert_element_type3A_10 = arith.sitofp %convert_element_type3A_9 : vector<8x8xi32> to vector<8x8xf32>
    %dot_general3A = arith.constant dense<0.000000e+00> : vector<19x8x128xf32>
    %dot_general3A_11 = tpu.matmul %add3A, %convert_element_type3A_6, %dot_general3A {dimension_numbers = #tpu.dot_dimension_numbers<[2], [0], [0, 1], [1], [0, 0, 0, 1, 1, 1], [], []>, precision = #tpu.contract_precision<fp32>, transpose_lhs_hint = false} : vector<19x8x128xf32>, vector<128x128xf32>, vector<19x8x128xf32> -> vector<19x8x128xf32>
    %reduce_sum3A_12 = arith.constant dense<0.000000e+00> : vector<19x8xf32>
    %reduce_sum3A_13 = vector.multi_reduction <add>, %add3A, %reduce_sum3A_12 [2] : vector<19x8x128xf32> to vector<19x8xf32>
    %dot_general3A_14 = arith.constant dense<0.000000e+00> : vector<19x8xf32>
    %dot_general3A_15 = tpu.matmul %reduce_sum3A_13, %convert_element_type3A_10, %dot_general3A_14 {dimension_numbers = #tpu.dot_dimension_numbers<[1], [0], [0], [1], [0, 0, 1, 1], [], []>, precision = #tpu.contract_precision<fp32>, transpose_lhs_hint = false} : vector<19x8xf32>, vector<8x8xf32>, vector<19x8xf32> -> vector<19x8xf32>
    %broadcast_in_dim3A = vector.shape_cast %dot_general3A_15 : vector<19x8xf32> to vector<19x8x1xf32>
    %add3A_16 = vector.broadcast %broadcast_in_dim3A : vector<19x8x1xf32> to vector<19x8x128xf32>
    %add3A_17 = arith.addf %dot_general3A_11, %add3A_16 : vector<19x8x128xf32>
    %dot_general3A_18 = arith.constant dense<0.000000e+00> : vector<19x8x128xf32>
    %dot_general3A_19 = tpu.matmul %slice3A_4, %convert_element_type3A_6, %dot_general3A_18 {dimension_numbers = #tpu.dot_dimension_numbers<[2], [0], [0, 1], [1], [0, 0, 0, 1, 1, 1], [], []>, precision = #tpu.contract_precision<fp32>, transpose_lhs_hint = false} : vector<19x8x128xf32>, vector<128x128xf32>, vector<19x8x128xf32> -> vector<19x8x128xf32>
    %reduce_sum3A_20 = arith.constant dense<0.000000e+00> : vector<19x8xf32>
    %reduce_sum3A_21 = vector.multi_reduction <add>, %slice3A_4, %reduce_sum3A_20 [2] : vector<19x8x128xf32> to vector<19x8xf32>
    %dot_general3A_22 = arith.constant dense<0.000000e+00> : vector<19x8xf32>
    %dot_general3A_23 = tpu.matmul %reduce_sum3A_21, %convert_element_type3A_10, %dot_general3A_22 {dimension_numbers = #tpu.dot_dimension_numbers<[1], [0], [0], [1], [0, 0, 1, 1], [], []>, precision = #tpu.contract_precision<fp32>, transpose_lhs_hint = false} : vector<19x8xf32>, vector<8x8xf32>, vector<19x8xf32> -> vector<19x8xf32>
    %broadcast_in_dim3A_24 = vector.shape_cast %dot_general3A_23 : vector<19x8xf32> to vector<19x8x1xf32>
    %add3A_25 = vector.broadcast %broadcast_in_dim3A_24 : vector<19x8x1xf32> to vector<19x8x128xf32>
    %add3A_26 = arith.addf %dot_general3A_19, %add3A_25 : vector<19x8x128xf32>
    %reduce_sum3A_27 = arith.constant dense<0.000000e+00> : vector<19xf32>
    %reduce_sum3A_28 = vector.multi_reduction <add>, %slice3A_4, %reduce_sum3A_27 [1, 2] : vector<19x8x128xf32> to vector<19xf32>
    %broadcast_in_dim3A_29 = vector.shape_cast %reduce_sum3A_28 : vector<19xf32> to vector<19x1x1xf32>
    %sub3A = vector.broadcast %broadcast_in_dim3A_29 : vector<19x1x1xf32> to vector<19x8x128xf32>
    %sub3A_30 = arith.subf %sub3A, %add3A_26 : vector<19x8x128xf32>
    %add3A_31 = arith.addf %add3A_17, %sub3A_30 : vector<19x8x128xf32>
    %max3A = arith.constant 5.000000e-01 : f32
    %max3A_32 = vector.broadcast %max3A : f32 to vector<19x8x128xf32>
    %max3A_33 = arith.maximumf %add3A_31, %max3A_32 : vector<19x8x128xf32>
    %div3A = arith.divf %sub3A_30, %max3A_33 : vector<19x8x128xf32>
    %sub3A_34 = arith.constant 1.000000e+00 : f32
    %sub3A_35 = vector.broadcast %sub3A_34 : f32 to vector<19x8x128xf32>
    %sub3A_36 = arith.subf %sub3A_35, %div3A : vector<19x8x128xf32>
    %sub3A_37 = arith.subf %add3A_26, %slice3A_4 : vector<19x8x128xf32>
    %sub3A_38 = vector.broadcast %broadcast_in_dim3A_29 : vector<19x1x1xf32> to vector<19x8x128xf32>
    %sub3A_39 = arith.subf %sub3A_38, %sub3A_37 : vector<19x8x128xf32>
    %sub3A_40 = arith.subf %add3A_17, %add3A : vector<19x8x128xf32>
    %add3A_41 = arith.addf %sub3A_40, %sub3A_39 : vector<19x8x128xf32>
    %max3A_42 = arith.constant 5.000000e-01 : f32
    %max3A_43 = vector.broadcast %max3A_42 : f32 to vector<19x8x128xf32>
    %max3A_44 = arith.maximumf %add3A_41, %max3A_43 : vector<19x8x128xf32>
    %div3A_45 = arith.divf %sub3A_39, %max3A_44 : vector<19x8x128xf32>
    %sub3A_46 = arith.constant 1.000000e+00 : f32
    %sub3A_47 = vector.broadcast %sub3A_46 : f32 to vector<19x8x128xf32>
    %sub3A_48 = arith.subf %sub3A_47, %div3A_45 : vector<19x8x128xf32>
    %iota3A_49 = tpu.iota {dimensions = array<i32: 1>} : vector<19x8x128xi32>
    %iota3A_50 = tpu.iota {dimensions = array<i32: 2>} : vector<19x8x128xi32>
    %mul3A = arith.constant 128 : i32
    %mul3A_51 = vector.broadcast %mul3A : i32 to vector<19x8x128xi32>
    %mul3A_52 = arith.muli %iota3A_49, %mul3A_51 : vector<19x8x128xi32>
    %add3A_53 = arith.addi %mul3A_52, %iota3A_50 : vector<19x8x128xi32>
    %convert_element_type3A_54 = arith.sitofp %add3A_53 : vector<19x8x128xi32> to vector<19x8x128xf32>
    %add3A_55 = arith.constant 5.000000e-01 : f32
    %add3A_56 = vector.broadcast %add3A_55 : f32 to vector<19x8x128xf32>
    %add3A_57 = arith.addf %convert_element_type3A_54, %add3A_56 : vector<19x8x128xf32>
    %mul3A_58 = arith.constant 9.765625E-4 : f32
    %mul3A_59 = vector.broadcast %mul3A_58 : f32 to vector<19x8x128xf32>
    %mul3A_60 = arith.mulf %add3A_57, %mul3A_59 : vector<19x8x128xf32>
    %sub3A_61 = arith.subf %sub3A_36, %sub3A_48 : vector<19x8x128xf32>
    %mul3A_62 = arith.mulf %mul3A_60, %sub3A_61 : vector<19x8x128xf32>
    %reduce_sum3A_63 = arith.constant dense<0.000000e+00> : vector<19xf32>
    %reduce_sum3A_64 = vector.multi_reduction <add>, %mul3A_62, %reduce_sum3A_63 [1, 2] : vector<19x8x128xf32> to vector<19xf32>
    %squeeze3A = vector.shape_cast %broadcast_in_dim3A_29 : vector<19x1x1xf32> to vector<19xf32>
    %gt3A_65 = arith.constant 0.000000e+00 : f32
    %gt3A_66 = vector.broadcast %gt3A_65 : f32 to vector<19xf32>
    %gt3A_67 = arith.cmpf ogt, %squeeze3A, %gt3A_66 : vector<19xf32>
    %convert_element_type3A_68 = arith.extui %gt3A_67 : vector<19xi1> to vector<19xi32>
    %convert_element_type3A_69 = arith.sitofp %convert_element_type3A_68 : vector<19xi32> to vector<19xf32>
    %mul3A_70 = arith.mulf %reduce_sum3A_64, %convert_element_type3A_69 : vector<19xf32>
    %reduce_sum3A_71 = vector.shape_cast %mul3A_70 : vector<19xf32> to vector<1x19xf32>
    %reduce_sum3A_72 = arith.constant dense<0.000000e+00> : vector<1xf32>
    %reduce_sum3A_73 = vector.multi_reduction <add>, %reduce_sum3A_71, %reduce_sum3A_72 [1] : vector<1x19xf32> to vector<1xf32>
    %reduce_sum3A_74 = vector.shape_cast %reduce_sum3A_73 : vector<1xf32> to vector<1x1xf32>
    %reduce_sum3A_75 = vector.extract %reduce_sum3A_74[0, 0] : f32 from vector<1x1xf32>
    %reduce_sum3A_76 = vector.shape_cast %convert_element_type3A_69 : vector<19xf32> to vector<1x19xf32>
    %reduce_sum3A_77 = arith.constant dense<0.000000e+00> : vector<1xf32>
    %reduce_sum3A_78 = vector.multi_reduction <add>, %reduce_sum3A_76, %reduce_sum3A_77 [1] : vector<1x19xf32> to vector<1xf32>
    %reduce_sum3A_79 = vector.shape_cast %reduce_sum3A_78 : vector<1xf32> to vector<1x1xf32>
    %reduce_sum3A_80 = vector.extract %reduce_sum3A_79[0, 0] : f32 from vector<1x1xf32>
    %gt3A_81 = arith.constant 0.000000e+00 : f32
    %gt3A_82 = arith.cmpf ogt, %reduce_sum3A_80, %gt3A_81 : f32
    %max3A_83 = arith.constant 1.000000e+00 : f32
    %max3A_84 = arith.maximumf %reduce_sum3A_80, %max3A_83 : f32
    %div3A_85 = arith.divf %reduce_sum3A_75, %max3A_84 : f32
    %jit3A = arith.constant 0.000000e+00 : f32
    %select_n3A = arith.select %gt3A_82, %div3A_85, %jit3A : f32
    %reshape3A_86 = vector.broadcast %select_n3A : f32 to vector<1x1xf32>
    %swap3A = arith.constant 0 : index
    %swap3A_87 = arith.constant 0 : index
    %swap3A_88 = vector.load %arg1[%swap3A, %swap3A_87] : memref<1x1xf32, #tpu.memory_space<vmem>>, vector<1x1xf32>
    tpu.vector_store %arg1[%swap3A, %swap3A_87], %reshape3A_86 {strides = array<i32>} : memref<1x1xf32, #tpu.memory_space<vmem>>, vector<1x1xf32>,
    return
  }
}

</mosaic_0001>

<sc_bundles>
// kernel: kernel.4.cloned.1.call-start
scs
__scs_entry_jumppad:
0x0: {  	(pc) =	sbr.rel $0x88, $3  }
0x1: {  	(tag) =	ssettag $0x0;
	lr =	simm.s32 $0x1  }
0x2: {  	[smem:$0x3F9F] =	sst lr;
	_ =	strace $0xD0000000  }
0x3: {  	_ = 	snop  }
0x4: {  	_ = 	snop  }
0x5: {  	_ = 	snop  }
0x6: {  	_ = 	snop  }
0x7: {  	_ = 	snop  }
__scs_overlays_trampoline_lowered:
0x8: {  	[smem:$0x3FAE] =	sst s0  }
0x9: {  	[smem:$0x3FAF] =	sst s1  }
0xa: {  	[smem:$0x3FB0] =	sst s2  }
0xb: {  	[smem:$0x3FB1] =	sst s3  }
0xc: {  	[smem:$0x3FB2] =	sst s4  }
0xd: {  	[smem:$0x3FB3] =	sst s5  }
0xe: {  	[smem:$0x3FB4] =	sst s6  }
0xf: {  	[smem:$0x3FB5] =	sst s7  }
0x10: {  	[smem:$0x3FB6] =	sst s8  }
0x11: {  	[smem:$0x3FB7] =	sst s9;
	s0 =	simm.s32 @!p0 $0x0  }
0x12: {  	s1 =	sld [smem:$0x3F9D];
	s0 =	simm.s32 @p0 $0x1  }
0x13: {  	[smem:$0x3FB8] =	sst s0;
	s0 =	simm.s32 @!p1 $0x0  }
0x14: {  	s2 =	sld [smem:$0x3F9C];
	s0 =	simm.s32 @p1 $0x1  }
0x15: {  	[smem:$0x3FB9] =	sst s0;
	s0 =	simm.s32 @!p2 $0x0  }
0x16: {  	s3 =	sld [smem:$0x3FDB];
	s0 =	simm.s32 @p2 $0x1  }
0x17: {  	s4 =	simm.s32 $0x1BF5;
	[smem:$0x3FBB] =	sst s0  }
0x18: {  	s0 =	sld [smem:$0x3F9E];
	_ =	swait.ge [sflag:s4], $0x0  }
0x19: {  	s7 =	sld [smem:$0x3F9F]  }
0x1a: {  	s8 =	sadd.s32 $0xFFFFE003, lr  }
0x1b: {  	s9 =	sadd.s32 $0xFFFFFEF7, lr;
	s5 =	simm.s32 $0xFFFFFFFF;
	p2 =	slt.u32 s8, $0xFFFFF086  }
0x1c: {  	p1 =	slt.u32 s9, $0xF7A;
	s5 =	simm.s32 @!p2 $0x0  }
0x1d: {  	s5 =	simm.s32 @p1 $0x1;
	p0 =	seq.s32 s7, s2  }
0x1e: {  	s7 =	smul.u32 @!p0 $0xF7A, s2;
	p2 =	seq.s32 @!p0 s5, $0x0  }
0x1f: {  	s9 =	smul.u32 $0xF7A, s1;
	s8 =	simm.s32 @!p0 $0x1BF5;
	p2 =	por !p2, p0  }
0x20: {  	[sflag:s8] =	ssyncset.s32 @!p0 $0xFFFFF086;
	s6 =	sadd.s32 @!p0 s3, s7;
	s7 =	simm.s32 @!p0 $0x108  }
0x21: {  	s3 =	sadd.s32 s3, s9;
	s6 =	sadd.s32 @!p0 $0x88, s6;
	s7 =	simm.s32 @p2 $0x1082  }
0x22: {  	[simem:s7], [sflag:s8] =	dma.local @!p0 [hbm:s6], $0xF7A  }
0x23: {  	s9 =	sor.u32 $0xD0000000, s2;
	s6 =	simm.s32 $0x108;
	_ =	swait.ge @!p0 [sflag:s8], $0x0  }
0x24: {  	s3 =	sadd.s32 $0x88, s3;
	s6 =	simm.s32 @!p1 $0x1082;
	[sflag:s4] =	ssyncset.s32 $0xFFFFF086  }
0x25: {  	[simem:s6], [sflag:s4] =	dma.local [hbm:s3], $0xF7A  }
0x26: {  	[smem:$0x3F9F] =	sst s1;
	(tag) =	ssettag s2;
	_ =	strace s9  }
0x27: {  	s1 =	sld [smem:$0x3FAF]  }
0x28: {  	s2 =	sld [smem:$0x3FB0]  }
0x29: {  	s4 =	sld [smem:$0x3FB2]  }
0x2a: {  	p0 =	seq.s32 s5, $0x0;
	s5 =	sld [smem:$0x3FB3]  }
0x2b: {  	s6 =	sld [smem:$0x3FB4]  }
0x2c: {  	s7 =	sld [smem:$0x3FB5]  }
0x2d: {  	s3 =	simm.s32 $0x108;
	s8 =	sld [smem:$0x3FB6]  }
0x2e: {  	s3 =	simm.s32 @!p0 $0x1082;
	s9 =	sld [smem:$0x3FB7]  }
0x2f: {  	lr =	sadd.s32 s0, s3;
	s0 =	sld [smem:$0x3FAE]  }
0x30: {  	s3 =	sld [smem:$0x3FB1]  }
0x31: {  	[smem:$0x3FBA] =	sst s10  }
0x32: {  	s10 =	sld [smem:$0x3FB8];
	_ =	sdelay $0x3  }
0x33: {  	p0 =	seq.s32 s10, $0x1;
	s10 =	sld [smem:$0x3FBA];
	_ =	sdelay $0x3  }
0x34: {  	[smem:$0x3FBA] =	sst s10  }
0x35: {  	s10 =	sld [smem:$0x3FB9];
	_ =	sdelay $0x3  }
0x36: {  	p1 =	seq.s32 s10, $0x1;
	s10 =	sld [smem:$0x3FBA];
	_ =	sdelay $0x3  }
0x37: {  	[smem:$0x3FBA] =	sst s10  }
0x38: {  	s10 =	sld [smem:$0x3FBB]  }
0x39: {  	_ = 	snop;
	(pc) =	sbr.ind lr, $3  }
0x3a: {  	_ = 	snop  }
0x3b: {  	_ = 	snop  }
0x3c: {  	p2 =	seq.s32 s10, $0x1;
	s10 =	sld [smem:$0x3FBA]  }
0x3d: {  	_ =	shalt  }
0x3e: {  	_ =	shalt  }
0x3f: {  	_ =	shalt  }
0x40: {  	_ =	shalt  }
0x41: {  	_ =	shalt  }
0x42: {  	_ =	shalt  }
0x43: {  	_ =	shalt  }
0x44: {  	_ =	shalt  }
0x45: {  	_ =	shalt  }
0x46: {  	_ =	shalt  }
0x47: {  	_ =	shalt  }
0x48: {  	_ =	shalt  }
0x49: {  	_ =	shalt  }
0x4a: {  	_ =	shalt  }
0x4b: {  	_ =	shalt  }
0x4c: {  	_ =	shalt  }
0x4d: {  	_ =	shalt  }
0x4e: {  	_ =	shalt  }
0x4f: {  	_ =	shalt  }
0x50: {  	_ =	shalt  }
0x51: {  	_ =	shalt  }
0x52: {  	_ =	shalt  }
0x53: {  	_ =	shalt  }
0x54: {  	_ =	shalt  }
0x55: {  	_ =	shalt  }
0x56: {  	_ =	shalt  }
0x57: {  	_ =	shalt  }
0x58: {  	_ =	shalt  }
0x59: {  	_ =	shalt  }
0x5a: {  	_ =	shalt  }
0x5b: {  	_ =	shalt  }
0x5c: {  	_ =	shalt  }
0x5d: {  	_ =	shalt  }
0x5e: {  	_ =	shalt  }
0x5f: {  	_ =	shalt  }
0x60: {  	_ =	shalt  }
0x61: {  	_ =	shalt  }
0x62: {  	_ =	shalt  }
0x63: {  	_ =	shalt  }
0x64: {  	_ =	shalt  }
0x65: {  	_ =	shalt  }
0x66: {  	_ =	shalt  }
0x67: {  	_ =	shalt  }
0x68: {  	_ =	shalt  }
0x69: {  	_ =	shalt  }
0x6a: {  	_ =	shalt  }
0x6b: {  	_ =	shalt  }
0x6c: {  	_ =	shalt  }
0x6d: {  	_ =	shalt  }
0x6e: {  	_ =	shalt  }
0x6f: {  	_ =	shalt  }
0x70: {  	_ =	shalt  }
0x71: {  	_ =	shalt  }
0x72: {  	_ =	shalt  }
0x73: {  	_ =	shalt  }
0x74: {  	_ =	shalt  }
0x75: {  	_ =	shalt  }
0x76: {  	_ =	shalt  }
0x77: {  	_ =	shalt  }
0x78: {  	_ =	shalt  }
0x79: {  	_ =	shalt  }
0x7a: {  	_ =	shalt  }
0x7b: {  	_ =	shalt  }
0x7c: {  	_ =	shalt  }
0x7d: {  	_ =	shalt  }
0x7e: {  	_ =	shalt  }
0x7f: {  	_ =	shalt  }
0x80: {  	_ =	shalt  }
0x81: {  	_ =	shalt  }
0x82: {  	_ =	shalt  }
0x83: {  	_ =	shalt  }
0x84: {  	_ =	shalt  }
0x85: {  	_ =	shalt  }
0x86: {  	_ =	shalt  }
0x87: {  	_ =	shalt  }
.Lfunc_end0:
.L_simem_size_0:
called_computation_lowered:
.L_overlay_start_0:
0x88: {  	s2 =	sld [smem:$0x3FD9]  }
0x89: {  	s3 =	sld [smem:$0x3FFE];
	_ =	sdelay $0x1  }
0x8a: {  	s1 =	srdreg.scid  }
0x8b: {  	s0 =	sand.u32 $0x1, s1  }
0x8c: {  	s17 =	sshll.u32 s0, $0xA;
	s2 =	sadd.s32 s3, s2  }
0x8d: {  	s2 =	sadd.s32 s2, s17  }
0x8e: {  	[smem:$0x3FC6] =	sst s2  }
0x8f: {  	_ = 	snop  }
0x90: {  	s2 =	sld [smem:$0x3FC9]  }
0x91: {  	s18 =	sld [smem:$0x3FC8];
	(tm) =	ssettm $0x1  }
0x92: {  	s4 =	sld [smem:$0x3FFB];
	_ =	sdelay $0x3  }
0x93: {  	_ =	strace s4  }
0x94: {  	s4 =	sld [smem:$0x3FFC];
	_ =	sdelay $0x3  }
0x95: {  	_ =	strace s4  }
0x96: {  	s4 =	sld [smem:$0x3FFD];
	_ =	sdelay $0x3  }
0x97: {  	_ =	strace s4  }
0x98: {  	_ =	strace $0x8FFFFFFF  }
0x99: {  	s19 =	sld [smem:$0x3FDB];
	_ =	sdelay $0x1  }
0x9a: {  	s5 =	simm.s32 $_scs_section_size  }
0x9b: {  	s6 =	simm.s32 $_size__tile_overlayer_lowered;
	s7 =	simm.s32 $_tile_overlayer_lowered  }
0x9c: {  	s22 =	simm.s32 $0x1BFF;
	s21 =	sshll.u32 s7, $0x1;
	s4 =	sadd.s32 s5, s19  }
0x9d: {  	s8 =	simm.s32 $0x0;
	s20 =	sshll.u32 s6, $0x1;
	s6 =	sadd.s32 s21, s4  }
0x9e: {  	[timem:s8], [sflag:s22] =	dma.local [hbm:s6], s20  }
0x9f: {  	_ =	swait.ge [sflag:s22], s20  }
0xa0: {  	s5 =	ssub.s32 $0x0, s20;
	[sflag:s22] =	ssyncset.done $0x0  }
0xa1: {  	[sflag:s22] =	ssyncadd.s32 s5;
	_ =	sdelay $0x1  }
0xa2: {  	s23 =	simm.s32 $0x1B8B  }
0xa3: {  	_ =	swait.ge [sflag:s23], $0x1  }
0xa4: {  	[sflag:s23] =	ssyncset.done $0x0  }
0xa5: {  	s25 =	simm.s32 $0x1B8E;
	s24 =	sld [smem:$0x3FFE];
	[sflag:s23] =	ssyncadd.s32 $0xFFFFFFFF  }
0xa6: {  	s26 =	simm.s32 $execute0_lowered;
	[smem:$0x3FD2] =	sst s25  }
0xa7: {  	s6 =	sshll.u32 s26, $0x1;
	_ =	strace $0x80000046;
	[dreg:$0x1] =	wrdreg $0xFFFFFFFF  }
0xa8: {  	s28 =	simm.s32 $_size_execute0_lowered;
	s4 =	sadd.s32 s4, s6;
	[dreg:$0x0] =	wrdreg $0x0  }
0xa9: {  	s6 =	sshll.u32 s28, $0x1;
	[dreg:$0x2] =	wrdreg s4  }
0xaa: {  	[dreg:$0x3] =	wrdreg s6  }
0xab: {  	[dreg:$0x4] =	wrdreg $0xC0  }
0xac: {  	_ =	task [dreg:s8], $0x5FFFF  }
0xad: {  	[dreg:$0x1] =	wrdreg $0xFFFFFFFF  }
0xae: {  	[dreg:$0x0] =	wrdreg $0x60  }
0xaf: {  	[dreg:$0x2] =	wrdreg s2  }
0xb0: {  	[dreg:$0x3] =	wrdreg s18  }
0xb1: {  	[dreg:$0x4] =	wrdreg s24  }
0xb2: {  	[dreg:$0x5] =	wrdreg $0x9  }
0xb3: {  	_ =	task.clear_ibuf [dreg:s8], $0x6FFFF;
	_ =	strace $0x90000046  }
0xb4: {  	s29 =	simm.s32 $0x9;
	_ =	strace $0x80000048  }
0xb5: {  	_ =	swait.ge [sflag:s29], $0x1  }
0xb6: {  	[sflag:s29] =	ssyncadd.s32 $0xFFFFFFFF  }
0xb7: {  	_ =	strace $0x90000048  }
0xb8: {  	_ =	sfence  }
0xb9: {  	s30 =	sld [smem:$0x0];
	_ =	sdelay $0x2  }
0xba: {  	s31 =	sshll.u32 s1, $0xD;
	s1 =	sshrl.u32 s1, $0x2  }
0xbb: {  	s3 =	sand.u32 $0x4000, s31;
	s1 =	sadd.s32 s1, s30  }
0xbc: {  	s0 =	sor.u32 s3, s0;
	s1 =	sshll.u32 s1, $0x11  }
0xbd: {  	s0 =	sor.u32 s1, s0  }
0xbe: {  	s0 =	sadd.s32 $0x8F2B, s0  }
0xbf: {  	[sflag:s0] =	ssyncadd.remote.s32 $0x1  }
0xc0: {  	_ =	sfence.sel $0xFFFF  }
0xc1: {  	[dreg:$0x0] =	wrdreg $0xFFFFFFFF;
	(pc) =	sbr.abs _section_cstart, $3  }
0xc2: {  	[dreg:$0x1] =	wrdreg $0xFFFFFFFF  }
0xc3: {  	_ =	task.clear_ibuf [dreg:s8], $0x2FFFF;
	_ =	strace $0x9FFFFFFF  }
0xc4: {  	(tm) =	ssettm $0x7FFFFFFF  }
0xc5: {  	_ =	shalt  }
tec
execute0_lowered:
.L_overlay_start_1:
0x0: {  	(tag) =	ssettag $0x1  }
0x1: {  	s7 =	rddreg [dreg:$0x0]  }
0x2: {  	s8 =	rddreg [dreg:$0x1];
	s1 =	srdreg.scid  }
0x3: {  	s0 =	rddreg [dreg:$0x2];
	s9 =	simm.s32 $0x0;
	s1 =	sand.u32 $0x1, s1  }
0x4: {  	s5 =	stileid.u32;
	[smem:$0x7FF] =	sst s9;
	s2 =	sshll.u32 s1, $0x4  }
0x5: {  	s3 =	smul.u32 $0x980000, s1;
	s4 =	ssub.s32 $0x2, s1;
	_ =	strace $0x80000047  }
0x6: {  	s1 =	sshll.u32 s1, $0x13;
	s2 =	sor.u32 s5, s2;
	s5 =	sshll.u32 s5, $0xC  }
0x7: {  	s6 =	sshrl.u32 s4, $0x1;
	s2 =	smul.u32 $0x1300, s2;
	s10 =	sor.u32 s5, s3  }
0x8: {  	s26 =	sor.u32 $0x800, s5;
	s5 =	sor.u32 s5, s1;
	[dreg:$0xa] =	wrdreg s10  }
0x9: {  	s24 =	ssub.s32 s4, s6;
	s3 =	sor.u32 s3, s26;
	[dreg:$0xc] =	wrdreg s5  }
0xa: {  	s25 =	sshrl.u32 s10, $0x3;
	s31 =	smax.u32 s24, $0x1;
	[dreg:$0xd] =	wrdreg s3  }
0xb: {  	s28 =	sshrl.u32 s5, $0x3;
	s4 =	sadd.s32 s7, s25;
	[dreg:$0x13] =	wrdreg s31  }
0xc: {  	s3 =	sshrl.u32 s3, $0x3;
	[dreg:$0xb] =	wrdreg s4;
	s4 =	sor.u32 s1, s26  }
.Ltmp0:
0xd: {  	s1 =	sadd.s32 s8, s28;
	[dreg:$0xe] =	wrdreg s4;
	(pc) =	sbr.rel .LBB2_1-.Ltmp0, $4  }
0xe: {  	s0 =	sadd.s32 s2, s0;
	s29 =	sadd.s32 s7, s3;
	[dreg:$0xf] =	wrdreg s1  }
0xf: {  	s0 =	sadd.s32 $0x600, s0;
	s4 =	sshrl.u32 s4, $0x3;
	[dreg:$0x10] =	wrdreg s29  }
0x10: {  	v0 =	vimm.f32 $0.0e+00;
	s21 =	simm.s32 $0x14000;
	[dreg:$0x12] =	wrdreg s0;
	s30 =	sadd.s32 s8, s4  }
0x11: {  	v1 =	vimm.f32 $1.000000000e+00;
	v2 =	vlaneseq.u32;
	v3 =	vimm.f32 $-1.000000000e+00;
	s2 =	simm.s32 $0x0;
	s26 =	simm.s32 $0x9800;
	[dreg:$0x11] =	wrdreg s30  }
.LBB2_10:
0x12: {  	s9 =	simm.s32 $0x0;
	s0 =	rddreg [dreg:$0x12];
	s1 =	simm.s32 $0x3  }
0x13: {  	[hbm4b:s0+s9] =	stream.linear.scatter [tilespmem:s21], [sflag:$0x3], $0x9800, $0x38;
	[tilespmem:$0x1D800] =	vst v63  }
0x14: {  	_ =	swait.ge [sflag:s1], $0x9800  }
0x15: {  	s2 =	rddreg [dreg:$0x14]  }
0x16: {  	s31 =	rddreg [dreg:$0x13];
	s2 =	sadd.s32 $0x1, s2  }
0x17: {  	p0 =	sne.s32 s2, s31  }
.Ltmp1:
0x18: {  	_ = 	snop;
	(pc) =	sbr.rel @!p0 .LBB2_11-.Ltmp1, $3  }
0x19: {  	_ =	sdelay $0x1  }
0x1a: {  	[sflag:s1] =	ssyncset.done $0x0  }
0x1b: {  	[sflag:s1] =	ssyncadd.s32 $0xFFFF6800  }
.LBB2_1:
0x1c: {  	[dreg:$0x14] =	wrdreg s2  }
0x1d: {  	s0 =	rddreg [dreg:$0xb]  }
0x1e: {  	s1 =	simm.s32 $0x800;
	s25 =	simm.s32 $0x80000;
	s28 =	rddreg [dreg:$0xf]  }
0x1f: {  	[tilespmem:s9], [sflag:$0x1] =	stream.strided.gather [hbm4b:s0+s1], $0x9800, s25, s1, $0x38;
	[tilespmem:$0x1D800] =	vst v63  }
0x20: {  	s3 =	simm.s32 $0x13000;
	s29 =	rddreg [dreg:$0x10]  }
0x21: {  	[tilespmem:s3], [sflag:$0x1] =	stream.linear.gather [hbm4b:s28+s9], $0x800, $0x38;
	[tilespmem:$0x1D800] =	vst v63  }
0x22: {  	s30 =	rddreg [dreg:$0x11]  }
0x23: {  	[tilespmem:s26], [sflag:$0x2] =	stream.strided.gather [hbm4b:s29+s1], $0x9800, s25, s1, $0x38;
	[tilespmem:$0x1D800] =	vst v63  }
0x24: {  	s31 =	simm.s32 $0x13800;
	s0 =	simm.s32 $0x0;
	s1 =	simm.s32 $0x200  }
0x25: {  	[tilespmem:s31], [sflag:$0x2] =	stream.linear.gather [hbm4b:s30+s9], $0x800, $0x38;
	[tilespmem:$0x1D800] =	vst v63  }
.LBB2_2:
0x26: {  	p0 =	sne.s32 s1, $0x25E00;
	[tilespmem:s0+$0x14070] =	vst v0  }
0x27: {  	[tilespmem:s0+$0x14000] =	vst v0  }
0x28: {  	[tilespmem:s0+$0x14010] =	vst v0  }
.Ltmp2:
0x29: {  	[tilespmem:s0+$0x14020] =	vst v0;
	(pc) =	sbr.rel @p0 .LBB2_2-.Ltmp2, $4  }
0x2a: {  	[tilespmem:s0+$0x14030] =	vst v0  }
0x2b: {  	[tilespmem:s0+$0x14040] =	vst v0  }
0x2c: {  	[tilespmem:s0+$0x14050] =	vst v0  }
0x2d: {  	[tilespmem:s0+$0x14060] =	vst v0;
	s0 =	sshra.s32 s1, $0x2;
	s1 =	sadd.s32 $0x200, s1  }
0x2e: {  	[tilespmem:s0+$0x14070] =	vst v0  }
0x2f: {  	[tilespmem:s0+$0x14000] =	vst v0  }
0x30: {  	[tilespmem:s0+$0x14010] =	vst v0  }
0x31: {  	[tilespmem:s0+$0x14020] =	vst v0  }
0x32: {  	[tilespmem:s0+$0x14030] =	vst v0  }
0x33: {  	[tilespmem:s0+$0x14040] =	vst v0  }
0x34: {  	[tilespmem:s0+$0x14050] =	vst v0;
	s31 =	simm.s32 $0x0  }
0x35: {  	[tilespmem:s0+$0x14060] =	vst v0;
	[dreg:$0x15] =	wrdreg s31  }
.LBB2_4:
0x36: {  	s2 =	simm.s32 $0x1  }
0x37: {  	_ =	swait.ge [sflag:s2], $0x9800  }
0x38: {  	s4 =	simm.s32 $0x0;
	[sflag:s2] =	ssyncset.done $0x0  }
0x39: {  	s1 =	simm.s32 $0x0;
	s3 =	sand.u32 $0xE0, s4;
	[sflag:s2] =	ssyncadd.s32 $0xFFFF6800  }
0x3a: {  	s0 =	sand.u32 $0x400, s4;
	s13 =	sor.u32 $0x10, s3;
	_ =	swait.ge [sflag:s2], $0x800  }
0x3b: {  	s1 =	sor.u32 s1, s0;
	s10 =	sand.u32 $0x70, s13;
	[sflag:s2] =	ssyncset.done $0x0  }
0x3c: {  	[dreg:$0x19] =	wrdreg s3;
	s17 =	sor.u32 s1, s10;
	[sflag:s2] =	ssyncadd.s32 $0xFFFFF800  }
0x3d: {  	v4 =	vld [tilespmem:s17+$0x0];
	_ =	sdelay $0x4  }
0x3e: {  	v4 =	vmul.f32 $1.024000000e+03, v4;
	_ =	sdelay $0x1  }
0x3f: {  	v4 =	vtrunc.f32 v4  }
0x40: {  	v4 =	vcvt.f32.s32 v4;
	_ =	sdelay $0x3  }
0x41: {  	s11 =	sadd.s32 $0x0, s0  }
0x42: {  	s18 =	sadd.s32 $0x800, s11;
	v10 =	vld [tilespmem:s17+$0x13000]  }
0x43: {  	s20 =	sor.u32 s10, s18;
	[tilespmem:v4+s21+$0x0] =	vst.idx.add.f32.msk $0xffff, v1  }
0x44: {  	v4 =	vld [tilespmem:s20+$0x0];
	_ =	sdelay $0x4  }
0x45: {  	v4 =	vmul.f32 $1.024000000e+03, v4;
	_ =	sdelay $0x1  }
0x46: {  	v4 =	vtrunc.f32 v4  }
0x47: {  	v4 =	vcvt.f32.s32 v4;
	_ =	sdelay $0x1  }
0x48: {  	v4 =	vadd.s32 $0x800, v4;
	_ =	sdelay $0x3  }
0x49: {  	s22 =	sadd.s32 $0x1000, s11  }
0x4a: {  	s24 =	sor.u32 s10, s22;
	[tilespmem:v4+s21+$0x0] =	vst.idx.add.f32.msk $0xffff, v1  }
0x4b: {  	v4 =	vld [tilespmem:s24+$0x0];
	_ =	sdelay $0x4  }
0x4c: {  	v4 =	vmul.f32 $1.024000000e+03, v4;
	_ =	sdelay $0x1  }
0x4d: {  	v4 =	vtrunc.f32 v4  }
0x4e: {  	v4 =	vcvt.f32.s32 v4  }
0x4f: {  	s23 =	sand.u32 $0x60, s4  }
0x50: {  	s1 =	sor.u32 s23, s1;
	v4 =	vadd.s32 $0x1000, v4  }
0x51: {  	v5 =	vld [tilespmem:s1+$0x0];
	_ =	sdelay $0x2  }
0x52: {  	s25 =	sadd.s32 $0x1800, s11  }
0x53: {  	s26 =	sor.u32 s10, s25;
	[tilespmem:v4+s21+$0x0] =	vst.idx.add.f32.msk $0xffff, v1  }
0x54: {  	v5 =	vmul.f32 $1.024000000e+03, v5;
	v4 =	vld [tilespmem:s26+$0x0]  }
0x55: {  	s29 =	simm.s32 $0x20  }
0x56: {  	s5 =	simm.s32 $0x100;
	v5 =	vtrunc.f32 v5;
	s24 =	sand.u32 $0xE0, s29  }
0x57: {  	s6 =	simm.s32 $0x0;
	s5 =	sand.u32 $0x400, s5;
	v5 =	vcvt.f32.s32 v5;
	s8 =	sor.u32 $0x10, s24  }
0x58: {  	s7 =	sor.u32 s6, s5;
	s19 =	sand.u32 $0x70, s8  }
0x59: {  	s9 =	sor.u32 s7, s19;
	[dreg:$0x17] =	wrdreg s8;
	v4 =	vmul.f32 $1.024000000e+03, v4  }
0x5a: {  	v6 =	vld [tilespmem:s9+$0x0]  }
0x5b: {  	v4 =	vtrunc.f32 v4  }
0x5c: {  	v7 =	vld [tilespmem:s1+$0x13000];
	v4 =	vcvt.f32.s32 v4  }
0x5d: {  	s3 =	sor.u32 s23, s18;
	[tilespmem:v5+s21+$0x0] =	vst.idx.add.f32.msk $0xffff, v1  }
0x5e: {  	v5 =	vld [tilespmem:s3+$0x0];
	v4 =	vadd.s32 $0x1800, v4  }
0x5f: {  	v6 =	vmul.f32 $1.024000000e+03, v6;
	_ =	sdelay $0x1  }
0x60: {  	v6 =	vtrunc.f32 v6  }
0x61: {  	s6 =	sadd.s32 $0x2000, s11;
	v6 =	vcvt.f32.s32 v6  }
0x62: {  	s8 =	sor.u32 s10, s6;
	[tilespmem:v4+s21+$0x0] =	vst.idx.add.f32.msk $0xffff, v1;
	v4 =	vmul.f32 $1.024000000e+03, v5  }
0x63: {  	v5 =	vld [tilespmem:s8+$0x0]  }
0x64: {  	v4 =	vtrunc.f32 v4  }
0x65: {  	s8 =	sadd.s32 $0x0, s5;
	v4 =	vcvt.f32.s32 v4  }
0x66: {  	v8 =	vld [tilespmem:s9+$0x13000];
	s12 =	sadd.s32 $0x800, s8  }
0x67: {  	[tilespmem:v6+s21+$0x0] =	vst.idx.add.f32.msk $0xffff, v1;
	s15 =	sor.u32 s19, s12;
	v4 =	vadd.s32 $0x800, v4  }
0x68: {  	v6 =	vld [tilespmem:s15+$0x0];
	v5 =	vmul.f32 $1.024000000e+03, v5;
	_ =	sdelay $0x1  }
0x69: {  	v5 =	vtrunc.f32 v5  }
0x6a: {  	v5 =	vcvt.f32.s32 v5  }
0x6b: {  	s2 =	sor.u32 s23, s22;
	[tilespmem:v4+s21+$0x0] =	vst.idx.add.f32.msk $0xffff, v1  }
0x6c: {  	v4 =	vadd.s32 $0x2000, v5;
	v5 =	vmul.f32 $1.024000000e+03, v6;
	v6 =	vld [tilespmem:s2+$0x0];
	_ =	sdelay $0x1  }
0x6d: {  	v5 =	vtrunc.f32 v5  }
0x6e: {  	v5 =	vcvt.f32.s32 v5  }
0x6f: {  	s16 =	sadd.s32 $0x2800, s11  }
0x70: {  	s17 =	sor.u32 s10, s16;
	[tilespmem:v4+s21+$0x0] =	vst.idx.add.f32.msk $0xffff, v1;
	v4 =	vadd.s32 $0x800, v5;
	v5 =	vmul.f32 $1.024000000e+03, v6  }
0x71: {  	v6 =	vld [tilespmem:s17+$0x0]  }
0x72: {  	v5 =	vtrunc.f32 v5  }
0x73: {  	v5 =	vcvt.f32.s32 v5  }
0x74: {  	s18 =	sadd.s32 $0x1000, s8  }
0x75: {  	s20 =	sor.u32 s19, s18;
	[tilespmem:v4+s21+$0x0] =	vst.idx.add.f32.msk $0xffff, v1;
	v4 =	vadd.s32 $0x1000, v5  }
0x76: {  	v5 =	vmul.f32 $1.024000000e+03, v6;
	v6 =	vld [tilespmem:s20+$0x0];
	_ =	sdelay $0x1  }
0x77: {  	v5 =	vtrunc.f32 v5  }
0x78: {  	v5 =	vcvt.f32.s32 v5  }
0x79: {  	s0 =	sor.u32 s23, s25;
	[tilespmem:v4+s21+$0x0] =	vst.idx.add.f32.msk $0xffff, v1  }
0x7a: {  	v4 =	vadd.s32 $0x2800, v5;
	v5 =	vmul.f32 $1.024000000e+03, v6;
	v6 =	vld [tilespmem:s0+$0x0];
	_ =	sdelay $0x1  }
0x7b: {  	s14 =	sand.u32 $0x60, s29;
	v5 =	vtrunc.f32 v5  }
0x7c: {  	s4 =	sor.u32 s14, s7;
	v5 =	vcvt.f32.s32 v5  }
0x7d: {  	s22 =	sadd.s32 $0x3000, s11;
	v9 =	vld [tilespmem:s4+$0x0]  }
0x7e: {  	s25 =	sor.u32 s10, s22;
	[tilespmem:v4+s21+$0x0] =	vst.idx.add.f32.msk $0xffff, v1;
	v4 =	vadd.s32 $0x1000, v5;
	v5 =	vmul.f32 $1.024000000e+03, v6  }
0x7f: {  	v6 =	vld [tilespmem:s25+$0x0]  }
0x80: {  	v5 =	vtrunc.f32 v5  }
0x81: {  	v5 =	vcvt.f32.s32 v5  }
0x82: {  	s26 =	sadd.s32 $0x1800, s8  }
0x83: {  	v9 =	vmul.f32 $1.024000000e+03, v9;
	s29 =	sor.u32 s19, s26;
	[tilespmem:v4+s21+$0x0] =	vst.idx.add.f32.msk $0xffff, v1;
	v4 =	vadd.s32 $0x1800, v5  }
0x84: {  	v5 =	vmul.f32 $1.024000000e+03, v6;
	v6 =	vld [tilespmem:s29+$0x0]  }
0x85: {  	v9 =	vtrunc.f32 v9  }
0x86: {  	v11 =	vcvt.f32.s32 v9;
	v5 =	vtrunc.f32 v5  }
0x87: {  	v5 =	vcvt.f32.s32 v5  }
0x88: {  	s1 =	sor.u32 s23, s6;
	[tilespmem:v4+s21+$0x0] =	vst.idx.add.f32.msk $0xffff, v1  }
0x89: {  	v4 =	vadd.s32 $0x3000, v5;
	v5 =	vmul.f32 $1.024000000e+03, v6;
	v6 =	vld [tilespmem:s1+$0x0];
	_ =	sdelay $0x1  }
0x8a: {  	v9 =	vld [tilespmem:s4+$0x13000];
	v5 =	vtrunc.f32 v5  }
0x8b: {  	[tilespmem:v11+s21+$0x0] =	vst.idx.add.f32.msk $0xffff, v1;
	s7 =	sor.u32 s14, s12;
	v5 =	vcvt.f32.s32 v5  }
0x8c: {  	s4 =	sadd.s32 $0x3800, s11;
	v11 =	vld [tilespmem:s7+$0x0]  }
0x8d: {  	s9 =	sor.u32 s10, s4;
	[tilespmem:v4+s21+$0x0] =	vst.idx.add.f32.msk $0xffff, v1;
	v4 =	vadd.s32 $0x1800, v5;
	v5 =	vmul.f32 $1.024000000e+03, v6  }
0x8e: {  	v6 =	vld [tilespmem:s9+$0x0]  }
0x8f: {  	v5 =	vtrunc.f32 v5  }
0x90: {  	v5 =	vcvt.f32.s32 v5  }
0x91: {  	v11 =	vmul.f32 $1.024000000e+03, v11;
	s1 =	sadd.s32 $0x2000, s8  }
0x92: {  	s12 =	sor.u32 s19, s1;
	[tilespmem:v4+s21+$0x0] =	vst.idx.add.f32.msk $0xffff, v1;
	v4 =	vadd.s32 $0x2000, v5  }
0x93: {  	v5 =	vtrunc.f32 v11;
	v6 =	vmul.f32 $1.024000000e+03, v6;
	v11 =	vld [tilespmem:s12+$0x0]  }
0x94: {  	v5 =	vcvt.f32.s32 v5  }
0x95: {  	v6 =	vtrunc.f32 v6  }
0x96: {  	v5 =	vadd.s32 $0x800, v5;
	v6 =	vcvt.f32.s32 v6  }
0x97: {  	s2 =	sor.u32 s23, s16;
	[tilespmem:v4+s21+$0x0] =	vst.idx.add.f32.msk $0xffff, v1  }
0x98: {  	v4 =	vadd.s32 $0x3800, v6;
	v6 =	vmul.f32 $1.024000000e+03, v11;
	v11 =	vld [tilespmem:s2+$0x0];
	_ =	sdelay $0x1  }
0x99: {  	v6 =	vtrunc.f32 v6  }
0x9a: {  	s15 =	sor.u32 s14, s18;
	[tilespmem:v5+s21+$0x0] =	vst.idx.add.f32.msk $0xffff, v1;
	v5 =	vcvt.f32.s32 v6  }
0x9b: {  	s2 =	sadd.s32 $0x4000, s11;
	v6 =	vld [tilespmem:s15+$0x0]  }
0x9c: {  	s16 =	sor.u32 s10, s2;
	[tilespmem:v4+s21+$0x0] =	vst.idx.add.f32.msk $0xffff, v1;
	v4 =	vadd.s32 $0x2000, v5;
	v5 =	vmul.f32 $1.024000000e+03, v11  }
0x9d: {  	v11 =	vld [tilespmem:s16+$0x0]  }
0x9e: {  	v5 =	vtrunc.f32 v5  }
0x9f: {  	v5 =	vcvt.f32.s32 v5  }
0xa0: {  	s3 =	sadd.s32 $0x2800, s8;
	s18 =	simm.s32 $0x40;
	v6 =	vmul.f32 $1.024000000e+03, v6  }
0xa1: {  	s17 =	sor.u32 s19, s3;
	s20 =	simm.s32 $0x200;
	s9 =	sand.u32 $0xE0, s18;
	[tilespmem:v4+s21+$0x0] =	vst.idx.add.f32.msk $0xffff, v1;
	v4 =	vadd.s32 $0x2800, v5  }
0xa2: {  	s7 =	sand.u32 $0x400, s20;
	s12 =	simm.s32 $0x0;
	s15 =	sor.u32 $0x10, s9;
	v5 =	vtrunc.f32 v6;
	v6 =	vmul.f32 $1.024000000e+03, v11;
	v11 =	vld [tilespmem:s17+$0x0]  }
0xa3: {  	s12 =	sor.u32 s12, s7;
	s30 =	sand.u32 $0x70, s15;
	v5 =	vcvt.f32.s32 v5  }
0xa4: {  	[dreg:$0x5] =	wrdreg s15;
	s15 =	sor.u32 s12, s30;
	v6 =	vtrunc.f32 v6  }
0xa5: {  	v12 =	vld [tilespmem:s15+$0x0];
	v5 =	vadd.s32 $0x1000, v5;
	v6 =	vcvt.f32.s32 v6  }
0xa6: {  	s0 =	sor.u32 s23, s22;
	[tilespmem:v4+s21+$0x0] =	vst.idx.add.f32.msk $0xffff, v1  }
0xa7: {  	v4 =	vadd.s32 $0x4000, v6;
	v6 =	vmul.f32 $1.024000000e+03, v11;
	v11 =	vld [tilespmem:s0+$0x0];
	_ =	sdelay $0x1  }
0xa8: {  	v6 =	vtrunc.f32 v6  }
0xa9: {  	s22 =	sor.u32 s14, s26;
	[tilespmem:v5+s21+$0x0] =	vst.idx.add.f32.msk $0xffff, v1;
	v5 =	vcvt.f32.s32 v6  }
0xaa: {  	s5 =	sadd.s32 $0x4800, s11;
	v12 =	vmul.f32 $1.024000000e+03, v12;
	v6 =	vld [tilespmem:s22+$0x0]  }
0xab: {  	s25 =	sor.u32 s10, s5;
	[tilespmem:v4+s21+$0x0] =	vst.idx.add.f32.msk $0xffff, v1;
	v4 =	vadd.s32 $0x2800, v5;
	v5 =	vmul.f32 $1.024000000e+03, v11  }
0xac: {  	v12 =	vtrunc.f32 v12;
	v11 =	vld [tilespmem:s25+$0x0]  }
0xad: {  	v12 =	vcvt.f32.s32 v12;
	v5 =	vtrunc.f32 v5  }
0xae: {  	v5 =	vcvt.f32.s32 v5;
	_ =	sdelay $0x1  }
0xaf: {  	s0 =	sadd.s32 $0x3000, s8;
	v6 =	vmul.f32 $1.024000000e+03, v6;
	[tilespmem:v4+s21+$0x0] =	vst.idx.add.f32.msk $0xffff, v1;
	v5 =	vadd.s32 $0x3000, v5  }
0xb0: {  	s31 =	sadd.s32 $0x0, s7;
	s16 =	sor.u32 s19, s0;
	v4 =	vld [tilespmem:s15+$0x13000];
	v11 =	vmul.f32 $1.024000000e+03, v11  }
0xb1: {  	s26 =	sadd.s32 $0x800, s31;
	v6 =	vtrunc.f32 v6;
	v13 =	vld [tilespmem:s16+$0x0]  }
0xb2: {  	s29 =	sor.u32 s30, s26;
	[tilespmem:v12+s21+$0x0] =	vst.idx.add.f32.msk $0xffff, v1;
	v6 =	vcvt.f32.s32 v6;
	v11 =	vtrunc.f32 v11  }
0xb3: {  	v12 =	vld [tilespmem:s29+$0x0];
	v11 =	vcvt.f32.s32 v11  }
0xb4: {  	s4 =	sor.u32 s23, s4;
	v6 =	vadd.s32 $0x1800, v6;
	[tilespmem:v5+s21+$0x0] =	vst.idx.add.f32.msk $0xffff, v1  }
0xb5: {  	v5 =	vadd.s32 $0x4800, v11;
	v11 =	vld [tilespmem:s4+$0x0]  }
0xb6: {  	v13 =	vmul.f32 $1.024000000e+03, v13;
	_ =	sdelay $0x1  }
0xb7: {  	v12 =	vmul.f32 $1.024000000e+03, v12;
	v13 =	vtrunc.f32 v13  }
0xb8: {  	s28 =	sand.u32 $0x60, s18;
	[tilespmem:v6+s21+$0x0] =	vst.idx.add.f32.msk $0xffff, v1;
	v6 =	vcvt.f32.s32 v13  }
0xb9: {  	s6 =	sor.u32 s28, s12;
	s4 =	sadd.s32 $0x5000, s11;
	[tilespmem:v5+s21+$0x0] =	vst.idx.add.f32.msk $0xffff, v1;
	v5 =	vtrunc.f32 v12;
	v11 =	vmul.f32 $1.024000000e+03, v11  }
0xba: {  	s12 =	sor.u32 s10, s4;
	v12 =	vld [tilespmem:s6+$0x0];
	v6 =	vadd.s32 $0x3000, v6;
	v5 =	vcvt.f32.s32 v5  }
0xbb: {  	s1 =	sor.u32 s14, s1;
	v13 =	vld [tilespmem:s12+$0x0];
	v11 =	vtrunc.f32 v11  }
0xbc: {  	v14 =	vld [tilespmem:s1+$0x0];
	v5 =	vadd.s32 $0x800, v5;
	v11 =	vcvt.f32.s32 v11;
	_ =	sdelay $0x1  }
0xbd: {  	s1 =	sadd.s32 $0x3800, s8;
	v11 =	vadd.s32 $0x3800, v11  }
0xbe: {  	s15 =	sor.u32 s19, s1;
	v12 =	vmul.f32 $1.024000000e+03, v12;
	[tilespmem:v6+s21+$0x0] =	vst.idx.add.f32.msk $0xffff, v1  }
0xbf: {  	s17 =	sadd.s32 $0x1000, s31;
	v6 =	vmul.f32 $1.024000000e+03, v13;
	v13 =	vld [tilespmem:s15+$0x0]  }
0xc0: {  	s18 =	sor.u32 s30, s17;
	v14 =	vmul.f32 $1.024000000e+03, v14;
	v12 =	vtrunc.f32 v12;
	[tilespmem:v5+s21+$0x0] =	vst.idx.add.f32.msk $0xffff, v1  }
0xc1: {  	v5 =	vtrunc.f32 v6;
	v6 =	vcvt.f32.s32 v12;
	v12 =	vld [tilespmem:s18+$0x0]  }
0xc2: {  	s2 =	sor.u32 s23, s2;
	v5 =	vcvt.f32.s32 v5;
	[tilespmem:v11+s21+$0x0] =	vst.idx.add.f32.msk $0xffff, v1  }
0xc3: {  	v11 =	vtrunc.f32 v14;
	v14 =	vld [tilespmem:s2+$0x0]  }
0xc4: {  	v11 =	vcvt.f32.s32 v11;
	v5 =	vadd.s32 $0x5000, v5;
	v13 =	vmul.f32 $1.024000000e+03, v13;
	_ =	sdelay $0x1  }
0xc5: {  	v15 =	vadd.s32 $0x2000, v11;
	v11 =	vld [tilespmem:s6+$0x13000];
	v13 =	vtrunc.f32 v13;
	v12 =	vmul.f32 $1.024000000e+03, v12  }
0xc6: {  	s20 =	sor.u32 s28, s26;
	[tilespmem:v6+s21+$0x0] =	vst.idx.add.f32.msk $0xffff, v1;
	v6 =	vcvt.f32.s32 v13  }
0xc7: {  	s2 =	sadd.s32 $0x5800, s11;
	v13 =	vld [tilespmem:s20+$0x0];
	v12 =	vtrunc.f32 v12;
	v14 =	vmul.f32 $1.024000000e+03, v14  }
0xc8: {  	s22 =	sor.u32 s10, s2;
	[tilespmem:v5+s21+$0x0] =	vst.idx.add.f32.msk $0xffff, v1;
	v5 =	vadd.s32 $0x3800, v6;
	v6 =	vcvt.f32.s32 v12  }
0xc9: {  	v12 =	vld [tilespmem:s22+$0x0];
	v14 =	vtrunc.f32 v14  }
0xca: {  	s3 =	sor.u32 s14, s3;
	[tilespmem:v15+s21+$0x0] =	vst.idx.add.f32.msk $0xffff, v1;
	v6 =	vadd.s32 $0x1000, v6;
	v14 =	vcvt.f32.s32 v14  }
0xcb: {  	v15 =	vld [tilespmem:s3+$0x0]  }
0xcc: {  	s6 =	sadd.s32 $0x4000, s8;
	v13 =	vmul.f32 $1.024000000e+03, v13;
	v14 =	vadd.s32 $0x4000, v14  }
0xcd: {  	s25 =	sor.u32 s19, s6;
	[tilespmem:v5+s21+$0x0] =	vst.idx.add.f32.msk $0xffff, v1  }
0xce: {  	s26 =	sadd.s32 $0x1800, s31;
	v5 =	vmul.f32 $1.024000000e+03, v12;
	v12 =	vtrunc.f32 v13;
	v13 =	vld [tilespmem:s25+$0x0]  }
0xcf: {  	s29 =	sor.u32 s30, s26;
	v12 =	vcvt.f32.s32 v12;
	[tilespmem:v6+s21+$0x0] =	vst.idx.add.f32.msk $0xffff, v1  }
0xd0: {  	v6 =	vmul.f32 $1.024000000e+03, v15;
	v5 =	vtrunc.f32 v5;
	v15 =	vld [tilespmem:s29+$0x0]  }
0xd1: {  	s5 =	sor.u32 s23, s5;
	v5 =	vcvt.f32.s32 v5;
	v12 =	vadd.s32 $0x800, v12;
	[tilespmem:v14+s21+$0x0] =	vst.idx.add.f32.msk $0xffff, v1  }
0xd2: {  	v6 =	vtrunc.f32 v6;
	v14 =	vld [tilespmem:s5+$0x0]  }
0xd3: {  	v6 =	vcvt.f32.s32 v6;
	v5 =	vadd.s32 $0x5800, v5;
	v13 =	vmul.f32 $1.024000000e+03, v13;
	_ =	sdelay $0x1  }
0xd4: {  	v6 =	vadd.s32 $0x2800, v6;
	v13 =	vtrunc.f32 v13;
	v15 =	vmul.f32 $1.024000000e+03, v15  }
0xd5: {  	s7 =	sor.u32 s28, s17;
	[tilespmem:v12+s21+$0x0] =	vst.idx.add.f32.msk $0xffff, v1;
	v12 =	vcvt.f32.s32 v13  }
0xd6: {  	s5 =	sadd.s32 $0x6000, s11;
	v13 =	vld [tilespmem:s7+$0x0];
	v15 =	vtrunc.f32 v15;
	v14 =	vmul.f32 $1.024000000e+03, v14  }
0xd7: {  	s15 =	sor.u32 s10, s5;
	[tilespmem:v5+s21+$0x0] =	vst.idx.add.f32.msk $0xffff, v1;
	v5 =	vadd.s32 $0x4000, v12;
	v12 =	vcvt.f32.s32 v15  }
0xd8: {  	v15 =	vld [tilespmem:s15+$0x0];
	v14 =	vtrunc.f32 v14  }
0xd9: {  	s0 =	sor.u32 s14, s0;
	[tilespmem:v6+s21+$0x0] =	vst.idx.add.f32.msk $0xffff, v1;
	v6 =	vadd.s32 $0x1800, v12;
	v12 =	vcvt.f32.s32 v14  }
0xda: {  	v14 =	vld [tilespmem:s0+$0x0]  }
0xdb: {  	s0 =	sadd.s32 $0x4800, s8;
	v13 =	vmul.f32 $1.024000000e+03, v13;
	v12 =	vadd.s32 $0x4800, v12  }
0xdc: {  	s16 =	sor.u32 s19, s0;
	[tilespmem:v5+s21+$0x0] =	vst.idx.add.f32.msk $0xffff, v1  }
0xdd: {  	s3 =	sadd.s32 $0x2000, s31;
	v5 =	vmul.f32 $1.024000000e+03, v15;
	v13 =	vtrunc.f32 v13;
	v15 =	vld [tilespmem:s16+$0x0]  }
0xde: {  	s17 =	sor.u32 s30, s3;
	v13 =	vcvt.f32.s32 v13;
	[tilespmem:v6+s21+$0x0] =	vst.idx.add.f32.msk $0xffff, v1  }
0xdf: {  	v6 =	vmul.f32 $1.024000000e+03, v14;
	v5 =	vtrunc.f32 v5;
	v14 =	vld [tilespmem:s17+$0x0]  }
0xe0: {  	s4 =	sor.u32 s23, s4;
	v5 =	vcvt.f32.s32 v5;
	v13 =	vadd.s32 $0x1000, v13;
	[tilespmem:v12+s21+$0x0] =	vst.idx.add.f32.msk $0xffff, v1  }
0xe1: {  	v6 =	vtrunc.f32 v6;
	v12 =	vld [tilespmem:s4+$0x0]  }
0xe2: {  	v6 =	vcvt.f32.s32 v6;
	v5 =	vadd.s32 $0x6000, v5;
	v15 =	vmul.f32 $1.024000000e+03, v15;
	_ =	sdelay $0x1  }
0xe3: {  	v6 =	vadd.s32 $0x3000, v6;
	v15 =	vtrunc.f32 v15;
	v14 =	vmul.f32 $1.024000000e+03, v14  }
0xe4: {  	s18 =	sor.u32 s28, s26;
	[tilespmem:v13+s21+$0x0] =	vst.idx.add.f32.msk $0xffff, v1;
	v13 =	vcvt.f32.s32 v15  }
0xe5: {  	s4 =	sadd.s32 $0x6800, s11;
	v15 =	vld [tilespmem:s18+$0x0];
	v14 =	vtrunc.f32 v14;
	v12 =	vmul.f32 $1.024000000e+03, v12  }
0xe6: {  	s20 =	sor.u32 s10, s4;
	[tilespmem:v5+s21+$0x0] =	vst.idx.add.f32.msk $0xffff, v1;
	v5 =	vadd.s32 $0x4800, v13;
	v13 =	vcvt.f32.s32 v14  }
0xe7: {  	v14 =	vld [tilespmem:s20+$0x0];
	v12 =	vtrunc.f32 v12  }
0xe8: {  	s1 =	sor.u32 s14, s1;
	[tilespmem:v6+s21+$0x0] =	vst.idx.add.f32.msk $0xffff, v1;
	v6 =	vadd.s32 $0x2000, v13;
	v12 =	vcvt.f32.s32 v12  }
0xe9: {  	v13 =	vld [tilespmem:s1+$0x0]  }
0xea: {  	s1 =	sadd.s32 $0x5000, s8;
	v15 =	vmul.f32 $1.024000000e+03, v15;
	v12 =	vadd.s32 $0x5000, v12  }
0xeb: {  	s22 =	sor.u32 s19, s1;
	[tilespmem:v5+s21+$0x0] =	vst.idx.add.f32.msk $0xffff, v1  }
0xec: {  	s15 =	sadd.s32 $0x2800, s31;
	v5 =	vmul.f32 $1.024000000e+03, v14;
	v14 =	vtrunc.f32 v15;
	v15 =	vld [tilespmem:s22+$0x0]  }
0xed: {  	s26 =	simm.s32 $0x60;
	s25 =	sor.u32 s30, s15;
	v14 =	vcvt.f32.s32 v14;
	[tilespmem:v6+s21+$0x0] =	vst.idx.add.f32.msk $0xffff, v1  }
0xee: {  	s2 =	sor.u32 s23, s2;
	s29 =	simm.s32 $0x300;
	s7 =	sand.u32 $0xE0, s26;
	v6 =	vmul.f32 $1.024000000e+03, v13;
	v5 =	vtrunc.f32 v5;
	v13 =	vld [tilespmem:s25+$0x0]  }
0xef: {  	s16 =	sand.u32 $0x400, s29;
	s17 =	simm.s32 $0x0;
	s20 =	sor.u32 $0x10, s7;
	v5 =	vcvt.f32.s32 v5;
	v14 =	vadd.s32 $0x1800, v14;
	[tilespmem:v12+s21+$0x0] =	vst.idx.add.f32.msk $0xffff, v1  }
0xf0: {  	s18 =	sor.u32 s17, s16;
	s17 =	sand.u32 $0x70, s20;
	v6 =	vtrunc.f32 v6;
	[dreg:$0x6] =	wrdreg s20  }
0xf1: {  	v6 =	vcvt.f32.s32 v6;
	v5 =	vadd.s32 $0x6800, v5;
	v15 =	vmul.f32 $1.024000000e+03, v15;
	s20 =	sor.u32 s18, s17;
	v12 =	vld [tilespmem:s2+$0x0]  }
0xf2: {  	v16 =	vld [tilespmem:s20+$0x0]  }
0xf3: {  	v6 =	vadd.s32 $0x3800, v6;
	v15 =	vtrunc.f32 v15;
	v13 =	vmul.f32 $1.024000000e+03, v13  }
0xf4: {  	s3 =	sor.u32 s28, s3;
	[tilespmem:v14+s21+$0x0] =	vst.idx.add.f32.msk $0xffff, v1;
	v14 =	vcvt.f32.s32 v15  }
0xf5: {  	s2 =	sadd.s32 $0x7000, s11;
	v15 =	vld [tilespmem:s3+$0x0];
	v13 =	vtrunc.f32 v13  }
0xf6: {  	s22 =	sor.u32 s10, s2;
	[tilespmem:v5+s21+$0x0] =	vst.idx.add.f32.msk $0xffff, v1;
	v5 =	vadd.s32 $0x5000, v14;
	v13 =	vcvt.f32.s32 v13  }
0xf7: {  	s3 =	sand.u32 $0x60, s26;
	v14 =	vld [tilespmem:s22+$0x0];
	v12 =	vmul.f32 $1.024000000e+03, v12;
	v16 =	vmul.f32 $1.024000000e+03, v16  }
0xf8: {  	s22 =	sor.u32 s3, s18;
	[tilespmem:v6+s21+$0x0] =	vst.idx.add.f32.msk $0xffff, v1  }
0xf9: {  	s6 =	sor.u32 s14, s6;
	v6 =	vadd.s32 $0x2800, v13;
	v12 =	vtrunc.f32 v12;
	v13 =	vld [tilespmem:s22+$0x0];
	v16 =	vtrunc.f32 v16  }
0xfa: {  	s12 =	sadd.s32 $0x5800, s8;
	v17 =	vld [tilespmem:s6+$0x0];
	v15 =	vmul.f32 $1.024000000e+03, v15;
	v16 =	vcvt.f32.s32 v16  }
0xfb: {  	s25 =	sor.u32 s19, s12;
	v12 =	vcvt.f32.s32 v12;
	[tilespmem:v5+s21+$0x0] =	vst.idx.add.f32.msk $0xffff, v1  }
0xfc: {  	v18 =	vld [tilespmem:s25+$0x0];
	v5 =	vtrunc.f32 v15  }
0xfd: {  	s18 =	sadd.s32 $0x3000, s31;
	v12 =	vadd.s32 $0x5800, v12;
	v15 =	vcvt.f32.s32 v5;
	v5 =	vld [tilespmem:s20+$0x13000]  }
0xfe: {  	s26 =	sor.u32 s30, s18;
	s6 =	sadd.s32 $0x0, s16;
	v14 =	vmul.f32 $1.024000000e+03, v14;
	[tilespmem:v6+s21+$0x0] =	vst.idx.add.f32.msk $0xffff, v1;
	v13 =	vmul.f32 $1.024000000e+03, v13  }
0xff: {  	s16 =	sadd.s32 $0x800, s6;
	v17 =	vmul.f32 $1.024000000e+03, v17;
	v6 =	vld [tilespmem:s26+$0x0]  }
0x100: {  	s29 =	sor.u32 s17, s16;
	v14 =	vtrunc.f32 v14;
	v15 =	vadd.s32 $0x2000, v15;
	v13 =	vtrunc.f32 v13;
	[tilespmem:v16+s21+$0x0] =	vst.idx.add.f32.msk $0xffff, v1  }
0x101: {  	v17 =	vtrunc.f32 v17;
	v16 =	vld [tilespmem:s29+$0x0];
	v13 =	vcvt.f32.s32 v13  }
0x102: {  	s5 =	sor.u32 s23, s5;
	v18 =	vmul.f32 $1.024000000e+03, v18;
	[tilespmem:v12+s21+$0x0] =	vst.idx.add.f32.msk $0xffff, v1;
	v12 =	vcvt.f32.s32 v14  }
0x103: {  	v17 =	vcvt.f32.s32 v17;
	v14 =	vld [tilespmem:s5+$0x0]  }
0x104: {  	v18 =	vtrunc.f32 v18;
	v19 =	vadd.s32 $0x7000, v12;
	v12 =	vld [tilespmem:s22+$0x13000];
	v6 =	vmul.f32 $1.024000000e+03, v6  }
0x105: {  	s15 =	sor.u32 s28, s15;
	[tilespmem:v15+s21+$0x0] =	vst.idx.add.f32.msk $0xffff, v1;
	v15 =	vcvt.f32.s32 v18  }
0x106: {  	v17 =	vadd.s32 $0x4000, v17;
	v18 =	vld [tilespmem:s15+$0x0];
	v6 =	vtrunc.f32 v6  }
0x107: {  	s16 =	sor.u32 s3, s16;
	v15 =	vadd.s32 $0x5800, v15;
	v6 =	vcvt.f32.s32 v6;
	[tilespmem:v13+s21+$0x0] =	vst.idx.add.f32.msk $0xffff, v1  }
0x108: {  	s15 =	sadd.s32 $0x7800, s11;
	v13 =	vmul.f32 $1.024000000e+03, v16;
	v16 =	vld [tilespmem:s16+$0x0]  }
0x109: {  	s20 =	sor.u32 s10, s15;
	v14 =	vmul.f32 $1.024000000e+03, v14;
	[tilespmem:v19+s21+$0x0] =	vst.idx.add.f32.msk $0xffff, v1;
	v6 =	vadd.s32 $0x3000, v6  }
0x10a: {  	v13 =	vtrunc.f32 v13;
	v19 =	vld [tilespmem:s20+$0x0]  }
0x10b: {  	s5 =	sadd.s32 $0x6000, s8;
	[tilespmem:v17+s21+$0x0] =	vst.idx.add.f32.msk $0xffff, v1;
	v14 =	vtrunc.f32 v14;
	v13 =	vcvt.f32.s32 v13  }
0x10c: {  	s22 =	sor.u32 s19, s5;
	v18 =	vmul.f32 $1.024000000e+03, v18;
	v14 =	vcvt.f32.s32 v14;
	[tilespmem:v15+s21+$0x0] =	vst.idx.add.f32.msk $0xffff, v1  }
0x10d: {  	v15 =	vld [tilespmem:s22+$0x0];
	v13 =	vadd.s32 $0x800, v13  }
0x10e: {  	s0 =	sor.u32 s14, s0;
	s16 =	sadd.s32 $0x3800, s31;
	v18 =	vtrunc.f32 v18;
	v14 =	vadd.s32 $0x6000, v14;
	v16 =	vmul.f32 $1.024000000e+03, v16;
	[tilespmem:v6+s21+$0x0] =	vst.idx.add.f32.msk $0xffff, v1  }
0x10f: {  	s25 =	sor.u32 s30, s16;
	v18 =	vcvt.f32.s32 v18;
	v17 =	vmul.f32 $1.024000000e+03, v19;
	v19 =	vld [tilespmem:s0+$0x0]  }
0x110: {  	v6 =	vld [tilespmem:s25+$0x0];
	v16 =	vtrunc.f32 v16  }
0x111: {  	v18 =	vadd.s32 $0x2800, v18;
	v16 =	vcvt.f32.s32 v16  }
0x112: {  	s26 =	sadd.s32 $0x1000, s6;
	v17 =	vtrunc.f32 v17;
	v15 =	vmul.f32 $1.024000000e+03, v15;
	[tilespmem:v13+s21+$0x0] =	vst.idx.add.f32.msk $0xffff, v1  }
0x113: {  	s29 =	sor.u32 s17, s26;
	v17 =	vcvt.f32.s32 v17;
	[tilespmem:v14+s21+$0x0] =	vst.idx.add.f32.msk $0xffff, v1;
	v16 =	vadd.s32 $0x800, v16  }
0x114: {  	s4 =	sor.u32 s23, s4;
	v13 =	vld [tilespmem:s29+$0x0];
	v14 =	vtrunc.f32 v15;
	v19 =	vmul.f32 $1.024000000e+03, v19  }
0x115: {  	v15 =	vld [tilespmem:s4+$0x0];
	v17 =	vadd.s32 $0x7800, v17;
	v6 =	vmul.f32 $1.024000000e+03, v6;
	v14 =	vcvt.f32.s32 v14  }
0x116: {  	s18 =	sor.u32 s28, s18;
	[tilespmem:v18+s21+$0x0] =	vst.idx.add.f32.msk $0xffff, v1;
	v19 =	vtrunc.f32 v19  }
0x117: {  	v18 =	vld [tilespmem:s18+$0x0];
	v6 =	vtrunc.f32 v6;
	v14 =	vadd.s32 $0x6000, v14;
	v19 =	vcvt.f32.s32 v19  }
0x118: {  	s0 =	sor.u32 s3, s26;
	v6 =	vcvt.f32.s32 v6;
	[tilespmem:v16+s21+$0x0] =	vst.idx.add.f32.msk $0xffff, v1  }
0x119: {  	v13 =	vmul.f32 $1.024000000e+03, v13;
	v16 =	vld [tilespmem:s0+$0x0];
	s0 =	sadd.s32 $0x8000, s11;
	v19 =	vadd.s32 $0x4800, v19  }
0x11a: {  	[tilespmem:v17+s21+$0x0] =	vst.idx.add.f32.msk $0xffff, v1;
	v6 =	vadd.s32 $0x3800, v6;
	s20 =	sor.u32 s10, s0  }
0x11b: {  	s4 =	sadd.s32 $0x6800, s8;
	v15 =	vmul.f32 $1.024000000e+03, v15;
	v13 =	vtrunc.f32 v13;
	v17 =	vld [tilespmem:s20+$0x0]  }
0x11c: {  	s22 =	sor.u32 s19, s4;
	v13 =	vcvt.f32.s32 v13;
	[tilespmem:v14+s21+$0x0] =	vst.idx.add.f32.msk $0xffff, v1  }
0x11d: {  	v15 =	vtrunc.f32 v15;
	v18 =	vmul.f32 $1.024000000e+03, v18;
	v14 =	vld [tilespmem:s22+$0x0]  }
0x11e: {  	v15 =	vcvt.f32.s32 v15;
	v13 =	vadd.s32 $0x1000, v13;
	[tilespmem:v19+s21+$0x0] =	vst.idx.add.f32.msk $0xffff, v1  }
0x11f: {  	s1 =	sor.u32 s14, s1;
	s20 =	sadd.s32 $0x4000, s31;
	v18 =	vtrunc.f32 v18;
	v16 =	vmul.f32 $1.024000000e+03, v16;
	[tilespmem:v6+s21+$0x0] =	vst.idx.add.f32.msk $0xffff, v1  }
0x120: {  	s25 =	sor.u32 s30, s20;
	v15 =	vadd.s32 $0x6800, v15;
	v18 =	vcvt.f32.s32 v18;
	v19 =	vld [tilespmem:s1+$0x0]  }
0x121: {  	v6 =	vld [tilespmem:s25+$0x0];
	v17 =	vmul.f32 $1.024000000e+03, v17;
	v16 =	vtrunc.f32 v16  }
0x122: {  	s26 =	sadd.s32 $0x1800, s6;
	v18 =	vadd.s32 $0x3000, v18;
	v16 =	vcvt.f32.s32 v16  }
0x123: {  	s29 =	sor.u32 s17, s26;
	v17 =	vtrunc.f32 v17;
	v14 =	vmul.f32 $1.024000000e+03, v14;
	[tilespmem:v13+s21+$0x0] =	vst.idx.add.f32.msk $0xffff, v1  }
0x124: {  	v13 =	vld [tilespmem:s29+$0x0];
	v17 =	vcvt.f32.s32 v17;
	v16 =	vadd.s32 $0x1000, v16  }
0x125: {  	s2 =	sor.u32 s23, s2;
	[tilespmem:v15+s21+$0x0] =	vst.idx.add.f32.msk $0xffff, v1;
	v14 =	vtrunc.f32 v14;
	v19 =	vmul.f32 $1.024000000e+03, v19  }
0x126: {  	v15 =	vld [tilespmem:s2+$0x0];
	v6 =	vmul.f32 $1.024000000e+03, v6;
	v17 =	vadd.s32 $0x8000, v17;
	v14 =	vcvt.f32.s32 v14  }
0x127: {  	s16 =	sor.u32 s28, s16;
	[tilespmem:v18+s21+$0x0] =	vst.idx.add.f32.msk $0xffff, v1;
	v19 =	vtrunc.f32 v19  }
0x128: {  	v18 =	vld [tilespmem:s16+$0x0];
	v6 =	vtrunc.f32 v6;
	v14 =	vadd.s32 $0x6800, v14;
	v19 =	vcvt.f32.s32 v19  }
0x129: {  	s1 =	sor.u32 s3, s26;
	v6 =	vcvt.f32.s32 v6;
	[tilespmem:v16+s21+$0x0] =	vst.idx.add.f32.msk $0xffff, v1  }
0x12a: {  	v13 =	vmul.f32 $1.024000000e+03, v13;
	v16 =	vld [tilespmem:s1+$0x0];
	s1 =	sadd.s32 $0x8800, s11;
	v19 =	vadd.s32 $0x5000, v19  }
0x12b: {  	v6 =	vadd.s32 $0x4000, v6;
	[tilespmem:v17+s21+$0x0] =	vst.idx.add.f32.msk $0xffff, v1;
	s18 =	sor.u32 s10, s1  }
0x12c: {  	s2 =	sadd.s32 $0x7000, s8;
	v15 =	vmul.f32 $1.024000000e+03, v15;
	v13 =	vtrunc.f32 v13;
	v17 =	vld [tilespmem:s18+$0x0]  }
0x12d: {  	s22 =	sor.u32 s19, s2;
	v13 =	vcvt.f32.s32 v13;
	[tilespmem:v14+s21+$0x0] =	vst.idx.add.f32.msk $0xffff, v1  }
0x12e: {  	v15 =	vtrunc.f32 v15;
	v18 =	vmul.f32 $1.024000000e+03, v18;
	v14 =	vld [tilespmem:s22+$0x0]  }
0x12f: {  	v15 =	vcvt.f32.s32 v15;
	v13 =	vadd.s32 $0x1800, v13;
	[tilespmem:v19+s21+$0x0] =	vst.idx.add.f32.msk $0xffff, v1  }
0x130: {  	s12 =	sor.u32 s14, s12;
	s18 =	sadd.s32 $0x4800, s31;
	v18 =	vtrunc.f32 v18;
	v16 =	vmul.f32 $1.024000000e+03, v16;
	[tilespmem:v6+s21+$0x0] =	vst.idx.add.f32.msk $0xffff, v1  }
0x131: {  	s25 =	sor.u32 s30, s18;
	v15 =	vadd.s32 $0x7000, v15;
	v18 =	vcvt.f32.s32 v18;
	v19 =	vld [tilespmem:s12+$0x0]  }
0x132: {  	v6 =	vld [tilespmem:s25+$0x0];
	v17 =	vmul.f32 $1.024000000e+03, v17;
	v16 =	vtrunc.f32 v16  }
0x133: {  	s26 =	sadd.s32 $0x2000, s6;
	v18 =	vadd.s32 $0x3800, v18;
	v16 =	vcvt.f32.s32 v16  }
0x134: {  	s29 =	sor.u32 s17, s26;
	v17 =	vtrunc.f32 v17;
	v14 =	vmul.f32 $1.024000000e+03, v14;
	[tilespmem:v13+s21+$0x0] =	vst.idx.add.f32.msk $0xffff, v1  }
0x135: {  	v13 =	vld [tilespmem:s29+$0x0];
	v17 =	vcvt.f32.s32 v17;
	v16 =	vadd.s32 $0x1800, v16  }
0x136: {  	s15 =	sor.u32 s23, s15;
	[tilespmem:v15+s21+$0x0] =	vst.idx.add.f32.msk $0xffff, v1;
	v14 =	vtrunc.f32 v14;
	v19 =	vmul.f32 $1.024000000e+03, v19  }
0x137: {  	v15 =	vld [tilespmem:s15+$0x0];
	v6 =	vmul.f32 $1.024000000e+03, v6;
	v17 =	vadd.s32 $0x8800, v17;
	v14 =	vcvt.f32.s32 v14  }
0x138: {  	s16 =	sor.u32 s28, s20;
	[tilespmem:v18+s21+$0x0] =	vst.idx.add.f32.msk $0xffff, v1;
	v19 =	vtrunc.f32 v19  }
0x139: {  	v18 =	vld [tilespmem:s16+$0x0];
	v6 =	vtrunc.f32 v6;
	v14 =	vadd.s32 $0x7000, v14;
	v19 =	vcvt.f32.s32 v19  }
0x13a: {  	s12 =	sor.u32 s3, s26;
	v6 =	vcvt.f32.s32 v6;
	[tilespmem:v16+s21+$0x0] =	vst.idx.add.f32.msk $0xffff, v1;
	v13 =	vmul.f32 $1.024000000e+03, v13  }
0x13b: {  	s26 =	sadd.s32 $0x9000, s11;
	v16 =	vld [tilespmem:s12+$0x0];
	v19 =	vadd.s32 $0x5800, v19  }
0x13c: {  	s10 =	sor.u32 s10, s26;
	v15 =	vmul.f32 $1.024000000e+03, v15;
	v6 =	vadd.s32 $0x4800, v6;
	[tilespmem:v17+s21+$0x0] =	vst.idx.add.f32.msk $0xffff, v1;
	v13 =	vtrunc.f32 v13  }
0x13d: {  	s22 =	sadd.s32 $0x7800, s8;
	v17 =	vld [tilespmem:s10+$0x0];
	v13 =	vcvt.f32.s32 v13  }
0x13e: {  	s20 =	sor.u32 s19, s22;
	v15 =	vtrunc.f32 v15;
	v18 =	vmul.f32 $1.024000000e+03, v18;
	[tilespmem:v14+s21+$0x0] =	vst.idx.add.f32.msk $0xffff, v1  }
0x13f: {  	v15 =	vcvt.f32.s32 v15;
	v14 =	vld [tilespmem:s20+$0x0];
	v13 =	vadd.s32 $0x2000, v13  }
0x140: {  	v18 =	vtrunc.f32 v18;
	[tilespmem:v19+s21+$0x0] =	vst.idx.add.f32.msk $0xffff, v1  }
0x141: {  	s5 =	sor.u32 s14, s5;
	s29 =	sadd.s32 $0x5000, s31;
	v15 =	vadd.s32 $0x7800, v15;
	v18 =	vcvt.f32.s32 v18;
	[tilespmem:v6+s21+$0x0] =	vst.idx.add.f32.msk $0xffff, v1  }
0x142: {  	s25 =	sor.u32 s30, s29;
	v16 =	vmul.f32 $1.024000000e+03, v16;
	v19 =	vld [tilespmem:s5+$0x0]  }
0x143: {  	s5 =	sadd.s32 $0x2800, s6;
	v6 =	vld [tilespmem:s25+$0x0];
	v18 =	vadd.s32 $0x4000, v18  }
0x144: {  	v16 =	vtrunc.f32 v16;
	s11 =	sor.u32 s17, s5;
	[tilespmem:v13+s21+$0x0] =	vst.idx.add.f32.msk $0xffff, v1  }
0x145: {  	v17 =	vmul.f32 $1.024000000e+03, v17;
	v16 =	vcvt.f32.s32 v16;
	v13 =	vld [tilespmem:s11+$0x0]  }
0x146: {  	s0 =	sor.u32 s23, s0;
	s15 =	simm.s32 $0x80;
	[tilespmem:v15+s21+$0x0] =	vst.idx.add.f32.msk $0xffff, v1  }
0x147: {  	s16 =	simm.s32 $0x400;
	s12 =	simm.s32 $0x0;
	s25 =	sand.u32 $0xE0, s15;
	v14 =	vmul.f32 $1.024000000e+03, v14;
	v17 =	vtrunc.f32 v17;
	v15 =	vadd.s32 $0x2000, v16;
	v16 =	vld [tilespmem:s0+$0x0]  }
0x148: {  	s20 =	sor.u32 s28, s18;
	s11 =	sor.u32 $0x10, s25;
	v17 =	vcvt.f32.s32 v17;
	s0 =	sand.u32 $0x400, s16;
	[tilespmem:v18+s21+$0x0] =	vst.idx.add.f32.msk $0xffff, v1  }
0x149: {  	v14 =	vtrunc.f32 v14;
	v6 =	vmul.f32 $1.024000000e+03, v6;
	s10 =	sor.u32 s12, s0;
	s12 =	sand.u32 $0x70, s11;
	[dreg:$0x8] =	wrdreg s11  }
0x14a: {  	v14 =	vcvt.f32.s32 v14;
	v18 =	vmul.f32 $1.024000000e+03, v19;
	v20 =	vld [tilespmem:s20+$0x0];
	s20 =	sor.u32 s10, s12  }
0x14b: {  	v17 =	vadd.s32 $0x9000, v17;
	s11 =	sand.u32 $0x60, s15;
	v6 =	vtrunc.f32 v6;
	v19 =	vld [tilespmem:s20+$0x0]  }
0x14c: {  	v14 =	vadd.s32 $0x7800, v14;
	v18 =	vtrunc.f32 v18;
	s10 =	sor.u32 s11, s10;
	v6 =	vcvt.f32.s32 v6;
	[tilespmem:v15+s21+$0x0] =	vst.idx.add.f32.msk $0xffff, v1  }
0x14d: {  	s5 =	sor.u32 s3, s5;
	v13 =	vmul.f32 $1.024000000e+03, v13;
	v15 =	vcvt.f32.s32 v18;
	v21 =	vld [tilespmem:s10+$0x0]  }
0x14e: {  	v22 =	vld [tilespmem:s5+$0x0];
	v6 =	vadd.s32 $0x5000, v6  }
0x14f: {  	v18 =	vld [tilespmem:s10+$0x13000];
	v13 =	vtrunc.f32 v13;
	v15 =	vadd.s32 $0x6000, v15  }
0x150: {  	s18 =	simm.s32 $0x0;
	s10 =	sadd.s32 $0x8000, s8;
	[tilespmem:v17+s21+$0x0] =	vst.idx.add.f32.msk $0xffff, v1;
	v13 =	vcvt.f32.s32 v13  }
0x151: {  	v23 =	vmov s18;
	s18 =	sor.u32 s19, s10;
	[tilespmem:v14+s21+$0x0] =	vst.idx.add.f32.msk $0xffff, v1;
	v19 =	vmul.f32 $1.024000000e+03, v19  }
0x152: {  	v14 =	vld [tilespmem:s18+$0x0];
	v25 =	vadd.s32 $0x2800, v13;
	v21 =	vmul.f32 $1.024000000e+03, v21  }
0x153: {  	v24 =	vmov s13;
	s18 =	sadd.s32 $0x5800, s31;
	v19 =	vtrunc.f32 v19;
	[tilespmem:v6+s21+$0x0] =	vst.idx.add.f32.msk $0xffff, v1;
	v6 =	vmul.f32 $1.024000000e+03, v22  }
0x154: {  	v24 =	vshll.u32 v24, $0x3;
	s5 =	sor.u32 s30, s18;
	[tilespmem:v15+s21+$0x0] =	vst.idx.add.f32.msk $0xffff, v1;
	v15 =	vtrunc.f32 v21;
	v19 =	vcvt.f32.s32 v19  }
0x155: {  	s4 =	sor.u32 s14, s4;
	v23 =	vshll.u32 v23, $0x7;
	v20 =	vmul.f32 $1.024000000e+03, v20;
	v26 =	vld [tilespmem:s5+$0x0];
	v15 =	vcvt.f32.s32 v15  }
0x156: {  	v10 =	vshll.u32 v10, $0xB;
	v13 =	vand.u32 $0x380, v23;
	v21 =	vld [tilespmem:s4+$0x0];
	s4 =	sadd.s32 $0x3000, s6;
	v6 =	vtrunc.f32 v6  }
0x157: {  	v20 =	vtrunc.f32 v20;
	v22 =	vand.u32 $0x400, v24;
	s5 =	sor.u32 s17, s4;
	v23 =	vcvt.f32.s32 v6;
	[tilespmem:v25+s21+$0x0] =	vst.idx.add.f32.msk $0xffff, v1  }
0x158: {  	v20 =	vcvt.f32.s32 v20;
	v22 =	vor.u32 v13, v22;
	v14 =	vmul.f32 $1.024000000e+03, v14;
	v25 =	vld [tilespmem:s5+$0x0]  }
0x159: {  	v24 =	vor.u32 s13, v2;
	s13 =	sadd.s32 $0x0, s0;
	v22 =	vbroadcast v22, $0x0;
	v6 =	vld [tilespmem:s20+$0x13000];
	v23 =	vadd.s32 $0x2800, v23  }
0x15a: {  	v24 =	vand.u32 $0x7F, v24;
	s0 =	sadd.s32 $0x800, s13;
	v20 =	vadd.s32 $0x4800, v20;
	v14 =	vtrunc.f32 v14;
	[tilespmem:v19+s21+$0x0] =	vst.idx.add.f32.msk $0xffff, v1  }
0x15b: {  	s20 =	sor.u32 s12, s0;
	v22 =	vor.u32 v24, v22;
	v26 =	vmul.f32 $1.024000000e+03, v26;
	v14 =	vcvt.f32.s32 v14;
	[tilespmem:v15+s21+$0x0] =	vst.idx.add.f32.msk $0xffff, v1  }
0x15c: {  	s0 =	sor.u32 s11, s0;
	v22 =	vor.u32 v10, v22;
	v19 =	vld [tilespmem:s20+$0x0]  }
0x15d: {  	v24 =	vtrunc.f32 v26;
	v15 =	vld [tilespmem:s0+$0x0];
	v14 =	vadd.s32 $0x8000, v14;
	v25 =	vmul.f32 $1.024000000e+03, v25  }
0x15e: {  	s20 =	sor.u32 s3, s4;
	v24 =	vcvt.f32.s32 v24;
	[tilespmem:v23+s21+$0x0] =	vst.idx.add.f32.msk $0xffff, v1  }
0x15f: {  	v16 =	vmul.f32 $1.024000000e+03, v16;
	v23 =	vld [tilespmem:s20+$0x0];
	v17 =	vtrunc.f32 v25  }
0x160: {  	v24 =	vadd.s32 $0x5800, v24;
	s20 =	simm.s32 $0x0;
	s4 =	rddreg [dreg:$0x19];
	[tilespmem:v20+s21+$0x0] =	vst.idx.add.f32.msk $0xffff, v1;
	v17 =	vcvt.f32.s32 v17  }
0x161: {  	v16 =	vtrunc.f32 v16;
	v22 =	vld.idx.msk [tilespmem:v22+s20+$0x0], $0xffff;
	v25 =	vmov s4;
	v19 =	vmul.f32 $1.024000000e+03, v19  }
0x162: {  	s29 =	sor.u32 s28, s29;
	s5 =	sadd.s32 $0x8800, s8;
	[tilespmem:v14+s21+$0x0] =	vst.idx.add.f32.msk $0xffff, v1;
	v14 =	vcvt.f32.s32 v16;
	v16 =	vmul.f32 $1.024000000e+03, v21;
	v17 =	vadd.s32 $0x3000, v17  }
0x163: {  	s0 =	sor.u32 s19, s5;
	v26 =	vor.u32 s4, v2;
	v20 =	vld [tilespmem:s29+$0x0];
	v15 =	vmul.f32 $1.024000000e+03, v15;
	v19 =	vtrunc.f32 v19  }
0x164: {  	s4 =	sadd.s32 $0x6000, s31;
	v27 =	vld [tilespmem:s0+$0x0];
	v29 =	vadd.s32 $0x8000, v14;
	v16 =	vtrunc.f32 v16;
	v19 =	vcvt.f32.s32 v19  }
0x165: {  	v28 =	vmov s24;
	v21 =	vor.u32 s24, v2;
	s0 =	sor.u32 s30, s4;
	[tilespmem:v24+s21+$0x0] =	vst.idx.add.f32.msk $0xffff, v1;
	v30 =	vcvt.f32.s32 v16  }
0x166: {  	v15 =	vtrunc.f32 v15;
	v23 =	vmul.f32 $1.024000000e+03, v23;
	v24 =	vld [tilespmem:s0+$0x0];
	s0 =	sadd.s32 $0x3800, s6;
	v19 =	vadd.s32 $0x800, v19  }
0x167: {  	v15 =	vcvt.f32.s32 v15;
	v22 =	vmul.f32 $1.024000000e+03, v22;
	s24 =	sor.u32 s17, s0;
	v30 =	vadd.s32 $0x6800, v30;
	[tilespmem:v17+s21+$0x0] =	vst.idx.add.f32.msk $0xffff, v1  }
0x168: {  	v28 =	vshll.u32 v28, $0x3;
	v20 =	vmul.f32 $1.024000000e+03, v20;
	v23 =	vtrunc.f32 v23;
	v17 =	vld [tilespmem:s24+$0x0]  }
0x169: {  	s1 =	sor.u32 s23, s1;
	s29 =	simm.s32 $0x0;
	v32 =	vadd.s32 $0x800, v15;
	v22 =	vtrunc.f32 v22;
	v27 =	vmul.f32 $1.024000000e+03, v27;
	[tilespmem:v29+s21+$0x0] =	vst.idx.add.f32.msk $0xffff, v1  }
0x16a: {  	v31 =	vmov s29;
	v15 =	vcvt.f32.s32 v23;
	v20 =	vtrunc.f32 v20;
	v29 =	vld [tilespmem:s1+$0x0]  }
0x16b: {  	v23 =	vshll.u32 v25, $0x3;
	v22 =	vcvt.f32.s32 v22;
	s24 =	sadd.s32 $0x1000, s13;
	v25 =	vtrunc.f32 v27;
	[tilespmem:v19+s21+$0x0] =	vst.idx.add.f32.msk $0xffff, v1  }
0x16c: {  	s29 =	sor.u32 s12, s24;
	v33 =	vadd.s32 $0x3000, v15;
	v24 =	vmul.f32 $1.024000000e+03, v24;
	v15 =	vcvt.f32.s32 v25;
	[tilespmem:v30+s21+$0x0] =	vst.idx.add.f32.msk $0xffff, v1  }
0x16d: {  	v47 =	vshll.u32 v8, $0xB;
	v14 =	vmov s9;
	v20 =	vcvt.f32.s32 v20;
	v19 =	vld [tilespmem:s29+$0x0]  }
0x16e: {  	s2 =	sor.u32 s14, s2;
	v27 =	vxor.u32 $0x7FF, v22;
	[tilespmem:v32+s21+$0x0] =	vst.idx.add.f32.msk $0xffff, v1;
	v24 =	vtrunc.f32 v24;
	v34 =	vadd.s32 $0x8800, v15  }
0x16f: {  	s1 =	sor.u32 s11, s24;
	v20 =	vadd.s32 $0x5000, v20;
	v30 =	vld [tilespmem:s2+$0x0];
	v17 =	vmul.f32 $1.024000000e+03, v17;
	v24 =	vcvt.f32.s32 v24  }
0x170: {  	v16 =	vor.u32 s9, v2;
	v25 =	vand.u32 $0xFFFFFF80, v27;
	v15 =	vand.u32 $0x6F, v26;
	v26 =	vld [tilespmem:s1+$0x0]  }
0x171: {  	s0 =	sor.u32 s3, s0;
	v27 =	vand.u32 $0x7F, v27;
	[tilespmem:v33+s21+$0x0] =	vst.idx.add.f32.msk $0xffff, v1;
	v17 =	vtrunc.f32 v17;
	v24 =	vadd.s32 $0x6000, v24  }
0x172: {  	v25 =	vadd.s32 v10, v25;
	v37 =	vld [tilespmem:s0+$0x0];
	v17 =	vcvt.f32.s32 v17;
	v19 =	vmul.f32 $1.024000000e+03, v19  }
0x173: {  	v22 =	vadd.s32 v22, v10;
	s1 =	sadd.s32 $0x9000, s8;
	v25 =	vor.u32 v27, v25;
	v27 =	vmul.f32 $1.024000000e+03, v29;
	[tilespmem:v34+s21+$0x0] =	vst.idx.add.f32.msk $0xffff, v1  }
0x174: {  	s9 =	sor.u32 s19, s1;
	v17 =	vadd.s32 $0x3800, v17;
	s19 =	rddreg [dreg:$0x17];
	[tilespmem:v20+s21+$0x0] =	vst.idx.add.f32.msk $0xffff, v1;
	v20 =	vshll.u32 v31, $0x7;
	v10 =	vtrunc.f32 v19  }
0x175: {  	s0 =	sadd.s32 $0x6800, s31;
	v38 =	vld [tilespmem:s9+$0x0];
	v19 =	vcvt.f32.s32 v10;
	v10 =	vshll.u32 v7, $0xB;
	v7 =	vtrunc.f32 v27  }
0x176: {  	s24 =	sor.u32 s30, s0;
	v39 =	vmov s19;
	[tilespmem:v24+s21+$0x0] =	vst.idx.add.f32.msk $0xffff, v1;
	v27 =	vmul.f32 $1.024000000e+03, v30;
	v7 =	vcvt.f32.s32 v7  }
0x177: {  	v24 =	vld [tilespmem:s24+$0x0];
	v41 =	vadd.s32 $0x1000, v19;
	v19 =	vand.u32 $0x6F, v21;
	v21 =	vmul.f32 $1.024000000e+03, v26  }
0x178: {  	s9 =	sor.u32 s28, s18;
	[tilespmem:v22+s21+$0x0] =	vst.idx.add.f32.msk $0xffff, v3;
	v42 =	vadd.s32 $0x8800, v7;
	v7 =	vtrunc.f32 v27;
	v27 =	vshll.u32 v39, $0x3  }
0x179: {  	s2 =	sadd.s32 $0x4000, s6;
	v43 =	vld [tilespmem:s9+$0x0];
	v20 =	vand.u32 $0x380, v20;
	v21 =	vtrunc.f32 v21;
	v27 =	vand.u32 $0x400, v27  }
0x17a: {  	s29 =	sor.u32 s17, s2;
	[tilespmem:v17+s21+$0x0] =	vst.idx.add.f32.msk $0xffff, v1;
	v44 =	vcvt.f32.s32 v7;
	v21 =	vcvt.f32.s32 v21;
	v7 =	vor.u32 v20, v27  }
0x17b: {  	v51 =	vor.u32 s7, v2;
	v29 =	vmul.f32 $1.024000000e+03, v38;
	v26 =	vld [tilespmem:s29+$0x0];
	v46 =	vbroadcast v7, $0x0  }
0x17c: {  	s18 =	sadd.s32 $0x1800, s13;
	[tilespmem:v25+s21+$0x0] =	vst.idx.add.f32.msk $0xffff, v1;
	v7 =	vshll.u32 v9, $0xB;
	v9 =	vmul.f32 $1.024000000e+03, v24;
	v21 =	vadd.s32 $0x1000, v21  }
0x17d: {  	v48 =	vshll.u32 v14, $0x3;
	v40 =	vor.u32 s19, v2;
	s19 =	sor.u32 s12, s18;
	v22 =	vtrunc.f32 v29;
	[tilespmem:v41+s21+$0x0] =	vst.idx.add.f32.msk $0xffff, v1  }
0x17e: {  	v24 =	vadd.s32 $0x7000, v44;
	v22 =	vcvt.f32.s32 v22;
	v27 =	vld [tilespmem:s19+$0x0];
	v9 =	vtrunc.f32 v9  }
0x17f: {  	s23 =	sor.u32 s23, s26;
	v45 =	vmul.f32 $1.024000000e+03, v37;
	v25 =	vand.u32 $0x7F, v40;
	[tilespmem:v42+s21+$0x0] =	vst.idx.add.f32.msk $0xffff, v1;
	v9 =	vcvt.f32.s32 v9  }
0x180: {  	v8 =	vor.u32 v25, v46;
	v22 =	vadd.s32 $0x9000, v22;
	v25 =	vld [tilespmem:s23+$0x0];
	v26 =	vmul.f32 $1.024000000e+03, v26  }
0x181: {  	v23 =	vand.u32 $0x400, v23;
	s8 =	sor.u32 s11, s18;
	v14 =	vtrunc.f32 v45;
	v9 =	vadd.s32 $0x6800, v9;
	[tilespmem:v21+s21+$0x0] =	vst.idx.add.f32.msk $0xffff, v1  }
0x182: {  	v26 =	vtrunc.f32 v26;
	v21 =	vor.u32 v47, v8;
	v8 =	vcvt.f32.s32 v14;
	v49 =	vld [tilespmem:s8+$0x0]  }
0x183: {  	v13 =	vor.u32 v13, v23;
	s24 =	sor.u32 s14, s22;
	v31 =	vmul.f32 $1.024000000e+03, v43;
	[tilespmem:v24+s21+$0x0] =	vst.idx.add.f32.msk $0xffff, v1;
	v26 =	vcvt.f32.s32 v26  }
0x184: {  	v52 =	vbroadcast v13, $0x0;
	v50 =	vld [tilespmem:s24+$0x0];
	v27 =	vmul.f32 $1.024000000e+03, v27;
	v24 =	vadd.s32 $0x3800, v8  }
0x185: {  	[tilespmem:v22+s21+$0x0] =	vst.idx.add.f32.msk $0xffff, v1;
	v8 =	vshll.u32 v11, $0xB;
	v11 =	vtrunc.f32 v31;
	v26 =	vadd.s32 $0x4000, v26  }
0x186: {  	v60 =	vmov s25;
	s18 =	sadd.s32 $0x7000, s31;
	v11 =	vcvt.f32.s32 v11;
	v27 =	vtrunc.f32 v27;
	[tilespmem:v9+s21+$0x0] =	vst.idx.add.f32.msk $0xffff, v1  }
0x187: {  	s26 =	sor.u32 s30, s18;
	v22 =	vmov s7;
	v27 =	vcvt.f32.s32 v27;
	v21 =	vld.idx.msk [tilespmem:v21+s20+$0x0], $0xffff;
	v30 =	vmul.f32 $1.024000000e+03, v49  }
0x188: {  	v15 =	vor.u32 v15, v52;
	v9 =	vshll.u32 v22, $0x3;
	v22 =	vadd.s32 $0x5800, v11;
	v23 =	vld [tilespmem:s26+$0x0]  }
0x189: {  	s22 =	sadd.s32 $0x4800, s6;
	v27 =	vadd.s32 $0x1800, v27;
	[tilespmem:v24+s21+$0x0] =	vst.idx.add.f32.msk $0xffff, v1;
	v24 =	vmul.f32 $1.024000000e+03, v50;
	v30 =	vtrunc.f32 v30  }
0x18a: {  	v61 =	vor.u32 s25, v2;
	v15 =	vor.u32 v10, v15;
	s29 =	sor.u32 s17, s22;
	[tilespmem:v26+s21+$0x0] =	vst.idx.add.f32.msk $0xffff, v1;
	v30 =	vcvt.f32.s32 v30  }
0x18b: {  	s2 =	sor.u32 s3, s2;
	v25 =	vmul.f32 $1.024000000e+03, v25;
	v13 =	vand.u32 $0x400, v9;
	v26 =	vld [tilespmem:s29+$0x0];
	v9 =	vtrunc.f32 v24  }
0x18c: {  	v53 =	vld [tilespmem:s2+$0x0];
	v54 =	vcvt.f32.s32 v9;
	v21 =	vmul.f32 $1.024000000e+03, v21;
	v24 =	vadd.s32 $0x1800, v30  }
0x18d: {  	s8 =	sadd.s32 $0x2000, s13;
	v9 =	vshll.u32 v12, $0xB;
	v12 =	vtrunc.f32 v25;
	[tilespmem:v22+s21+$0x0] =	vst.idx.add.f32.msk $0xffff, v1;
	v22 =	vmul.f32 $1.024000000e+03, v23  }
0x18e: {  	s9 =	sor.u32 s12, s8;
	v12 =	vcvt.f32.s32 v12;
	[tilespmem:v27+s21+$0x0] =	vst.idx.add.f32.msk $0xffff, v1;
	v23 =	vadd.s32 $0x7800, v54;
	v21 =	vtrunc.f32 v21  }
0x18f: {  	s4 =	sor.u32 s28, s4;
	v17 =	vand.u32 $0x400, v28;
	v25 =	vld [tilespmem:s9+$0x0];
	v22 =	vtrunc.f32 v22;
	v21 =	vcvt.f32.s32 v21  }
0x190: {  	v27 =	vld [tilespmem:s4+$0x0];
	v12 =	vadd.s32 $0x9000, v12;
	v26 =	vmul.f32 $1.024000000e+03, v26;
	v22 =	vcvt.f32.s32 v22  }
0x191: {  	v28 =	vshll.u32 v60, $0x3;
	v17 =	vor.u32 v20, v17;
	s2 =	sor.u32 s11, s8;
	v55 =	vxor.u32 $0x7FF, v21;
	[tilespmem:v24+s21+$0x0] =	vst.idx.add.f32.msk $0xffff, v1  }
0x192: {  	v26 =	vtrunc.f32 v26;
	v22 =	vadd.s32 $0x7000, v22;
	v21 =	vadd.s32 v21, v47;
	v56 =	vld [tilespmem:s2+$0x0]  }
0x193: {  	s19 =	sor.u32 s14, s10;
	v24 =	vmul.f32 $1.024000000e+03, v53;
	v57 =	vand.u32 $0xFFFFFF80, v55;
	v58 =	vand.u32 $0x7F, v55;
	[tilespmem:v23+s21+$0x0] =	vst.idx.add.f32.msk $0xffff, v1  }
0x194: {  	v26 =	vcvt.f32.s32 v26;
	v23 =	vadd.s32 v47, v57;
	v25 =	vmul.f32 $1.024000000e+03, v25;
	v59 =	vld [tilespmem:s19+$0x0]  }
0x195: {  	v14 =	vand.u32 $0x6F, v16;
	v23 =	vor.u32 v58, v23;
	v24 =	vtrunc.f32 v24;
	[tilespmem:v12+s21+$0x0] =	vst.idx.add.f32.msk $0xffff, v1  }
0x196: {  	v12 =	vtrunc.f32 v25;
	v24 =	vcvt.f32.s32 v24;
	v25 =	vadd.s32 $0x4800, v26;
	v26 =	vld.idx.msk [tilespmem:v15+s20+$0x0], $0xffff  }
0x197: {  	v16 =	vand.u32 $0x400, v48;
	v20 =	vmul.f32 $1.024000000e+03, v27;
	s20 =	sadd.s32 $0x7800, s31;
	v12 =	vcvt.f32.s32 v12;
	[tilespmem:v22+s21+$0x0] =	vst.idx.add.f32.msk $0xffff, v1  }
0x198: {  	v11 =	vand.u32 $0x6F, v51;
	[tilespmem:v21+s21+$0x0] =	vst.idx.add.f32.msk $0xffff, v3;
	s24 =	sor.u32 s30, s20;
	v24 =	vadd.s32 $0x4000, v24;
	v22 =	vmul.f32 $1.024000000e+03, v56  }
0x199: {  	s25 =	sadd.s32 $0x5000, s6;
	v27 =	vbroadcast v17, $0x0;
	v20 =	vtrunc.f32 v20;
	v21 =	vld [tilespmem:s24+$0x0];
	v62 =	vadd.s32 $0x2000, v12  }
0x19a: {  	s1 =	sor.u32 s14, s1;
	s23 =	simm.s32 $0x0;
	s7 =	sor.u32 s28, s18;
	v20 =	vcvt.f32.s32 v20;
	v12 =	vshll.u32 v18, $0xB;
	[tilespmem:v23+s21+$0x0] =	vst.idx.add.f32.msk $0xffff, v1;
	v22 =	vtrunc.f32 v22  }
0x19b: {  	s26 =	sor.u32 s17, s25;
	s8 =	sor.u32 s14, s5;
	s29 =	sadd.s32 $0x2800, s13;
	v18 =	vor.u32 v19, v27;
	v63 =	vmul.f32 $1.024000000e+03, v59;
	[tilespmem:v25+s21+$0x0] =	vst.idx.add.f32.msk $0xffff, v1;
	v19 =	vcvt.f32.s32 v22  }
0x19c: {  	s14 =	simm.s32 $0x0;
	s10 =	sor.u32 s12, s29;
	s4 =	sor.u32 s3, s22;
	v17 =	vand.u32 $0x400, v28;
	v15 =	vand.u32 $0x6F, v61;
	v25 =	vmul.f32 $1.024000000e+03, v26;
	v23 =	vld [tilespmem:s26+$0x0]  }
0x19d: {  	s9 =	simm.s32 $0x8;
	s2 =	simm.s32 $0x0;
	s19 =	sor.u32 s28, s0;
	v22 =	vadd.s32 $0x6000, v20;
	v20 =	vtrunc.f32 v63;
	[tilespmem:v24+s21+$0x0] =	vst.idx.add.f32.msk $0xffff, v1;
	v24 =	vadd.s32 $0x2000, v19  }
0x19e: {  	s0 =	sor.u32 s11, s29;
	s5 =	sor.u32 s28, s20;
	s20 =	sor.u32 s3, s25;
	v18 =	vor.u32 v7, v18;
	v20 =	vcvt.f32.s32 v20;
	[tilespmem:v62+s21+$0x0] =	vst.idx.add.f32.msk $0xffff, v1;
	v19 =	vtrunc.f32 v25  }
.LBB2_5:
0x19f: {  	_ = 	snop  }
0x1a0: {  	s9 =	sadd.s32 $0x2, s9;
	v25 =	vld [tilespmem:s10+$0x0];
	s15 =	sadd.s32 $0x20, s15;
	v21 =	vmul.f32 $1.024000000e+03, v21  }
0x1a1: {  	v27 =	vcvt.f32.s32 v19;
	s16 =	sadd.s32 $0x100, s16;
	v28 =	vld [tilespmem:s4+$0x0];
	v26 =	vadd.s32 $0x8000, v20;
	s25 =	sshrl.u32 s9, $0x4;
	s10 =	sand.u32 $0xE0, s15  }
0x1a2: {  	[tilespmem:v24+s21+$0x0] =	vst.idx.add.f32.msk $0xffff, v1;
	s26 =	sand.u32 $0x400, s16;
	s29 =	sshll.u32 s25, $0x7;
	v19 =	vmov s10;
	s22 =	sor.u32 $0x10, s10;
	v23 =	vmul.f32 $1.024000000e+03, v23;
	v20 =	vtrunc.f32 v21  }
0x1a3: {  	v29 =	vld [tilespmem:s0+$0x0];
	s24 =	sor.u32 s29, s26;
	v24 =	vshll.u32 v19, $0x3;
	s4 =	sand.u32 $0x70, s22;
	v21 =	vor.u32 s10, v2;
	v30 =	vcvt.f32.s32 v20  }
0x1a4: {  	[tilespmem:v22+s21+$0x0] =	vst.idx.add.f32.msk $0xffff, v1;
	s10 =	sor.u32 s24, s4;
	v19 =	vand.u32 $0x6F, v21;
	v20 =	vand.u32 $0x400, v24;
	v21 =	vtrunc.f32 v23  }
0x1a5: {  	s18 =	sand.u32 $0x60, s15;
	v22 =	vld [tilespmem:s10+$0x0];
	v23 =	vmul.f32 $1.024000000e+03, v25;
	v21 =	vcvt.f32.s32 v21;
	v24 =	vadd.s32 $0x7800, v30  }
0x1a6: {  	v33 =	vld [tilespmem:s19+$0x0];
	s0 =	sor.u32 s18, s24  }
0x1a7: {  	v25 =	vld [tilespmem:s0+$0x0];
	v23 =	vtrunc.f32 v23;
	v32 =	vadd.s32 $0x5000, v21  }
0x1a8: {  	v31 =	vld [tilespmem:s0+$0x13000];
	v23 =	vcvt.f32.s32 v23  }
0x1a9: {  	v55 =	vadd.s32 v27, v10;
	v27 =	vxor.u32 $0x7FF, v27;
	s19 =	sadd.s32 $0x8000, s31;
	v28 =	vmul.f32 $1.024000000e+03, v28;
	[tilespmem:v26+s21+$0x0] =	vst.idx.add.f32.msk $0xffff, v1  }
0x1aa: {  	v29 =	vmul.f32 $1.024000000e+03, v29;
	s0 =	sor.u32 s30, s19;
	v22 =	vmul.f32 $1.024000000e+03, v22;
	v23 =	vadd.s32 $0x2800, v23;
	[tilespmem:v24+s21+$0x0] =	vst.idx.add.f32.msk $0xffff, v1  }
0x1ab: {  	s24 =	sor.u32 s28, s19;
	v26 =	vand.u32 $0x7F, v27;
	s19 =	sadd.s32 $0x5800, s6;
	v28 =	vtrunc.f32 v28;
	v21 =	vand.u32 $0xFFFFFF80, v27;
	v27 =	vld [tilespmem:s0+$0x0]  }
0x1ac: {  	v21 =	vadd.s32 v10, v21;
	v10 =	vmovc v7;
	v24 =	vmul.f32 $1.024000000e+03, v25;
	v22 =	vtrunc.f32 v22;
	s0 =	sor.u32 s3, s19;
	s19 =	sor.u32 s17, s19;
	[tilespmem:v32+s21+$0x0] =	vst.idx.add.f32.msk $0xffff, v1  }
0x1ad: {  	v7 =	vmovc v8;
	v8 =	vmovc v9;
	v9 =	vmov v12;
	v12 =	vtrunc.f32 v29;
	v56 =	vcvt.f32.s32 v22;
	v57 =	vld [tilespmem:s19+$0x0]  }
0x1ae: {  	v58 =	vld [tilespmem:s8+$0x0];
	v22 =	vmul.f32 $1.024000000e+03, v33;
	v24 =	vtrunc.f32 v24;
	s19 =	sadd.s32 $0x3000, s13  }
0x1af: {  	v25 =	vcvt.f32.s32 v12;
	v24 =	vcvt.f32.s32 v24;
	s8 =	sor.u32 s11, s19;
	[tilespmem:v23+s21+$0x0] =	vst.idx.add.f32.msk $0xffff, v1;
	s19 =	sor.u32 s12, s19  }
0x1b0: {  	v22 =	vtrunc.f32 v22;
	v23 =	vld [tilespmem:s19+$0x0];
	v27 =	vmul.f32 $1.024000000e+03, v27  }
0x1b1: {  	s29 =	sadd.s32 s29, s26;
	[tilespmem:v55+s21+$0x0] =	vst.idx.add.f32.msk $0xffff, v3;
	v21 =	vor.u32 v26, v21;
	v26 =	vcvt.f32.s32 v28;
	v59 =	vcvt.f32.s32 v22  }
0x1b2: {  	v25 =	vadd.s32 $0x2800, v25;
	s19 =	sadd.s32 $0x800, s29;
	v22 =	vld [tilespmem:s10+$0x13000];
	v29 =	vmul.f32 $1.024000000e+03, v57;
	v27 =	vtrunc.f32 v27  }
0x1b3: {  	s26 =	sor.u32 s18, s19;
	s19 =	sor.u32 s4, s19;
	[tilespmem:v56+s21+$0x0] =	vst.idx.add.f32.msk $0xffff, v1;
	v27 =	vcvt.f32.s32 v27  }
0x1b4: {  	v26 =	vadd.s32 $0x4800, v26;
	v62 =	vld [tilespmem:s19+$0x0];
	v29 =	vtrunc.f32 v29  }
0x1b5: {  	[tilespmem:v24+s21+$0x0] =	vst.idx.add.f32.msk $0xffff, v1;
	v23 =	vmul.f32 $1.024000000e+03, v23;
	v24 =	vcvt.f32.s32 v29;
	v27 =	vadd.s32 $0x8000, v27  }
0x1b6: {  	v63 =	vld [tilespmem:s26+$0x0]  }
0x1b7: {  	[tilespmem:v25+s21+$0x0] =	vst.idx.add.f32.msk $0xffff, v1;
	v23 =	vtrunc.f32 v23;
	v24 =	vadd.s32 $0x5800, v24  }
0x1b8: {  	v33 =	vld [tilespmem:s8+$0x0];
	v23 =	vcvt.f32.s32 v23  }
0x1b9: {  	v12 =	vshll.u32 v31, $0xB;
	s26 =	sadd.s32 $0x8800, s31;
	[tilespmem:v26+s21+$0x0] =	vst.idx.add.f32.msk $0xffff, v1;
	v31 =	vmul.f32 $1.024000000e+03, v62  }
0x1ba: {  	s10 =	sor.u32 s30, s26;
	v23 =	vadd.s32 $0x3000, v23;
	[tilespmem:v27+s21+$0x0] =	vst.idx.add.f32.msk $0xffff, v1  }
0x1bb: {  	s19 =	sadd.s32 $0x6000, s6;
	v26 =	vmul.f32 $1.024000000e+03, v63;
	v27 =	vtrunc.f32 v31;
	v34 =	vld [tilespmem:s10+$0x0]  }
0x1bc: {  	v61 =	vmul.f32 $1.024000000e+03, v58;
	v60 =	vadd.s32 $0x6800, v59;
	s8 =	sor.u32 s28, s26;
	s26 =	sor.u32 s3, s19;
	s19 =	sor.u32 s17, s19;
	v27 =	vcvt.f32.s32 v27;
	[tilespmem:v24+s21+$0x0] =	vst.idx.add.f32.msk $0xffff, v1  }
0x1bd: {  	v24 =	vtrunc.f32 v26;
	v26 =	vmul.f32 $1.024000000e+03, v33;
	v35 =	vld [tilespmem:s19+$0x0]  }
0x1be: {  	v36 =	vld [tilespmem:s20+$0x0];
	s10 =	sadd.s32 $0x3800, s13;
	v24 =	vcvt.f32.s32 v24;
	v27 =	vadd.s32 $0x800, v27  }
0x1bf: {  	v30 =	vtrunc.f32 v61;
	s19 =	sor.u32 s11, s10;
	s10 =	sor.u32 s12, s10;
	v26 =	vtrunc.f32 v26;
	[tilespmem:v23+s21+$0x0] =	vst.idx.add.f32.msk $0xffff, v1  }
0x1c0: {  	v23 =	vadd.s32 $0x800, v24;
	v24 =	vcvt.f32.s32 v26;
	v26 =	vld [tilespmem:s10+$0x0];
	v29 =	vmul.f32 $1.024000000e+03, v34  }
0x1c1: {  	v25 =	vcvt.f32.s32 v30;
	[tilespmem:v60+s21+$0x0] =	vst.idx.add.f32.msk $0xffff, v1  }
0x1c2: {  	v38 =	vld [tilespmem:s7+$0x0];
	s10 =	sadd.s32 $0x1000, s29;
	v24 =	vadd.s32 $0x3000, v24;
	v37 =	vmul.f32 $1.024000000e+03, v35;
	v29 =	vtrunc.f32 v29  }
0x1c3: {  	s20 =	sor.u32 s18, s10;
	s10 =	sor.u32 s4, s10;
	[tilespmem:v27+s21+$0x0] =	vst.idx.add.f32.msk $0xffff, v1;
	v29 =	vcvt.f32.s32 v29  }
0x1c4: {  	v25 =	vadd.s32 $0x8800, v25;
	v27 =	vmul.f32 $1.024000000e+03, v36;
	v39 =	vld [tilespmem:s10+$0x0];
	v28 =	vtrunc.f32 v37  }
0x1c5: {  	[tilespmem:v23+s21+$0x0] =	vst.idx.add.f32.msk $0xffff, v1;
	v23 =	vmul.f32 $1.024000000e+03, v26;
	v26 =	vcvt.f32.s32 v28;
	v40 =	vadd.s32 $0x8800, v29  }
0x1c6: {  	v27 =	vtrunc.f32 v27;
	v41 =	vld [tilespmem:s20+$0x0]  }
0x1c7: {  	[tilespmem:v24+s21+$0x0] =	vst.idx.add.f32.msk $0xffff, v1;
	v23 =	vtrunc.f32 v23;
	v24 =	vcvt.f32.s32 v27;
	v26 =	vadd.s32 $0x6000, v26  }
0x1c8: {  	v27 =	vld [tilespmem:s19+$0x0];
	v23 =	vcvt.f32.s32 v23  }
0x1c9: {  	s19 =	sadd.s32 $0x9000, s31;
	[tilespmem:v25+s21+$0x0] =	vst.idx.add.f32.msk $0xffff, v1;
	v24 =	vadd.s32 $0x5000, v24  }
0x1ca: {  	v30 =	vmul.f32 $1.024000000e+03, v38;
	s31 =	smov.u32 s6;
	v31 =	vmul.f32 $1.024000000e+03, v39;
	s10 =	sor.u32 s30, s19;
	v23 =	vadd.s32 $0x3800, v23;
	[tilespmem:v40+s21+$0x0] =	vst.idx.add.f32.msk $0xffff, v1  }
0x1cb: {  	s7 =	sor.u32 s28, s19;
	s28 =	smov.u32 s3;
	s20 =	sadd.s32 $0x6800, s31;
	v44 =	vld [tilespmem:s10+$0x0]  }
0x1cc: {  	v25 =	vtrunc.f32 v30;
	s19 =	sor.u32 s28, s20;
	s20 =	sor.u32 s17, s20;
	v43 =	vtrunc.f32 v31;
	[tilespmem:v26+s21+$0x0] =	vst.idx.add.f32.msk $0xffff, v1  }
0x1cd: {  	v42 =	vmul.f32 $1.024000000e+03, v41;
	v29 =	vcvt.f32.s32 v43;
	v45 =	vld [tilespmem:s20+$0x0]  }
0x1ce: {  	v46 =	vmov s2;
	v35 =	vshll.u32 v4, $0xB;
	s6 =	smov.u32 s13;
	v25 =	vcvt.f32.s32 v25;
	[tilespmem:v24+s21+$0x0] =	vst.idx.add.f32.msk $0xffff, v1  }
0x1cf: {  	s30 =	smov.u32 s17;
	s13 =	sadd.s32 $0x4000, s6;
	s17 =	smov.u32 s12;
	v26 =	vtrunc.f32 v42;
	v27 =	vmul.f32 $1.024000000e+03, v27;
	v29 =	vadd.s32 $0x1000, v29;
	[tilespmem:v23+s21+$0x0] =	vst.idx.add.f32.msk $0xffff, v1  }
0x1d0: {  	v25 =	vadd.s32 $0x7000, v25;
	s10 =	sor.u32 s17, s13;
	s20 =	rddreg [dreg:$0x5];
	v24 =	vshll.u32 v46, $0x7;
	v26 =	vcvt.f32.s32 v26;
	v50 =	vld [tilespmem:s0+$0x0]  }
0x1d1: {  	s3 =	smov.u32 s11;
	v47 =	vmov s20;
	v23 =	vand.u32 $0x380, v24;
	v27 =	vtrunc.f32 v27;
	v49 =	vld [tilespmem:s10+$0x0]  }
0x1d2: {  	s11 =	smov.u32 s18;
	s18 =	sor.u32 s3, s13;
	s13 =	smov.u32 s29;
	v34 =	vld [tilespmem:s1+$0x0];
	v48 =	vshll.u32 v47, $0x3;
	v26 =	vadd.s32 $0x1000, v26;
	v30 =	vmul.f32 $1.024000000e+03, v44  }
0x1d3: {  	s12 =	smov.u32 s4;
	s0 =	sadd.s32 $0x1800, s13;
	v51 =	vor.u32 s20, v2;
	s20 =	rddreg [dreg:$0x6];
	[tilespmem:v21+s21+$0x0] =	vst.idx.add.f32.msk $0xffff, v1;
	v21 =	vcvt.f32.s32 v27;
	v24 =	vand.u32 $0x400, v48  }
0x1d4: {  	s29 =	smov.u32 s20;
	s20 =	sor.u32 s11, s0;
	s0 =	sor.u32 s12, s0;
	v24 =	vor.u32 v23, v24;
	v28 =	vmul.f32 $1.024000000e+03, v45;
	v30 =	vtrunc.f32 v30;
	[tilespmem:v29+s21+$0x0] =	vst.idx.add.f32.msk $0xffff, v1  }
0x1d5: {  	v53 =	vand.u32 $0x7F, v51;
	v24 =	vbroadcast v24, $0x0;
	v52 =	vcvt.f32.s32 v30;
	v54 =	vld [tilespmem:s0+$0x0]  }
0x1d6: {  	v21 =	vadd.s32 $0x3800, v21;
	v28 =	vtrunc.f32 v28;
	v55 =	vmul.f32 $1.024000000e+03, v49  }
0x1d7: {  	v24 =	vor.u32 v53, v24;
	[tilespmem:v26+s21+$0x0] =	vst.idx.add.f32.msk $0xffff, v1;
	v28 =	vcvt.f32.s32 v28;
	v29 =	vadd.s32 $0x9000, v52  }
0x1d8: {  	v4 =	vmov v5;
	v24 =	vor.u32 v35, v24;
	v26 =	vld [tilespmem:s20+$0x0];
	v27 =	vtrunc.f32 v55  }
0x1d9: {  	v5 =	vmovc v6;
	v6 =	vmovc v22;
	v22 =	vmul.f32 $1.024000000e+03, v50;
	[tilespmem:v25+s21+$0x0] =	vst.idx.add.f32.msk $0xffff, v1;
	v28 =	vadd.s32 $0x6800, v28;
	v27 =	vcvt.f32.s32 v27  }
0x1da: {  	v23 =	vor.u32 v23, v16;
	v57 =	vld [tilespmem:s5+$0x0];
	v25 =	vmul.f32 $1.024000000e+03, v54  }
0x1db: {  	s2 =	smov.u32 s23;
	v23 =	vbroadcast v23, $0x0;
	v22 =	vtrunc.f32 v22;
	[tilespmem:v21+s21+$0x0] =	vst.idx.add.f32.msk $0xffff, v1;
	v27 =	vadd.s32 $0x4000, v27  }
0x1dc: {  	s23 =	smov.u32 s14;
	s14 =	smov.u32 s25;
	s25 =	simm.s32 $0x0;
	v16 =	vmovc v13;
	v13 =	vmovc v17;
	v17 =	vmov v20;
	v22 =	vcvt.f32.s32 v22;
	[tilespmem:v29+s21+$0x0] =	vst.idx.add.f32.msk $0xffff, v1;
	v20 =	vtrunc.f32 v25  }
0x1dd: {  	s1 =	rddreg [dreg:$0x8];
	s5 =	sadd.s32 $0x7000, s31;
	v26 =	vmul.f32 $1.024000000e+03, v26;
	v24 =	vld.idx.msk [tilespmem:v24+s25+$0x0], $0xffff;
	v20 =	vcvt.f32.s32 v20  }
0x1de: {  	s10 =	smov.u32 s1;
	v56 =	vmul.f32 $1.024000000e+03, v34;
	v23 =	vor.u32 v14, v23;
	v14 =	vmovc v11;
	s0 =	sor.u32 s30, s5;
	v22 =	vadd.s32 $0x5800, v22;
	[tilespmem:v28+s21+$0x0] =	vst.idx.add.f32.msk $0xffff, v1  }
0x1df: {  	[dreg:$0x6] =	wrdreg s10;
	s10 =	sadd.s32 $0x4800, s6;
	v11 =	vmovc v15;
	v15 =	vmovc v19;
	v21 =	vmul.f32 $1.024000000e+03, v57;
	v19 =	vtrunc.f32 v26;
	v28 =	vld [tilespmem:s0+$0x0];
	v20 =	vadd.s32 $0x1800, v20  }
0x1e0: {  	v19 =	vcvt.f32.s32 v19;
	s0 =	sor.u32 s17, s10;
	[tilespmem:v27+s21+$0x0] =	vst.idx.add.f32.msk $0xffff, v1  }
0x1e1: {  	v58 =	vtrunc.f32 v56;
	v21 =	vtrunc.f32 v21;
	v26 =	vld [tilespmem:s0+$0x0]  }
0x1e2: {  	v27 =	vld [tilespmem:s18+$0x0];
	v21 =	vcvt.f32.s32 v21;
	v19 =	vadd.s32 $0x1800, v19;
	v24 =	vmul.f32 $1.024000000e+03, v24  }
0x1e3: {  	v25 =	vcvt.f32.s32 v58;
	[tilespmem:v22+s21+$0x0] =	vst.idx.add.f32.msk $0xffff, v1  }
0x1e4: {  	s18 =	sadd.s32 $0x2000, s13;
	v22 =	vmul.f32 $1.024000000e+03, v28;
	[tilespmem:v20+s21+$0x0] =	vst.idx.add.f32.msk $0xffff, v1;
	v20 =	vadd.s32 $0x7800, v21;
	v21 =	vtrunc.f32 v24  }
0x1e5: {  	s0 =	sor.u32 s12, s18;
	v59 =	vld [tilespmem:s26+$0x0];
	v21 =	vcvt.f32.s32 v21  }
0x1e6: {  	v25 =	vadd.s32 $0x9000, v25;
	v24 =	vld [tilespmem:s0+$0x0];
	v22 =	vtrunc.f32 v22;
	v26 =	vmul.f32 $1.024000000e+03, v26  }
0x1e7: {  	[tilespmem:v19+s21+$0x0] =	vst.idx.add.f32.msk $0xffff, v1;
	v19 =	vmul.f32 $1.024000000e+03, v27;
	v22 =	vcvt.f32.s32 v22;
	v27 =	vxor.u32 $0x7FF, v21  }
0x1e8: {  	s20 =	sor.u32 s11, s18;
	v26 =	vtrunc.f32 v26;
	v61 =	vand.u32 $0xFFFFFF80, v27  }
0x1e9: {  	v60 =	vld [tilespmem:s20+$0x0];
	v27 =	vand.u32 $0x7F, v27;
	v19 =	vtrunc.f32 v19;
	v22 =	vadd.s32 $0x7000, v22  }
0x1ea: {  	[tilespmem:v20+s21+$0x0] =	vst.idx.add.f32.msk $0xffff, v1;
	v20 =	vadd.s32 v21, v35;
	v21 =	vadd.s32 v35, v61;
	v19 =	vcvt.f32.s32 v19  }
0x1eb: {  	v26 =	vcvt.f32.s32 v26;
	v24 =	vmul.f32 $1.024000000e+03, v24;
	v62 =	vld [tilespmem:s24+$0x0];
	v21 =	vor.u32 v27, v21  }
0x1ec: {  	[tilespmem:v25+s21+$0x0] =	vst.idx.add.f32.msk $0xffff, v1;
	v19 =	vadd.s32 $0x4000, v19  }
0x1ed: {  	v25 =	vadd.s32 $0x4800, v26;
	v26 =	vld.idx.msk [tilespmem:v18+s25+$0x0], $0xffff;
	v24 =	vtrunc.f32 v24  }
0x1ee: {  	v23 =	vor.u32 v7, v23;
	v27 =	vmul.f32 $1.024000000e+03, v59;
	v24 =	vcvt.f32.s32 v24;
	[tilespmem:v22+s21+$0x0] =	vst.idx.add.f32.msk $0xffff, v1  }
0x1ef: {  	p0 =	slt.u32 s9, $0x7E;
	v18 =	vmov v23;
	v23 =	vmul.f32 $1.024000000e+03, v60;
	[tilespmem:v20+s21+$0x0] =	vst.idx.add.f32.msk $0xffff, v3  }
0x1f0: {  	[dreg:$0x5] =	wrdreg s29;
	s29 =	smov.u32 s22;
	s22 =	sadd.s32 $0x7800, s31;
	v22 =	vtrunc.f32 v27;
	v27 =	vadd.s32 $0x2000, v24;
	[tilespmem:v21+s21+$0x0] =	vst.idx.add.f32.msk $0xffff, v1  }
.Ltmp3:
0x1f1: {  	s0 =	sor.u32 s30, s22;
	v20 =	vtrunc.f32 v23;
	[tilespmem:v19+s21+$0x0] =	vst.idx.add.f32.msk $0xffff, v1;
	(pc) =	sbr.rel @p0 .LBB2_5-.Ltmp3, $4  }
0x1f2: {  	s1 =	smov.u32 s7;
	s24 =	sadd.s32 $0x5000, s6;
	v63 =	vmul.f32 $1.024000000e+03, v62;
	v20 =	vcvt.f32.s32 v20;
	v21 =	vld [tilespmem:s0+$0x0]  }
0x1f3: {  	[dreg:$0x8] =	wrdreg s29;
	s4 =	sor.u32 s3, s10;
	s26 =	sor.u32 s17, s24;
	v22 =	vcvt.f32.s32 v22;
	[tilespmem:v25+s21+$0x0] =	vst.idx.add.f32.msk $0xffff, v1;
	v25 =	vmul.f32 $1.024000000e+03, v26  }
0x1f4: {  	s29 =	sadd.s32 $0x2800, s13;
	s7 =	sor.u32 s28, s5;
	s5 =	sor.u32 s28, s22;
	v24 =	vadd.s32 $0x2000, v20;
	v23 =	vld [tilespmem:s26+$0x0];
	v20 =	vtrunc.f32 v63  }
0x1f5: {  	s10 =	sor.u32 s12, s29;
	s20 =	sor.u32 s3, s24;
	v22 =	vadd.s32 $0x6000, v22;
	s0 =	sor.u32 s11, s29;
	v20 =	vcvt.f32.s32 v20;
	v19 =	vtrunc.f32 v25;
	[tilespmem:v27+s21+$0x0] =	vst.idx.add.f32.msk $0xffff, v1  }
0x1f6: {  	v25 =	vld [tilespmem:s10+$0x0];
	_ =	sdelay $0x3  }
0x1f7: {  	[tilespmem:v24+s21+$0x0] =	vst.idx.add.f32.msk $0xffff, v1  }
0x1f8: {  	v24 =	vld [tilespmem:s0+$0x0];
	v25 =	vmul.f32 $1.024000000e+03, v25;
	_ =	sdelay $0x1  }
0x1f9: {  	v25 =	vtrunc.f32 v25  }
0x1fa: {  	v25 =	vcvt.f32.s32 v25;
	_ =	sdelay $0x1  }
0x1fb: {  	v24 =	vmul.f32 $1.024000000e+03, v24;
	v25 =	vadd.s32 $0x2800, v25;
	_ =	sdelay $0x1  }
0x1fc: {  	v24 =	vtrunc.f32 v24  }
0x1fd: {  	v24 =	vcvt.f32.s32 v24  }
0x1fe: {  	s10 =	sadd.s32 $0x3000, s13  }
0x1ff: {  	s9 =	sor.u32 s12, s10;
	v24 =	vadd.s32 $0x2800, v24;
	[tilespmem:v25+s21+$0x0] =	vst.idx.add.f32.msk $0xffff, v1  }
0x200: {  	v25 =	vld [tilespmem:s9+$0x0];
	_ =	sdelay $0x3  }
0x201: {  	s0 =	sor.u32 s11, s10;
	[tilespmem:v24+s21+$0x0] =	vst.idx.add.f32.msk $0xffff, v1  }
0x202: {  	v24 =	vmul.f32 $1.024000000e+03, v25;
	v25 =	vld [tilespmem:s0+$0x0];
	_ =	sdelay $0x1  }
0x203: {  	v24 =	vtrunc.f32 v24  }
0x204: {  	v24 =	vcvt.f32.s32 v24;
	_ =	sdelay $0x1  }
0x205: {  	v24 =	vadd.s32 $0x3000, v24;
	v25 =	vmul.f32 $1.024000000e+03, v25;
	_ =	sdelay $0x1  }
0x206: {  	v25 =	vtrunc.f32 v25  }
0x207: {  	v25 =	vcvt.f32.s32 v25  }
0x208: {  	s15 =	sadd.s32 $0x3800, s13  }
0x209: {  	s16 =	sor.u32 s12, s15;
	[tilespmem:v24+s21+$0x0] =	vst.idx.add.f32.msk $0xffff, v1;
	v24 =	vadd.s32 $0x3000, v25  }
0x20a: {  	v25 =	vld [tilespmem:s16+$0x0];
	_ =	sdelay $0x3  }
0x20b: {  	s0 =	sor.u32 s11, s15;
	[tilespmem:v24+s21+$0x0] =	vst.idx.add.f32.msk $0xffff, v1  }
0x20c: {  	v24 =	vmul.f32 $1.024000000e+03, v25;
	v25 =	vld [tilespmem:s0+$0x0];
	_ =	sdelay $0x1  }
0x20d: {  	v24 =	vtrunc.f32 v24  }
0x20e: {  	v24 =	vcvt.f32.s32 v24;
	_ =	sdelay $0x1  }
0x20f: {  	v24 =	vadd.s32 $0x3800, v24;
	v25 =	vmul.f32 $1.024000000e+03, v25;
	_ =	sdelay $0x1  }
0x210: {  	v25 =	vtrunc.f32 v25  }
0x211: {  	v25 =	vcvt.f32.s32 v25  }
0x212: {  	s18 =	sadd.s32 $0x4000, s13  }
0x213: {  	s22 =	sor.u32 s12, s18;
	[tilespmem:v24+s21+$0x0] =	vst.idx.add.f32.msk $0xffff, v1;
	v24 =	vadd.s32 $0x3800, v25  }
0x214: {  	v25 =	vld [tilespmem:s22+$0x0];
	_ =	sdelay $0x3  }
0x215: {  	s0 =	sor.u32 s11, s18;
	[tilespmem:v24+s21+$0x0] =	vst.idx.add.f32.msk $0xffff, v1  }
0x216: {  	v24 =	vmul.f32 $1.024000000e+03, v25;
	v25 =	vld [tilespmem:s0+$0x0];
	_ =	sdelay $0x1  }
0x217: {  	v24 =	vtrunc.f32 v24  }
0x218: {  	v24 =	vcvt.f32.s32 v24;
	_ =	sdelay $0x1  }
0x219: {  	v24 =	vadd.s32 $0x4000, v24;
	v25 =	vmul.f32 $1.024000000e+03, v25;
	_ =	sdelay $0x1  }
0x21a: {  	v25 =	vtrunc.f32 v25  }
0x21b: {  	v25 =	vcvt.f32.s32 v25  }
0x21c: {  	s24 =	sadd.s32 $0x4800, s13  }
0x21d: {  	s26 =	sor.u32 s12, s24;
	[tilespmem:v24+s21+$0x0] =	vst.idx.add.f32.msk $0xffff, v1;
	v24 =	vadd.s32 $0x4000, v25  }
0x21e: {  	v25 =	vld [tilespmem:s26+$0x0];
	_ =	sdelay $0x1  }
0x21f: {  	v23 =	vmul.f32 $1.024000000e+03, v23  }
0x220: {  	v26 =	vld [tilespmem:s4+$0x0]  }
0x221: {  	v23 =	vtrunc.f32 v23;
	s0 =	sor.u32 s11, s24;
	[tilespmem:v24+s21+$0x0] =	vst.idx.add.f32.msk $0xffff, v1  }
0x222: {  	v23 =	vcvt.f32.s32 v23;
	v24 =	vmul.f32 $1.024000000e+03, v25;
	v25 =	vld [tilespmem:s0+$0x0];
	_ =	sdelay $0x1  }
0x223: {  	v23 =	vadd.s32 $0x5000, v23;
	v24 =	vtrunc.f32 v24  }
0x224: {  	v26 =	vmul.f32 $1.024000000e+03, v26;
	v24 =	vcvt.f32.s32 v24;
	_ =	sdelay $0x1  }
0x225: {  	v26 =	vtrunc.f32 v26;
	v24 =	vadd.s32 $0x4800, v24;
	v25 =	vmul.f32 $1.024000000e+03, v25  }
0x226: {  	v26 =	vcvt.f32.s32 v26;
	s15 =	sadd.s32 $0x5800, s6  }
0x227: {  	[tilespmem:v23+s21+$0x0] =	vst.idx.add.f32.msk $0xffff, v1;
	s16 =	sor.u32 s17, s15;
	v25 =	vtrunc.f32 v25  }
0x228: {  	v26 =	vadd.s32 $0x4800, v26;
	v23 =	vld [tilespmem:s16+$0x0];
	v25 =	vcvt.f32.s32 v25  }
0x229: {  	s9 =	sadd.s32 $0x5000, s13  }
0x22a: {  	s10 =	sor.u32 s12, s9;
	[tilespmem:v24+s21+$0x0] =	vst.idx.add.f32.msk $0xffff, v1;
	v24 =	vadd.s32 $0x4800, v25  }
0x22b: {  	v25 =	vld [tilespmem:s10+$0x0];
	_ =	sdelay $0x1  }
0x22c: {  	[tilespmem:v26+s21+$0x0] =	vst.idx.add.f32.msk $0xffff, v1;
	v23 =	vmul.f32 $1.024000000e+03, v23  }
0x22d: {  	v26 =	vld [tilespmem:s20+$0x0]  }
0x22e: {  	v23 =	vtrunc.f32 v23;
	s0 =	sor.u32 s11, s9;
	[tilespmem:v24+s21+$0x0] =	vst.idx.add.f32.msk $0xffff, v1  }
0x22f: {  	v23 =	vcvt.f32.s32 v23;
	v24 =	vmul.f32 $1.024000000e+03, v25;
	v25 =	vld [tilespmem:s0+$0x0];
	_ =	sdelay $0x1  }
0x230: {  	v23 =	vadd.s32 $0x5800, v23;
	v24 =	vtrunc.f32 v24  }
0x231: {  	v26 =	vmul.f32 $1.024000000e+03, v26;
	v24 =	vcvt.f32.s32 v24;
	_ =	sdelay $0x1  }
0x232: {  	v26 =	vtrunc.f32 v26;
	v24 =	vadd.s32 $0x5000, v24;
	v25 =	vmul.f32 $1.024000000e+03, v25  }
0x233: {  	v26 =	vcvt.f32.s32 v26;
	s22 =	sadd.s32 $0x6000, s6  }
0x234: {  	[tilespmem:v23+s21+$0x0] =	vst.idx.add.f32.msk $0xffff, v1;
	s24 =	sor.u32 s17, s22;
	v25 =	vtrunc.f32 v25  }
0x235: {  	v26 =	vadd.s32 $0x5000, v26;
	v23 =	vld [tilespmem:s24+$0x0];
	v25 =	vcvt.f32.s32 v25  }
0x236: {  	s18 =	sadd.s32 $0x5800, s13  }
0x237: {  	s20 =	sor.u32 s12, s18;
	[tilespmem:v24+s21+$0x0] =	vst.idx.add.f32.msk $0xffff, v1;
	v24 =	vadd.s32 $0x5000, v25  }
0x238: {  	v25 =	vld [tilespmem:s20+$0x0];
	_ =	sdelay $0x1  }
0x239: {  	s4 =	sor.u32 s3, s15;
	[tilespmem:v26+s21+$0x0] =	vst.idx.add.f32.msk $0xffff, v1;
	v23 =	vmul.f32 $1.024000000e+03, v23  }
0x23a: {  	v26 =	vld [tilespmem:s4+$0x0]  }
0x23b: {  	v23 =	vtrunc.f32 v23;
	s0 =	sor.u32 s11, s18;
	[tilespmem:v24+s21+$0x0] =	vst.idx.add.f32.msk $0xffff, v1  }
0x23c: {  	v23 =	vcvt.f32.s32 v23;
	v24 =	vmul.f32 $1.024000000e+03, v25;
	v25 =	vld [tilespmem:s0+$0x0];
	_ =	sdelay $0x1  }
0x23d: {  	v23 =	vadd.s32 $0x6000, v23;
	v24 =	vtrunc.f32 v24  }
0x23e: {  	v26 =	vmul.f32 $1.024000000e+03, v26;
	v24 =	vcvt.f32.s32 v24;
	_ =	sdelay $0x1  }
0x23f: {  	v26 =	vtrunc.f32 v26;
	v24 =	vadd.s32 $0x5800, v24;
	v25 =	vmul.f32 $1.024000000e+03, v25  }
0x240: {  	s15 =	sadd.s32 $0x6800, s6;
	v26 =	vcvt.f32.s32 v26  }
0x241: {  	s16 =	sor.u32 s17, s15;
	[tilespmem:v23+s21+$0x0] =	vst.idx.add.f32.msk $0xffff, v1;
	v25 =	vtrunc.f32 v25  }
0x242: {  	v26 =	vadd.s32 $0x5800, v26;
	v23 =	vld [tilespmem:s16+$0x0];
	v25 =	vcvt.f32.s32 v25  }
0x243: {  	s26 =	sadd.s32 $0x6000, s13  }
0x244: {  	s10 =	sor.u32 s12, s26;
	[tilespmem:v24+s21+$0x0] =	vst.idx.add.f32.msk $0xffff, v1;
	v24 =	vadd.s32 $0x5800, v25  }
0x245: {  	v25 =	vld [tilespmem:s10+$0x0];
	_ =	sdelay $0x1  }
0x246: {  	[tilespmem:v26+s21+$0x0] =	vst.idx.add.f32.msk $0xffff, v1;
	s4 =	sor.u32 s3, s22;
	v23 =	vmul.f32 $1.024000000e+03, v23  }
0x247: {  	v26 =	vld [tilespmem:s4+$0x0]  }
0x248: {  	v23 =	vtrunc.f32 v23;
	s0 =	sor.u32 s11, s26;
	[tilespmem:v24+s21+$0x0] =	vst.idx.add.f32.msk $0xffff, v1  }
0x249: {  	v23 =	vcvt.f32.s32 v23;
	v24 =	vmul.f32 $1.024000000e+03, v25;
	v25 =	vld [tilespmem:s0+$0x0];
	_ =	sdelay $0x1  }
0x24a: {  	v23 =	vadd.s32 $0x6800, v23;
	v24 =	vtrunc.f32 v24  }
0x24b: {  	v26 =	vmul.f32 $1.024000000e+03, v26;
	v24 =	vcvt.f32.s32 v24;
	_ =	sdelay $0x1  }
0x24c: {  	[tilespmem:v22+s21+$0x0] =	vst.idx.add.f32.msk $0xffff, v1;
	v26 =	vtrunc.f32 v26;
	v24 =	vadd.s32 $0x6000, v24;
	v25 =	vmul.f32 $1.024000000e+03, v25  }
0x24d: {  	v22 =	vcvt.f32.s32 v26;
	v26 =	vld [tilespmem:s19+$0x0];
	s20 =	sadd.s32 $0x7000, s6  }
0x24e: {  	[tilespmem:v23+s21+$0x0] =	vst.idx.add.f32.msk $0xffff, v1;
	s22 =	sor.u32 s17, s20;
	v25 =	vtrunc.f32 v25  }
0x24f: {  	v22 =	vadd.s32 $0x6000, v22;
	v23 =	vld [tilespmem:s22+$0x0];
	v25 =	vcvt.f32.s32 v25  }
0x250: {  	v21 =	vmul.f32 $1.024000000e+03, v21;
	s18 =	sadd.s32 $0x6800, s13  }
0x251: {  	s19 =	sor.u32 s12, s18;
	[tilespmem:v24+s21+$0x0] =	vst.idx.add.f32.msk $0xffff, v1;
	v24 =	vadd.s32 $0x6000, v25  }
0x252: {  	v21 =	vtrunc.f32 v21;
	v26 =	vmul.f32 $1.024000000e+03, v26;
	v25 =	vld [tilespmem:s19+$0x0]  }
0x253: {  	v21 =	vcvt.f32.s32 v21  }
0x254: {  	s4 =	sor.u32 s3, s15;
	[tilespmem:v22+s21+$0x0] =	vst.idx.add.f32.msk $0xffff, v1;
	v22 =	vtrunc.f32 v26;
	v23 =	vmul.f32 $1.024000000e+03, v23  }
0x255: {  	v26 =	vld [tilespmem:s4+$0x0];
	v22 =	vcvt.f32.s32 v22  }
0x256: {  	v21 =	vadd.s32 $0x7800, v21;
	v23 =	vtrunc.f32 v23;
	s0 =	sor.u32 s11, s18;
	[tilespmem:v24+s21+$0x0] =	vst.idx.add.f32.msk $0xffff, v1  }
0x257: {  	v22 =	vadd.s32 $0x6800, v22;
	v23 =	vcvt.f32.s32 v23;
	v24 =	vmul.f32 $1.024000000e+03, v25;
	v25 =	vld [tilespmem:s0+$0x0];
	_ =	sdelay $0x1  }
0x258: {  	v23 =	vadd.s32 $0x7000, v23;
	v24 =	vtrunc.f32 v24  }
0x259: {  	v26 =	vmul.f32 $1.024000000e+03, v26;
	v24 =	vcvt.f32.s32 v24  }
0x25a: {  	[tilespmem:v21+s21+$0x0] =	vst.idx.add.f32.msk $0xffff, v1  }
0x25b: {  	v26 =	vtrunc.f32 v26;
	[tilespmem:v22+s21+$0x0] =	vst.idx.add.f32.msk $0xffff, v1;
	v24 =	vadd.s32 $0x6800, v24;
	v25 =	vmul.f32 $1.024000000e+03, v25  }
0x25c: {  	v22 =	vcvt.f32.s32 v26;
	v26 =	vld [tilespmem:s7+$0x0];
	s0 =	sadd.s32 $0x8000, s31  }
0x25d: {  	s16 =	sadd.s32 $0x7800, s6;
	[tilespmem:v23+s21+$0x0] =	vst.idx.add.f32.msk $0xffff, v1;
	s24 =	sor.u32 s30, s0;
	v25 =	vtrunc.f32 v25  }
0x25e: {  	v21 =	vadd.s32 $0x6800, v22;
	s18 =	sor.u32 s17, s16;
	v22 =	vcvt.f32.s32 v25;
	v25 =	vld [tilespmem:s24+$0x0]  }
0x25f: {  	s26 =	sadd.s32 $0x7000, s13;
	v23 =	vld [tilespmem:s18+$0x0]  }
0x260: {  	s10 =	sor.u32 s12, s26;
	[tilespmem:v24+s21+$0x0] =	vst.idx.add.f32.msk $0xffff, v1;
	v22 =	vadd.s32 $0x6800, v22  }
0x261: {  	v26 =	vmul.f32 $1.024000000e+03, v26;
	v24 =	vld [tilespmem:s10+$0x0];
	_ =	sdelay $0x1  }
0x262: {  	[tilespmem:v21+s21+$0x0] =	vst.idx.add.f32.msk $0xffff, v1;
	s4 =	sor.u32 s3, s20;
	v21 =	vmul.f32 $1.024000000e+03, v25;
	v25 =	vtrunc.f32 v26  }
0x263: {  	v26 =	vld [tilespmem:s4+$0x0];
	v25 =	vcvt.f32.s32 v25  }
0x264: {  	s15 =	sor.u32 s11, s26;
	v23 =	vmul.f32 $1.024000000e+03, v23;
	[tilespmem:v22+s21+$0x0] =	vst.idx.add.f32.msk $0xffff, v1;
	v21 =	vtrunc.f32 v21  }
0x265: {  	v22 =	vmul.f32 $1.024000000e+03, v24;
	v24 =	vld [tilespmem:s15+$0x0];
	v21 =	vcvt.f32.s32 v21;
	v25 =	vadd.s32 $0x7000, v25  }
0x266: {  	v23 =	vtrunc.f32 v23  }
0x267: {  	v23 =	vcvt.f32.s32 v23;
	v22 =	vtrunc.f32 v22;
	v21 =	vadd.s32 $0x8000, v21  }
0x268: {  	v26 =	vmul.f32 $1.024000000e+03, v26;
	v22 =	vcvt.f32.s32 v22  }
0x269: {  	v23 =	vadd.s32 $0x7800, v23  }
0x26a: {  	v26 =	vtrunc.f32 v26;
	v22 =	vadd.s32 $0x7000, v22;
	v24 =	vmul.f32 $1.024000000e+03, v24;
	[tilespmem:v25+s21+$0x0] =	vst.idx.add.f32.msk $0xffff, v1  }
0x26b: {  	s4 =	sadd.s32 $0x8800, s31;
	v25 =	vcvt.f32.s32 v26;
	v26 =	vld [tilespmem:s5+$0x0]  }
0x26c: {  	s19 =	sor.u32 s30, s4;
	v24 =	vtrunc.f32 v24;
	[tilespmem:v21+s21+$0x0] =	vst.idx.add.f32.msk $0xffff, v1  }
0x26d: {  	v21 =	vadd.s32 $0x7000, v25;
	v24 =	vcvt.f32.s32 v24;
	v25 =	vld [tilespmem:s19+$0x0]  }
0x26e: {  	s20 =	sadd.s32 $0x7800, s13;
	[tilespmem:v23+s21+$0x0] =	vst.idx.add.f32.msk $0xffff, v1  }
0x26f: {  	s22 =	sor.u32 s12, s20;
	s24 =	sadd.s32 $0x8000, s6;
	[tilespmem:v22+s21+$0x0] =	vst.idx.add.f32.msk $0xffff, v1;
	v22 =	vadd.s32 $0x7000, v24  }
0x270: {  	s26 =	sor.u32 s17, s24;
	v24 =	vld [tilespmem:s22+$0x0];
	v26 =	vmul.f32 $1.024000000e+03, v26  }
0x271: {  	v23 =	vld [tilespmem:s26+$0x0]  }
0x272: {  	v20 =	vadd.s32 $0x8000, v20;
	s7 =	sor.u32 s3, s16;
	[tilespmem:v21+s21+$0x0] =	vst.idx.add.f32.msk $0xffff, v1;
	v21 =	vmul.f32 $1.024000000e+03, v25;
	v25 =	vtrunc.f32 v26  }
0x273: {  	v26 =	vld [tilespmem:s7+$0x0];
	v25 =	vcvt.f32.s32 v25  }
0x274: {  	s5 =	sor.u32 s11, s20;
	[tilespmem:v22+s21+$0x0] =	vst.idx.add.f32.msk $0xffff, v1;
	v21 =	vtrunc.f32 v21  }
0x275: {  	v22 =	vmul.f32 $1.024000000e+03, v24;
	v24 =	vld [tilespmem:s5+$0x0];
	v21 =	vcvt.f32.s32 v21;
	v25 =	vadd.s32 $0x7800, v25;
	_ =	sdelay $0x1  }
0x276: {  	[tilespmem:v20+s21+$0x0] =	vst.idx.add.f32.msk $0xffff, v1;
	v22 =	vtrunc.f32 v22;
	v20 =	vadd.s32 $0x8800, v21  }
0x277: {  	v21 =	vmul.f32 $1.024000000e+03, v26;
	v26 =	vld [tilespmem:s8+$0x0];
	v22 =	vcvt.f32.s32 v22  }
0x278: {  	v23 =	vmul.f32 $1.024000000e+03, v23  }
0x279: {  	s9 =	sor.u32 s28, s0;
	v21 =	vtrunc.f32 v21;
	v22 =	vadd.s32 $0x7800, v22;
	v24 =	vmul.f32 $1.024000000e+03, v24;
	[tilespmem:v25+s21+$0x0] =	vst.idx.add.f32.msk $0xffff, v1  }
0x27a: {  	s0 =	sadd.s32 $0x9000, s31;
	v21 =	vcvt.f32.s32 v21;
	v25 =	vld [tilespmem:s9+$0x0]  }
0x27b: {  	s10 =	sor.u32 s30, s0;
	v23 =	vtrunc.f32 v23;
	v24 =	vtrunc.f32 v24;
	[tilespmem:v20+s21+$0x0] =	vst.idx.add.f32.msk $0xffff, v1  }
0x27c: {  	v20 =	vadd.s32 $0x7800, v21;
	v21 =	vcvt.f32.s32 v24;
	v24 =	vmul.f32 $1.024000000e+03, v26;
	v26 =	vld [tilespmem:s10+$0x0]  }
0x27d: {  	v27 =	vmov s2;
	s15 =	sadd.s32 $0x8000, s13;
	v23 =	vcvt.f32.s32 v23  }
0x27e: {  	v27 =	vshll.u32 v27, $0x7;
	s16 =	sor.u32 s12, s15;
	[tilespmem:v22+s21+$0x0] =	vst.idx.add.f32.msk $0xffff, v1  }
0x27f: {  	v23 =	vadd.s32 $0x8000, v23;
	v21 =	vadd.s32 $0x7800, v21;
	v22 =	vtrunc.f32 v24;
	s18 =	rddreg [dreg:$0x5];
	v28 =	vld [tilespmem:s16+$0x0]  }
0x280: {  	v25 =	vmul.f32 $1.024000000e+03, v25;
	v22 =	vcvt.f32.s32 v22;
	v24 =	vmov s18  }
0x281: {  	v27 =	vand.u32 $0x380, v27;
	s19 =	sor.u32 s3, s24;
	[tilespmem:v20+s21+$0x0] =	vst.idx.add.f32.msk $0xffff, v1;
	v24 =	vshll.u32 v24, $0x3;
	v20 =	vmul.f32 $1.024000000e+03, v26  }
0x282: {  	v25 =	vtrunc.f32 v25;
	v26 =	vld [tilespmem:s19+$0x0];
	v22 =	vadd.s32 $0x8800, v22;
	v24 =	vand.u32 $0x400, v24  }
0x283: {  	v25 =	vcvt.f32.s32 v25;
	v24 =	vor.u32 v27, v24;
	v20 =	vtrunc.f32 v20  }
0x284: {  	[tilespmem:v21+s21+$0x0] =	vst.idx.add.f32.msk $0xffff, v1;
	v21 =	vor.u32 s18, v2;
	v24 =	vbroadcast v24, $0x0;
	v28 =	vmul.f32 $1.024000000e+03, v28  }
0x285: {  	s20 =	sor.u32 s11, s15;
	s22 =	sadd.s32 $0x8800, s6;
	[tilespmem:v23+s21+$0x0] =	vst.idx.add.f32.msk $0xffff, v1;
	v20 =	vcvt.f32.s32 v20;
	v21 =	vand.u32 $0x7F, v21;
	v25 =	vadd.s32 $0x8000, v25  }
0x286: {  	s24 =	sor.u32 s17, s22;
	v29 =	vld [tilespmem:s20+$0x0];
	v21 =	vor.u32 v21, v24  }
0x287: {  	v23 =	vld [tilespmem:s24+$0x0];
	v24 =	vtrunc.f32 v28;
	v20 =	vadd.s32 $0x9000, v20;
	v26 =	vmul.f32 $1.024000000e+03, v26  }
0x288: {  	v4 =	vshll.u32 v4, $0xB;
	[tilespmem:v22+s21+$0x0] =	vst.idx.add.f32.msk $0xffff, v1;
	v24 =	vcvt.f32.s32 v24  }
0x289: {  	v21 =	vor.u32 v4, v21;
	v22 =	vld [tilespmem:s1+$0x0];
	v26 =	vtrunc.f32 v26  }
0x28a: {  	s26 =	sor.u32 s28, s4;
	v24 =	vadd.s32 $0x8000, v24;
	[tilespmem:v25+s21+$0x0] =	vst.idx.add.f32.msk $0xffff, v1;
	v25 =	vcvt.f32.s32 v26  }
0x28b: {  	v52 =	vmul.f32 $1.024000000e+03, v29;
	v26 =	vld [tilespmem:s26+$0x0]  }
0x28c: {  	[tilespmem:v20+s21+$0x0] =	vst.idx.add.f32.msk $0xffff, v1;
	v20 =	vadd.s32 $0x8000, v25  }
0x28d: {  	v23 =	vmul.f32 $1.024000000e+03, v23;
	v28 =	vtrunc.f32 v52  }
0x28e: {  	v19 =	vcvt.f32.s32 v19;
	s30 =	sadd.s32 $0x8800, s13;
	v25 =	vcvt.f32.s32 v28;
	v21 =	vld.idx.msk [tilespmem:v21+s25+$0x0], $0xffff  }
0x28f: {  	s4 =	sor.u32 s12, s30;
	v23 =	vtrunc.f32 v23;
	v22 =	vmul.f32 $1.024000000e+03, v22;
	[tilespmem:v24+s21+$0x0] =	vst.idx.add.f32.msk $0xffff, v1  }
0x290: {  	v23 =	vcvt.f32.s32 v23;
	v24 =	vadd.s32 $0x8000, v25;
	v53 =	vld [tilespmem:s4+$0x0];
	v26 =	vmul.f32 $1.024000000e+03, v26  }
0x291: {  	v5 =	vshll.u32 v5, $0xB;
	v16 =	vor.u32 v27, v16;
	s7 =	sor.u32 s3, s22;
	v22 =	vtrunc.f32 v22;
	[tilespmem:v20+s21+$0x0] =	vst.idx.add.f32.msk $0xffff, v1  }
0x292: {  	v23 =	vadd.s32 $0x8800, v23;
	v20 =	vcvt.f32.s32 v22;
	v22 =	vtrunc.f32 v26;
	v26 =	vld [tilespmem:s7+$0x0]  }
0x293: {  	v6 =	vshll.u32 v6, $0xB;
	v27 =	vbroadcast v16, $0x0;
	v16 =	vadd.s32 v19, v10  }
0x294: {  	v25 =	vxor.u32 $0x7FF, v19;
	v22 =	vcvt.f32.s32 v22;
	v20 =	vadd.s32 $0x9000, v20  }
0x295: {  	s1 =	sor.u32 s11, s30;
	v54 =	vand.u32 $0xFFFFFF80, v25;
	v25 =	vand.u32 $0x7F, v25;
	[tilespmem:v24+s21+$0x0] =	vst.idx.add.f32.msk $0xffff, v1;
	v24 =	vmul.f32 $1.024000000e+03, v53  }
0x296: {  	s8 =	sadd.s32 $0x9000, s6;
	v29 =	vadd.s32 v10, v54;
	v21 =	vmul.f32 $1.024000000e+03, v21;
	v55 =	vld [tilespmem:s1+$0x0];
	v19 =	vadd.s32 $0x8800, v22  }
0x297: {  	s9 =	sor.u32 s17, s8;
	[tilespmem:v23+s21+$0x0] =	vst.idx.add.f32.msk $0xffff, v1;
	v10 =	vor.u32 v25, v29;
	v23 =	vtrunc.f32 v24;
	v25 =	vmul.f32 $1.024000000e+03, v26  }
0x298: {  	v14 =	vor.u32 v14, v27;
	v21 =	vtrunc.f32 v21;
	v22 =	vld [tilespmem:s9+$0x0];
	v23 =	vcvt.f32.s32 v23  }
0x299: {  	v14 =	vor.u32 v8, v14;
	v21 =	vcvt.f32.s32 v21;
	s10 =	rddreg [dreg:$0x6];
	[tilespmem:v20+s21+$0x0] =	vst.idx.add.f32.msk $0xffff, v1;
	v20 =	vtrunc.f32 v25  }
0x29a: {  	v24 =	vmov s23;
	v23 =	vadd.s32 $0x8800, v23;
	v20 =	vcvt.f32.s32 v20  }
0x29b: {  	s0 =	sor.u32 s28, s0;
	v26 =	vmov s10;
	v24 =	vshll.u32 v24, $0x7;
	v25 =	vmul.f32 $1.024000000e+03, v55;
	[tilespmem:v19+s21+$0x0] =	vst.idx.add.f32.msk $0xffff, v1  }
0x29c: {  	v24 =	vand.u32 $0x380, v24;
	v19 =	vshll.u32 v26, $0x3;
	v26 =	vld [tilespmem:s0+$0x0];
	v20 =	vadd.s32 $0x8800, v20  }
0x29d: {  	v22 =	vmul.f32 $1.024000000e+03, v22;
	v19 =	vand.u32 $0x400, v19;
	v25 =	vtrunc.f32 v25  }
0x29e: {  	s13 =	sadd.s32 $0x9000, s13;
	v56 =	vor.u32 s10, v2;
	v19 =	vor.u32 v24, v19;
	v25 =	vcvt.f32.s32 v25  }
0x29f: {  	s15 =	sor.u32 s12, s13;
	v27 =	vxor.u32 $0x7FF, v21;
	v22 =	vtrunc.f32 v22;
	v19 =	vbroadcast v19, $0x0;
	[tilespmem:v23+s21+$0x0] =	vst.idx.add.f32.msk $0xffff, v1  }
0x2a0: {  	v28 =	vand.u32 $0x7F, v56;
	v22 =	vcvt.f32.s32 v22;
	v23 =	vadd.s32 $0x8800, v25;
	v57 =	vld [tilespmem:s15+$0x0]  }
0x2a1: {  	v13 =	vor.u32 v24, v13;
	v19 =	vor.u32 v28, v19;
	v26 =	vmul.f32 $1.024000000e+03, v26;
	[tilespmem:v20+s21+$0x0] =	vst.idx.add.f32.msk $0xffff, v1  }
0x2a2: {  	s16 =	sor.u32 s3, s8;
	v13 =	vbroadcast v13, $0x0;
	v22 =	vadd.s32 $0x9000, v22;
	v19 =	vor.u32 v5, v19;
	s17 =	rddreg [dreg:$0x8]  }
0x2a3: {  	v20 =	vtrunc.f32 v26;
	v26 =	vmov s14;
	v30 =	vld [tilespmem:s16+$0x0];
	v58 =	vmov s17  }
0x2a4: {  	v18 =	vld.idx.msk [tilespmem:v18+s25+$0x0], $0xffff;
	v20 =	vcvt.f32.s32 v20;
	v26 =	vshll.u32 v26, $0x7;
	v28 =	vshll.u32 v58, $0x3  }
0x2a5: {  	s0 =	sor.u32 s11, s13;
	[tilespmem:v23+s21+$0x0] =	vst.idx.add.f32.msk $0xffff, v1;
	v23 =	vand.u32 $0x380, v26;
	v26 =	vand.u32 $0x400, v28;
	v59 =	vmul.f32 $1.024000000e+03, v57  }
0x2a6: {  	v21 =	vadd.s32 v21, v4;
	v60 =	vld [tilespmem:s0+$0x0];
	v20 =	vadd.s32 $0x9000, v20;
	v24 =	vor.u32 v23, v26  }
0x2a7: {  	v11 =	vor.u32 v11, v13;
	v24 =	vbroadcast v24, $0x0;
	v26 =	vtrunc.f32 v59  }
0x2a8: {  	v61 =	vor.u32 s17, v2;
	[tilespmem:v22+s21+$0x0] =	vst.idx.add.f32.msk $0xffff, v1;
	v30 =	vmul.f32 $1.024000000e+03, v30;
	v26 =	vcvt.f32.s32 v26  }
0x2a9: {  	v18 =	vmul.f32 $1.024000000e+03, v18;
	v28 =	vand.u32 $0x7F, v61;
	v19 =	vld.idx.msk [tilespmem:v19+s25+$0x0], $0xffff;
	v13 =	vor.u32 v23, v17  }
0x2aa: {  	v22 =	vor.u32 v28, v24;
	v24 =	vadd.s32 $0x9000, v26;
	v26 =	vtrunc.f32 v30  }
0x2ab: {  	v62 =	vmul.f32 $1.024000000e+03, v60;
	v22 =	vor.u32 v6, v22;
	[tilespmem:v20+s21+$0x0] =	vst.idx.add.f32.msk $0xffff, v1;
	v26 =	vcvt.f32.s32 v26  }
0x2ac: {  	v11 =	vor.u32 v9, v11;
	v25 =	vand.u32 $0xFFFFFF80, v27;
	v13 =	vbroadcast v13, $0x0;
	v14 =	vld.idx.msk [tilespmem:v14+s25+$0x0], $0xffff  }
0x2ad: {  	v18 =	vtrunc.f32 v18;
	v17 =	vtrunc.f32 v62;
	v20 =	vadd.s32 $0x9000, v26  }
0x2ae: {  	v13 =	vor.u32 v15, v13;
	v19 =	vmul.f32 $1.024000000e+03, v19;
	v17 =	vcvt.f32.s32 v17  }
0x2af: {  	v4 =	vadd.s32 v4, v25;
	v18 =	vcvt.f32.s32 v18;
	v13 =	vor.u32 v12, v13;
	[tilespmem:v24+s21+$0x0] =	vst.idx.add.f32.msk $0xffff, v1  }
0x2b0: {  	v19 =	vtrunc.f32 v19;
	v15 =	vadd.s32 $0x9000, v17;
	v17 =	vand.u32 $0x7F, v27;
	v22 =	vld.idx.msk [tilespmem:v22+s25+$0x0], $0xffff  }
0x2b1: {  	[tilespmem:v16+s21+$0x0] =	vst.idx.add.f32.msk $0xffff, v3;
	v4 =	vor.u32 v17, v4;
	v17 =	vxor.u32 $0x7FF, v18;
	v14 =	vmul.f32 $1.024000000e+03, v14  }
0x2b2: {  	v19 =	vcvt.f32.s32 v19;
	v18 =	vadd.s32 v18, v7;
	v23 =	vand.u32 $0xFFFFFF80, v17;
	[tilespmem:v20+s21+$0x0] =	vst.idx.add.f32.msk $0xffff, v1  }
0x2b3: {  	v17 =	vand.u32 $0x7F, v17;
	v7 =	vadd.s32 v7, v23;
	v14 =	vtrunc.f32 v14;
	v11 =	vld.idx.msk [tilespmem:v11+s25+$0x0], $0xffff  }
0x2b4: {  	[tilespmem:v10+s21+$0x0] =	vst.idx.add.f32.msk $0xffff, v1;
	v7 =	vor.u32 v17, v7;
	v17 =	vxor.u32 $0x7FF, v19;
	v14 =	vcvt.f32.s32 v14  }
0x2b5: {  	v19 =	vadd.s32 v19, v5;
	[tilespmem:v15+s21+$0x0] =	vst.idx.add.f32.msk $0xffff, v1;
	v15 =	vand.u32 $0xFFFFFF80, v17;
	v20 =	vmul.f32 $1.024000000e+03, v22  }
0x2b6: {  	v13 =	vld.idx.msk [tilespmem:v13+s25+$0x0], $0xffff;
	v5 =	vadd.s32 v5, v15;
	v15 =	vand.u32 $0x7F, v17;
	v10 =	vadd.s32 v14, v8  }
0x2b7: {  	v5 =	vor.u32 v15, v5;
	v15 =	vxor.u32 $0x7FF, v14;
	v17 =	vtrunc.f32 v20  }
0x2b8: {  	[tilespmem:v21+s21+$0x0] =	vst.idx.add.f32.msk $0xffff, v3;
	v16 =	vand.u32 $0xFFFFFF80, v15;
	v17 =	vcvt.f32.s32 v17;
	v11 =	vmul.f32 $1.024000000e+03, v11  }
0x2b9: {  	[tilespmem:v4+s21+$0x0] =	vst.idx.add.f32.msk $0xffff, v1;
	v14 =	vand.u32 $0x7F, v15;
	v8 =	vadd.s32 v8, v16  }
0x2ba: {  	[tilespmem:v18+s21+$0x0] =	vst.idx.add.f32.msk $0xffff, v3;
	v4 =	vor.u32 v14, v8;
	v15 =	vxor.u32 $0x7FF, v17;
	v11 =	vtrunc.f32 v11  }
0x2bb: {  	[tilespmem:v7+s21+$0x0] =	vst.idx.add.f32.msk $0xffff, v1;
	v13 =	vmul.f32 $1.024000000e+03, v13;
	v14 =	vadd.s32 v17, v6;
	v8 =	vand.u32 $0xFFFFFF80, v15  }
0x2bc: {  	[tilespmem:v19+s21+$0x0] =	vst.idx.add.f32.msk $0xffff, v3;
	v11 =	vcvt.f32.s32 v11;
	v7 =	vand.u32 $0x7F, v15;
	v6 =	vadd.s32 v6, v8  }
0x2bd: {  	[tilespmem:v10+s21+$0x0] =	vst.idx.add.f32.msk $0xffff, v3;
	v8 =	vtrunc.f32 v13;
	v6 =	vor.u32 v7, v6  }
0x2be: {  	[tilespmem:v5+s21+$0x0] =	vst.idx.add.f32.msk $0xffff, v1;
	v13 =	vxor.u32 $0x7FF, v11;
	v8 =	vcvt.f32.s32 v8  }
0x2bf: {  	v7 =	vadd.s32 v11, v9;
	v11 =	vand.u32 $0xFFFFFF80, v13;
	[tilespmem:v4+s21+$0x0] =	vst.idx.add.f32.msk $0xffff, v1  }
0x2c0: {  	v5 =	vadd.s32 v9, v11;
	v9 =	vand.u32 $0x7F, v13;
	v11 =	vxor.u32 $0x7FF, v8;
	[tilespmem:v14+s21+$0x0] =	vst.idx.add.f32.msk $0xffff, v3  }
0x2c1: {  	v5 =	vor.u32 v9, v5;
	v9 =	vand.u32 $0xFFFFFF80, v11;
	s18 =	rddreg [dreg:$0x15]  }
0x2c2: {  	v4 =	vadd.s32 v8, v12;
	v8 =	vadd.s32 v12, v9;
	v9 =	vand.u32 $0x7F, v11;
	s1 =	sshll.u32 s18, $0x10;
	[tilespmem:v6+s21+$0x0] =	vst.idx.add.f32.msk $0xffff, v1  }
0x2c3: {  	v8 =	vor.u32 v9, v8;
	[dreg:$0x16] =	wrdreg s1  }
0x2c4: {  	p0 =	seq.s32 s18, $0x7;
	[tilespmem:v7+s21+$0x0] =	vst.idx.add.f32.msk $0xffff, v3  }
0x2c5: {  	s0 =	sadd.s32 @!p0 $0x10000, s1;
	s1 =	rddreg [dreg:$0xa]  }
0x2c6: {  	[tilespmem:v5+s21+$0x0] =	vst.idx.add.f32.msk $0xffff, v1;
	s1 =	sadd.s32 @!p0 s1, s0  }
0x2c7: {  	s2 =	rddreg [dreg:$0x0];
	s3 =	simm.s32 @!p0 $0x80000;
	[tilespmem:v4+s21+$0x0] =	vst.idx.add.f32.msk $0xffff, v3;
	s1 =	sshrl.u32 @!p0 s1, $0x3  }
0x2c8: {  	s4 =	simm.s32 @!p0 $0x0;
	[tilespmem:v8+s21+$0x0] =	vst.idx.add.f32.msk $0xffff, v1;
	s1 =	sadd.s32 @!p0 s2, s1;
	s2 =	simm.s32 @!p0 $0x800  }
0x2c9: {  	[tilespmem:s4], [sflag:$0x1] =	stream.strided.gather @!p0 [hbm4b:s1+s2], $0x9800, s3, s2, $0x38;
	[tilespmem:$0x1D800] =	vst v63  }
0x2ca: {  	s1 =	rddreg [dreg:$0xc]  }
0x2cb: {  	s0 =	sadd.s32 @!p0 s1, s0  }
0x2cc: {  	s1 =	rddreg [dreg:$0x1];
	s0 =	sshrl.u32 @!p0 s0, $0x3  }
0x2cd: {  	s19 =	simm.s32 $0x2;
	s0 =	sadd.s32 @!p0 s1, s0;
	s1 =	simm.s32 @!p0 $0x13000  }
0x2ce: {  	[tilespmem:s1], [sflag:$0x1] =	stream.linear.gather @!p0 [hbm4b:s0+s4], $0x800, $0x38;
	[tilespmem:$0x1D800] =	vst v63  }
0x2cf: {  	_ =	swait.ge [sflag:s19], $0x9800  }
0x2d0: {  	s20 =	simm.s32 $0x0;
	[sflag:s19] =	ssyncset.done $0x0  }
0x2d1: {  	s22 =	sand.u32 $0x400, s20;
	s9 =	sand.u32 $0xE0, s20;
	[sflag:s19] =	ssyncadd.s32 $0xFFFF6800  }
0x2d2: {  	s23 =	simm.s32 $0x0;
	s14 =	sor.u32 $0x10, s9;
	_ =	swait.ge [sflag:s19], $0x800  }
0x2d3: {  	s11 =	sand.u32 $0x70, s14;
	s2 =	sor.u32 s23, s22;
	[sflag:s19] =	ssyncset.done $0x0  }
0x2d4: {  	s24 =	sor.u32 s2, s11;
	[sflag:s19] =	ssyncadd.s32 $0xFFFFF800  }
0x2d5: {  	v4 =	vld [tilespmem:s24+$0x9800];
	_ =	sdelay $0x4  }
0x2d6: {  	v4 =	vmul.f32 $1.024000000e+03, v4;
	_ =	sdelay $0x1  }
0x2d7: {  	v4 =	vtrunc.f32 v4  }
0x2d8: {  	v4 =	vcvt.f32.s32 v4;
	_ =	sdelay $0x3  }
0x2d9: {  	s12 =	sadd.s32 $0x0, s22  }
0x2da: {  	s1 =	sadd.s32 $0xA000, s12;
	v6 =	vld [tilespmem:s24+$0x13800]  }
0x2db: {  	s25 =	sor.u32 s11, s1;
	[tilespmem:v4+s21+$0x0] =	vst.idx.add.f32.msk $0xffff, v1  }
0x2dc: {  	v4 =	vld [tilespmem:s25+$0x0];
	_ =	sdelay $0x4  }
0x2dd: {  	v4 =	vmul.f32 $1.024000000e+03, v4;
	_ =	sdelay $0x1  }
0x2de: {  	v4 =	vtrunc.f32 v4  }
0x2df: {  	v4 =	vcvt.f32.s32 v4;
	_ =	sdelay $0x1  }
0x2e0: {  	v4 =	vadd.s32 $0x800, v4;
	_ =	sdelay $0x3  }
0x2e1: {  	s26 =	sadd.s32 $0xA800, s12  }
0x2e2: {  	s30 =	sor.u32 s11, s26;
	[tilespmem:v4+s21+$0x0] =	vst.idx.add.f32.msk $0xffff, v1  }
0x2e3: {  	v4 =	vld [tilespmem:s30+$0x0];
	_ =	sdelay $0x4  }
0x2e4: {  	v4 =	vmul.f32 $1.024000000e+03, v4;
	_ =	sdelay $0x1  }
0x2e5: {  	v4 =	vtrunc.f32 v4  }
0x2e6: {  	v4 =	vcvt.f32.s32 v4  }
0x2e7: {  	s24 =	sand.u32 $0x60, s20  }
0x2e8: {  	s0 =	sor.u32 s24, s2;
	v4 =	vadd.s32 $0x1000, v4  }
0x2e9: {  	v5 =	vld [tilespmem:s0+$0x9800];
	_ =	sdelay $0x2  }
0x2ea: {  	s3 =	sadd.s32 $0xB000, s12  }
0x2eb: {  	s28 =	sor.u32 s11, s3;
	[tilespmem:v4+s21+$0x0] =	vst.idx.add.f32.msk $0xffff, v1  }
0x2ec: {  	v5 =	vmul.f32 $1.024000000e+03, v5;
	v4 =	vld [tilespmem:s28+$0x0]  }
0x2ed: {  	s30 =	simm.s32 $0x20  }
0x2ee: {  	s10 =	simm.s32 $0x100;
	v5 =	vtrunc.f32 v5;
	s2 =	sand.u32 $0xE0, s30  }
0x2ef: {  	s6 =	sand.u32 $0x400, s10;
	s13 =	simm.s32 $0x0;
	v5 =	vcvt.f32.s32 v5;
	s15 =	sor.u32 $0x10, s2  }
0x2f0: {  	s7 =	sor.u32 s13, s6;
	s19 =	sand.u32 $0x70, s15  }
0x2f1: {  	s16 =	sor.u32 s7, s19;
	[dreg:$0x18] =	wrdreg s15;
	v4 =	vmul.f32 $1.024000000e+03, v4  }
0x2f2: {  	v8 =	vld [tilespmem:s16+$0x9800]  }
0x2f3: {  	v4 =	vtrunc.f32 v4  }
0x2f4: {  	v7 =	vld [tilespmem:s0+$0x13800];
	v4 =	vcvt.f32.s32 v4  }
0x2f5: {  	s1 =	sor.u32 s24, s1;
	[tilespmem:v5+s21+$0x0] =	vst.idx.add.f32.msk $0xffff, v1  }
0x2f6: {  	v5 =	vld [tilespmem:s1+$0x0];
	v4 =	vadd.s32 $0x1800, v4  }
0x2f7: {  	v8 =	vmul.f32 $1.024000000e+03, v8;
	_ =	sdelay $0x1  }
0x2f8: {  	v8 =	vtrunc.f32 v8  }
0x2f9: {  	s17 =	sadd.s32 $0xB800, s12;
	v9 =	vcvt.f32.s32 v8  }
0x2fa: {  	s18 =	sor.u32 s11, s17;
	[tilespmem:v4+s21+$0x0] =	vst.idx.add.f32.msk $0xffff, v1;
	v4 =	vmul.f32 $1.024000000e+03, v5  }
0x2fb: {  	v5 =	vld [tilespmem:s18+$0x0]  }
0x2fc: {  	v4 =	vtrunc.f32 v4  }
0x2fd: {  	s8 =	sadd.s32 $0x0, s6;
	v4 =	vcvt.f32.s32 v4  }
0x2fe: {  	s6 =	sadd.s32 $0xA000, s8;
	v8 =	vld [tilespmem:s16+$0x13800]  }
0x2ff: {  	s20 =	sor.u32 s19, s6;
	[tilespmem:v9+s21+$0x0] =	vst.idx.add.f32.msk $0xffff, v1;
	v4 =	vadd.s32 $0x800, v4  }
0x300: {  	v9 =	vld [tilespmem:s20+$0x0];
	v5 =	vmul.f32 $1.024000000e+03, v5;
	_ =	sdelay $0x1  }
0x301: {  	v5 =	vtrunc.f32 v5  }
0x302: {  	v5 =	vcvt.f32.s32 v5  }
0x303: {  	s4 =	sor.u32 s24, s26;
	[tilespmem:v4+s21+$0x0] =	vst.idx.add.f32.msk $0xffff, v1  }
0x304: {  	v4 =	vadd.s32 $0x2000, v5;
	v5 =	vmul.f32 $1.024000000e+03, v9;
	v9 =	vld [tilespmem:s4+$0x0];
	_ =	sdelay $0x1  }
0x305: {  	v5 =	vtrunc.f32 v5  }
0x306: {  	v5 =	vcvt.f32.s32 v5  }
0x307: {  	s22 =	sadd.s32 $0xC000, s12  }
0x308: {  	s23 =	sor.u32 s11, s22;
	[tilespmem:v4+s21+$0x0] =	vst.idx.add.f32.msk $0xffff, v1;
	v4 =	vadd.s32 $0x800, v5;
	v5 =	vmul.f32 $1.024000000e+03, v9  }
0x309: {  	v9 =	vld [tilespmem:s23+$0x0]  }
0x30a: {  	v5 =	vtrunc.f32 v5  }
0x30b: {  	v5 =	vcvt.f32.s32 v5  }
0x30c: {  	s25 =	sadd.s32 $0xA800, s8  }
0x30d: {  	s26 =	sor.u32 s19, s25;
	[tilespmem:v4+s21+$0x0] =	vst.idx.add.f32.msk $0xffff, v1;
	v4 =	vadd.s32 $0x1000, v5  }
0x30e: {  	v5 =	vmul.f32 $1.024000000e+03, v9;
	v9 =	vld [tilespmem:s26+$0x0];
	_ =	sdelay $0x1  }
0x30f: {  	v5 =	vtrunc.f32 v5  }
0x310: {  	v5 =	vcvt.f32.s32 v5  }
0x311: {  	s0 =	sor.u32 s24, s3;
	[tilespmem:v4+s21+$0x0] =	vst.idx.add.f32.msk $0xffff, v1  }
0x312: {  	v4 =	vadd.s32 $0x2800, v5;
	v5 =	vmul.f32 $1.024000000e+03, v9;
	v9 =	vld [tilespmem:s0+$0x0];
	_ =	sdelay $0x1  }
0x313: {  	s23 =	sand.u32 $0x60, s30;
	v5 =	vtrunc.f32 v5  }
0x314: {  	s7 =	sor.u32 s23, s7;
	v5 =	vcvt.f32.s32 v5  }
0x315: {  	v10 =	vld [tilespmem:s7+$0x9800];
	s0 =	sadd.s32 $0xC800, s12  }
0x316: {  	s28 =	sor.u32 s11, s0;
	[tilespmem:v4+s21+$0x0] =	vst.idx.add.f32.msk $0xffff, v1;
	v4 =	vadd.s32 $0x1000, v5;
	v5 =	vmul.f32 $1.024000000e+03, v9  }
0x317: {  	v9 =	vld [tilespmem:s28+$0x0]  }
0x318: {  	v5 =	vtrunc.f32 v5  }
0x319: {  	v5 =	vcvt.f32.s32 v5  }
0x31a: {  	s3 =	sadd.s32 $0xB000, s8  }
0x31b: {  	s30 =	sor.u32 s19, s3;
	v10 =	vmul.f32 $1.024000000e+03, v10;
	[tilespmem:v4+s21+$0x0] =	vst.idx.add.f32.msk $0xffff, v1;
	v4 =	vadd.s32 $0x1800, v5  }
0x31c: {  	v5 =	vmul.f32 $1.024000000e+03, v9;
	v9 =	vld [tilespmem:s30+$0x0]  }
0x31d: {  	v10 =	vtrunc.f32 v10  }
0x31e: {  	v10 =	vcvt.f32.s32 v10;
	v5 =	vtrunc.f32 v5  }
0x31f: {  	v5 =	vcvt.f32.s32 v5  }
0x320: {  	s1 =	sor.u32 s24, s17;
	[tilespmem:v4+s21+$0x0] =	vst.idx.add.f32.msk $0xffff, v1  }
0x321: {  	v4 =	vadd.s32 $0x3000, v5;
	v5 =	vmul.f32 $1.024000000e+03, v9;
	v11 =	vld [tilespmem:s1+$0x0];
	_ =	sdelay $0x1  }
0x322: {  	v9 =	vld [tilespmem:s7+$0x13800];
	v5 =	vtrunc.f32 v5  }
0x323: {  	s10 =	sor.u32 s23, s6;
	[tilespmem:v10+s21+$0x0] =	vst.idx.add.f32.msk $0xffff, v1;
	v5 =	vcvt.f32.s32 v5  }
0x324: {  	s13 =	sadd.s32 $0xD000, s12;
	v10 =	vld [tilespmem:s10+$0x0]  }
0x325: {  	s15 =	sor.u32 s11, s13;
	[tilespmem:v4+s21+$0x0] =	vst.idx.add.f32.msk $0xffff, v1;
	v4 =	vadd.s32 $0x1800, v5;
	v5 =	vmul.f32 $1.024000000e+03, v11  }
0x326: {  	v11 =	vld [tilespmem:s15+$0x0]  }
0x327: {  	v5 =	vtrunc.f32 v5  }
0x328: {  	v5 =	vcvt.f32.s32 v5  }
0x329: {  	s1 =	sadd.s32 $0xB800, s8;
	v10 =	vmul.f32 $1.024000000e+03, v10  }
0x32a: {  	s16 =	sor.u32 s19, s1;
	[tilespmem:v4+s21+$0x0] =	vst.idx.add.f32.msk $0xffff, v1;
	v4 =	vadd.s32 $0x2000, v5  }
0x32b: {  	v5 =	vtrunc.f32 v10;
	v10 =	vmul.f32 $1.024000000e+03, v11;
	v11 =	vld [tilespmem:s16+$0x0]  }
0x32c: {  	v5 =	vcvt.f32.s32 v5  }
0x32d: {  	v10 =	vtrunc.f32 v10  }
0x32e: {  	v5 =	vadd.s32 $0x800, v5;
	v10 =	vcvt.f32.s32 v10  }
0x32f: {  	s4 =	sor.u32 s24, s22;
	[tilespmem:v4+s21+$0x0] =	vst.idx.add.f32.msk $0xffff, v1  }
0x330: {  	v4 =	vadd.s32 $0x3800, v10;
	v10 =	vmul.f32 $1.024000000e+03, v11;
	v11 =	vld [tilespmem:s4+$0x0];
	_ =	sdelay $0x1  }
0x331: {  	v10 =	vtrunc.f32 v10  }
0x332: {  	s17 =	sor.u32 s23, s25;
	[tilespmem:v5+s21+$0x0] =	vst.idx.add.f32.msk $0xffff, v1;
	v5 =	vcvt.f32.s32 v10  }
0x333: {  	s6 =	sadd.s32 $0xD800, s12;
	v10 =	vld [tilespmem:s17+$0x0]  }
0x334: {  	s18 =	sor.u32 s11, s6;
	[tilespmem:v4+s21+$0x0] =	vst.idx.add.f32.msk $0xffff, v1;
	v4 =	vadd.s32 $0x2000, v5;
	v5 =	vmul.f32 $1.024000000e+03, v11  }
0x335: {  	v11 =	vld [tilespmem:s18+$0x0]  }
0x336: {  	v5 =	vtrunc.f32 v5  }
0x337: {  	v5 =	vcvt.f32.s32 v5  }
0x338: {  	s22 =	simm.s32 $0x40;
	s4 =	sadd.s32 $0xC000, s8;
	v10 =	vmul.f32 $1.024000000e+03, v10  }
0x339: {  	s5 =	sand.u32 $0xE0, s22;
	s25 =	simm.s32 $0x200;
	s20 =	sor.u32 s19, s4;
	[tilespmem:v4+s21+$0x0] =	vst.idx.add.f32.msk $0xffff, v1;
	v4 =	vadd.s32 $0x2800, v5  }
0x33a: {  	s26 =	simm.s32 $0x0;
	s28 =	sor.u32 $0x10, s5;
	s15 =	sand.u32 $0x400, s25;
	v5 =	vtrunc.f32 v10;
	v10 =	vmul.f32 $1.024000000e+03, v11;
	v11 =	vld [tilespmem:s20+$0x0]  }
0x33b: {  	s31 =	sand.u32 $0x70, s28;
	s16 =	sor.u32 s26, s15;
	v5 =	vcvt.f32.s32 v5  }
0x33c: {  	s17 =	sor.u32 s16, s31;
	[dreg:$0x4] =	wrdreg s28;
	v10 =	vtrunc.f32 v10  }
0x33d: {  	v12 =	vld [tilespmem:s17+$0x9800];
	v5 =	vadd.s32 $0x1000, v5;
	v10 =	vcvt.f32.s32 v10  }
0x33e: {  	s0 =	sor.u32 s24, s0;
	[tilespmem:v4+s21+$0x0] =	vst.idx.add.f32.msk $0xffff, v1  }
0x33f: {  	v4 =	vadd.s32 $0x4000, v10;
	v10 =	vmul.f32 $1.024000000e+03, v11;
	v11 =	vld [tilespmem:s0+$0x0];
	_ =	sdelay $0x1  }
0x340: {  	v10 =	vtrunc.f32 v10  }
0x341: {  	s30 =	sor.u32 s23, s3;
	[tilespmem:v5+s21+$0x0] =	vst.idx.add.f32.msk $0xffff, v1;
	v5 =	vcvt.f32.s32 v10  }
0x342: {  	s10 =	sadd.s32 $0xE000, s12;
	v12 =	vmul.f32 $1.024000000e+03, v12;
	v10 =	vld [tilespmem:s30+$0x0]  }
0x343: {  	s3 =	sor.u32 s11, s10;
	[tilespmem:v4+s21+$0x0] =	vst.idx.add.f32.msk $0xffff, v1;
	v4 =	vadd.s32 $0x2800, v5;
	v5 =	vmul.f32 $1.024000000e+03, v11  }
0x344: {  	v12 =	vtrunc.f32 v12;
	v11 =	vld [tilespmem:s3+$0x0]  }
0x345: {  	v12 =	vcvt.f32.s32 v12;
	v5 =	vtrunc.f32 v5  }
0x346: {  	v5 =	vcvt.f32.s32 v5;
	_ =	sdelay $0x1  }
0x347: {  	s3 =	sadd.s32 $0xC800, s8;
	v10 =	vmul.f32 $1.024000000e+03, v10;
	[tilespmem:v4+s21+$0x0] =	vst.idx.add.f32.msk $0xffff, v1;
	v5 =	vadd.s32 $0x3000, v5  }
0x348: {  	s0 =	sadd.s32 $0x0, s15;
	s18 =	sor.u32 s19, s3;
	v4 =	vld [tilespmem:s17+$0x13800];
	v11 =	vmul.f32 $1.024000000e+03, v11  }
0x349: {  	s15 =	sadd.s32 $0xA000, s0;
	v10 =	vtrunc.f32 v10;
	v13 =	vld [tilespmem:s18+$0x0]  }
0x34a: {  	s20 =	sor.u32 s31, s15;
	[tilespmem:v12+s21+$0x0] =	vst.idx.add.f32.msk $0xffff, v1;
	v10 =	vcvt.f32.s32 v10;
	v11 =	vtrunc.f32 v11  }
0x34b: {  	v12 =	vld [tilespmem:s20+$0x0];
	v11 =	vcvt.f32.s32 v11  }
0x34c: {  	s7 =	sor.u32 s24, s13;
	v10 =	vadd.s32 $0x1800, v10;
	[tilespmem:v5+s21+$0x0] =	vst.idx.add.f32.msk $0xffff, v1  }
0x34d: {  	v5 =	vadd.s32 $0x4800, v11;
	v11 =	vld [tilespmem:s7+$0x0]  }
0x34e: {  	v13 =	vmul.f32 $1.024000000e+03, v13;
	_ =	sdelay $0x1  }
0x34f: {  	v12 =	vmul.f32 $1.024000000e+03, v12;
	v13 =	vtrunc.f32 v13  }
0x350: {  	s29 =	sand.u32 $0x60, s22;
	[tilespmem:v10+s21+$0x0] =	vst.idx.add.f32.msk $0xffff, v1;
	v10 =	vcvt.f32.s32 v13  }
0x351: {  	s16 =	sor.u32 s29, s16;
	s7 =	sadd.s32 $0xE800, s12;
	[tilespmem:v5+s21+$0x0] =	vst.idx.add.f32.msk $0xffff, v1;
	v5 =	vtrunc.f32 v12;
	v11 =	vmul.f32 $1.024000000e+03, v11  }
0x352: {  	s22 =	sor.u32 s11, s7;
	v12 =	vld [tilespmem:s16+$0x9800];
	v10 =	vadd.s32 $0x3000, v10;
	v5 =	vcvt.f32.s32 v5  }
0x353: {  	s1 =	sor.u32 s23, s1;
	v13 =	vld [tilespmem:s22+$0x0];
	v11 =	vtrunc.f32 v11  }
0x354: {  	v14 =	vld [tilespmem:s1+$0x0];
	v5 =	vadd.s32 $0x800, v5;
	v11 =	vcvt.f32.s32 v11;
	_ =	sdelay $0x1  }
0x355: {  	s1 =	sadd.s32 $0xD000, s8;
	v11 =	vadd.s32 $0x3800, v11  }
0x356: {  	s25 =	sor.u32 s19, s1;
	v12 =	vmul.f32 $1.024000000e+03, v12;
	[tilespmem:v10+s21+$0x0] =	vst.idx.add.f32.msk $0xffff, v1  }
0x357: {  	s26 =	sadd.s32 $0xA800, s0;
	v10 =	vmul.f32 $1.024000000e+03, v13;
	v13 =	vld [tilespmem:s25+$0x0]  }
0x358: {  	s28 =	sor.u32 s31, s26;
	v14 =	vmul.f32 $1.024000000e+03, v14;
	v12 =	vtrunc.f32 v12;
	[tilespmem:v5+s21+$0x0] =	vst.idx.add.f32.msk $0xffff, v1  }
0x359: {  	v5 =	vtrunc.f32 v10;
	v12 =	vcvt.f32.s32 v12;
	v15 =	vld [tilespmem:s28+$0x0]  }
0x35a: {  	s6 =	sor.u32 s24, s6;
	v5 =	vcvt.f32.s32 v5;
	[tilespmem:v11+s21+$0x0] =	vst.idx.add.f32.msk $0xffff, v1  }
0x35b: {  	v10 =	vtrunc.f32 v14;
	v11 =	vld [tilespmem:s6+$0x0]  }
0x35c: {  	v10 =	vcvt.f32.s32 v10;
	v5 =	vadd.s32 $0x5000, v5;
	v13 =	vmul.f32 $1.024000000e+03, v13;
	_ =	sdelay $0x1  }
0x35d: {  	v14 =	vadd.s32 $0x2000, v10;
	v10 =	vld [tilespmem:s16+$0x13800];
	v13 =	vtrunc.f32 v13;
	v15 =	vmul.f32 $1.024000000e+03, v15  }
0x35e: {  	s15 =	sor.u32 s29, s15;
	[tilespmem:v12+s21+$0x0] =	vst.idx.add.f32.msk $0xffff, v1;
	v12 =	vcvt.f32.s32 v13  }
0x35f: {  	s6 =	sadd.s32 $0xF000, s12;
	v13 =	vld [tilespmem:s15+$0x0];
	v15 =	vtrunc.f32 v15;
	v11 =	vmul.f32 $1.024000000e+03, v11  }
0x360: {  	s30 =	sor.u32 s11, s6;
	[tilespmem:v5+s21+$0x0] =	vst.idx.add.f32.msk $0xffff, v1;
	v5 =	vadd.s32 $0x3800, v12;
	v12 =	vcvt.f32.s32 v15  }
0x361: {  	v15 =	vld [tilespmem:s30+$0x0];
	v11 =	vtrunc.f32 v11  }
0x362: {  	s4 =	sor.u32 s23, s4;
	[tilespmem:v14+s21+$0x0] =	vst.idx.add.f32.msk $0xffff, v1;
	v12 =	vadd.s32 $0x1000, v12;
	v11 =	vcvt.f32.s32 v11  }
0x363: {  	v14 =	vld [tilespmem:s4+$0x0]  }
0x364: {  	s4 =	sadd.s32 $0xD800, s8;
	v13 =	vmul.f32 $1.024000000e+03, v13;
	v11 =	vadd.s32 $0x4000, v11  }
0x365: {  	s16 =	sor.u32 s19, s4;
	[tilespmem:v5+s21+$0x0] =	vst.idx.add.f32.msk $0xffff, v1  }
0x366: {  	s17 =	sadd.s32 $0xB000, s0;
	v5 =	vmul.f32 $1.024000000e+03, v15;
	v13 =	vtrunc.f32 v13;
	v15 =	vld [tilespmem:s16+$0x0]  }
0x367: {  	s18 =	sor.u32 s31, s17;
	v13 =	vcvt.f32.s32 v13;
	[tilespmem:v12+s21+$0x0] =	vst.idx.add.f32.msk $0xffff, v1  }
0x368: {  	v12 =	vmul.f32 $1.024000000e+03, v14;
	v5 =	vtrunc.f32 v5;
	v14 =	vld [tilespmem:s18+$0x0]  }
0x369: {  	s10 =	sor.u32 s24, s10;
	v5 =	vcvt.f32.s32 v5;
	v13 =	vadd.s32 $0x800, v13;
	[tilespmem:v11+s21+$0x0] =	vst.idx.add.f32.msk $0xffff, v1  }
0x36a: {  	v11 =	vtrunc.f32 v12;
	v12 =	vld [tilespmem:s10+$0x0]  }
0x36b: {  	v11 =	vcvt.f32.s32 v11;
	v5 =	vadd.s32 $0x5800, v5;
	v15 =	vmul.f32 $1.024000000e+03, v15;
	_ =	sdelay $0x1  }
0x36c: {  	v11 =	vadd.s32 $0x2800, v11;
	v15 =	vtrunc.f32 v15;
	v14 =	vmul.f32 $1.024000000e+03, v14  }
0x36d: {  	s20 =	sor.u32 s29, s26;
	[tilespmem:v13+s21+$0x0] =	vst.idx.add.f32.msk $0xffff, v1;
	v13 =	vcvt.f32.s32 v15  }
0x36e: {  	s16 =	sadd.s32 $0xF800, s12;
	v15 =	vld [tilespmem:s20+$0x0];
	v14 =	vtrunc.f32 v14;
	v12 =	vmul.f32 $1.024000000e+03, v12  }
0x36f: {  	s22 =	sor.u32 s11, s16;
	[tilespmem:v5+s21+$0x0] =	vst.idx.add.f32.msk $0xffff, v1;
	v5 =	vadd.s32 $0x4000, v13;
	v13 =	vcvt.f32.s32 v14  }
0x370: {  	v14 =	vld [tilespmem:s22+$0x0];
	v12 =	vtrunc.f32 v12  }
0x371: {  	s3 =	sor.u32 s23, s3;
	[tilespmem:v11+s21+$0x0] =	vst.idx.add.f32.msk $0xffff, v1;
	v11 =	vadd.s32 $0x1800, v13;
	v12 =	vcvt.f32.s32 v12  }
0x372: {  	v13 =	vld [tilespmem:s3+$0x0]  }
0x373: {  	s13 =	sadd.s32 $0xE000, s8;
	v15 =	vmul.f32 $1.024000000e+03, v15;
	v12 =	vadd.s32 $0x4800, v12  }
0x374: {  	s25 =	sor.u32 s19, s13;
	[tilespmem:v5+s21+$0x0] =	vst.idx.add.f32.msk $0xffff, v1  }
0x375: {  	s10 =	sadd.s32 $0xB800, s0;
	v5 =	vmul.f32 $1.024000000e+03, v14;
	v14 =	vtrunc.f32 v15;
	v15 =	vld [tilespmem:s25+$0x0]  }
0x376: {  	s26 =	sor.u32 s31, s10;
	v14 =	vcvt.f32.s32 v14;
	[tilespmem:v11+s21+$0x0] =	vst.idx.add.f32.msk $0xffff, v1  }
0x377: {  	v11 =	vmul.f32 $1.024000000e+03, v13;
	v5 =	vtrunc.f32 v5;
	v13 =	vld [tilespmem:s26+$0x0]  }
0x378: {  	s28 =	sor.u32 s24, s7;
	v5 =	vcvt.f32.s32 v5;
	v14 =	vadd.s32 $0x1000, v14;
	[tilespmem:v12+s21+$0x0] =	vst.idx.add.f32.msk $0xffff, v1  }
0x379: {  	v11 =	vtrunc.f32 v11;
	v12 =	vld [tilespmem:s28+$0x0]  }
0x37a: {  	v11 =	vcvt.f32.s32 v11;
	v5 =	vadd.s32 $0x6000, v5;
	v15 =	vmul.f32 $1.024000000e+03, v15;
	_ =	sdelay $0x1  }
0x37b: {  	v11 =	vadd.s32 $0x3000, v11;
	v15 =	vtrunc.f32 v15;
	v13 =	vmul.f32 $1.024000000e+03, v13  }
0x37c: {  	s30 =	sor.u32 s29, s17;
	[tilespmem:v14+s21+$0x0] =	vst.idx.add.f32.msk $0xffff, v1;
	v14 =	vcvt.f32.s32 v15  }
0x37d: {  	s15 =	sadd.s32 $0x10000, s12;
	v15 =	vld [tilespmem:s30+$0x0];
	v13 =	vtrunc.f32 v13;
	v12 =	vmul.f32 $1.024000000e+03, v12  }
0x37e: {  	s7 =	sor.u32 s11, s15;
	[tilespmem:v5+s21+$0x0] =	vst.idx.add.f32.msk $0xffff, v1;
	v5 =	vadd.s32 $0x4800, v14;
	v13 =	vcvt.f32.s32 v13  }
0x37f: {  	v14 =	vld [tilespmem:s7+$0x0];
	v12 =	vtrunc.f32 v12  }
0x380: {  	s1 =	sor.u32 s23, s1;
	[tilespmem:v11+s21+$0x0] =	vst.idx.add.f32.msk $0xffff, v1;
	v11 =	vadd.s32 $0x2000, v13;
	v12 =	vcvt.f32.s32 v12  }
0x381: {  	v13 =	vld [tilespmem:s1+$0x0]  }
0x382: {  	s3 =	sadd.s32 $0xE800, s8;
	v15 =	vmul.f32 $1.024000000e+03, v15;
	v12 =	vadd.s32 $0x5000, v12  }
0x383: {  	s17 =	sor.u32 s19, s3;
	[tilespmem:v5+s21+$0x0] =	vst.idx.add.f32.msk $0xffff, v1  }
0x384: {  	s20 =	sadd.s32 $0xC000, s0;
	v5 =	vmul.f32 $1.024000000e+03, v14;
	v14 =	vtrunc.f32 v15;
	v15 =	vld [tilespmem:s17+$0x0]  }
0x385: {  	s18 =	sor.u32 s31, s20;
	s22 =	simm.s32 $0x300;
	s17 =	simm.s32 $0x60;
	v14 =	vcvt.f32.s32 v14;
	[tilespmem:v11+s21+$0x0] =	vst.idx.add.f32.msk $0xffff, v1  }
0x386: {  	s22 =	sand.u32 $0x400, s22;
	s25 =	simm.s32 $0x0;
	s7 =	sand.u32 $0xE0, s17;
	v11 =	vmul.f32 $1.024000000e+03, v13;
	v5 =	vtrunc.f32 v5;
	v13 =	vld [tilespmem:s18+$0x0]  }
0x387: {  	s25 =	sor.u32 s25, s22;
	s26 =	sor.u32 $0x10, s7;
	v5 =	vcvt.f32.s32 v5;
	v14 =	vadd.s32 $0x1800, v14;
	[tilespmem:v12+s21+$0x0] =	vst.idx.add.f32.msk $0xffff, v1  }
0x388: {  	s18 =	sor.u32 s24, s6;
	s6 =	sand.u32 $0x70, s26;
	v11 =	vtrunc.f32 v11;
	[dreg:$0x7] =	wrdreg s26  }
0x389: {  	v11 =	vcvt.f32.s32 v11;
	v5 =	vadd.s32 $0x6800, v5;
	v15 =	vmul.f32 $1.024000000e+03, v15;
	s26 =	sor.u32 s25, s6;
	v12 =	vld [tilespmem:s18+$0x0]  }
0x38a: {  	v16 =	vld [tilespmem:s26+$0x9800]  }
0x38b: {  	v11 =	vadd.s32 $0x3800, v11;
	v15 =	vtrunc.f32 v15;
	v13 =	vmul.f32 $1.024000000e+03, v13  }
0x38c: {  	s28 =	sor.u32 s29, s10;
	[tilespmem:v14+s21+$0x0] =	vst.idx.add.f32.msk $0xffff, v1;
	v14 =	vcvt.f32.s32 v15  }
0x38d: {  	s1 =	sadd.s32 $0x10800, s12;
	v15 =	vld [tilespmem:s28+$0x0];
	v13 =	vtrunc.f32 v13  }
0x38e: {  	s30 =	sor.u32 s11, s1;
	[tilespmem:v5+s21+$0x0] =	vst.idx.add.f32.msk $0xffff, v1;
	v5 =	vadd.s32 $0x5000, v14;
	v13 =	vcvt.f32.s32 v13  }
0x38f: {  	s17 =	sand.u32 $0x60, s17;
	v14 =	vld [tilespmem:s30+$0x0];
	v12 =	vmul.f32 $1.024000000e+03, v12;
	v16 =	vmul.f32 $1.024000000e+03, v16  }
0x390: {  	s25 =	sor.u32 s17, s25;
	[tilespmem:v11+s21+$0x0] =	vst.idx.add.f32.msk $0xffff, v1  }
0x391: {  	s4 =	sor.u32 s23, s4;
	v11 =	vadd.s32 $0x2800, v13;
	v12 =	vtrunc.f32 v12;
	v13 =	vld [tilespmem:s25+$0x9800];
	v16 =	vtrunc.f32 v16  }
0x392: {  	v17 =	vld [tilespmem:s4+$0x0];
	s4 =	sadd.s32 $0xF000, s8;
	v15 =	vmul.f32 $1.024000000e+03, v15;
	v16 =	vcvt.f32.s32 v16  }
0x393: {  	v12 =	vcvt.f32.s32 v12;
	s18 =	sor.u32 s19, s4;
	[tilespmem:v5+s21+$0x0] =	vst.idx.add.f32.msk $0xffff, v1  }
0x394: {  	v18 =	vld [tilespmem:s18+$0x0];
	v5 =	vtrunc.f32 v15  }
0x395: {  	s18 =	sadd.s32 $0xC800, s0;
	v12 =	vadd.s32 $0x5800, v12;
	v15 =	vcvt.f32.s32 v5;
	v5 =	vld [tilespmem:s26+$0x13800]  }
0x396: {  	s10 =	sadd.s32 $0x0, s22;
	s28 =	sor.u32 s31, s18;
	[tilespmem:v11+s21+$0x0] =	vst.idx.add.f32.msk $0xffff, v1;
	v13 =	vmul.f32 $1.024000000e+03, v13  }
0x397: {  	s22 =	sadd.s32 $0xA000, s10;
	v14 =	vmul.f32 $1.024000000e+03, v14;
	v11 =	vld [tilespmem:s28+$0x0]  }
0x398: {  	s30 =	sor.u32 s6, s22;
	v17 =	vmul.f32 $1.024000000e+03, v17;
	v15 =	vadd.s32 $0x2000, v15;
	v13 =	vtrunc.f32 v13;
	[tilespmem:v16+s21+$0x0] =	vst.idx.add.f32.msk $0xffff, v1  }
0x399: {  	v14 =	vtrunc.f32 v14;
	v16 =	vld [tilespmem:s30+$0x0];
	v13 =	vcvt.f32.s32 v13  }
0x39a: {  	s16 =	sor.u32 s24, s16;
	v17 =	vtrunc.f32 v17;
	[tilespmem:v12+s21+$0x0] =	vst.idx.add.f32.msk $0xffff, v1;
	v12 =	vcvt.f32.s32 v14  }
0x39b: {  	v18 =	vmul.f32 $1.024000000e+03, v18;
	v17 =	vcvt.f32.s32 v17;
	v14 =	vld [tilespmem:s16+$0x0]  }
0x39c: {  	v19 =	vadd.s32 $0x7000, v12;
	v12 =	vld [tilespmem:s25+$0x13800]  }
0x39d: {  	s26 =	sor.u32 s29, s20;
	v18 =	vtrunc.f32 v18;
	v17 =	vadd.s32 $0x4000, v17;
	[tilespmem:v15+s21+$0x0] =	vst.idx.add.f32.msk $0xffff, v1;
	v11 =	vmul.f32 $1.024000000e+03, v11  }
0x39e: {  	v18 =	vcvt.f32.s32 v18;
	v15 =	vld [tilespmem:s26+$0x0]  }
0x39f: {  	s28 =	sor.u32 s17, s22;
	v11 =	vtrunc.f32 v11;
	[tilespmem:v13+s21+$0x0] =	vst.idx.add.f32.msk $0xffff, v1;
	v13 =	vmul.f32 $1.024000000e+03, v16  }
0x3a0: {  	v18 =	vadd.s32 $0x5800, v18;
	v11 =	vcvt.f32.s32 v11;
	v14 =	vmul.f32 $1.024000000e+03, v14;
	v16 =	vld [tilespmem:s28+$0x0]  }
0x3a1: {  	s16 =	sadd.s32 $0x11000, s12;
	[tilespmem:v19+s21+$0x0] =	vst.idx.add.f32.msk $0xffff, v1;
	v13 =	vtrunc.f32 v13  }
0x3a2: {  	s30 =	sor.u32 s11, s16;
	[tilespmem:v17+s21+$0x0] =	vst.idx.add.f32.msk $0xffff, v1;
	v11 =	vadd.s32 $0x3000, v11;
	v14 =	vtrunc.f32 v14;
	v13 =	vcvt.f32.s32 v13  }
0x3a3: {  	s13 =	sor.u32 s23, s13;
	v19 =	vld [tilespmem:s30+$0x0];
	v14 =	vcvt.f32.s32 v14  }
0x3a4: {  	v17 =	vld [tilespmem:s13+$0x0];
	s13 =	sadd.s32 $0xF800, s8;
	v15 =	vmul.f32 $1.024000000e+03, v15;
	v13 =	vadd.s32 $0x800, v13  }
0x3a5: {  	s22 =	sor.u32 s19, s13;
	[tilespmem:v18+s21+$0x0] =	vst.idx.add.f32.msk $0xffff, v1;
	v14 =	vadd.s32 $0x6000, v14  }
0x3a6: {  	s20 =	sadd.s32 $0xD000, s0;
	v15 =	vtrunc.f32 v15;
	v18 =	vld [tilespmem:s22+$0x0];
	v16 =	vmul.f32 $1.024000000e+03, v16  }
0x3a7: {  	s25 =	sor.u32 s31, s20;
	v15 =	vcvt.f32.s32 v15;
	[tilespmem:v11+s21+$0x0] =	vst.idx.add.f32.msk $0xffff, v1  }
0x3a8: {  	v19 =	vmul.f32 $1.024000000e+03, v19;
	v16 =	vtrunc.f32 v16;
	v11 =	vld [tilespmem:s25+$0x0]  }
0x3a9: {  	s26 =	sadd.s32 $0xA800, s10;
	v15 =	vadd.s32 $0x2800, v15;
	v16 =	vcvt.f32.s32 v16;
	[tilespmem:v13+s21+$0x0] =	vst.idx.add.f32.msk $0xffff, v1  }
0x3aa: {  	s28 =	sor.u32 s6, s26;
	v17 =	vmul.f32 $1.024000000e+03, v17;
	v19 =	vtrunc.f32 v19;
	[tilespmem:v14+s21+$0x0] =	vst.idx.add.f32.msk $0xffff, v1  }
0x3ab: {  	s15 =	sor.u32 s24, s15;
	v19 =	vcvt.f32.s32 v19;
	v13 =	vld [tilespmem:s28+$0x0];
	v16 =	vadd.s32 $0x800, v16  }
0x3ac: {  	v14 =	vtrunc.f32 v17;
	v17 =	vmul.f32 $1.024000000e+03, v18;
	v18 =	vld [tilespmem:s15+$0x0]  }
0x3ad: {  	v14 =	vcvt.f32.s32 v14;
	v19 =	vadd.s32 $0x7800, v19  }
0x3ae: {  	s30 =	sor.u32 s29, s18;
	[tilespmem:v15+s21+$0x0] =	vst.idx.add.f32.msk $0xffff, v1;
	v15 =	vtrunc.f32 v17;
	v11 =	vmul.f32 $1.024000000e+03, v11  }
0x3af: {  	v14 =	vadd.s32 $0x4800, v14;
	v17 =	vld [tilespmem:s30+$0x0];
	v15 =	vcvt.f32.s32 v15  }
0x3b0: {  	s18 =	sor.u32 s17, s26;
	v11 =	vtrunc.f32 v11;
	[tilespmem:v16+s21+$0x0] =	vst.idx.add.f32.msk $0xffff, v1;
	v13 =	vmul.f32 $1.024000000e+03, v13  }
0x3b1: {  	s15 =	sadd.s32 $0x11800, s12;
	v15 =	vadd.s32 $0x6000, v15;
	v11 =	vcvt.f32.s32 v11;
	v18 =	vmul.f32 $1.024000000e+03, v18;
	v16 =	vld [tilespmem:s18+$0x0]  }
0x3b2: {  	s22 =	sor.u32 s11, s15;
	[tilespmem:v19+s21+$0x0] =	vst.idx.add.f32.msk $0xffff, v1;
	v13 =	vtrunc.f32 v13  }
0x3b3: {  	v19 =	vld [tilespmem:s22+$0x0];
	v11 =	vadd.s32 $0x3800, v11;
	v18 =	vtrunc.f32 v18;
	v13 =	vcvt.f32.s32 v13  }
0x3b4: {  	s3 =	sor.u32 s23, s3;
	[tilespmem:v14+s21+$0x0] =	vst.idx.add.f32.msk $0xffff, v1;
	v18 =	vcvt.f32.s32 v18  }
0x3b5: {  	v14 =	vmul.f32 $1.024000000e+03, v17;
	v17 =	vld [tilespmem:s3+$0x0];
	s3 =	sadd.s32 $0x10000, s8;
	v13 =	vadd.s32 $0x1000, v13  }
0x3b6: {  	s25 =	sor.u32 s19, s3;
	[tilespmem:v15+s21+$0x0] =	vst.idx.add.f32.msk $0xffff, v1;
	v18 =	vadd.s32 $0x6800, v18  }
0x3b7: {  	s18 =	sadd.s32 $0xD800, s0;
	v14 =	vtrunc.f32 v14;
	v16 =	vmul.f32 $1.024000000e+03, v16;
	v15 =	vld [tilespmem:s25+$0x0]  }
0x3b8: {  	s26 =	sor.u32 s31, s18;
	v14 =	vcvt.f32.s32 v14;
	[tilespmem:v11+s21+$0x0] =	vst.idx.add.f32.msk $0xffff, v1  }
0x3b9: {  	v19 =	vmul.f32 $1.024000000e+03, v19;
	v16 =	vtrunc.f32 v16;
	v11 =	vld [tilespmem:s26+$0x0]  }
0x3ba: {  	s28 =	sadd.s32 $0xB000, s10;
	v14 =	vadd.s32 $0x3000, v14;
	v16 =	vcvt.f32.s32 v16;
	[tilespmem:v13+s21+$0x0] =	vst.idx.add.f32.msk $0xffff, v1  }
0x3bb: {  	s30 =	sor.u32 s6, s28;
	v17 =	vmul.f32 $1.024000000e+03, v17;
	v19 =	vtrunc.f32 v19;
	[tilespmem:v18+s21+$0x0] =	vst.idx.add.f32.msk $0xffff, v1  }
0x3bc: {  	s1 =	sor.u32 s24, s1;
	v19 =	vcvt.f32.s32 v19;
	v13 =	vld [tilespmem:s30+$0x0];
	v16 =	vadd.s32 $0x1000, v16  }
0x3bd: {  	v17 =	vtrunc.f32 v17;
	v15 =	vmul.f32 $1.024000000e+03, v15;
	v18 =	vld [tilespmem:s1+$0x0]  }
0x3be: {  	v17 =	vcvt.f32.s32 v17;
	v19 =	vadd.s32 $0x8000, v19  }
0x3bf: {  	s26 =	sor.u32 s29, s20;
	[tilespmem:v14+s21+$0x0] =	vst.idx.add.f32.msk $0xffff, v1;
	v14 =	vtrunc.f32 v15;
	v11 =	vmul.f32 $1.024000000e+03, v11  }
0x3c0: {  	v17 =	vadd.s32 $0x5000, v17;
	v15 =	vld [tilespmem:s26+$0x0];
	v14 =	vcvt.f32.s32 v14  }
0x3c1: {  	s28 =	sor.u32 s17, s28;
	v11 =	vtrunc.f32 v11;
	[tilespmem:v16+s21+$0x0] =	vst.idx.add.f32.msk $0xffff, v1;
	v13 =	vmul.f32 $1.024000000e+03, v13  }
0x3c2: {  	s1 =	sadd.s32 $0x12000, s12;
	v14 =	vadd.s32 $0x6800, v14;
	v11 =	vcvt.f32.s32 v11;
	v18 =	vmul.f32 $1.024000000e+03, v18;
	v16 =	vld [tilespmem:s28+$0x0]  }
0x3c3: {  	s30 =	sor.u32 s11, s1;
	[tilespmem:v19+s21+$0x0] =	vst.idx.add.f32.msk $0xffff, v1;
	v13 =	vtrunc.f32 v13  }
0x3c4: {  	v19 =	vld [tilespmem:s30+$0x0];
	v11 =	vadd.s32 $0x4000, v11;
	v18 =	vtrunc.f32 v18;
	v13 =	vcvt.f32.s32 v13  }
0x3c5: {  	s4 =	sor.u32 s23, s4;
	[tilespmem:v17+s21+$0x0] =	vst.idx.add.f32.msk $0xffff, v1;
	v15 =	vmul.f32 $1.024000000e+03, v15;
	v18 =	vcvt.f32.s32 v18  }
0x3c6: {  	s28 =	sadd.s32 $0x10800, s8;
	v17 =	vld [tilespmem:s4+$0x0];
	v13 =	vadd.s32 $0x1800, v13  }
0x3c7: {  	s22 =	sor.u32 s19, s28;
	v15 =	vtrunc.f32 v15;
	[tilespmem:v14+s21+$0x0] =	vst.idx.add.f32.msk $0xffff, v1;
	v18 =	vadd.s32 $0x7000, v18;
	v16 =	vmul.f32 $1.024000000e+03, v16  }
0x3c8: {  	s20 =	sadd.s32 $0xE000, s0;
	v14 =	vld [tilespmem:s22+$0x0];
	v15 =	vcvt.f32.s32 v15  }
0x3c9: {  	s25 =	sor.u32 s31, s20;
	[tilespmem:v11+s21+$0x0] =	vst.idx.add.f32.msk $0xffff, v1;
	v16 =	vtrunc.f32 v16  }
0x3ca: {  	v19 =	vmul.f32 $1.024000000e+03, v19;
	v11 =	vld [tilespmem:s25+$0x0];
	v15 =	vadd.s32 $0x3800, v15;
	v16 =	vcvt.f32.s32 v16  }
0x3cb: {  	s26 =	sadd.s32 $0xB800, s10;
	v17 =	vmul.f32 $1.024000000e+03, v17;
	[tilespmem:v13+s21+$0x0] =	vst.idx.add.f32.msk $0xffff, v1  }
0x3cc: {  	s30 =	sor.u32 s6, s26;
	v19 =	vtrunc.f32 v19;
	[tilespmem:v18+s21+$0x0] =	vst.idx.add.f32.msk $0xffff, v1;
	v16 =	vadd.s32 $0x1800, v16  }
0x3cd: {  	s16 =	sor.u32 s24, s16;
	v19 =	vcvt.f32.s32 v19;
	v17 =	vtrunc.f32 v17;
	v13 =	vld [tilespmem:s30+$0x0]  }
0x3ce: {  	v14 =	vmul.f32 $1.024000000e+03, v14;
	v18 =	vld [tilespmem:s16+$0x0];
	v17 =	vcvt.f32.s32 v17  }
0x3cf: {  	s22 =	sor.u32 s29, s18;
	v19 =	vadd.s32 $0x8800, v19;
	[tilespmem:v15+s21+$0x0] =	vst.idx.add.f32.msk $0xffff, v1  }
0x3d0: {  	v14 =	vtrunc.f32 v14;
	v11 =	vmul.f32 $1.024000000e+03, v11;
	v17 =	vadd.s32 $0x5800, v17;
	v15 =	vld [tilespmem:s22+$0x0]  }
0x3d1: {  	s4 =	sor.u32 s17, s26;
	v14 =	vcvt.f32.s32 v14;
	[tilespmem:v16+s21+$0x0] =	vst.idx.add.f32.msk $0xffff, v1  }
0x3d2: {  	v11 =	vtrunc.f32 v11;
	v13 =	vmul.f32 $1.024000000e+03, v13;
	v16 =	vld [tilespmem:s4+$0x0]  }
0x3d3: {  	v14 =	vadd.s32 $0x7000, v14;
	v11 =	vcvt.f32.s32 v11;
	v18 =	vmul.f32 $1.024000000e+03, v18  }
0x3d4: {  	[tilespmem:v19+s21+$0x0] =	vst.idx.add.f32.msk $0xffff, v1;
	v13 =	vtrunc.f32 v13  }
0x3d5: {  	s26 =	sadd.s32 $0x12800, s12;
	s30 =	sor.u32 s23, s13;
	v11 =	vadd.s32 $0x4800, v11;
	v18 =	vtrunc.f32 v18;
	[tilespmem:v17+s21+$0x0] =	vst.idx.add.f32.msk $0xffff, v1;
	v13 =	vcvt.f32.s32 v13  }
0x3d6: {  	s25 =	sor.u32 s11, s26;
	v15 =	vmul.f32 $1.024000000e+03, v15;
	v17 =	vcvt.f32.s32 v18;
	v18 =	vld [tilespmem:s30+$0x0]  }
0x3d7: {  	s22 =	sadd.s32 $0x11000, s8;
	v19 =	vld [tilespmem:s25+$0x0];
	v13 =	vadd.s32 $0x2000, v13;
	v16 =	vmul.f32 $1.024000000e+03, v16  }
0x3d8: {  	s11 =	sor.u32 s19, s22;
	v15 =	vtrunc.f32 v15;
	[tilespmem:v14+s21+$0x0] =	vst.idx.add.f32.msk $0xffff, v1;
	v17 =	vadd.s32 $0x7800, v17  }
0x3d9: {  	s4 =	sadd.s32 $0xE800, s0;
	v14 =	vld [tilespmem:s11+$0x0];
	v15 =	vcvt.f32.s32 v15;
	v16 =	vtrunc.f32 v16  }
0x3da: {  	s12 =	sor.u32 s31, s4;
	[tilespmem:v11+s21+$0x0] =	vst.idx.add.f32.msk $0xffff, v1;
	v16 =	vcvt.f32.s32 v16  }
0x3db: {  	v11 =	vld [tilespmem:s12+$0x0];
	v15 =	vadd.s32 $0x4000, v15;
	v18 =	vmul.f32 $1.024000000e+03, v18  }
0x3dc: {  	s12 =	sadd.s32 $0xC000, s10;
	[tilespmem:v13+s21+$0x0] =	vst.idx.add.f32.msk $0xffff, v1;
	v16 =	vadd.s32 $0x2000, v16  }
0x3dd: {  	v19 =	vmul.f32 $1.024000000e+03, v19;
	s13 =	sor.u32 s6, s12;
	[tilespmem:v17+s21+$0x0] =	vst.idx.add.f32.msk $0xffff, v1;
	v18 =	vtrunc.f32 v18  }
0x3de: {  	s16 =	sor.u32 s24, s15;
	v13 =	vld [tilespmem:s13+$0x0];
	v18 =	vcvt.f32.s32 v18  }
0x3df: {  	s18 =	sor.u32 s29, s20;
	s15 =	simm.s32 $0x80;
	v19 =	vtrunc.f32 v19;
	v17 =	vld [tilespmem:s16+$0x0]  }
0x3e0: {  	s20 =	simm.s32 $0x0;
	s25 =	sand.u32 $0xE0, s15;
	v19 =	vcvt.f32.s32 v19;
	v14 =	vmul.f32 $1.024000000e+03, v14;
	s16 =	simm.s32 $0x400;
	[tilespmem:v15+s21+$0x0] =	vst.idx.add.f32.msk $0xffff, v1;
	v20 =	vadd.s32 $0x6000, v18  }
0x3e1: {  	s30 =	sor.u32 $0x10, s25;
	s12 =	sor.u32 s17, s12;
	s11 =	sand.u32 $0x400, s16;
	[tilespmem:v16+s21+$0x0] =	vst.idx.add.f32.msk $0xffff, v1  }
0x3e2: {  	s13 =	sand.u32 $0x70, s30;
	v19 =	vadd.s32 $0x9000, v19;
	v14 =	vtrunc.f32 v14;
	v15 =	vld [tilespmem:s18+$0x0];
	s18 =	sor.u32 s20, s11;
	[dreg:$0x9] =	wrdreg s30  }
0x3e3: {  	v11 =	vmul.f32 $1.024000000e+03, v11;
	v14 =	vcvt.f32.s32 v14;
	s30 =	sor.u32 s18, s13;
	v16 =	vld [tilespmem:s12+$0x0]  }
0x3e4: {  	v13 =	vmul.f32 $1.024000000e+03, v13;
	v21 =	vld [tilespmem:s30+$0x9800]  }
0x3e5: {  	v11 =	vtrunc.f32 v11;
	v14 =	vadd.s32 $0x7800, v14;
	v17 =	vmul.f32 $1.024000000e+03, v17;
	[tilespmem:v20+s21+$0x0] =	vst.idx.add.f32.msk $0xffff, v1  }
0x3e6: {  	v26 =	vshll.u32 v6, $0xB;
	v11 =	vcvt.f32.s32 v11;
	s12 =	sand.u32 $0x60, s15;
	v13 =	vtrunc.f32 v13;
	v6 =	vld [tilespmem:s30+$0x13800]  }
0x3e7: {  	v24 =	vmov s14;
	v17 =	vtrunc.f32 v17;
	[tilespmem:v19+s21+$0x0] =	vst.idx.add.f32.msk $0xffff, v1;
	s18 =	sor.u32 s12, s18;
	v13 =	vcvt.f32.s32 v13  }
0x3e8: {  	v24 =	vshll.u32 v24, $0x3;
	v11 =	vadd.s32 $0x5000, v11;
	v17 =	vcvt.f32.s32 v17;
	v22 =	vld [tilespmem:s18+$0x9800]  }
0x3e9: {  	v24 =	vand.u32 $0x400, v24;
	v15 =	vmul.f32 $1.024000000e+03, v15;
	v18 =	vld [tilespmem:s18+$0x13800];
	s18 =	simm.s32 $0x0;
	v23 =	vadd.s32 $0x2800, v13  }
0x3ea: {  	s3 =	sor.u32 s23, s3;
	s20 =	sadd.s32 $0x11800, s8;
	v13 =	vmov s18;
	[tilespmem:v14+s21+$0x0] =	vst.idx.add.f32.msk $0xffff, v1;
	v14 =	vor.u32 s14, v2;
	v17 =	vadd.s32 $0x8000, v17  }
0x3eb: {  	v20 =	vld [tilespmem:s3+$0x0];
	s18 =	sor.u32 s19, s20;
	v15 =	vtrunc.f32 v15;
	v13 =	vshll.u32 v13, $0x7;
	v21 =	vmul.f32 $1.024000000e+03, v21  }
0x3ec: {  	v25 =	vld [tilespmem:s18+$0x0];
	s18 =	sadd.s32 $0xF000, s0;
	v15 =	vcvt.f32.s32 v15;
	v13 =	vand.u32 $0x380, v13;
	v16 =	vmul.f32 $1.024000000e+03, v16  }
0x3ed: {  	[tilespmem:v11+s21+$0x0] =	vst.idx.add.f32.msk $0xffff, v1;
	s14 =	sor.u32 s31, s18;
	v24 =	vor.u32 v13, v24;
	v22 =	vmul.f32 $1.024000000e+03, v22;
	v21 =	vtrunc.f32 v21  }
0x3ee: {  	v11 =	vld [tilespmem:s14+$0x0];
	v38 =	vadd.s32 $0x4800, v15;
	v24 =	vbroadcast v24, $0x0;
	v21 =	vcvt.f32.s32 v21  }
0x3ef: {  	s3 =	sadd.s32 $0xC800, s10;
	v14 =	vand.u32 $0x7F, v14;
	v16 =	vtrunc.f32 v16;
	[tilespmem:v23+s21+$0x0] =	vst.idx.add.f32.msk $0xffff, v1  }
0x3f0: {  	s14 =	sor.u32 s6, s3;
	[tilespmem:v17+s21+$0x0] =	vst.idx.add.f32.msk $0xffff, v1;
	v16 =	vcvt.f32.s32 v16;
	v22 =	vtrunc.f32 v22;
	v14 =	vor.u32 v14, v24  }
0x3f1: {  	s1 =	sor.u32 s24, s1;
	v23 =	vld [tilespmem:s14+$0x0];
	v25 =	vmul.f32 $1.024000000e+03, v25;
	v22 =	vcvt.f32.s32 v22;
	v14 =	vor.u32 v26, v14  }
0x3f2: {  	v17 =	vld [tilespmem:s1+$0x0];
	s14 =	sadd.s32 $0x0, s11  }
0x3f3: {  	s1 =	sadd.s32 $0xA000, s14;
	v16 =	vadd.s32 $0x2800, v16;
	v24 =	vtrunc.f32 v25;
	[tilespmem:v38+s21+$0x0] =	vst.idx.add.f32.msk $0xffff, v1  }
0x3f4: {  	v11 =	vmul.f32 $1.024000000e+03, v11;
	s30 =	sor.u32 s13, s1;
	v24 =	vcvt.f32.s32 v24;
	[tilespmem:v21+s21+$0x0] =	vst.idx.add.f32.msk $0xffff, v1  }
0x3f5: {  	s11 =	simm.s32 $0x9800;
	v21 =	vld [tilespmem:s30+$0x0]  }
0x3f6: {  	v20 =	vmul.f32 $1.024000000e+03, v20;
	v11 =	vtrunc.f32 v11;
	v24 =	vadd.s32 $0x8000, v24;
	v14 =	vld.idx.msk [tilespmem:v14+s11+$0x0], $0xffff  }
0x3f7: {  	v11 =	vcvt.f32.s32 v11;
	[tilespmem:v22+s21+$0x0] =	vst.idx.add.f32.msk $0xffff, v1;
	v22 =	vmul.f32 $1.024000000e+03, v23  }
0x3f8: {  	s1 =	sor.u32 s12, s1;
	v17 =	vmul.f32 $1.024000000e+03, v17;
	[tilespmem:v16+s21+$0x0] =	vst.idx.add.f32.msk $0xffff, v1;
	v16 =	vtrunc.f32 v20  }
0x3f9: {  	s3 =	sor.u32 s17, s3;
	v11 =	vadd.s32 $0x5800, v11;
	v16 =	vcvt.f32.s32 v16;
	v23 =	vld [tilespmem:s1+$0x0];
	v19 =	vtrunc.f32 v22  }
0x3fa: {  	v25 =	vor.u32 s9, v2;
	v27 =	vld [tilespmem:s3+$0x0];
	v17 =	vtrunc.f32 v17;
	s1 =	sadd.s32 $0x12000, s8;
	v19 =	vcvt.f32.s32 v19  }
0x3fb: {  	v22 =	vmov s9;
	s9 =	sor.u32 s19, s1;
	v39 =	vadd.s32 $0x6800, v16;
	[tilespmem:v24+s21+$0x0] =	vst.idx.add.f32.msk $0xffff, v1;
	v20 =	vmul.f32 $1.024000000e+03, v21  }
0x3fc: {  	v63 =	vmov s2;
	s4 =	sor.u32 s29, s4;
	v17 =	vcvt.f32.s32 v17;
	v24 =	vld [tilespmem:s9+$0x0];
	v19 =	vadd.s32 $0x3000, v19  }
0x3fd: {  	v29 =	vld [tilespmem:s4+$0x0];
	v21 =	vor.u32 s2, v2;
	s2 =	sadd.s32 $0xF800, s0;
	v14 =	vmul.f32 $1.024000000e+03, v14;
	v20 =	vtrunc.f32 v20  }
0x3fe: {  	v50 =	vshll.u32 v8, $0xB;
	[tilespmem:v11+s21+$0x0] =	vst.idx.add.f32.msk $0xffff, v1;
	s30 =	sor.u32 s31, s2;
	v23 =	vmul.f32 $1.024000000e+03, v23;
	v20 =	vcvt.f32.s32 v20  }
0x3ff: {  	v43 =	vadd.s32 $0x8800, v17;
	v27 =	vmul.f32 $1.024000000e+03, v27;
	v11 =	vld [tilespmem:s30+$0x0];
	v14 =	vtrunc.f32 v14  }
0x400: {  	s3 =	sadd.s32 $0xD000, s10;
	v14 =	vcvt.f32.s32 v14;
	[tilespmem:v39+s21+$0x0] =	vst.idx.add.f32.msk $0xffff, v1;
	v23 =	vtrunc.f32 v23;
	v20 =	vadd.s32 $0x800, v20  }
0x401: {  	v15 =	vmov s5;
	s9 =	sor.u32 s6, s3;
	v23 =	vcvt.f32.s32 v23;
	v24 =	vmul.f32 $1.024000000e+03, v24;
	[tilespmem:v19+s21+$0x0] =	vst.idx.add.f32.msk $0xffff, v1  }
0x402: {  	v16 =	vor.u32 s5, v2;
	s5 =	sor.u32 s23, s28;
	v27 =	vtrunc.f32 v27;
	v36 =	vadd.s32 v14, v26;
	v19 =	vld [tilespmem:s9+$0x0]  }
0x403: {  	s30 =	simm.s32 $0x0;
	v27 =	vcvt.f32.s32 v27;
	v32 =	vld [tilespmem:s5+$0x0];
	v23 =	vadd.s32 $0x800, v23;
	v24 =	vtrunc.f32 v24  }
0x404: {  	s28 =	sadd.s32 $0xA800, s14;
	v31 =	vmov s30;
	v11 =	vmul.f32 $1.024000000e+03, v11;
	s9 =	rddreg [dreg:$0x18];
	[tilespmem:v43+s21+$0x0] =	vst.idx.add.f32.msk $0xffff, v1;
	v24 =	vcvt.f32.s32 v24  }
0x405: {  	s30 =	sor.u32 s13, s28;
	v34 =	vxor.u32 $0x7FF, v14;
	v14 =	vmul.f32 $1.024000000e+03, v29;
	v27 =	vadd.s32 $0x3000, v27;
	[tilespmem:v20+s21+$0x0] =	vst.idx.add.f32.msk $0xffff, v1  }
0x406: {  	v35 =	vand.u32 $0xFFFFFF80, v34;
	v11 =	vtrunc.f32 v11;
	v24 =	vadd.s32 $0x8800, v24;
	v20 =	vld [tilespmem:s30+$0x0]  }
0x407: {  	v26 =	vadd.s32 v26, v35;
	v11 =	vcvt.f32.s32 v11;
	[tilespmem:v36+s21+$0x0] =	vst.idx.add.f32.msk $0xffff, v3;
	v19 =	vmul.f32 $1.024000000e+03, v19  }
0x408: {  	s4 =	sor.u32 s12, s28;
	v14 =	vtrunc.f32 v14;
	v40 =	vmov s9;
	v33 =	vor.u32 s9, v2;
	[tilespmem:v23+s21+$0x0] =	vst.idx.add.f32.msk $0xffff, v1  }
0x409: {  	v14 =	vcvt.f32.s32 v14;
	v41 =	vadd.s32 $0x6000, v11;
	v23 =	vld [tilespmem:s4+$0x0];
	v19 =	vtrunc.f32 v19  }
0x40a: {  	v17 =	vmul.f32 $1.024000000e+03, v32;
	[tilespmem:v27+s21+$0x0] =	vst.idx.add.f32.msk $0xffff, v1;
	s4 =	sadd.s32 $0x12800, s8;
	v11 =	vcvt.f32.s32 v19;
	v19 =	vand.u32 $0x7F, v34  }
0x40b: {  	s9 =	sor.u32 s19, s4;
	[tilespmem:v24+s21+$0x0] =	vst.idx.add.f32.msk $0xffff, v1;
	v24 =	vadd.s32 $0x5000, v14;
	v26 =	vor.u32 v19, v26;
	v19 =	vmul.f32 $1.024000000e+03, v20  }
0x40c: {  	s3 =	sor.u32 s17, s3;
	v20 =	vld [tilespmem:s9+$0x0];
	v42 =	vadd.s32 $0x3800, v11;
	v11 =	vshll.u32 v22, $0x3;
	v22 =	vand.u32 $0x6F, v25  }
0x40d: {  	v27 =	vld [tilespmem:s3+$0x0];
	s3 =	sadd.s32 $0x10000, s0;
	v25 =	vand.u32 $0x400, v11;
	v11 =	vshll.u32 v7, $0xB;
	v7 =	vtrunc.f32 v19  }
0x40e: {  	s19 =	sor.u32 s31, s3;
	[tilespmem:v41+s21+$0x0] =	vst.idx.add.f32.msk $0xffff, v1;
	v19 =	vand.u32 $0x6F, v21;
	v21 =	vmul.f32 $1.024000000e+03, v23;
	v7 =	vcvt.f32.s32 v7  }
0x40f: {  	v53 =	vor.u32 s7, v2;
	v61 =	vor.u32 s25, v2;
	v44 =	vtrunc.f32 v17;
	s9 =	sor.u32 s24, s26;
	v29 =	vld [tilespmem:s19+$0x0]  }
0x410: {  	v17 =	vshll.u32 v31, $0x7;
	s8 =	sadd.s32 $0xD800, s10;
	v47 =	vld [tilespmem:s9+$0x0];
	v45 =	vadd.s32 $0x1000, v7;
	v7 =	vtrunc.f32 v21  }
0x411: {  	s28 =	sor.u32 s6, s8;
	v21 =	vshll.u32 v40, $0x3;
	v20 =	vmul.f32 $1.024000000e+03, v20;
	[tilespmem:v42+s21+$0x0] =	vst.idx.add.f32.msk $0xffff, v1;
	v7 =	vcvt.f32.s32 v7  }
0x412: {  	v17 =	vand.u32 $0x380, v17;
	v28 =	vcvt.f32.s32 v44;
	v21 =	vand.u32 $0x400, v21;
	v23 =	vld [tilespmem:s28+$0x0]  }
0x413: {  	s30 =	sor.u32 s29, s18;
	[tilespmem:v24+s21+$0x0] =	vst.idx.add.f32.msk $0xffff, v1;
	v21 =	vor.u32 v17, v21;
	v20 =	vtrunc.f32 v20;
	v46 =	vadd.s32 $0x1000, v7  }
0x414: {  	s18 =	sadd.s32 $0xB000, s14;
	v24 =	vld [tilespmem:s30+$0x0];
	v21 =	vbroadcast v21, $0x0;
	v7 =	vshll.u32 v9, $0xB;
	v9 =	vmul.f32 $1.024000000e+03, v29  }
0x415: {  	v49 =	vand.u32 $0x7F, v33;
	v28 =	vadd.s32 $0x7000, v28;
	s19 =	sor.u32 s13, s18;
	v20 =	vcvt.f32.s32 v20;
	[tilespmem:v45+s21+$0x0] =	vst.idx.add.f32.msk $0xffff, v1  }
0x416: {  	v27 =	vmul.f32 $1.024000000e+03, v27;
	v9 =	vtrunc.f32 v9;
	v8 =	vor.u32 v49, v21;
	v48 =	vld [tilespmem:s19+$0x0]  }
0x417: {  	[tilespmem:v26+s21+$0x0] =	vst.idx.add.f32.msk $0xffff, v1;
	v20 =	vadd.s32 $0x9000, v20;
	v9 =	vcvt.f32.s32 v9;
	v21 =	vmul.f32 $1.024000000e+03, v23  }
0x418: {  	s5 =	sor.u32 s12, s18;
	v26 =	vor.u32 v50, v8;
	v23 =	vshll.u32 v15, $0x3;
	v15 =	vtrunc.f32 v27;
	[tilespmem:v46+s21+$0x0] =	vst.idx.add.f32.msk $0xffff, v1  }
0x419: {  	v8 =	vcvt.f32.s32 v15;
	v9 =	vadd.s32 $0x6800, v9;
	v27 =	vld [tilespmem:s5+$0x0];
	v21 =	vtrunc.f32 v21  }
0x41a: {  	s24 =	sor.u32 s23, s22;
	[tilespmem:v28+s21+$0x0] =	vst.idx.add.f32.msk $0xffff, v1;
	v24 =	vmul.f32 $1.024000000e+03, v24;
	v15 =	vand.u32 $0x6F, v16;
	v21 =	vcvt.f32.s32 v21  }
0x41b: {  	v52 =	vld [tilespmem:s24+$0x0];
	v16 =	vand.u32 $0x400, v23;
	v23 =	vadd.s32 $0x3800, v8;
	v51 =	vmul.f32 $1.024000000e+03, v48  }
0x41c: {  	v8 =	vshll.u32 v10, $0xB;
	v10 =	vtrunc.f32 v24;
	[tilespmem:v20+s21+$0x0] =	vst.idx.add.f32.msk $0xffff, v1;
	v21 =	vadd.s32 $0x4000, v21  }
0x41d: {  	v14 =	vshll.u32 v63, $0x3;
	s5 =	sadd.s32 $0x10800, s0;
	v10 =	vcvt.f32.s32 v10;
	v26 =	vld.idx.msk [tilespmem:v26+s11+$0x0], $0xffff;
	v24 =	vtrunc.f32 v51  }
0x41e: {  	v20 =	vmov s7;
	s26 =	sor.u32 s31, s5;
	[tilespmem:v9+s21+$0x0] =	vst.idx.add.f32.msk $0xffff, v1;
	v27 =	vmul.f32 $1.024000000e+03, v27;
	v24 =	vcvt.f32.s32 v24  }
0x41f: {  	v13 =	vor.u32 v13, v25;
	v9 =	vshll.u32 v20, $0x3;
	v20 =	vadd.s32 $0x5800, v10;
	v25 =	vld [tilespmem:s26+$0x0]  }
0x420: {  	s18 =	sadd.s32 $0xE000, s10;
	[tilespmem:v23+s21+$0x0] =	vst.idx.add.f32.msk $0xffff, v1;
	v23 =	vmul.f32 $1.024000000e+03, v52;
	v27 =	vtrunc.f32 v27;
	v24 =	vadd.s32 $0x1800, v24  }
0x421: {  	v14 =	vand.u32 $0x400, v14;
	v54 =	vbroadcast v13, $0x0;
	s28 =	sor.u32 s6, s18;
	v27 =	vcvt.f32.s32 v27;
	[tilespmem:v21+s21+$0x0] =	vst.idx.add.f32.msk $0xffff, v1  }
0x422: {  	s8 =	sor.u32 s17, s8;
	v13 =	vand.u32 $0x400, v9;
	v21 =	vmul.f32 $1.024000000e+03, v47;
	v9 =	vtrunc.f32 v23;
	v55 =	vld [tilespmem:s28+$0x0]  }
0x423: {  	v26 =	vmul.f32 $1.024000000e+03, v26;
	v56 =	vcvt.f32.s32 v9;
	v23 =	vadd.s32 $0x1800, v27;
	v27 =	vld [tilespmem:s8+$0x0]  }
0x424: {  	s30 =	sadd.s32 $0xB800, s14;
	v9 =	vshll.u32 v12, $0xB;
	[tilespmem:v20+s21+$0x0] =	vst.idx.add.f32.msk $0xffff, v1;
	v12 =	vtrunc.f32 v21;
	v20 =	vmul.f32 $1.024000000e+03, v25  }
0x425: {  	s9 =	sor.u32 s13, s30;
	v12 =	vcvt.f32.s32 v12;
	v21 =	vadd.s32 $0x7800, v56;
	[tilespmem:v24+s21+$0x0] =	vst.idx.add.f32.msk $0xffff, v1;
	v24 =	vtrunc.f32 v26  }
0x426: {  	s2 =	sor.u32 s29, s2;
	v22 =	vor.u32 v22, v54;
	v20 =	vtrunc.f32 v20;
	v25 =	vld [tilespmem:s9+$0x0];
	v24 =	vcvt.f32.s32 v24  }
0x427: {  	v57 =	vld [tilespmem:s2+$0x0];
	v12 =	vadd.s32 $0x9000, v12;
	v20 =	vcvt.f32.s32 v20;
	v26 =	vmul.f32 $1.024000000e+03, v55  }
0x428: {  	v22 =	vor.u32 v11, v22;
	s19 =	sor.u32 s12, s30;
	[tilespmem:v23+s21+$0x0] =	vst.idx.add.f32.msk $0xffff, v1;
	v23 =	vmul.f32 $1.024000000e+03, v27;
	v27 =	vxor.u32 $0x7FF, v24  }
0x429: {  	v20 =	vadd.s32 $0x7000, v20;
	v58 =	vld [tilespmem:s19+$0x0];
	v26 =	vtrunc.f32 v26;
	v59 =	vand.u32 $0xFFFFFF80, v27  }
0x42a: {  	s20 =	sor.u32 s23, s20;
	[tilespmem:v21+s21+$0x0] =	vst.idx.add.f32.msk $0xffff, v1;
	v21 =	vadd.s32 v24, v50;
	v27 =	vand.u32 $0x7F, v27;
	v26 =	vcvt.f32.s32 v26  }
0x42b: {  	v24 =	vadd.s32 v50, v59;
	v60 =	vld [tilespmem:s20+$0x0];
	v23 =	vtrunc.f32 v23;
	v25 =	vmul.f32 $1.024000000e+03, v25  }
0x42c: {  	v17 =	vor.u32 v17, v14;
	v24 =	vor.u32 v27, v24;
	[tilespmem:v12+s21+$0x0] =	vst.idx.add.f32.msk $0xffff, v1;
	v23 =	vcvt.f32.s32 v23  }
0x42d: {  	v27 =	vmov s25;
	v22 =	vld.idx.msk [tilespmem:v22+s11+$0x0], $0xffff;
	v12 =	vtrunc.f32 v25;
	v25 =	vadd.s32 $0x4800, v26  }
0x42e: {  	s22 =	sadd.s32 $0x11000, s0;
	[tilespmem:v20+s21+$0x0] =	vst.idx.add.f32.msk $0xffff, v1;
	v20 =	vmul.f32 $1.024000000e+03, v57;
	v62 =	vadd.s32 $0x4000, v23;
	v12 =	vcvt.f32.s32 v12  }
0x42f: {  	s25 =	sor.u32 s31, s22;
	v26 =	vshll.u32 v27, $0x3;
	v23 =	vbroadcast v17, $0x0;
	v27 =	vmul.f32 $1.024000000e+03, v58;
	[tilespmem:v21+s21+$0x0] =	vst.idx.add.f32.msk $0xffff, v3  }
0x430: {  	s24 =	simm.s32 $0x0;
	v17 =	vand.u32 $0x400, v26;
	v21 =	vld [tilespmem:s25+$0x0];
	v20 =	vtrunc.f32 v20;
	v63 =	vadd.s32 $0x2000, v12  }
0x431: {  	s30 =	sadd.s32 $0xC000, s14;
	s7 =	sor.u32 s29, s5;
	s26 =	sadd.s32 $0xE800, s10;
	v26 =	vmul.f32 $1.024000000e+03, v60;
	[tilespmem:v24+s21+$0x0] =	vst.idx.add.f32.msk $0xffff, v1;
	v24 =	vtrunc.f32 v27;
	v12 =	vshll.u32 v18, $0xB  }
0x432: {  	s5 =	sor.u32 s29, s22;
	s28 =	sor.u32 s6, s26;
	s8 =	simm.s32 $0x0;
	v20 =	vcvt.f32.s32 v20;
	v18 =	vor.u32 v19, v23;
	v19 =	vcvt.f32.s32 v24;
	[tilespmem:v25+s21+$0x0] =	vst.idx.add.f32.msk $0xffff, v1  }
0x433: {  	v14 =	vand.u32 $0x6F, v61;
	v10 =	vand.u32 $0x6F, v53;
	s2 =	sor.u32 s23, s1;
	s1 =	sor.u32 s23, s4;
	s4 =	sor.u32 s17, s18;
	v25 =	vmul.f32 $1.024000000e+03, v22;
	[tilespmem:v62+s21+$0x0] =	vst.idx.add.f32.msk $0xffff, v1  }
0x434: {  	s23 =	simm.s32 $0x0;
	s9 =	sor.u32 s29, s3;
	s3 =	sor.u32 s12, s30;
	v22 =	vadd.s32 $0x6000, v20;
	v20 =	vtrunc.f32 v26;
	v23 =	vld [tilespmem:s28+$0x0];
	v24 =	vadd.s32 $0x2000, v19  }
0x435: {  	s19 =	simm.s32 $0x8;
	s20 =	sor.u32 s17, s26;
	s11 =	sor.u32 s13, s30;
	v18 =	vor.u32 v7, v18;
	v20 =	vcvt.f32.s32 v20;
	v19 =	vtrunc.f32 v25;
	[tilespmem:v63+s21+$0x0] =	vst.idx.add.f32.msk $0xffff, v1  }
.LBB2_7:
0x436: {  	_ = 	snop  }
0x437: {  	s19 =	sadd.s32 $0x2, s19;
	v25 =	vld [tilespmem:s11+$0x0];
	s15 =	sadd.s32 $0x20, s15;
	v21 =	vmul.f32 $1.024000000e+03, v21  }
0x438: {  	v27 =	vcvt.f32.s32 v19;
	s16 =	sadd.s32 $0x100, s16;
	v28 =	vld [tilespmem:s4+$0x0];
	v26 =	vadd.s32 $0x8000, v20;
	s26 =	sshrl.u32 s19, $0x4;
	s11 =	sand.u32 $0xE0, s15  }
0x439: {  	[tilespmem:v24+s21+$0x0] =	vst.idx.add.f32.msk $0xffff, v1;
	s28 =	sand.u32 $0x400, s16;
	s30 =	sshll.u32 s26, $0x7;
	v19 =	vmov s11;
	s22 =	sor.u32 $0x10, s11;
	v23 =	vmul.f32 $1.024000000e+03, v23;
	v20 =	vtrunc.f32 v21  }
0x43a: {  	v29 =	vld [tilespmem:s3+$0x0];
	s25 =	sor.u32 s30, s28;
	v24 =	vshll.u32 v19, $0x3;
	s4 =	sand.u32 $0x70, s22;
	v21 =	vor.u32 s11, v2;
	v30 =	vcvt.f32.s32 v20  }
0x43b: {  	[tilespmem:v22+s21+$0x0] =	vst.idx.add.f32.msk $0xffff, v1;
	s11 =	sor.u32 s25, s4;
	v19 =	vand.u32 $0x6F, v21;
	v20 =	vand.u32 $0x400, v24;
	v21 =	vtrunc.f32 v23  }
0x43c: {  	s18 =	sand.u32 $0x60, s15;
	v22 =	vld [tilespmem:s11+$0x9800];
	v23 =	vmul.f32 $1.024000000e+03, v25;
	v21 =	vcvt.f32.s32 v21;
	v24 =	vadd.s32 $0x7800, v30  }
0x43d: {  	v33 =	vld [tilespmem:s9+$0x0];
	s3 =	sor.u32 s18, s25  }
0x43e: {  	v25 =	vld [tilespmem:s3+$0x9800];
	v23 =	vtrunc.f32 v23;
	v32 =	vadd.s32 $0x5000, v21  }
0x43f: {  	v31 =	vld [tilespmem:s3+$0x13800];
	v23 =	vcvt.f32.s32 v23  }
0x440: {  	v55 =	vadd.s32 v27, v11;
	v27 =	vxor.u32 $0x7FF, v27;
	s9 =	sadd.s32 $0x11800, s0;
	v28 =	vmul.f32 $1.024000000e+03, v28;
	[tilespmem:v26+s21+$0x0] =	vst.idx.add.f32.msk $0xffff, v1  }
0x441: {  	v29 =	vmul.f32 $1.024000000e+03, v29;
	s3 =	sor.u32 s31, s9;
	v22 =	vmul.f32 $1.024000000e+03, v22;
	v23 =	vadd.s32 $0x2800, v23;
	[tilespmem:v24+s21+$0x0] =	vst.idx.add.f32.msk $0xffff, v1  }
0x442: {  	s25 =	sor.u32 s29, s9;
	v26 =	vand.u32 $0x7F, v27;
	s9 =	sadd.s32 $0xF000, s10;
	v28 =	vtrunc.f32 v28;
	v21 =	vand.u32 $0xFFFFFF80, v27;
	v27 =	vld [tilespmem:s3+$0x0]  }
0x443: {  	v21 =	vadd.s32 v11, v21;
	v11 =	vmovc v7;
	v24 =	vmul.f32 $1.024000000e+03, v25;
	v22 =	vtrunc.f32 v22;
	s3 =	sor.u32 s17, s9;
	s9 =	sor.u32 s6, s9;
	[tilespmem:v32+s21+$0x0] =	vst.idx.add.f32.msk $0xffff, v1  }
0x444: {  	v7 =	vmovc v8;
	v8 =	vmovc v9;
	v9 =	vmov v12;
	v12 =	vtrunc.f32 v29;
	v56 =	vcvt.f32.s32 v22;
	v57 =	vld [tilespmem:s9+$0x0]  }
0x445: {  	v58 =	vld [tilespmem:s2+$0x0];
	v22 =	vmul.f32 $1.024000000e+03, v33;
	v24 =	vtrunc.f32 v24;
	s9 =	sadd.s32 $0xC800, s14  }
0x446: {  	v25 =	vcvt.f32.s32 v12;
	v24 =	vcvt.f32.s32 v24;
	s2 =	sor.u32 s12, s9;
	[tilespmem:v23+s21+$0x0] =	vst.idx.add.f32.msk $0xffff, v1;
	s9 =	sor.u32 s13, s9  }
0x447: {  	v22 =	vtrunc.f32 v22;
	v23 =	vld [tilespmem:s9+$0x0];
	v27 =	vmul.f32 $1.024000000e+03, v27  }
0x448: {  	s30 =	sadd.s32 s30, s28;
	[tilespmem:v55+s21+$0x0] =	vst.idx.add.f32.msk $0xffff, v3;
	v21 =	vor.u32 v26, v21;
	v26 =	vcvt.f32.s32 v28;
	v59 =	vcvt.f32.s32 v22  }
0x449: {  	v25 =	vadd.s32 $0x2800, v25;
	s9 =	sadd.s32 $0xA000, s30;
	v22 =	vld [tilespmem:s11+$0x13800];
	v29 =	vmul.f32 $1.024000000e+03, v57;
	v27 =	vtrunc.f32 v27  }
0x44a: {  	s28 =	sor.u32 s18, s9;
	s9 =	sor.u32 s4, s9;
	[tilespmem:v56+s21+$0x0] =	vst.idx.add.f32.msk $0xffff, v1;
	v27 =	vcvt.f32.s32 v27  }
0x44b: {  	v26 =	vadd.s32 $0x4800, v26;
	v62 =	vld [tilespmem:s9+$0x0];
	v29 =	vtrunc.f32 v29  }
0x44c: {  	[tilespmem:v24+s21+$0x0] =	vst.idx.add.f32.msk $0xffff, v1;
	v23 =	vmul.f32 $1.024000000e+03, v23;
	v24 =	vcvt.f32.s32 v29;
	v27 =	vadd.s32 $0x8000, v27  }
0x44d: {  	v63 =	vld [tilespmem:s28+$0x0]  }
0x44e: {  	[tilespmem:v25+s21+$0x0] =	vst.idx.add.f32.msk $0xffff, v1;
	v23 =	vtrunc.f32 v23;
	v24 =	vadd.s32 $0x5800, v24  }
0x44f: {  	v33 =	vld [tilespmem:s2+$0x0];
	v23 =	vcvt.f32.s32 v23  }
0x450: {  	v12 =	vshll.u32 v31, $0xB;
	s28 =	sadd.s32 $0x12000, s0;
	[tilespmem:v26+s21+$0x0] =	vst.idx.add.f32.msk $0xffff, v1;
	v31 =	vmul.f32 $1.024000000e+03, v62  }
0x451: {  	s9 =	sor.u32 s31, s28;
	v23 =	vadd.s32 $0x3000, v23;
	[tilespmem:v27+s21+$0x0] =	vst.idx.add.f32.msk $0xffff, v1  }
0x452: {  	s11 =	sadd.s32 $0xF800, s10;
	v26 =	vmul.f32 $1.024000000e+03, v63;
	v27 =	vtrunc.f32 v31;
	v34 =	vld [tilespmem:s9+$0x0]  }
0x453: {  	v61 =	vmul.f32 $1.024000000e+03, v58;
	v60 =	vadd.s32 $0x6800, v59;
	s2 =	sor.u32 s29, s28;
	s28 =	sor.u32 s17, s11;
	s11 =	sor.u32 s6, s11;
	v27 =	vcvt.f32.s32 v27;
	[tilespmem:v24+s21+$0x0] =	vst.idx.add.f32.msk $0xffff, v1  }
0x454: {  	v24 =	vtrunc.f32 v26;
	v26 =	vmul.f32 $1.024000000e+03, v33;
	v35 =	vld [tilespmem:s11+$0x0]  }
0x455: {  	v36 =	vld [tilespmem:s20+$0x0];
	s9 =	sadd.s32 $0xD000, s14;
	v24 =	vcvt.f32.s32 v24;
	v27 =	vadd.s32 $0x800, v27  }
0x456: {  	v30 =	vtrunc.f32 v61;
	s11 =	sor.u32 s12, s9;
	s9 =	sor.u32 s13, s9;
	v26 =	vtrunc.f32 v26;
	[tilespmem:v23+s21+$0x0] =	vst.idx.add.f32.msk $0xffff, v1  }
0x457: {  	v23 =	vadd.s32 $0x800, v24;
	v24 =	vcvt.f32.s32 v26;
	v26 =	vld [tilespmem:s9+$0x0];
	v29 =	vmul.f32 $1.024000000e+03, v34  }
0x458: {  	v25 =	vcvt.f32.s32 v30;
	[tilespmem:v60+s21+$0x0] =	vst.idx.add.f32.msk $0xffff, v1  }
0x459: {  	v38 =	vld [tilespmem:s7+$0x0];
	s9 =	sadd.s32 $0xA800, s30;
	v24 =	vadd.s32 $0x3000, v24;
	v37 =	vmul.f32 $1.024000000e+03, v35;
	v29 =	vtrunc.f32 v29  }
0x45a: {  	s20 =	sor.u32 s18, s9;
	s9 =	sor.u32 s4, s9;
	[tilespmem:v27+s21+$0x0] =	vst.idx.add.f32.msk $0xffff, v1;
	v29 =	vcvt.f32.s32 v29  }
0x45b: {  	v25 =	vadd.s32 $0x8800, v25;
	v27 =	vmul.f32 $1.024000000e+03, v36;
	v39 =	vld [tilespmem:s9+$0x0];
	v28 =	vtrunc.f32 v37  }
0x45c: {  	[tilespmem:v23+s21+$0x0] =	vst.idx.add.f32.msk $0xffff, v1;
	v23 =	vmul.f32 $1.024000000e+03, v26;
	v26 =	vcvt.f32.s32 v28;
	v40 =	vadd.s32 $0x8800, v29  }
0x45d: {  	v27 =	vtrunc.f32 v27;
	v41 =	vld [tilespmem:s20+$0x0]  }
0x45e: {  	[tilespmem:v24+s21+$0x0] =	vst.idx.add.f32.msk $0xffff, v1;
	v23 =	vtrunc.f32 v23;
	v24 =	vcvt.f32.s32 v27;
	v26 =	vadd.s32 $0x6000, v26  }
0x45f: {  	v27 =	vld [tilespmem:s11+$0x0];
	v23 =	vcvt.f32.s32 v23  }
0x460: {  	v30 =	vmul.f32 $1.024000000e+03, v38;
	s11 =	sadd.s32 $0x12800, s0;
	[tilespmem:v25+s21+$0x0] =	vst.idx.add.f32.msk $0xffff, v1;
	v24 =	vadd.s32 $0x5000, v24  }
0x461: {  	s0 =	smov.u32 s10;
	v31 =	vmul.f32 $1.024000000e+03, v39;
	s9 =	sor.u32 s31, s11;
	v23 =	vadd.s32 $0x3800, v23;
	[tilespmem:v40+s21+$0x0] =	vst.idx.add.f32.msk $0xffff, v1  }
0x462: {  	v25 =	vtrunc.f32 v30;
	s20 =	sadd.s32 $0x10000, s0;
	v44 =	vld [tilespmem:s9+$0x0]  }
0x463: {  	v46 =	vmov s8;
	s8 =	smov.u32 s24;
	s7 =	sor.u32 s29, s11;
	v25 =	vcvt.f32.s32 v25;
	s11 =	sor.u32 s6, s20;
	v43 =	vtrunc.f32 v31;
	[tilespmem:v26+s21+$0x0] =	vst.idx.add.f32.msk $0xffff, v1  }
0x464: {  	s24 =	smov.u32 s23;
	s23 =	smov.u32 s26;
	s10 =	smov.u32 s14;
	v42 =	vmul.f32 $1.024000000e+03, v41;
	v29 =	vcvt.f32.s32 v43;
	v45 =	vld [tilespmem:s11+$0x0]  }
0x465: {  	v35 =	vshll.u32 v4, $0xB;
	s29 =	smov.u32 s17;
	s31 =	smov.u32 s6;
	s26 =	sadd.s32 $0xD800, s10;
	[tilespmem:v24+s21+$0x0] =	vst.idx.add.f32.msk $0xffff, v1  }
0x466: {  	s6 =	smov.u32 s13;
	v25 =	vadd.s32 $0x7000, v25;
	s9 =	sor.u32 s29, s20;
	s20 =	rddreg [dreg:$0x4];
	v26 =	vtrunc.f32 v42;
	v29 =	vadd.s32 $0x1000, v29;
	[tilespmem:v23+s21+$0x0] =	vst.idx.add.f32.msk $0xffff, v1  }
0x467: {  	v47 =	vmov s20;
	v27 =	vmul.f32 $1.024000000e+03, v27;
	v26 =	vcvt.f32.s32 v26;
	s11 =	sor.u32 s6, s26;
	v50 =	vld [tilespmem:s3+$0x0]  }
0x468: {  	v51 =	vor.u32 s20, v2;
	v24 =	vshll.u32 v46, $0x7;
	v48 =	vshll.u32 v47, $0x3;
	v49 =	vld [tilespmem:s11+$0x0]  }
0x469: {  	s14 =	smov.u32 s30;
	v34 =	vld [tilespmem:s1+$0x0];
	v27 =	vtrunc.f32 v27;
	v26 =	vadd.s32 $0x1000, v26;
	v30 =	vmul.f32 $1.024000000e+03, v44  }
0x46a: {  	s13 =	smov.u32 s4;
	s20 =	rddreg [dreg:$0x9];
	v23 =	vand.u32 $0x380, v24;
	v24 =	vand.u32 $0x400, v48;
	s3 =	sadd.s32 $0xB000, s14;
	[tilespmem:v21+s21+$0x0] =	vst.idx.add.f32.msk $0xffff, v1;
	v21 =	vcvt.f32.s32 v27  }
0x46b: {  	s30 =	smov.u32 s20;
	v24 =	vor.u32 v23, v24;
	s20 =	sor.u32 s13, s3;
	v28 =	vmul.f32 $1.024000000e+03, v45;
	v30 =	vtrunc.f32 v30;
	[tilespmem:v29+s21+$0x0] =	vst.idx.add.f32.msk $0xffff, v1  }
0x46c: {  	v53 =	vand.u32 $0x7F, v51;
	s1 =	rddreg [dreg:$0x7];
	v24 =	vbroadcast v24, $0x0;
	v52 =	vcvt.f32.s32 v30;
	v54 =	vld [tilespmem:s20+$0x0]  }
0x46d: {  	s17 =	smov.u32 s12;
	s12 =	smov.u32 s18;
	s11 =	smov.u32 s1;
	v21 =	vadd.s32 $0x3800, v21;
	v28 =	vtrunc.f32 v28;
	v55 =	vmul.f32 $1.024000000e+03, v49  }
0x46e: {  	[dreg:$0x4] =	wrdreg s11;
	s11 =	sor.u32 s12, s3;
	v24 =	vor.u32 v53, v24;
	[tilespmem:v26+s21+$0x0] =	vst.idx.add.f32.msk $0xffff, v1;
	v28 =	vcvt.f32.s32 v28;
	v29 =	vadd.s32 $0x9000, v52  }
0x46f: {  	v4 =	vmov v5;
	v24 =	vor.u32 v35, v24;
	v26 =	vld [tilespmem:s11+$0x0];
	v27 =	vtrunc.f32 v55  }
0x470: {  	v5 =	vmovc v6;
	v6 =	vmovc v22;
	v22 =	vmul.f32 $1.024000000e+03, v50;
	[tilespmem:v25+s21+$0x0] =	vst.idx.add.f32.msk $0xffff, v1;
	v28 =	vadd.s32 $0x6800, v28;
	v27 =	vcvt.f32.s32 v27  }
0x471: {  	v23 =	vor.u32 v23, v16;
	v57 =	vld [tilespmem:s5+$0x0];
	v25 =	vmul.f32 $1.024000000e+03, v54  }
0x472: {  	v23 =	vbroadcast v23, $0x0;
	v22 =	vtrunc.f32 v22;
	[tilespmem:v21+s21+$0x0] =	vst.idx.add.f32.msk $0xffff, v1;
	v27 =	vadd.s32 $0x4000, v27  }
0x473: {  	s18 =	sor.u32 s17, s26;
	s26 =	simm.s32 $0x9800;
	v16 =	vmovc v13;
	v13 =	vmovc v17;
	v17 =	vmov v20;
	v22 =	vcvt.f32.s32 v22;
	[tilespmem:v29+s21+$0x0] =	vst.idx.add.f32.msk $0xffff, v1;
	v20 =	vtrunc.f32 v25  }
0x474: {  	s5 =	sadd.s32 $0x10800, s0;
	v26 =	vmul.f32 $1.024000000e+03, v26;
	v24 =	vld.idx.msk [tilespmem:v24+s26+$0x0], $0xffff;
	v20 =	vcvt.f32.s32 v20  }
0x475: {  	v23 =	vor.u32 v15, v23;
	v15 =	vmovc v10;
	v56 =	vmul.f32 $1.024000000e+03, v34;
	s3 =	sor.u32 s31, s5;
	v22 =	vadd.s32 $0x5800, v22;
	[tilespmem:v28+s21+$0x0] =	vst.idx.add.f32.msk $0xffff, v1  }
0x476: {  	v10 =	vmovc v14;
	v14 =	vmovc v19;
	s11 =	sadd.s32 $0xE000, s10;
	v21 =	vmul.f32 $1.024000000e+03, v57;
	v19 =	vtrunc.f32 v26;
	v28 =	vld [tilespmem:s3+$0x0];
	v20 =	vadd.s32 $0x1800, v20  }
0x477: {  	v19 =	vcvt.f32.s32 v19;
	s3 =	sor.u32 s6, s11;
	[tilespmem:v27+s21+$0x0] =	vst.idx.add.f32.msk $0xffff, v1  }
0x478: {  	v58 =	vtrunc.f32 v56;
	v21 =	vtrunc.f32 v21;
	v26 =	vld [tilespmem:s3+$0x0]  }
0x479: {  	v27 =	vld [tilespmem:s18+$0x0];
	v21 =	vcvt.f32.s32 v21;
	v19 =	vadd.s32 $0x1800, v19;
	v24 =	vmul.f32 $1.024000000e+03, v24  }
0x47a: {  	v25 =	vcvt.f32.s32 v58;
	[tilespmem:v22+s21+$0x0] =	vst.idx.add.f32.msk $0xffff, v1  }
0x47b: {  	s18 =	sadd.s32 $0xB800, s14;
	v22 =	vmul.f32 $1.024000000e+03, v28;
	[tilespmem:v20+s21+$0x0] =	vst.idx.add.f32.msk $0xffff, v1;
	v20 =	vadd.s32 $0x7800, v21;
	v21 =	vtrunc.f32 v24  }
0x47c: {  	s3 =	sor.u32 s13, s18;
	v59 =	vld [tilespmem:s28+$0x0];
	v21 =	vcvt.f32.s32 v21  }
0x47d: {  	v25 =	vadd.s32 $0x9000, v25;
	v24 =	vld [tilespmem:s3+$0x0];
	v22 =	vtrunc.f32 v22;
	v26 =	vmul.f32 $1.024000000e+03, v26  }
0x47e: {  	[tilespmem:v19+s21+$0x0] =	vst.idx.add.f32.msk $0xffff, v1;
	v19 =	vmul.f32 $1.024000000e+03, v27;
	v22 =	vcvt.f32.s32 v22;
	v27 =	vxor.u32 $0x7FF, v21  }
0x47f: {  	s20 =	sor.u32 s12, s18;
	v26 =	vtrunc.f32 v26;
	v61 =	vand.u32 $0xFFFFFF80, v27  }
0x480: {  	v60 =	vld [tilespmem:s20+$0x0];
	v27 =	vand.u32 $0x7F, v27;
	v19 =	vtrunc.f32 v19;
	v22 =	vadd.s32 $0x7000, v22  }
0x481: {  	[tilespmem:v20+s21+$0x0] =	vst.idx.add.f32.msk $0xffff, v1;
	v20 =	vadd.s32 v21, v35;
	v21 =	vadd.s32 v35, v61;
	v19 =	vcvt.f32.s32 v19  }
0x482: {  	v26 =	vcvt.f32.s32 v26;
	v24 =	vmul.f32 $1.024000000e+03, v24;
	v62 =	vld [tilespmem:s25+$0x0];
	v21 =	vor.u32 v27, v21  }
0x483: {  	[tilespmem:v25+s21+$0x0] =	vst.idx.add.f32.msk $0xffff, v1;
	v19 =	vadd.s32 $0x4000, v19  }
0x484: {  	v25 =	vadd.s32 $0x4800, v26;
	v26 =	vld.idx.msk [tilespmem:v18+s26+$0x0], $0xffff;
	v24 =	vtrunc.f32 v24  }
0x485: {  	v23 =	vor.u32 v7, v23;
	v27 =	vmul.f32 $1.024000000e+03, v59;
	v24 =	vcvt.f32.s32 v24;
	[tilespmem:v22+s21+$0x0] =	vst.idx.add.f32.msk $0xffff, v1  }
0x486: {  	p1 =	slt.u32 s19, $0x7E;
	v18 =	vmov v23;
	v23 =	vmul.f32 $1.024000000e+03, v60;
	[tilespmem:v20+s21+$0x0] =	vst.idx.add.f32.msk $0xffff, v3  }
0x487: {  	[dreg:$0x7] =	wrdreg s30;
	s30 =	smov.u32 s22;
	s22 =	sadd.s32 $0x11000, s0;
	v22 =	vtrunc.f32 v27;
	v27 =	vadd.s32 $0x2000, v24;
	[tilespmem:v21+s21+$0x0] =	vst.idx.add.f32.msk $0xffff, v1  }
.Ltmp4:
0x488: {  	s3 =	sor.u32 s31, s22;
	v20 =	vtrunc.f32 v23;
	[tilespmem:v19+s21+$0x0] =	vst.idx.add.f32.msk $0xffff, v1;
	(pc) =	sbr.rel @p1 .LBB2_7-.Ltmp4, $4  }
0x489: {  	[dreg:$0x9] =	wrdreg s30;
	s25 =	sadd.s32 $0xE800, s10;
	v63 =	vmul.f32 $1.024000000e+03, v62;
	v20 =	vcvt.f32.s32 v20;
	v21 =	vld [tilespmem:s3+$0x0]  }
0x48a: {  	s1 =	smov.u32 s7;
	s30 =	sadd.s32 $0xC000, s14;
	s28 =	sor.u32 s6, s25;
	v22 =	vcvt.f32.s32 v22;
	[tilespmem:v25+s21+$0x0] =	vst.idx.add.f32.msk $0xffff, v1;
	v25 =	vmul.f32 $1.024000000e+03, v26  }
0x48b: {  	s4 =	sor.u32 s17, s11;
	s7 =	sor.u32 s29, s5;
	s5 =	sor.u32 s29, s22;
	v24 =	vadd.s32 $0x2000, v20;
	v23 =	vld [tilespmem:s28+$0x0];
	v20 =	vtrunc.f32 v63  }
0x48c: {  	s11 =	sor.u32 s13, s30;
	s20 =	sor.u32 s17, s25;
	v22 =	vadd.s32 $0x6000, v22;
	s3 =	sor.u32 s12, s30;
	v20 =	vcvt.f32.s32 v20;
	v19 =	vtrunc.f32 v25;
	[tilespmem:v27+s21+$0x0] =	vst.idx.add.f32.msk $0xffff, v1  }
0x48d: {  	_ =	sdelay $0x1  }
0x48e: {  	v25 =	vld [tilespmem:s11+$0x0];
	_ =	sdelay $0x1  }
0x48f: {  	[tilespmem:v24+s21+$0x0] =	vst.idx.add.f32.msk $0xffff, v1  }
0x490: {  	v24 =	vld [tilespmem:s3+$0x0];
	_ =	sdelay $0x1  }
0x491: {  	v25 =	vmul.f32 $1.024000000e+03, v25;
	_ =	sdelay $0x1  }
0x492: {  	v25 =	vtrunc.f32 v25  }
0x493: {  	v24 =	vmul.f32 $1.024000000e+03, v24;
	v25 =	vcvt.f32.s32 v25;
	_ =	sdelay $0x1  }
0x494: {  	v24 =	vtrunc.f32 v24;
	v25 =	vadd.s32 $0x2800, v25  }
0x495: {  	v24 =	vcvt.f32.s32 v24;
	_ =	sdelay $0x1  }
0x496: {  	v24 =	vadd.s32 $0x2800, v24  }
0x497: {  	s30 =	sadd.s32 $0xC800, s14  }
0x498: {  	s15 =	sor.u32 s13, s30;
	[tilespmem:v25+s21+$0x0] =	vst.idx.add.f32.msk $0xffff, v1  }
0x499: {  	v25 =	vld [tilespmem:s15+$0x0];
	_ =	sdelay $0x1  }
0x49a: {  	s3 =	sor.u32 s12, s30;
	[tilespmem:v24+s21+$0x0] =	vst.idx.add.f32.msk $0xffff, v1  }
0x49b: {  	v30 =	vld [tilespmem:s3+$0x0];
	_ =	sdelay $0x1  }
0x49c: {  	v29 =	vmul.f32 $1.024000000e+03, v25;
	_ =	sdelay $0x1  }
0x49d: {  	v24 =	vtrunc.f32 v29  }
0x49e: {  	v25 =	vmul.f32 $1.024000000e+03, v30;
	v24 =	vcvt.f32.s32 v24;
	_ =	sdelay $0x1  }
0x49f: {  	v25 =	vtrunc.f32 v25;
	v24 =	vadd.s32 $0x3000, v24  }
0x4a0: {  	v25 =	vcvt.f32.s32 v25;
	_ =	sdelay $0x1  }
0x4a1: {  	v31 =	vadd.s32 $0x3000, v25  }
0x4a2: {  	s16 =	sadd.s32 $0xD000, s14  }
0x4a3: {  	s18 =	sor.u32 s13, s16;
	[tilespmem:v24+s21+$0x0] =	vst.idx.add.f32.msk $0xffff, v1  }
0x4a4: {  	v32 =	vld [tilespmem:s18+$0x0];
	_ =	sdelay $0x1  }
0x4a5: {  	s3 =	sor.u32 s12, s16;
	[tilespmem:v31+s21+$0x0] =	vst.idx.add.f32.msk $0xffff, v1  }
0x4a6: {  	v34 =	vld [tilespmem:s3+$0x0];
	_ =	sdelay $0x1  }
0x4a7: {  	v33 =	vmul.f32 $1.024000000e+03, v32;
	_ =	sdelay $0x1  }
0x4a8: {  	v24 =	vtrunc.f32 v33  }
0x4a9: {  	v25 =	vmul.f32 $1.024000000e+03, v34;
	v24 =	vcvt.f32.s32 v24;
	_ =	sdelay $0x1  }
0x4aa: {  	v25 =	vtrunc.f32 v25;
	v24 =	vadd.s32 $0x3800, v24  }
0x4ab: {  	v25 =	vcvt.f32.s32 v25;
	_ =	sdelay $0x1  }
0x4ac: {  	v35 =	vadd.s32 $0x3800, v25  }
0x4ad: {  	s19 =	sadd.s32 $0xD800, s14  }
0x4ae: {  	s22 =	sor.u32 s13, s19;
	[tilespmem:v24+s21+$0x0] =	vst.idx.add.f32.msk $0xffff, v1  }
0x4af: {  	v36 =	vld [tilespmem:s22+$0x0];
	_ =	sdelay $0x1  }
0x4b0: {  	s3 =	sor.u32 s12, s19;
	[tilespmem:v35+s21+$0x0] =	vst.idx.add.f32.msk $0xffff, v1  }
0x4b1: {  	v38 =	vld [tilespmem:s3+$0x0];
	_ =	sdelay $0x1  }
0x4b2: {  	v37 =	vmul.f32 $1.024000000e+03, v36;
	_ =	sdelay $0x1  }
0x4b3: {  	v24 =	vtrunc.f32 v37  }
0x4b4: {  	v25 =	vmul.f32 $1.024000000e+03, v38;
	v24 =	vcvt.f32.s32 v24;
	_ =	sdelay $0x1  }
0x4b5: {  	v25 =	vtrunc.f32 v25;
	v24 =	vadd.s32 $0x4000, v24  }
0x4b6: {  	v25 =	vcvt.f32.s32 v25;
	_ =	sdelay $0x1  }
0x4b7: {  	v39 =	vadd.s32 $0x4000, v25  }
0x4b8: {  	s25 =	sadd.s32 $0xE000, s14;
	v26 =	vld [tilespmem:s4+$0x0]  }
0x4b9: {  	s28 =	sor.u32 s13, s25;
	[tilespmem:v24+s21+$0x0] =	vst.idx.add.f32.msk $0xffff, v1  }
0x4ba: {  	v40 =	vld [tilespmem:s28+$0x0];
	_ =	sdelay $0x1  }
0x4bb: {  	s3 =	sor.u32 s12, s25;
	[tilespmem:v39+s21+$0x0] =	vst.idx.add.f32.msk $0xffff, v1  }
0x4bc: {  	v26 =	vmul.f32 $1.024000000e+03, v26;
	v42 =	vld [tilespmem:s3+$0x0];
	_ =	sdelay $0x1  }
0x4bd: {  	v26 =	vtrunc.f32 v26;
	v41 =	vmul.f32 $1.024000000e+03, v40  }
0x4be: {  	v26 =	vcvt.f32.s32 v26  }
0x4bf: {  	v24 =	vtrunc.f32 v41  }
0x4c0: {  	v26 =	vadd.s32 $0x4800, v26;
	v25 =	vmul.f32 $1.024000000e+03, v42;
	v24 =	vcvt.f32.s32 v24;
	_ =	sdelay $0x1  }
0x4c1: {  	v25 =	vtrunc.f32 v25;
	v24 =	vadd.s32 $0x4800, v24  }
0x4c2: {  	v25 =	vcvt.f32.s32 v25  }
0x4c3: {  	v23 =	vmul.f32 $1.024000000e+03, v23  }
0x4c4: {  	[tilespmem:v26+s21+$0x0] =	vst.idx.add.f32.msk $0xffff, v1;
	v43 =	vadd.s32 $0x4800, v25  }
0x4c5: {  	s30 =	sadd.s32 $0xE800, s14;
	v23 =	vtrunc.f32 v23;
	v26 =	vld [tilespmem:s20+$0x0]  }
0x4c6: {  	s11 =	sor.u32 s13, s30;
	v23 =	vcvt.f32.s32 v23;
	[tilespmem:v24+s21+$0x0] =	vst.idx.add.f32.msk $0xffff, v1  }
0x4c7: {  	v44 =	vld [tilespmem:s11+$0x0]  }
0x4c8: {  	v23 =	vadd.s32 $0x5000, v23  }
0x4c9: {  	s3 =	sor.u32 s12, s30;
	[tilespmem:v43+s21+$0x0] =	vst.idx.add.f32.msk $0xffff, v1  }
0x4ca: {  	v26 =	vmul.f32 $1.024000000e+03, v26;
	v46 =	vld [tilespmem:s3+$0x0];
	_ =	sdelay $0x1  }
0x4cb: {  	s15 =	sadd.s32 $0xF000, s10;
	v26 =	vtrunc.f32 v26;
	v45 =	vmul.f32 $1.024000000e+03, v44  }
0x4cc: {  	[tilespmem:v23+s21+$0x0] =	vst.idx.add.f32.msk $0xffff, v1;
	s16 =	sor.u32 s6, s15;
	v26 =	vcvt.f32.s32 v26  }
0x4cd: {  	v23 =	vld [tilespmem:s16+$0x0];
	v24 =	vtrunc.f32 v45  }
0x4ce: {  	v26 =	vadd.s32 $0x5000, v26;
	v25 =	vmul.f32 $1.024000000e+03, v46;
	v24 =	vcvt.f32.s32 v24;
	_ =	sdelay $0x1  }
0x4cf: {  	v25 =	vtrunc.f32 v25;
	v24 =	vadd.s32 $0x5000, v24  }
0x4d0: {  	v25 =	vcvt.f32.s32 v25  }
0x4d1: {  	v23 =	vmul.f32 $1.024000000e+03, v23  }
0x4d2: {  	s4 =	sor.u32 s17, s15;
	[tilespmem:v26+s21+$0x0] =	vst.idx.add.f32.msk $0xffff, v1;
	v47 =	vadd.s32 $0x5000, v25  }
0x4d3: {  	v23 =	vtrunc.f32 v23;
	s18 =	sadd.s32 $0xF000, s14;
	v26 =	vld [tilespmem:s4+$0x0]  }
0x4d4: {  	v23 =	vcvt.f32.s32 v23;
	s19 =	sor.u32 s13, s18;
	[tilespmem:v24+s21+$0x0] =	vst.idx.add.f32.msk $0xffff, v1  }
0x4d5: {  	v48 =	vld [tilespmem:s19+$0x0]  }
0x4d6: {  	v23 =	vadd.s32 $0x5800, v23  }
0x4d7: {  	s3 =	sor.u32 s12, s18;
	[tilespmem:v47+s21+$0x0] =	vst.idx.add.f32.msk $0xffff, v1  }
0x4d8: {  	v26 =	vmul.f32 $1.024000000e+03, v26;
	v50 =	vld [tilespmem:s3+$0x0];
	_ =	sdelay $0x1  }
0x4d9: {  	s20 =	sadd.s32 $0xF800, s10;
	v26 =	vtrunc.f32 v26;
	v49 =	vmul.f32 $1.024000000e+03, v48  }
0x4da: {  	[tilespmem:v23+s21+$0x0] =	vst.idx.add.f32.msk $0xffff, v1;
	v26 =	vcvt.f32.s32 v26;
	s22 =	sor.u32 s6, s20  }
0x4db: {  	v23 =	vld [tilespmem:s22+$0x0];
	v24 =	vtrunc.f32 v49  }
0x4dc: {  	v26 =	vadd.s32 $0x5800, v26;
	v25 =	vmul.f32 $1.024000000e+03, v50;
	v24 =	vcvt.f32.s32 v24;
	_ =	sdelay $0x1  }
0x4dd: {  	v25 =	vtrunc.f32 v25;
	v24 =	vadd.s32 $0x5800, v24  }
0x4de: {  	v25 =	vcvt.f32.s32 v25  }
0x4df: {  	v23 =	vmul.f32 $1.024000000e+03, v23  }
0x4e0: {  	s4 =	sor.u32 s17, s20;
	[tilespmem:v26+s21+$0x0] =	vst.idx.add.f32.msk $0xffff, v1;
	v51 =	vadd.s32 $0x5800, v25  }
0x4e1: {  	v26 =	vld [tilespmem:s4+$0x0];
	s25 =	sadd.s32 $0xF800, s14;
	v23 =	vtrunc.f32 v23  }
0x4e2: {  	v23 =	vcvt.f32.s32 v23;
	s28 =	sor.u32 s13, s25;
	[tilespmem:v24+s21+$0x0] =	vst.idx.add.f32.msk $0xffff, v1  }
0x4e3: {  	v52 =	vld [tilespmem:s28+$0x0]  }
0x4e4: {  	v23 =	vadd.s32 $0x6000, v23  }
0x4e5: {  	s3 =	sor.u32 s12, s25;
	[tilespmem:v51+s21+$0x0] =	vst.idx.add.f32.msk $0xffff, v1  }
0x4e6: {  	v26 =	vmul.f32 $1.024000000e+03, v26;
	v54 =	vld [tilespmem:s3+$0x0];
	_ =	sdelay $0x1  }
0x4e7: {  	v26 =	vtrunc.f32 v26;
	s30 =	sadd.s32 $0x10000, s10;
	v53 =	vmul.f32 $1.024000000e+03, v52  }
0x4e8: {  	v55 =	vcvt.f32.s32 v26;
	[tilespmem:v23+s21+$0x0] =	vst.idx.add.f32.msk $0xffff, v1;
	s11 =	sor.u32 s6, s30  }
0x4e9: {  	v23 =	vld [tilespmem:s11+$0x0];
	v24 =	vtrunc.f32 v53  }
0x4ea: {  	[tilespmem:v22+s21+$0x0] =	vst.idx.add.f32.msk $0xffff, v1;
	v22 =	vadd.s32 $0x6000, v55;
	v25 =	vmul.f32 $1.024000000e+03, v54;
	v24 =	vcvt.f32.s32 v24  }
0x4eb: {  	v56 =	vld [tilespmem:s9+$0x0]  }
0x4ec: {  	v25 =	vtrunc.f32 v25;
	v24 =	vadd.s32 $0x6000, v24  }
0x4ed: {  	v25 =	vcvt.f32.s32 v25  }
0x4ee: {  	v23 =	vmul.f32 $1.024000000e+03, v23  }
0x4ef: {  	[tilespmem:v22+s21+$0x0] =	vst.idx.add.f32.msk $0xffff, v1;
	s4 =	sor.u32 s17, s30;
	v57 =	vadd.s32 $0x6000, v25  }
0x4f0: {  	s15 =	sadd.s32 $0x10000, s14;
	v26 =	vmul.f32 $1.024000000e+03, v56;
	v60 =	vld [tilespmem:s4+$0x0];
	v23 =	vtrunc.f32 v23  }
0x4f1: {  	s16 =	sor.u32 s13, s15;
	v23 =	vcvt.f32.s32 v23;
	[tilespmem:v24+s21+$0x0] =	vst.idx.add.f32.msk $0xffff, v1  }
0x4f2: {  	v21 =	vmul.f32 $1.024000000e+03, v21;
	v59 =	vtrunc.f32 v26;
	v58 =	vld [tilespmem:s16+$0x0]  }
0x4f3: {  	v22 =	vcvt.f32.s32 v59;
	v23 =	vadd.s32 $0x6800, v23  }
0x4f4: {  	v21 =	vtrunc.f32 v21;
	s3 =	sor.u32 s12, s15;
	[tilespmem:v57+s21+$0x0] =	vst.idx.add.f32.msk $0xffff, v1  }
0x4f5: {  	v21 =	vcvt.f32.s32 v21;
	v22 =	vadd.s32 $0x6800, v22;
	v26 =	vmul.f32 $1.024000000e+03, v60;
	v62 =	vld [tilespmem:s3+$0x0];
	_ =	sdelay $0x1  }
0x4f6: {  	v21 =	vadd.s32 $0x7800, v21;
	v26 =	vtrunc.f32 v26;
	s18 =	sadd.s32 $0x10800, s10;
	v61 =	vmul.f32 $1.024000000e+03, v58  }
0x4f7: {  	v63 =	vcvt.f32.s32 v26;
	[tilespmem:v23+s21+$0x0] =	vst.idx.add.f32.msk $0xffff, v1;
	s19 =	sor.u32 s6, s18  }
0x4f8: {  	v23 =	vld [tilespmem:s19+$0x0];
	v24 =	vtrunc.f32 v61  }
0x4f9: {  	[tilespmem:v22+s21+$0x0] =	vst.idx.add.f32.msk $0xffff, v1;
	v29 =	vadd.s32 $0x6800, v63;
	v25 =	vmul.f32 $1.024000000e+03, v62;
	v24 =	vcvt.f32.s32 v24  }
0x4fa: {  	s4 =	sadd.s32 $0x11800, s0;
	v28 =	vld [tilespmem:s7+$0x0]  }
0x4fb: {  	[tilespmem:v21+s21+$0x0] =	vst.idx.add.f32.msk $0xffff, v1;
	s20 =	sor.u32 s31, s4;
	v25 =	vtrunc.f32 v25;
	v24 =	vadd.s32 $0x6800, v24  }
0x4fc: {  	v31 =	vld [tilespmem:s20+$0x0];
	v30 =	vcvt.f32.s32 v25  }
0x4fd: {  	v23 =	vmul.f32 $1.024000000e+03, v23  }
0x4fe: {  	[tilespmem:v29+s21+$0x0] =	vst.idx.add.f32.msk $0xffff, v1;
	s28 =	sor.u32 s17, s18;
	v22 =	vadd.s32 $0x6800, v30  }
0x4ff: {  	s22 =	sadd.s32 $0x10800, s14;
	v26 =	vmul.f32 $1.024000000e+03, v28;
	v23 =	vtrunc.f32 v23;
	v34 =	vld [tilespmem:s28+$0x0]  }
0x500: {  	s25 =	sor.u32 s13, s22;
	v23 =	vcvt.f32.s32 v23;
	[tilespmem:v24+s21+$0x0] =	vst.idx.add.f32.msk $0xffff, v1  }
0x501: {  	v32 =	vmul.f32 $1.024000000e+03, v31;
	v33 =	vtrunc.f32 v26;
	v24 =	vld [tilespmem:s25+$0x0]  }
0x502: {  	v23 =	vadd.s32 $0x7000, v23;
	v25 =	vcvt.f32.s32 v33  }
0x503: {  	v21 =	vtrunc.f32 v32;
	s3 =	sor.u32 s12, s22;
	[tilespmem:v22+s21+$0x0] =	vst.idx.add.f32.msk $0xffff, v1  }
0x504: {  	v21 =	vcvt.f32.s32 v21;
	v26 =	vmul.f32 $1.024000000e+03, v34;
	v25 =	vadd.s32 $0x7000, v25;
	v36 =	vld [tilespmem:s3+$0x0];
	_ =	sdelay $0x1  }
0x505: {  	v21 =	vadd.s32 $0x8000, v21;
	s30 =	sadd.s32 $0x11000, s10;
	v26 =	vtrunc.f32 v26;
	v35 =	vmul.f32 $1.024000000e+03, v24  }
0x506: {  	s11 =	sor.u32 s6, s30;
	[tilespmem:v23+s21+$0x0] =	vst.idx.add.f32.msk $0xffff, v1;
	v37 =	vcvt.f32.s32 v26  }
0x507: {  	v20 =	vadd.s32 $0x8000, v20;
	v23 =	vld [tilespmem:s11+$0x0];
	v22 =	vtrunc.f32 v35  }
0x508: {  	v39 =	vadd.s32 $0x7000, v37;
	[tilespmem:v25+s21+$0x0] =	vst.idx.add.f32.msk $0xffff, v1;
	v24 =	vmul.f32 $1.024000000e+03, v36;
	v22 =	vcvt.f32.s32 v22  }
0x509: {  	s15 =	sadd.s32 $0x12000, s0;
	v38 =	vld [tilespmem:s5+$0x0]  }
0x50a: {  	[tilespmem:v21+s21+$0x0] =	vst.idx.add.f32.msk $0xffff, v1;
	s16 =	sor.u32 s31, s15;
	v24 =	vtrunc.f32 v24;
	v22 =	vadd.s32 $0x7000, v22  }
0x50b: {  	v40 =	vld [tilespmem:s16+$0x0];
	v24 =	vcvt.f32.s32 v24  }
0x50c: {  	[tilespmem:v20+s21+$0x0] =	vst.idx.add.f32.msk $0xffff, v1;
	v23 =	vmul.f32 $1.024000000e+03, v23  }
0x50d: {  	s7 =	sor.u32 s17, s30;
	[tilespmem:v39+s21+$0x0] =	vst.idx.add.f32.msk $0xffff, v1;
	v41 =	vadd.s32 $0x7000, v24  }
0x50e: {  	s18 =	sadd.s32 $0x11000, s14;
	v23 =	vtrunc.f32 v23;
	v45 =	vld [tilespmem:s7+$0x0];
	v43 =	vmul.f32 $1.024000000e+03, v38  }
0x50f: {  	s19 =	sor.u32 s13, s18;
	v23 =	vcvt.f32.s32 v23;
	[tilespmem:v22+s21+$0x0] =	vst.idx.add.f32.msk $0xffff, v1  }
0x510: {  	v44 =	vmul.f32 $1.024000000e+03, v40;
	v20 =	vtrunc.f32 v43;
	v42 =	vld [tilespmem:s19+$0x0]  }
0x511: {  	v20 =	vcvt.f32.s32 v20  }
0x512: {  	v23 =	vadd.s32 $0x7800, v23;
	v21 =	vtrunc.f32 v44;
	s5 =	sor.u32 s12, s18;
	[tilespmem:v41+s21+$0x0] =	vst.idx.add.f32.msk $0xffff, v1  }
0x513: {  	v21 =	vcvt.f32.s32 v21;
	v25 =	vmul.f32 $1.024000000e+03, v45;
	v20 =	vadd.s32 $0x7800, v20;
	v47 =	vld [tilespmem:s5+$0x0];
	_ =	sdelay $0x1  }
0x514: {  	v21 =	vadd.s32 $0x8800, v21;
	v25 =	vtrunc.f32 v25;
	v46 =	vmul.f32 $1.024000000e+03, v42  }
0x515: {  	v48 =	vld [tilespmem:s2+$0x0];
	v49 =	vcvt.f32.s32 v25  }
0x516: {  	s20 =	sadd.s32 $0x11800, s10;
	[tilespmem:v23+s21+$0x0] =	vst.idx.add.f32.msk $0xffff, v1;
	v22 =	vtrunc.f32 v46  }
0x517: {  	s22 =	sor.u32 s6, s20;
	[tilespmem:v20+s21+$0x0] =	vst.idx.add.f32.msk $0xffff, v1;
	v20 =	vadd.s32 $0x7800, v49;
	v24 =	vmul.f32 $1.024000000e+03, v47;
	v22 =	vcvt.f32.s32 v22  }
0x518: {  	v23 =	vld [tilespmem:s22+$0x0]  }
0x519: {  	s28 =	sadd.s32 $0x12800, s0;
	s25 =	sor.u32 s29, s4;
	[tilespmem:v21+s21+$0x0] =	vst.idx.add.f32.msk $0xffff, v1;
	v24 =	vtrunc.f32 v24;
	v22 =	vadd.s32 $0x7800, v22  }
0x51a: {  	s30 =	sor.u32 s31, s28;
	v50 =	vld [tilespmem:s25+$0x0];
	v51 =	vcvt.f32.s32 v24  }
0x51b: {  	v52 =	vld [tilespmem:s30+$0x0]  }
0x51c: {  	s7 =	sor.u32 s17, s20;
	[tilespmem:v20+s21+$0x0] =	vst.idx.add.f32.msk $0xffff, v1;
	v21 =	vadd.s32 $0x7800, v51  }
0x51d: {  	s31 =	sadd.s32 $0x11800, s14;
	v23 =	vmul.f32 $1.024000000e+03, v23;
	v28 =	vld [tilespmem:s7+$0x0]  }
0x51e: {  	v26 =	vmul.f32 $1.024000000e+03, v48;
	s5 =	sor.u32 s13, s31;
	[tilespmem:v22+s21+$0x0] =	vst.idx.add.f32.msk $0xffff, v1  }
0x51f: {  	v23 =	vtrunc.f32 v23;
	v25 =	vmul.f32 $1.024000000e+03, v50;
	v54 =	vld [tilespmem:s5+$0x0]  }
0x520: {  	v26 =	vtrunc.f32 v26;
	v23 =	vcvt.f32.s32 v23  }
0x521: {  	v55 =	vmov s8;
	v53 =	vcvt.f32.s32 v26;
	s2 =	sor.u32 s12, s31;
	v25 =	vtrunc.f32 v25;
	s8 =	rddreg [dreg:$0x4];
	[tilespmem:v21+s21+$0x0] =	vst.idx.add.f32.msk $0xffff, v1  }
0x522: {  	v23 =	vadd.s32 $0x8000, v23;
	v20 =	vshll.u32 v55, $0x7;
	v25 =	vcvt.f32.s32 v25;
	v59 =	vld [tilespmem:s2+$0x0]  }
0x523: {  	v57 =	vand.u32 $0x380, v20;
	v24 =	vmul.f32 $1.024000000e+03, v52;
	v28 =	vmul.f32 $1.024000000e+03, v28  }
0x524: {  	v25 =	vadd.s32 $0x8000, v25;
	v27 =	vmov s8;
	v58 =	vmul.f32 $1.024000000e+03, v54  }
0x525: {  	v24 =	vtrunc.f32 v24;
	v62 =	vtrunc.f32 v28;
	v56 =	vshll.u32 v27, $0x3  }
0x526: {  	v22 =	vadd.s32 $0x8800, v53;
	v21 =	vand.u32 $0x400, v56;
	v20 =	vtrunc.f32 v58  }
0x527: {  	v21 =	vor.u32 v57, v21;
	v26 =	vmul.f32 $1.024000000e+03, v59;
	v20 =	vcvt.f32.s32 v20  }
0x528: {  	s9 =	sadd.s32 $0x12000, s10;
	v32 =	vcvt.f32.s32 v62;
	[tilespmem:v23+s21+$0x0] =	vst.idx.add.f32.msk $0xffff, v1;
	v29 =	vor.u32 s8, v2;
	v21 =	vbroadcast v21, $0x0  }
0x529: {  	s11 =	sor.u32 s6, s9;
	[tilespmem:v25+s21+$0x0] =	vst.idx.add.f32.msk $0xffff, v1;
	v29 =	vand.u32 $0x7F, v29;
	v34 =	vtrunc.f32 v26;
	v63 =	vadd.s32 $0x8000, v20  }
0x52a: {  	s15 =	sor.u32 s29, s15;
	v61 =	vld [tilespmem:s11+$0x0];
	v20 =	vshll.u32 v4, $0xB;
	v4 =	vor.u32 v29, v21;
	v21 =	vadd.s32 $0x8000, v32  }
0x52b: {  	v60 =	vcvt.f32.s32 v24;
	v25 =	vld [tilespmem:s15+$0x0];
	v24 =	vcvt.f32.s32 v34  }
0x52c: {  	[tilespmem:v22+s21+$0x0] =	vst.idx.add.f32.msk $0xffff, v1  }
0x52d: {  	v35 =	vld [tilespmem:s1+$0x0];
	v24 =	vadd.s32 $0x8000, v24  }
0x52e: {  	s16 =	sadd.s32 $0x12000, s14;
	[tilespmem:v63+s21+$0x0] =	vst.idx.add.f32.msk $0xffff, v1  }
0x52f: {  	s18 =	sor.u32 s13, s16;
	v23 =	vadd.s32 $0x9000, v60;
	v33 =	vor.u32 v20, v4;
	v4 =	vmul.f32 $1.024000000e+03, v61;
	[tilespmem:v21+s21+$0x0] =	vst.idx.add.f32.msk $0xffff, v1  }
0x530: {  	v19 =	vcvt.f32.s32 v19;
	s19 =	sor.u32 s17, s9;
	v28 =	vld [tilespmem:s18+$0x0]  }
0x531: {  	v25 =	vmul.f32 $1.024000000e+03, v25;
	v4 =	vtrunc.f32 v4;
	v40 =	vld [tilespmem:s19+$0x0]  }
0x532: {  	v5 =	vshll.u32 v5, $0xB;
	v6 =	vshll.u32 v6, $0xB;
	s1 =	sor.u32 s12, s16;
	v36 =	vcvt.f32.s32 v4;
	[tilespmem:v24+s21+$0x0] =	vst.idx.add.f32.msk $0xffff, v1  }
0x533: {  	v16 =	vor.u32 v57, v16;
	v39 =	vtrunc.f32 v25;
	v26 =	vmul.f32 $1.024000000e+03, v35;
	v43 =	vld [tilespmem:s1+$0x0]  }
0x534: {  	v16 =	vbroadcast v16, $0x0;
	[tilespmem:v23+s21+$0x0] =	vst.idx.add.f32.msk $0xffff, v1;
	v21 =	vcvt.f32.s32 v39;
	v23 =	vadd.s32 $0x8800, v36  }
0x535: {  	v46 =	vmov s24;
	v26 =	vtrunc.f32 v26;
	v42 =	vmul.f32 $1.024000000e+03, v28  }
0x536: {  	v15 =	vor.u32 v15, v16;
	v41 =	vcvt.f32.s32 v26;
	v44 =	vadd.s32 $0x8800, v21  }
0x537: {  	v15 =	vor.u32 v8, v15;
	v25 =	vmul.f32 $1.024000000e+03, v40;
	v16 =	vtrunc.f32 v42  }
0x538: {  	s20 =	sadd.s32 $0x12800, s10;
	v54 =	vmov s23;
	v22 =	vld.idx.msk [tilespmem:v33+s26+$0x0], $0xffff;
	v26 =	vmul.f32 $1.024000000e+03, v43;
	v16 =	vcvt.f32.s32 v16  }
0x539: {  	s22 =	sor.u32 s6, s20;
	v56 =	vshll.u32 v54, $0x7;
	v45 =	vadd.s32 $0x9000, v41;
	[tilespmem:v23+s21+$0x0] =	vst.idx.add.f32.msk $0xffff, v1;
	v25 =	vtrunc.f32 v25  }
0x53a: {  	v23 =	vld [tilespmem:s22+$0x0];
	v25 =	vcvt.f32.s32 v25;
	v26 =	vtrunc.f32 v26;
	v16 =	vadd.s32 $0x8800, v16  }
0x53b: {  	s0 =	sor.u32 s29, s28;
	v4 =	vadd.s32 v19, v11;
	v19 =	vxor.u32 $0x7FF, v19;
	s25 =	rddreg [dreg:$0x7];
	[tilespmem:v44+s21+$0x0] =	vst.idx.add.f32.msk $0xffff, v1;
	v26 =	vcvt.f32.s32 v26  }
0x53c: {  	v37 =	vand.u32 $0xFFFFFF80, v19;
	v24 =	vshll.u32 v46, $0x7;
	v49 =	vld [tilespmem:s0+$0x0];
	v25 =	vadd.s32 $0x8800, v25  }
0x53d: {  	v19 =	vand.u32 $0x7F, v19;
	v24 =	vand.u32 $0x380, v24;
	v51 =	vadd.s32 $0x8800, v26  }
0x53e: {  	s28 =	sadd.s32 $0x12800, s14;
	v38 =	vadd.s32 v11, v37;
	v13 =	vor.u32 v24, v13;
	[tilespmem:v45+s21+$0x0] =	vst.idx.add.f32.msk $0xffff, v1;
	v47 =	vmov s25  }
0x53f: {  	s29 =	sor.u32 s13, s28;
	v11 =	vor.u32 v19, v38;
	v13 =	vbroadcast v13, $0x0;
	v48 =	vshll.u32 v47, $0x3;
	[tilespmem:v16+s21+$0x0] =	vst.idx.add.f32.msk $0xffff, v1  }
0x540: {  	v22 =	vmul.f32 $1.024000000e+03, v22;
	v19 =	vand.u32 $0x400, v48;
	v23 =	vmul.f32 $1.024000000e+03, v23;
	v52 =	vld [tilespmem:s29+$0x0]  }
0x541: {  	v50 =	vor.u32 s25, v2;
	v19 =	vor.u32 v24, v19;
	v53 =	vmul.f32 $1.024000000e+03, v49;
	s30 =	rddreg [dreg:$0x9];
	[tilespmem:v25+s21+$0x0] =	vst.idx.add.f32.msk $0xffff, v1  }
0x542: {  	s31 =	sor.u32 s17, s20;
	v21 =	vand.u32 $0x7F, v50;
	v19 =	vbroadcast v19, $0x0;
	v23 =	vtrunc.f32 v23;
	[tilespmem:v51+s21+$0x0] =	vst.idx.add.f32.msk $0xffff, v1  }
0x543: {  	s0 =	sor.u32 s12, s28;
	v23 =	vcvt.f32.s32 v23;
	v26 =	vtrunc.f32 v53;
	v55 =	vmov s30;
	v58 =	vld [tilespmem:s31+$0x0]  }
0x544: {  	v19 =	vor.u32 v21, v19;
	v26 =	vcvt.f32.s32 v26;
	v62 =	vld [tilespmem:s0+$0x0];
	v57 =	vshll.u32 v55, $0x3  }
0x545: {  	v18 =	vld.idx.msk [tilespmem:v18+s26+$0x0], $0xffff;
	v23 =	vadd.s32 $0x9000, v23;
	v25 =	vand.u32 $0x380, v56;
	v27 =	vand.u32 $0x400, v57  }
0x546: {  	v19 =	vor.u32 v5, v19;
	v27 =	vor.u32 v25, v27;
	v59 =	vmul.f32 $1.024000000e+03, v52  }
0x547: {  	v10 =	vor.u32 v10, v13;
	v26 =	vadd.s32 $0x9000, v26;
	v60 =	vbroadcast v27, $0x0  }
0x548: {  	v61 =	vor.u32 s30, v2;
	v28 =	vmul.f32 $1.024000000e+03, v58;
	v16 =	vtrunc.f32 v59  }
0x549: {  	v27 =	vand.u32 $0x7F, v61;
	v34 =	vmul.f32 $1.024000000e+03, v62;
	v16 =	vcvt.f32.s32 v16  }
0x54a: {  	v18 =	vmul.f32 $1.024000000e+03, v18;
	[tilespmem:v23+s21+$0x0] =	vst.idx.add.f32.msk $0xffff, v1;
	v21 =	vor.u32 v27, v60;
	v33 =	vtrunc.f32 v28  }
0x54b: {  	v19 =	vld.idx.msk [tilespmem:v19+s26+$0x0], $0xffff;
	v36 =	vtrunc.f32 v34;
	v23 =	vcvt.f32.s32 v33;
	v16 =	vadd.s32 $0x9000, v16  }
0x54c: {  	v35 =	vor.u32 v25, v17;
	[tilespmem:v26+s21+$0x0] =	vst.idx.add.f32.msk $0xffff, v1;
	v21 =	vor.u32 v6, v21;
	v17 =	vcvt.f32.s32 v36  }
0x54d: {  	v22 =	vtrunc.f32 v22;
	v13 =	vbroadcast v35, $0x0;
	v15 =	vld.idx.msk [tilespmem:v15+s26+$0x0], $0xffff;
	v23 =	vadd.s32 $0x9000, v23  }
0x54e: {  	v22 =	vcvt.f32.s32 v22;
	v18 =	vtrunc.f32 v18;
	v37 =	vadd.s32 $0x9000, v17  }
0x54f: {  	v10 =	vor.u32 v9, v10;
	v18 =	vcvt.f32.s32 v18;
	v13 =	vor.u32 v14, v13  }
0x550: {  	v63 =	vxor.u32 $0x7FF, v22;
	v22 =	vadd.s32 v22, v20;
	v13 =	vor.u32 v12, v13;
	[tilespmem:v16+s21+$0x0] =	vst.idx.add.f32.msk $0xffff, v1  }
0x551: {  	v32 =	vand.u32 $0xFFFFFF80, v63;
	v41 =	vxor.u32 $0x7FF, v18;
	v19 =	vmul.f32 $1.024000000e+03, v19;
	v40 =	vld.idx.msk [tilespmem:v21+s26+$0x0], $0xffff  }
0x552: {  	v39 =	vand.u32 $0x7F, v63;
	v42 =	vand.u32 $0xFFFFFF80, v41;
	v15 =	vmul.f32 $1.024000000e+03, v15;
	[tilespmem:v23+s21+$0x0] =	vst.idx.add.f32.msk $0xffff, v1  }
0x553: {  	v38 =	vadd.s32 v20, v32;
	v43 =	vadd.s32 v7, v42;
	v19 =	vtrunc.f32 v19;
	[tilespmem:v37+s21+$0x0] =	vst.idx.add.f32.msk $0xffff, v1  }
0x554: {  	v17 =	vand.u32 $0x7F, v41;
	v19 =	vcvt.f32.s32 v19;
	v15 =	vtrunc.f32 v15;
	v10 =	vld.idx.msk [tilespmem:v10+s26+$0x0], $0xffff  }
0x555: {  	v18 =	vadd.s32 v18, v7;
	v7 =	vor.u32 v17, v43;
	v15 =	vcvt.f32.s32 v15;
	v13 =	vld.idx.msk [tilespmem:v13+s26+$0x0], $0xffff  }
0x556: {  	v16 =	vor.u32 v39, v38;
	v44 =	vxor.u32 $0x7FF, v19;
	v19 =	vadd.s32 v19, v5  }
0x557: {  	v45 =	vand.u32 $0xFFFFFF80, v44;
	v46 =	vand.u32 $0x7F, v44;
	v47 =	vxor.u32 $0x7FF, v15  }
0x558: {  	[tilespmem:v4+s21+$0x0] =	vst.idx.add.f32.msk $0xffff, v3;
	v49 =	vadd.s32 v15, v8;
	v4 =	vand.u32 $0xFFFFFF80, v47;
	v20 =	vmul.f32 $1.024000000e+03, v40  }
0x559: {  	v50 =	vand.u32 $0x7F, v47;
	v4 =	vadd.s32 v8, v4;
	v10 =	vmul.f32 $1.024000000e+03, v10  }
0x55a: {  	[tilespmem:v22+s21+$0x0] =	vst.idx.add.f32.msk $0xffff, v3;
	v4 =	vor.u32 v50, v4;
	v13 =	vmul.f32 $1.024000000e+03, v13;
	v48 =	vtrunc.f32 v20  }
0x55b: {  	[tilespmem:v11+s21+$0x0] =	vst.idx.add.f32.msk $0xffff, v1;
	v5 =	vadd.s32 v5, v45;
	v17 =	vcvt.f32.s32 v48;
	v10 =	vtrunc.f32 v10  }
0x55c: {  	[tilespmem:v18+s21+$0x0] =	vst.idx.add.f32.msk $0xffff, v3;
	v5 =	vor.u32 v46, v5;
	v54 =	vtrunc.f32 v13;
	v10 =	vcvt.f32.s32 v10  }
0x55d: {  	[tilespmem:v7+s21+$0x0] =	vst.idx.add.f32.msk $0xffff, v1;
	v8 =	vcvt.f32.s32 v54;
	v51 =	vxor.u32 $0x7FF, v17;
	v53 =	vadd.s32 v17, v6  }
0x55e: {  	[tilespmem:v49+s21+$0x0] =	vst.idx.add.f32.msk $0xffff, v3;
	v52 =	vand.u32 $0xFFFFFF80, v51;
	v55 =	vand.u32 $0x7F, v51;
	v56 =	vxor.u32 $0x7FF, v10  }
0x55f: {  	[tilespmem:v4+s21+$0x0] =	vst.idx.add.f32.msk $0xffff, v1;
	v57 =	vadd.s32 v10, v9;
	v60 =	vxor.u32 $0x7FF, v8;
	v4 =	vadd.s32 v8, v12  }
0x560: {  	[tilespmem:v19+s21+$0x0] =	vst.idx.add.f32.msk $0xffff, v3;
	v6 =	vadd.s32 v6, v52;
	v58 =	vand.u32 $0xFFFFFF80, v56;
	v59 =	vand.u32 $0x7F, v56  }
0x561: {  	[tilespmem:v5+s21+$0x0] =	vst.idx.add.f32.msk $0xffff, v1;
	v61 =	vand.u32 $0xFFFFFF80, v60;
	v6 =	vor.u32 v55, v6;
	v5 =	vadd.s32 v9, v58  }
0x562: {  	[tilespmem:v16+s21+$0x0] =	vst.idx.add.f32.msk $0xffff, v1;
	v63 =	vand.u32 $0x7F, v60;
	v62 =	vadd.s32 v12, v61;
	v5 =	vor.u32 v59, v5  }
0x563: {  	v8 =	vor.u32 v63, v62;
	[tilespmem:v53+s21+$0x0] =	vst.idx.add.f32.msk $0xffff, v3  }
.Ltmp5:
0x564: {  	[tilespmem:v57+s21+$0x0] =	vst.idx.add.f32.msk $0xffff, v3;
	(pc) =	sbr.rel @p0 .LBB2_10-.Ltmp5, $4  }
0x565: {  	[tilespmem:v4+s21+$0x0] =	vst.idx.add.f32.msk $0xffff, v3  }
0x566: {  	[tilespmem:v6+s21+$0x0] =	vst.idx.add.f32.msk $0xffff, v1  }
0x567: {  	[tilespmem:v5+s21+$0x0] =	vst.idx.add.f32.msk $0xffff, v1  }
0x568: {  	[tilespmem:v8+s21+$0x0] =	vst.idx.add.f32.msk $0xffff, v1  }
0x569: {  	s0 =	rddreg [dreg:$0x16]  }
0x56a: {  	s1 =	rddreg [dreg:$0xd];
	s0 =	sadd.s32 $0x10000, s0  }
0x56b: {  	s1 =	sadd.s32 s1, s0  }
0x56c: {  	s2 =	rddreg [dreg:$0x0];
	s1 =	sshrl.u32 s1, $0x3  }
0x56d: {  	s25 =	simm.s32 $0x800;
	s3 =	simm.s32 $0x80000;
	s1 =	sadd.s32 s2, s1  }
0x56e: {  	[tilespmem:s26], [sflag:$0x2] =	stream.strided.gather [hbm4b:s1+s25], $0x9800, s3, s25, $0x38;
	[tilespmem:$0x1D800] =	vst v63  }
0x56f: {  	s26 =	rddreg [dreg:$0xe]  }
0x570: {  	s28 =	rddreg [dreg:$0x1];
	s0 =	sadd.s32 s26, s0  }
.Ltmp6:
0x571: {  	s29 =	simm.s32 $0x0;
	s0 =	sshrl.u32 s0, $0x3;
	(pc) =	sbr.rel .LBB2_4-.Ltmp6, $4  }
0x572: {  	s30 =	simm.s32 $0x13800;
	s31 =	rddreg [dreg:$0x15];
	s0 =	sadd.s32 s28, s0  }
0x573: {  	[tilespmem:s30], [sflag:$0x2] =	stream.linear.gather [hbm4b:s0+s29], $0x800, $0x38;
	[tilespmem:$0x1D800] =	vst v63  }
0x574: {  	s0 =	sadd.s32 $0x1, s31  }
0x575: {  	[dreg:$0x15] =	wrdreg s0  }
.LBB2_11:
0x576: {  	_ =	sfence.sel $0x180000  }
0x577: {  	[bflag:$0x0] =	sbarrier.arrive $0xFFFF  }
0x578: {  	_ =	strace $0x90000047  }
0x579: {  	s0 =	stileid.u32;
	[bflag:$0x2] =	sbarrier.arrive $0xFFFF  }
0x57a: {  	p0 =	sne.s32 s0, $0x0;
	s0 =	rddreg [dreg:$0x3]  }
0x57b: {  	s0 =	sadd.s32 @!p0 $0x100000, s0  }
0x57c: {  	[sflag:s0] =	ssyncadd.tile.s32 @!p0 $0x1;
	_ =	shalt  }
.Lfunc_end2:
_tile_overlayer_lowered:
.L_overlay_start_2:
0x57d: {  	(tag) =	ssettag $0x2  }
0x57e: {  	s0 =	rddreg [dreg:$0x0];
	s2 =	stileid.u32  }
0x57f: {  	s1 =	rddreg [dreg:$0x1];
	p0 =	sne.s32 s2, $0x0  }
0x580: {  	s3 =	rddreg [dreg:$0x2];
	[bflag:$0x3] =	sbarrier.arrive $0xFFFF;
	s2 =	simm.s32 @!p0 $0x1C03  }
0x581: {  	[timem:s3], [sflag:s2] =	dma.local @!p0 [hbm:s0], s1  }
0x582: {  	s0 =	simm.s32 @!p0 $0x3  }
0x583: {  	_ =	swait.ge @!p0 [sflag:s0], s1  }
0x584: {  	s1 =	ssub.s32 @!p0 $0x0, s1;
	[sflag:s0] =	ssyncset.done @!p0 $0x0  }
0x585: {  	[sflag:s0] =	ssyncadd.s32 @!p0 s1  }
0x586: {  	[bflag:$0x3] =	sbarrier.arrive $0xFFFF  }
0x587: {  	_ =	shalt  }

</sc_bundles>
